<compile_context>
chip_gen: v7x
topology: tpu7x:2x2x1
jax: 0.10.2.dev20260603
libtpu: 0.0.44.dev20260713+nightly
codegen_flags: <defaults>
</compile_context>

<pallas_src>
import jax
import jax.numpy as jnp
from jax import lax
from jax.experimental import pallas as pl
from jax.experimental.pallas import tpu as pltpu
from jax.experimental.pallas import tpu_sc as plsc

_N = 500000
_C = 100
_NB = 15
_L = 16
_NW = 32
_CH = 256
_K = 36
_CW = _K * _CH
_S = _NW * _CW
_BC = 2048
_TCG = -(-(_N - _S) // _BC)


def _sc_body(prob_hbm, pk_hbm, out_hbm, pk_v, buf_a, buf_b, acc_c, acc_a,
             stage, sem_a, sem_b):
    wid = lax.axis_index("c") * 16 + lax.axis_index("s")
    base = pl.multiple_of(wid * _CW, _CH)

    iota = lax.iota(jnp.int32, _L)
    zeros_f = jnp.zeros((_L,), jnp.float32)

    pltpu.sync_copy(pk_hbm.at[pl.ds(base, _CW)], pk_v)

    for k in range(_L):
        acc_c[pl.ds(k * _L, _L)] = zeros_f
        acc_a[pl.ds(k * _L, _L)] = zeros_f

    def start(c, buf, sem):
        col0 = pl.multiple_of(base + c * _CH, _CH)
        return pltpu.async_copy(prob_hbm.at[:, pl.ds(col0, _CH)], buf, sem)

    def wait(buf, sem):
        pltpu.make_async_copy(prob_hbm.at[:, pl.ds(0, _CH)], buf, sem).wait()

    def process(off0, buf):
        for q in range(_CH // _L):
            lc = q * _L + iota
            off = off0 + q * _L
            pk = pk_v[pl.ds(off, _L)]
            preds = pk & 127
            conf = plsc.load_gather(buf, [preds, lc])
            acc = (pk >> 7).astype(jnp.float32)
            t = conf * jnp.float32(_NB)
            ti = t.astype(jnp.int32)
            onedge = t == ti.astype(jnp.float32)
            b = ti - jnp.where(onedge, 1, 0)
            b = jnp.where(conf <= 0.0, _NB, b)
            b = jnp.minimum(jnp.maximum(b, 0), _NB)
            addr = iota * _L + b
            plsc.addupdate_scatter(acc_c, [addr], conf)
            plsc.addupdate_scatter(acc_a, [addr], acc)

    start(0, buf_a, sem_a)

    def pair(p, _):
        ca = 2 * p
        wait(buf_a, sem_a)
        start(ca + 1, buf_b, sem_b)
        process(ca * _CH, buf_a)
        wait(buf_b, sem_b)
        start(ca + 2, buf_a, sem_a)
        process((ca + 1) * _CH, buf_b)
        return _

    lax.fori_loop(0, _K // 2 - 1, pair, None)

    wait(buf_a, sem_a)
    start(_K - 1, buf_b, sem_b)
    process((_K - 2) * _CH, buf_a)
    wait(buf_b, sem_b)
    process((_K - 1) * _CH, buf_b)

    cs = acc_c[pl.ds(0, _L)]
    as_ = acc_a[pl.ds(0, _L)]
    for l in range(1, _L):
        cs = cs + acc_c[pl.ds(l * _L, _L)]
        as_ = as_ + acc_a[pl.ds(l * _L, _L)]
    stage[pl.ds(0, _L)] = cs
    stage[pl.ds(_L, _L)] = as_
    pltpu.sync_copy(stage, out_hbm.at[wid])


def _tc_body(pk_ref, prob_ref, out_ref):
    g = pl.program_id(0)
    pk = pk_ref[...]
    prob = prob_ref[...]
    preds = pk & 127
    accb = (pk >> 7).astype(jnp.float32)
    rows = lax.broadcasted_iota(jnp.int32, (_C, _BC), 0)
    conf = jnp.sum(jnp.where(rows == preds[None, :], prob, 0.0), axis=0)
    col = _S + g * _BC + lax.broadcasted_iota(jnp.int32, (_BC,), 0)
    valid = col < _N
    t = conf * jnp.float32(_NB)
    ti = t.astype(jnp.int32)
    onedge = t == ti.astype(jnp.float32)
    b = ti - jnp.where(onedge, 1, 0)
    b = jnp.where(conf <= 0.0, _NB, b)
    b = jnp.where(valid, b, _NB)
    b = jnp.minimum(jnp.maximum(b, 0), _NB)
    bins = lax.broadcasted_iota(jnp.int32, (_L, _BC), 0)
    sel = bins == b[None, :]
    conf_sums = jnp.sum(jnp.where(sel, conf[None, :], 0.0), axis=1)
    acc_sums = jnp.sum(jnp.where(sel, accb[None, :], 0.0), axis=1)

    @pl.when(g == 0)
    def _():
        out_ref[...] = jnp.zeros((2, _L), jnp.float32)

    out_ref[...] += jnp.stack([conf_sums, acc_sums])


@jax.jit
def _ece_both(prob_t, packed):
    mesh = plsc.VectorSubcoreMesh(core_axis_name="c", subcore_axis_name="s")
    sc_partials = pl.kernel(
        _sc_body,
        out_type=jax.ShapeDtypeStruct((_NW, 2 * _L), jnp.float32),
        mesh=mesh,
        compiler_params=pltpu.CompilerParams(needs_layout_passes=False,
                                             use_tc_tiling_on_sc=True),
        scratch_types=[
            pltpu.VMEM((_CW,), jnp.int32),
            pltpu.VMEM((_C, _CH), jnp.float32),
            pltpu.VMEM((_C, _CH), jnp.float32),
            pltpu.VMEM((_L * _L,), jnp.float32),
            pltpu.VMEM((_L * _L,), jnp.float32),
            pltpu.VMEM((2 * _L,), jnp.float32),
            pltpu.SemaphoreType.DMA,
            pltpu.SemaphoreType.DMA,
        ],
    )(prob_t, packed)

    tc_partials = pl.pallas_call(
        _tc_body,
        grid=(_TCG,),
        in_specs=[
            pl.BlockSpec((_BC,), lambda g: (_S // _BC + g,)),
            pl.BlockSpec((_C, _BC), lambda g: (0, _S // _BC + g)),
        ],
        out_specs=pl.BlockSpec((2, _L), lambda g: (0, 0)),
        out_shape=jax.ShapeDtypeStruct((2, _L), jnp.float32),
    )(packed, prob_t)

    return sc_partials, tc_partials


def kernel(probabilities, target_pred):
    labels = target_pred[:, 0]
    preds = target_pred[:, 1]
    packed = jnp.where(labels == preds, 128, 0) | preds
    sc_partials, tc_partials = _ece_both(probabilities.T, packed)
    tot = sc_partials.sum(axis=0).reshape(2, _L) + tc_partials
    diff = jnp.abs(tot[1, :_NB] - tot[0, :_NB])
    return diff.sum() / jnp.float32(_N)

# --- scband reference (transcript-rebuilt; emitter-appended) ---
"""Pipeline reference for scband-ecewith-probabilities-21423296872466 (READ-ONLY COPY).

The authoritative reference and input builder live on the scoring server;
editing this copy changes nothing except your own understanding.
"""

import jax, jax.numpy as jnp
import numpy as np

NUM_BINS = 15
N = 500000
C = 100


def setup_inputs(seed: int = 0) -> dict:
    key = jax.random.key(seed)
    k1, k2, k3 = jax.random.split(key, 3)
    probabilities = jax.random.uniform(k1, (N, C), dtype=jnp.float32)
    labels = jax.random.randint(k2, (N,), 0, C, dtype=jnp.int32)
    preds = jax.random.randint(k3, (N,), 0, C, dtype=jnp.int32)
    target_pred = jnp.stack([labels, preds], axis=1)
    return {"probabilities": probabilities, "target_pred": target_pred}


def reference(probabilities, target_pred):
    labels = target_pred[:, 0]
    predictions = target_pred[:, 1]
    # confidences = probabilities.gather(1, predictions.unsqueeze(1)).squeeze()
    confidences = jnp.take_along_axis(probabilities, predictions[:, None], axis=1).squeeze(-1)
    accuracy = (predictions == labels).astype(jnp.float32)
    # sort by confidence (faithful to reference; result is permutation-invariant)
    order = jnp.argsort(confidences)
    confidences = confidences[order]
    accuracy = accuracy[order]
    # bin edges: linspace(0, 1, num_bins + 1)
    edges = jnp.linspace(0.0, 1.0, NUM_BINS + 1, dtype=jnp.float32)
    # per-bin membership mask: (conf > e_i) & (conf <= e_{i+1})
    masks = (confidences[None, :] > edges[:-1, None]) & (confidences[None, :] <= edges[1:, None])
    maskf = masks.astype(jnp.float32)
    bin_sizes = maskf.sum(axis=1)
    denom = jnp.maximum(bin_sizes, 1.0)
    # handle_nan_torch: empty-bin means (nan) -> 0
    bin_confidences = jnp.where(bin_sizes > 0, (maskf * confidences[None, :]).sum(axis=1) / denom, 0.0)
    bin_accuracies = jnp.where(bin_sizes > 0, (maskf * accuracy[None, :]).sum(axis=1) / denom, 0.0)
    ece_loss = (bin_sizes / confidences.shape[0] * jnp.abs(bin_accuracies - bin_confidences)).sum()
    return ece_loss

if __name__ == "__main__":
    import jax
    _d = setup_inputs()
    print(jax.jit(kernel)(*tuple(_d.values())))

</pallas_src>

<mosaic_0001>
#map = affine_map<(d0, d1) -> (0, 0)>
#map1 = affine_map<(d0, d1) -> (0)>
module attributes {stable_mosaic.version = 14 : i64} {
  func.func @_sc_body(%arg0: i32, %arg1: i32, %arg2: memref<100x500000xf32, #tpu.memory_space<hbm>>, %arg3: memref<500000xi32, #tpu.memory_space<hbm>>, %arg4: memref<32x32xf32, #tpu.memory_space<hbm>>, %arg5: memref<9216xi32, #tpu.memory_space<vmem>>, %arg6: memref<100x256xf32, #tpu.memory_space<vmem>>, %arg7: memref<100x256xf32, #tpu.memory_space<vmem>>, %arg8: memref<256xf32, #tpu.memory_space<vmem>>, %arg9: memref<256xf32, #tpu.memory_space<vmem>>, %arg10: memref<32xf32, #tpu.memory_space<vmem>>, %arg11: memref<!tpu.dma_semaphore, #tpu.memory_space<semaphore_mem>>, %arg12: memref<!tpu.dma_semaphore, #tpu.memory_space<semaphore_mem>>) attributes {dimension_semantics = [#tpu.dimension_semantics<core_parallel>, #tpu.dimension_semantics<subcore_parallel>], iteration_bounds = array<i64: 2, 16>, scalar_prefetch = 0 : i64, scratch_operands = 8 : i64, tpu.core_type = #tpu.core_type<sc_vector_subcore>, window_params = [{transform_indices = #map}, {transform_indices = #map1}, {transform_indices = #map}]} {
    %mul3A = arith.constant 16 : i32
    %mul3A_0 = arith.muli %arg0, %mul3A : i32
    %add3A = arith.addi %mul3A_0, %arg1 : i32
    %mul3A_1 = arith.constant 9216 : i32
    %mul3A_2 = arith.muli %add3A, %mul3A_1 : i32
    %multiple_of3A = tpu.assume_multiple %mul3A_2, 256 : i32
    %iota3A = tpu.iota {dimensions = array<i32: 0>} : vector<16xi32>
    %broadcast_in_dim3A = arith.constant 0.000000e+00 : f32
    %broadcast_in_dim3A_3 = vector.broadcast %broadcast_in_dim3A : f32 to vector<16xf32>
    "tpu.region"() ({
      %run_scoped3A = tpu.sem_alloc : memref<!tpu.dma_semaphore, #tpu.memory_space<semaphore_mem>>
      %dma_start3A_1493 = tpu.memref_slice %arg3[%multiple_of3A] : memref<500000xi32, #tpu.memory_space<hbm>> -> memref<9216xi32, #tpu.memory_space<hbm>>
      %dma_start3A_1494 = tpu.memref_slice %arg3[%multiple_of3A] : memref<500000xi32, #tpu.memory_space<hbm>> -> memref<9216xi32, #tpu.memory_space<hbm>>
      tpu.enqueue_dma source(%dma_start3A_1494 : memref<9216xi32, #tpu.memory_space<hbm>>) target(%arg5 : memref<9216xi32, #tpu.memory_space<vmem>>) target_semaphore(%run_scoped3A : memref<!tpu.dma_semaphore, #tpu.memory_space<semaphore_mem>>)
      %dma_wait3A_1495 = tpu.memref_slice %arg3[%multiple_of3A] : memref<500000xi32, #tpu.memory_space<hbm>> -> memref<9216xi32, #tpu.memory_space<hbm>>
      %dma_wait3A_1496 = tpu.memref_slice %arg3[%multiple_of3A] : memref<500000xi32, #tpu.memory_space<hbm>> -> memref<9216xi32, #tpu.memory_space<hbm>>
      tpu.wait_dma2 semaphore(%run_scoped3A : memref<!tpu.dma_semaphore, #tpu.memory_space<semaphore_mem>>) src(%dma_wait3A_1496 : memref<9216xi32, #tpu.memory_space<hbm>>) dst(%arg5 : memref<9216xi32, #tpu.memory_space<vmem>>)
      tpu.yield
    }) : () -> ()
    %swap3A = arith.constant 0 : index
    %swap3A_4 = tpu.vector_load %arg8[%swap3A] {strides = array<i32>} : memref<256xf32, #tpu.memory_space<vmem>>, vector<16xf32>,
    tpu.vector_store %arg8[%swap3A], %broadcast_in_dim3A_3 {strides = array<i32>} : memref<256xf32, #tpu.memory_space<vmem>>, vector<16xf32>,
    %swap3A_5 = arith.constant 0 : index
    %swap3A_6 = tpu.vector_load %arg9[%swap3A_5] {strides = array<i32>} : memref<256xf32, #tpu.memory_space<vmem>>, vector<16xf32>,
    tpu.vector_store %arg9[%swap3A_5], %broadcast_in_dim3A_3 {strides = array<i32>} : memref<256xf32, #tpu.memory_space<vmem>>, vector<16xf32>,
    %swap3A_7 = arith.constant 16 : index
    %swap3A_8 = tpu.vector_load %arg8[%swap3A_7] {strides = array<i32>} : memref<256xf32, #tpu.memory_space<vmem>>, vector<16xf32>,
    tpu.vector_store %arg8[%swap3A_7], %broadcast_in_dim3A_3 {strides = array<i32>} : memref<256xf32, #tpu.memory_space<vmem>>, vector<16xf32>,
    %swap3A_9 = arith.constant 16 : index
    %swap3A_10 = tpu.vector_load %arg9[%swap3A_9] {strides = array<i32>} : memref<256xf32, #tpu.memory_space<vmem>>, vector<16xf32>,
    tpu.vector_store %arg9[%swap3A_9], %broadcast_in_dim3A_3 {strides = array<i32>} : memref<256xf32, #tpu.memory_space<vmem>>, vector<16xf32>,
    %swap3A_11 = arith.constant 32 : index
    %swap3A_12 = tpu.vector_load %arg8[%swap3A_11] {strides = array<i32>} : memref<256xf32, #tpu.memory_space<vmem>>, vector<16xf32>,
    tpu.vector_store %arg8[%swap3A_11], %broadcast_in_dim3A_3 {strides = array<i32>} : memref<256xf32, #tpu.memory_space<vmem>>, vector<16xf32>,
    %swap3A_13 = arith.constant 32 : index
    %swap3A_14 = tpu.vector_load %arg9[%swap3A_13] {strides = array<i32>} : memref<256xf32, #tpu.memory_space<vmem>>, vector<16xf32>,
    tpu.vector_store %arg9[%swap3A_13], %broadcast_in_dim3A_3 {strides = array<i32>} : memref<256xf32, #tpu.memory_space<vmem>>, vector<16xf32>,
    %swap3A_15 = arith.constant 48 : index
    %swap3A_16 = tpu.vector_load %arg8[%swap3A_15] {strides = array<i32>} : memref<256xf32, #tpu.memory_space<vmem>>, vector<16xf32>,
    tpu.vector_store %arg8[%swap3A_15], %broadcast_in_dim3A_3 {strides = array<i32>} : memref<256xf32, #tpu.memory_space<vmem>>, vector<16xf32>,
    %swap3A_17 = arith.constant 48 : index
    %swap3A_18 = tpu.vector_load %arg9[%swap3A_17] {strides = array<i32>} : memref<256xf32, #tpu.memory_space<vmem>>, vector<16xf32>,
    tpu.vector_store %arg9[%swap3A_17], %broadcast_in_dim3A_3 {strides = array<i32>} : memref<256xf32, #tpu.memory_space<vmem>>, vector<16xf32>,
    %swap3A_19 = arith.constant 64 : index
    %swap3A_20 = tpu.vector_load %arg8[%swap3A_19] {strides = array<i32>} : memref<256xf32, #tpu.memory_space<vmem>>, vector<16xf32>,
    tpu.vector_store %arg8[%swap3A_19], %broadcast_in_dim3A_3 {strides = array<i32>} : memref<256xf32, #tpu.memory_space<vmem>>, vector<16xf32>,
    %swap3A_21 = arith.constant 64 : index
    %swap3A_22 = tpu.vector_load %arg9[%swap3A_21] {strides = array<i32>} : memref<256xf32, #tpu.memory_space<vmem>>, vector<16xf32>,
    tpu.vector_store %arg9[%swap3A_21], %broadcast_in_dim3A_3 {strides = array<i32>} : memref<256xf32, #tpu.memory_space<vmem>>, vector<16xf32>,
    %swap3A_23 = arith.constant 80 : index
    %swap3A_24 = tpu.vector_load %arg8[%swap3A_23] {strides = array<i32>} : memref<256xf32, #tpu.memory_space<vmem>>, vector<16xf32>,
    tpu.vector_store %arg8[%swap3A_23], %broadcast_in_dim3A_3 {strides = array<i32>} : memref<256xf32, #tpu.memory_space<vmem>>, vector<16xf32>,
    %swap3A_25 = arith.constant 80 : index
    %swap3A_26 = tpu.vector_load %arg9[%swap3A_25] {strides = array<i32>} : memref<256xf32, #tpu.memory_space<vmem>>, vector<16xf32>,
    tpu.vector_store %arg9[%swap3A_25], %broadcast_in_dim3A_3 {strides = array<i32>} : memref<256xf32, #tpu.memory_space<vmem>>, vector<16xf32>,
    %swap3A_27 = arith.constant 96 : index
    %swap3A_28 = tpu.vector_load %arg8[%swap3A_27] {strides = array<i32>} : memref<256xf32, #tpu.memory_space<vmem>>, vector<16xf32>,
    tpu.vector_store %arg8[%swap3A_27], %broadcast_in_dim3A_3 {strides = array<i32>} : memref<256xf32, #tpu.memory_space<vmem>>, vector<16xf32>,
    %swap3A_29 = arith.constant 96 : index
    %swap3A_30 = tpu.vector_load %arg9[%swap3A_29] {strides = array<i32>} : memref<256xf32, #tpu.memory_space<vmem>>, vector<16xf32>,
    tpu.vector_store %arg9[%swap3A_29], %broadcast_in_dim3A_3 {strides = array<i32>} : memref<256xf32, #tpu.memory_space<vmem>>, vector<16xf32>,
    %swap3A_31 = arith.constant 112 : index
    %swap3A_32 = tpu.vector_load %arg8[%swap3A_31] {strides = array<i32>} : memref<256xf32, #tpu.memory_space<vmem>>, vector<16xf32>,
    tpu.vector_store %arg8[%swap3A_31], %broadcast_in_dim3A_3 {strides = array<i32>} : memref<256xf32, #tpu.memory_space<vmem>>, vector<16xf32>,
    %swap3A_33 = arith.constant 112 : index
    %swap3A_34 = tpu.vector_load %arg9[%swap3A_33] {strides = array<i32>} : memref<256xf32, #tpu.memory_space<vmem>>, vector<16xf32>,
    tpu.vector_store %arg9[%swap3A_33], %broadcast_in_dim3A_3 {strides = array<i32>} : memref<256xf32, #tpu.memory_space<vmem>>, vector<16xf32>,
    %swap3A_35 = arith.constant 128 : index
    %swap3A_36 = tpu.vector_load %arg8[%swap3A_35] {strides = array<i32>} : memref<256xf32, #tpu.memory_space<vmem>>, vector<16xf32>,
    tpu.vector_store %arg8[%swap3A_35], %broadcast_in_dim3A_3 {strides = array<i32>} : memref<256xf32, #tpu.memory_space<vmem>>, vector<16xf32>,
    %swap3A_37 = arith.constant 128 : index
    %swap3A_38 = tpu.vector_load %arg9[%swap3A_37] {strides = array<i32>} : memref<256xf32, #tpu.memory_space<vmem>>, vector<16xf32>,
    tpu.vector_store %arg9[%swap3A_37], %broadcast_in_dim3A_3 {strides = array<i32>} : memref<256xf32, #tpu.memory_space<vmem>>, vector<16xf32>,
    %swap3A_39 = arith.constant 144 : index
    %swap3A_40 = tpu.vector_load %arg8[%swap3A_39] {strides = array<i32>} : memref<256xf32, #tpu.memory_space<vmem>>, vector<16xf32>,
    tpu.vector_store %arg8[%swap3A_39], %broadcast_in_dim3A_3 {strides = array<i32>} : memref<256xf32, #tpu.memory_space<vmem>>, vector<16xf32>,
    %swap3A_41 = arith.constant 144 : index
    %swap3A_42 = tpu.vector_load %arg9[%swap3A_41] {strides = array<i32>} : memref<256xf32, #tpu.memory_space<vmem>>, vector<16xf32>,
    tpu.vector_store %arg9[%swap3A_41], %broadcast_in_dim3A_3 {strides = array<i32>} : memref<256xf32, #tpu.memory_space<vmem>>, vector<16xf32>,
    %swap3A_43 = arith.constant 160 : index
    %swap3A_44 = tpu.vector_load %arg8[%swap3A_43] {strides = array<i32>} : memref<256xf32, #tpu.memory_space<vmem>>, vector<16xf32>,
    tpu.vector_store %arg8[%swap3A_43], %broadcast_in_dim3A_3 {strides = array<i32>} : memref<256xf32, #tpu.memory_space<vmem>>, vector<16xf32>,
    %swap3A_45 = arith.constant 160 : index
    %swap3A_46 = tpu.vector_load %arg9[%swap3A_45] {strides = array<i32>} : memref<256xf32, #tpu.memory_space<vmem>>, vector<16xf32>,
    tpu.vector_store %arg9[%swap3A_45], %broadcast_in_dim3A_3 {strides = array<i32>} : memref<256xf32, #tpu.memory_space<vmem>>, vector<16xf32>,
    %swap3A_47 = arith.constant 176 : index
    %swap3A_48 = tpu.vector_load %arg8[%swap3A_47] {strides = array<i32>} : memref<256xf32, #tpu.memory_space<vmem>>, vector<16xf32>,
    tpu.vector_store %arg8[%swap3A_47], %broadcast_in_dim3A_3 {strides = array<i32>} : memref<256xf32, #tpu.memory_space<vmem>>, vector<16xf32>,
    %swap3A_49 = arith.constant 176 : index
    %swap3A_50 = tpu.vector_load %arg9[%swap3A_49] {strides = array<i32>} : memref<256xf32, #tpu.memory_space<vmem>>, vector<16xf32>,
    tpu.vector_store %arg9[%swap3A_49], %broadcast_in_dim3A_3 {strides = array<i32>} : memref<256xf32, #tpu.memory_space<vmem>>, vector<16xf32>,
    %swap3A_51 = arith.constant 192 : index
    %swap3A_52 = tpu.vector_load %arg8[%swap3A_51] {strides = array<i32>} : memref<256xf32, #tpu.memory_space<vmem>>, vector<16xf32>,
    tpu.vector_store %arg8[%swap3A_51], %broadcast_in_dim3A_3 {strides = array<i32>} : memref<256xf32, #tpu.memory_space<vmem>>, vector<16xf32>,
    %swap3A_53 = arith.constant 192 : index
    %swap3A_54 = tpu.vector_load %arg9[%swap3A_53] {strides = array<i32>} : memref<256xf32, #tpu.memory_space<vmem>>, vector<16xf32>,
    tpu.vector_store %arg9[%swap3A_53], %broadcast_in_dim3A_3 {strides = array<i32>} : memref<256xf32, #tpu.memory_space<vmem>>, vector<16xf32>,
    %swap3A_55 = arith.constant 208 : index
    %swap3A_56 = tpu.vector_load %arg8[%swap3A_55] {strides = array<i32>} : memref<256xf32, #tpu.memory_space<vmem>>, vector<16xf32>,
    tpu.vector_store %arg8[%swap3A_55], %broadcast_in_dim3A_3 {strides = array<i32>} : memref<256xf32, #tpu.memory_space<vmem>>, vector<16xf32>,
    %swap3A_57 = arith.constant 208 : index
    %swap3A_58 = tpu.vector_load %arg9[%swap3A_57] {strides = array<i32>} : memref<256xf32, #tpu.memory_space<vmem>>, vector<16xf32>,
    tpu.vector_store %arg9[%swap3A_57], %broadcast_in_dim3A_3 {strides = array<i32>} : memref<256xf32, #tpu.memory_space<vmem>>, vector<16xf32>,
    %swap3A_59 = arith.constant 224 : index
    %swap3A_60 = tpu.vector_load %arg8[%swap3A_59] {strides = array<i32>} : memref<256xf32, #tpu.memory_space<vmem>>, vector<16xf32>,
    tpu.vector_store %arg8[%swap3A_59], %broadcast_in_dim3A_3 {strides = array<i32>} : memref<256xf32, #tpu.memory_space<vmem>>, vector<16xf32>,
    %swap3A_61 = arith.constant 224 : index
    %swap3A_62 = tpu.vector_load %arg9[%swap3A_61] {strides = array<i32>} : memref<256xf32, #tpu.memory_space<vmem>>, vector<16xf32>,
    tpu.vector_store %arg9[%swap3A_61], %broadcast_in_dim3A_3 {strides = array<i32>} : memref<256xf32, #tpu.memory_space<vmem>>, vector<16xf32>,
    %swap3A_63 = arith.constant 240 : index
    %swap3A_64 = tpu.vector_load %arg8[%swap3A_63] {strides = array<i32>} : memref<256xf32, #tpu.memory_space<vmem>>, vector<16xf32>,
    tpu.vector_store %arg8[%swap3A_63], %broadcast_in_dim3A_3 {strides = array<i32>} : memref<256xf32, #tpu.memory_space<vmem>>, vector<16xf32>,
    %swap3A_65 = arith.constant 240 : index
    %swap3A_66 = tpu.vector_load %arg9[%swap3A_65] {strides = array<i32>} : memref<256xf32, #tpu.memory_space<vmem>>, vector<16xf32>,
    tpu.vector_store %arg9[%swap3A_65], %broadcast_in_dim3A_3 {strides = array<i32>} : memref<256xf32, #tpu.memory_space<vmem>>, vector<16xf32>,
    %add3A_67 = arith.constant 0 : i32
    %add3A_68 = arith.addi %multiple_of3A, %add3A_67 : i32
    %multiple_of3A_69 = tpu.assume_multiple %add3A_68, 256 : i32
    %dma_start3A = arith.constant 0 : i32
    %dma_start3A_70 = tpu.memref_slice %arg2[%dma_start3A, %multiple_of3A_69] : memref<100x500000xf32, #tpu.memory_space<hbm>> -> memref<100x256xf32, #tpu.memory_space<hbm>>
    %dma_start3A_71 = arith.constant 0 : i32
    %dma_start3A_72 = tpu.memref_slice %arg2[%dma_start3A_71, %multiple_of3A_69] : memref<100x500000xf32, #tpu.memory_space<hbm>> -> memref<100x256xf32, #tpu.memory_space<hbm>>
    tpu.enqueue_dma source(%dma_start3A_72 : memref<100x256xf32, #tpu.memory_space<hbm>>) target(%arg6 : memref<100x256xf32, #tpu.memory_space<vmem>>) target_semaphore(%arg11 : memref<!tpu.dma_semaphore, #tpu.memory_space<semaphore_mem>>)
    %scan3A = arith.constant 0 : i32
    %scan3A_73 = arith.constant 17 : i32
    %scan3A_74 = arith.addi %scan3A, %scan3A_73 : i32
    %scan3A_75 = arith.constant 1 : i32
    scf.for %scan3A_1493 = %scan3A to %scan3A_74 step %scan3A_75  : i32 {
      %mul3A_1494 = arith.constant 2 : i32
      %mul3A_1495 = arith.muli %mul3A_1494, %scan3A_1493 : i32
      %dma_wait3A_1496 = arith.constant 0 : i32
      %dma_wait3A_1497 = arith.constant 0 : i32
      %dma_wait3A_1498 = tpu.memref_slice %arg2[%dma_wait3A_1496, %dma_wait3A_1497] : memref<100x500000xf32, #tpu.memory_space<hbm>> -> memref<100x256xf32, #tpu.memory_space<hbm>>
      %dma_wait3A_1499 = arith.constant 0 : i32
      %dma_wait3A_1500 = arith.constant 0 : i32
      %dma_wait3A_1501 = tpu.memref_slice %arg2[%dma_wait3A_1499, %dma_wait3A_1500] : memref<100x500000xf32, #tpu.memory_space<hbm>> -> memref<100x256xf32, #tpu.memory_space<hbm>>
      tpu.wait_dma2 semaphore(%arg11 : memref<!tpu.dma_semaphore, #tpu.memory_space<semaphore_mem>>) src(%dma_wait3A_1501 : memref<100x256xf32, #tpu.memory_space<hbm>>) dst(%arg6 : memref<100x256xf32, #tpu.memory_space<vmem>>)
      %add3A_1502 = arith.constant 1 : i32
      %add3A_1503 = arith.addi %mul3A_1495, %add3A_1502 : i32
      %mul3A_1504 = arith.constant 256 : i32
      %mul3A_1505 = arith.muli %add3A_1503, %mul3A_1504 : i32
      %add3A_1506 = arith.addi %multiple_of3A, %mul3A_1505 : i32
      %multiple_of3A_1507 = tpu.assume_multiple %add3A_1506, 256 : i32
      %dma_start3A_1508 = arith.constant 0 : i32
      %dma_start3A_1509 = tpu.memref_slice %arg2[%dma_start3A_1508, %multiple_of3A_1507] : memref<100x500000xf32, #tpu.memory_space<hbm>> -> memref<100x256xf32, #tpu.memory_space<hbm>>
      %dma_start3A_1510 = arith.constant 0 : i32
      %dma_start3A_1511 = tpu.memref_slice %arg2[%dma_start3A_1510, %multiple_of3A_1507] : memref<100x500000xf32, #tpu.memory_space<hbm>> -> memref<100x256xf32, #tpu.memory_space<hbm>>
      tpu.enqueue_dma source(%dma_start3A_1511 : memref<100x256xf32, #tpu.memory_space<hbm>>) target(%arg7 : memref<100x256xf32, #tpu.memory_space<vmem>>) target_semaphore(%arg12 : memref<!tpu.dma_semaphore, #tpu.memory_space<semaphore_mem>>)
      %mul3A_1512 = arith.constant 256 : i32
      %mul3A_1513 = arith.muli %mul3A_1495, %mul3A_1512 : i32
      %add3A_1514 = arith.constant 0 : i32
      %add3A_1515 = vector.broadcast %add3A_1514 : i32 to vector<16xi32>
      %add3A_1516 = arith.addi %add3A_1515, %iota3A : vector<16xi32>
      %add3A_1517 = arith.constant 0 : i32
      %add3A_1518 = arith.addi %mul3A_1513, %add3A_1517 : i32
      %get3A_1519 = arith.index_cast %add3A_1518 : i32 to index
      %get3A_1520 = tpu.vector_load %arg5[%get3A_1519] {strides = array<i32>} : memref<9216xi32, #tpu.memory_space<vmem>>, vector<16xi32>,
      %and3A_1521 = arith.constant 127 : i32
      %and3A_1522 = vector.broadcast %and3A_1521 : i32 to vector<16xi32>
      %and3A_1523 = arith.andi %get3A_1520, %and3A_1522 : vector<16xi32>
      %gather3A_1524 = tpu.vector_load_idx %arg6[%and3A_1523, %add3A_1516] : memref<100x256xf32, #tpu.memory_space<vmem>>[vector<16xi32>, vector<16xi32>], vector<16xf32>,
      %shift_right_arithmetic3A_1525 = arith.constant 7 : i32
      %shift_right_arithmetic3A_1526 = vector.broadcast %shift_right_arithmetic3A_1525 : i32 to vector<16xi32>
      %shift_right_arithmetic3A_1527 = arith.shrsi %get3A_1520, %shift_right_arithmetic3A_1526 : vector<16xi32>
      %convert_element_type3A_1528 = arith.sitofp %shift_right_arithmetic3A_1527 : vector<16xi32> to vector<16xf32>
      %mul3A_1529 = arith.constant 1.500000e+01 : f32
      %mul3A_1530 = vector.broadcast %mul3A_1529 : f32 to vector<16xf32>
      %mul3A_1531 = arith.mulf %gather3A_1524, %mul3A_1530 : vector<16xf32>
      %convert_element_type3A_1532 = arith.fptosi %mul3A_1531 : vector<16xf32> to vector<16xi32>
      %convert_element_type3A_1533 = arith.sitofp %convert_element_type3A_1532 : vector<16xi32> to vector<16xf32>
      %eq3A_1534 = arith.cmpf oeq, %mul3A_1531, %convert_element_type3A_1533 : vector<16xf32>
      %jit3A_1535 = arith.constant 1 : i32
      %jit3A_1536 = arith.constant 0 : i32
      %broadcast_in_dim3A_1537 = vector.broadcast %jit3A_1535 : i32 to vector<16xi32>
      %broadcast_in_dim3A_1538 = vector.broadcast %jit3A_1536 : i32 to vector<16xi32>
      %select_n3A_1539 = arith.select %eq3A_1534, %broadcast_in_dim3A_1537, %broadcast_in_dim3A_1538 : vector<16xi1>, vector<16xi32>
      %sub3A_1540 = arith.subi %convert_element_type3A_1532, %select_n3A_1539 : vector<16xi32>
      %le3A_1541 = arith.constant 0.000000e+00 : f32
      %le3A_1542 = vector.broadcast %le3A_1541 : f32 to vector<16xf32>
      %le3A_1543 = arith.cmpf ole, %gather3A_1524, %le3A_1542 : vector<16xf32>
      %jit3A_1544 = arith.constant 15 : i32
      %broadcast_in_dim3A_1545 = vector.broadcast %jit3A_1544 : i32 to vector<16xi32>
      %select_n3A_1546 = arith.select %le3A_1543, %broadcast_in_dim3A_1545, %sub3A_1540 : vector<16xi1>, vector<16xi32>
      %max3A_1547 = arith.constant 0 : i32
      %max3A_1548 = vector.broadcast %max3A_1547 : i32 to vector<16xi32>
      %max3A_1549 = arith.maxsi %select_n3A_1546, %max3A_1548 : vector<16xi32>
      %min3A_1550 = arith.constant 15 : i32
      %min3A_1551 = vector.broadcast %min3A_1550 : i32 to vector<16xi32>
      %min3A_1552 = arith.minsi %max3A_1549, %min3A_1551 : vector<16xi32>
      %mul3A_1553 = arith.constant 16 : i32
      %mul3A_1554 = vector.broadcast %mul3A_1553 : i32 to vector<16xi32>
      %mul3A_1555 = arith.muli %iota3A, %mul3A_1554 : vector<16xi32>
      %add3A_1556 = arith.addi %mul3A_1555, %min3A_1552 : vector<16xi32>
      tpu.vector_store_idx %arg8[%add3A_1556], %gather3A_1524 {add = true} : memref<256xf32, #tpu.memory_space<vmem>>[vector<16xi32>], vector<16xf32>,
      tpu.vector_store_idx %arg9[%add3A_1556], %convert_element_type3A_1528 {add = true} : memref<256xf32, #tpu.memory_space<vmem>>[vector<16xi32>], vector<16xf32>,
      %add3A_1557 = arith.constant 16 : i32
      %add3A_1558 = vector.broadcast %add3A_1557 : i32 to vector<16xi32>
      %add3A_1559 = arith.addi %add3A_1558, %iota3A : vector<16xi32>
      %add3A_1560 = arith.constant 16 : i32
      %add3A_1561 = arith.addi %mul3A_1513, %add3A_1560 : i32
      %get3A_1562 = arith.index_cast %add3A_1561 : i32 to index
      %get3A_1563 = tpu.vector_load %arg5[%get3A_1562] {strides = array<i32>} : memref<9216xi32, #tpu.memory_space<vmem>>, vector<16xi32>,
      %and3A_1564 = arith.constant 127 : i32
      %and3A_1565 = vector.broadcast %and3A_1564 : i32 to vector<16xi32>
      %and3A_1566 = arith.andi %get3A_1563, %and3A_1565 : vector<16xi32>
      %gather3A_1567 = tpu.vector_load_idx %arg6[%and3A_1566, %add3A_1559] : memref<100x256xf32, #tpu.memory_space<vmem>>[vector<16xi32>, vector<16xi32>], vector<16xf32>,
      %shift_right_arithmetic3A_1568 = arith.constant 7 : i32
      %shift_right_arithmetic3A_1569 = vector.broadcast %shift_right_arithmetic3A_1568 : i32 to vector<16xi32>
      %shift_right_arithmetic3A_1570 = arith.shrsi %get3A_1563, %shift_right_arithmetic3A_1569 : vector<16xi32>
      %convert_element_type3A_1571 = arith.sitofp %shift_right_arithmetic3A_1570 : vector<16xi32> to vector<16xf32>
      %mul3A_1572 = arith.constant 1.500000e+01 : f32
      %mul3A_1573 = vector.broadcast %mul3A_1572 : f32 to vector<16xf32>
      %mul3A_1574 = arith.mulf %gather3A_1567, %mul3A_1573 : vector<16xf32>
      %convert_element_type3A_1575 = arith.fptosi %mul3A_1574 : vector<16xf32> to vector<16xi32>
      %convert_element_type3A_1576 = arith.sitofp %convert_element_type3A_1575 : vector<16xi32> to vector<16xf32>
      %eq3A_1577 = arith.cmpf oeq, %mul3A_1574, %convert_element_type3A_1576 : vector<16xf32>
      %jit3A_1578 = arith.constant 1 : i32
      %jit3A_1579 = arith.constant 0 : i32
      %broadcast_in_dim3A_1580 = vector.broadcast %jit3A_1578 : i32 to vector<16xi32>
      %broadcast_in_dim3A_1581 = vector.broadcast %jit3A_1579 : i32 to vector<16xi32>
      %select_n3A_1582 = arith.select %eq3A_1577, %broadcast_in_dim3A_1580, %broadcast_in_dim3A_1581 : vector<16xi1>, vector<16xi32>
      %sub3A_1583 = arith.subi %convert_element_type3A_1575, %select_n3A_1582 : vector<16xi32>
      %le3A_1584 = arith.constant 0.000000e+00 : f32
      %le3A_1585 = vector.broadcast %le3A_1584 : f32 to vector<16xf32>
      %le3A_1586 = arith.cmpf ole, %gather3A_1567, %le3A_1585 : vector<16xf32>
      %jit3A_1587 = arith.constant 15 : i32
      %broadcast_in_dim3A_1588 = vector.broadcast %jit3A_1587 : i32 to vector<16xi32>
      %select_n3A_1589 = arith.select %le3A_1586, %broadcast_in_dim3A_1588, %sub3A_1583 : vector<16xi1>, vector<16xi32>
      %max3A_1590 = arith.constant 0 : i32
      %max3A_1591 = vector.broadcast %max3A_1590 : i32 to vector<16xi32>
      %max3A_1592 = arith.maxsi %select_n3A_1589, %max3A_1591 : vector<16xi32>
      %min3A_1593 = arith.constant 15 : i32
      %min3A_1594 = vector.broadcast %min3A_1593 : i32 to vector<16xi32>
      %min3A_1595 = arith.minsi %max3A_1592, %min3A_1594 : vector<16xi32>
      %mul3A_1596 = arith.constant 16 : i32
      %mul3A_1597 = vector.broadcast %mul3A_1596 : i32 to vector<16xi32>
      %mul3A_1598 = arith.muli %iota3A, %mul3A_1597 : vector<16xi32>
      %add3A_1599 = arith.addi %mul3A_1598, %min3A_1595 : vector<16xi32>
      tpu.vector_store_idx %arg8[%add3A_1599], %gather3A_1567 {add = true} : memref<256xf32, #tpu.memory_space<vmem>>[vector<16xi32>], vector<16xf32>,
      tpu.vector_store_idx %arg9[%add3A_1599], %convert_element_type3A_1571 {add = true} : memref<256xf32, #tpu.memory_space<vmem>>[vector<16xi32>], vector<16xf32>,
      %add3A_1600 = arith.constant 32 : i32
      %add3A_1601 = vector.broadcast %add3A_1600 : i32 to vector<16xi32>
      %add3A_1602 = arith.addi %add3A_1601, %iota3A : vector<16xi32>
      %add3A_1603 = arith.constant 32 : i32
      %add3A_1604 = arith.addi %mul3A_1513, %add3A_1603 : i32
      %get3A_1605 = arith.index_cast %add3A_1604 : i32 to index
      %get3A_1606 = tpu.vector_load %arg5[%get3A_1605] {strides = array<i32>} : memref<9216xi32, #tpu.memory_space<vmem>>, vector<16xi32>,
      %and3A_1607 = arith.constant 127 : i32
      %and3A_1608 = vector.broadcast %and3A_1607 : i32 to vector<16xi32>
      %and3A_1609 = arith.andi %get3A_1606, %and3A_1608 : vector<16xi32>
      %gather3A_1610 = tpu.vector_load_idx %arg6[%and3A_1609, %add3A_1602] : memref<100x256xf32, #tpu.memory_space<vmem>>[vector<16xi32>, vector<16xi32>], vector<16xf32>,
      %shift_right_arithmetic3A_1611 = arith.constant 7 : i32
      %shift_right_arithmetic3A_1612 = vector.broadcast %shift_right_arithmetic3A_1611 : i32 to vector<16xi32>
      %shift_right_arithmetic3A_1613 = arith.shrsi %get3A_1606, %shift_right_arithmetic3A_1612 : vector<16xi32>
      %convert_element_type3A_1614 = arith.sitofp %shift_right_arithmetic3A_1613 : vector<16xi32> to vector<16xf32>
      %mul3A_1615 = arith.constant 1.500000e+01 : f32
      %mul3A_1616 = vector.broadcast %mul3A_1615 : f32 to vector<16xf32>
      %mul3A_1617 = arith.mulf %gather3A_1610, %mul3A_1616 : vector<16xf32>
      %convert_element_type3A_1618 = arith.fptosi %mul3A_1617 : vector<16xf32> to vector<16xi32>
      %convert_element_type3A_1619 = arith.sitofp %convert_element_type3A_1618 : vector<16xi32> to vector<16xf32>
      %eq3A_1620 = arith.cmpf oeq, %mul3A_1617, %convert_element_type3A_1619 : vector<16xf32>
      %jit3A_1621 = arith.constant 1 : i32
      %jit3A_1622 = arith.constant 0 : i32
      %broadcast_in_dim3A_1623 = vector.broadcast %jit3A_1621 : i32 to vector<16xi32>
      %broadcast_in_dim3A_1624 = vector.broadcast %jit3A_1622 : i32 to vector<16xi32>
      %select_n3A_1625 = arith.select %eq3A_1620, %broadcast_in_dim3A_1623, %broadcast_in_dim3A_1624 : vector<16xi1>, vector<16xi32>
      %sub3A_1626 = arith.subi %convert_element_type3A_1618, %select_n3A_1625 : vector<16xi32>
      %le3A_1627 = arith.constant 0.000000e+00 : f32
      %le3A_1628 = vector.broadcast %le3A_1627 : f32 to vector<16xf32>
      %le3A_1629 = arith.cmpf ole, %gather3A_1610, %le3A_1628 : vector<16xf32>
      %jit3A_1630 = arith.constant 15 : i32
      %broadcast_in_dim3A_1631 = vector.broadcast %jit3A_1630 : i32 to vector<16xi32>
      %select_n3A_1632 = arith.select %le3A_1629, %broadcast_in_dim3A_1631, %sub3A_1626 : vector<16xi1>, vector<16xi32>
      %max3A_1633 = arith.constant 0 : i32
      %max3A_1634 = vector.broadcast %max3A_1633 : i32 to vector<16xi32>
      %max3A_1635 = arith.maxsi %select_n3A_1632, %max3A_1634 : vector<16xi32>
      %min3A_1636 = arith.constant 15 : i32
      %min3A_1637 = vector.broadcast %min3A_1636 : i32 to vector<16xi32>
      %min3A_1638 = arith.minsi %max3A_1635, %min3A_1637 : vector<16xi32>
      %mul3A_1639 = arith.constant 16 : i32
      %mul3A_1640 = vector.broadcast %mul3A_1639 : i32 to vector<16xi32>
      %mul3A_1641 = arith.muli %iota3A, %mul3A_1640 : vector<16xi32>
      %add3A_1642 = arith.addi %mul3A_1641, %min3A_1638 : vector<16xi32>
      tpu.vector_store_idx %arg8[%add3A_1642], %gather3A_1610 {add = true} : memref<256xf32, #tpu.memory_space<vmem>>[vector<16xi32>], vector<16xf32>,
      tpu.vector_store_idx %arg9[%add3A_1642], %convert_element_type3A_1614 {add = true} : memref<256xf32, #tpu.memory_space<vmem>>[vector<16xi32>], vector<16xf32>,
      %add3A_1643 = arith.constant 48 : i32
      %add3A_1644 = vector.broadcast %add3A_1643 : i32 to vector<16xi32>
      %add3A_1645 = arith.addi %add3A_1644, %iota3A : vector<16xi32>
      %add3A_1646 = arith.constant 48 : i32
      %add3A_1647 = arith.addi %mul3A_1513, %add3A_1646 : i32
      %get3A_1648 = arith.index_cast %add3A_1647 : i32 to index
      %get3A_1649 = tpu.vector_load %arg5[%get3A_1648] {strides = array<i32>} : memref<9216xi32, #tpu.memory_space<vmem>>, vector<16xi32>,
      %and3A_1650 = arith.constant 127 : i32
      %and3A_1651 = vector.broadcast %and3A_1650 : i32 to vector<16xi32>
      %and3A_1652 = arith.andi %get3A_1649, %and3A_1651 : vector<16xi32>
      %gather3A_1653 = tpu.vector_load_idx %arg6[%and3A_1652, %add3A_1645] : memref<100x256xf32, #tpu.memory_space<vmem>>[vector<16xi32>, vector<16xi32>], vector<16xf32>,
      %shift_right_arithmetic3A_1654 = arith.constant 7 : i32
      %shift_right_arithmetic3A_1655 = vector.broadcast %shift_right_arithmetic3A_1654 : i32 to vector<16xi32>
      %shift_right_arithmetic3A_1656 = arith.shrsi %get3A_1649, %shift_right_arithmetic3A_1655 : vector<16xi32>
      %convert_element_type3A_1657 = arith.sitofp %shift_right_arithmetic3A_1656 : vector<16xi32> to vector<16xf32>
      %mul3A_1658 = arith.constant 1.500000e+01 : f32
      %mul3A_1659 = vector.broadcast %mul3A_1658 : f32 to vector<16xf32>
      %mul3A_1660 = arith.mulf %gather3A_1653, %mul3A_1659 : vector<16xf32>
      %convert_element_type3A_1661 = arith.fptosi %mul3A_1660 : vector<16xf32> to vector<16xi32>
      %convert_element_type3A_1662 = arith.sitofp %convert_element_type3A_1661 : vector<16xi32> to vector<16xf32>
      %eq3A_1663 = arith.cmpf oeq, %mul3A_1660, %convert_element_type3A_1662 : vector<16xf32>
      %jit3A_1664 = arith.constant 1 : i32
      %jit3A_1665 = arith.constant 0 : i32
      %broadcast_in_dim3A_1666 = vector.broadcast %jit3A_1664 : i32 to vector<16xi32>
      %broadcast_in_dim3A_1667 = vector.broadcast %jit3A_1665 : i32 to vector<16xi32>
      %select_n3A_1668 = arith.select %eq3A_1663, %broadcast_in_dim3A_1666, %broadcast_in_dim3A_1667 : vector<16xi1>, vector<16xi32>
      %sub3A_1669 = arith.subi %convert_element_type3A_1661, %select_n3A_1668 : vector<16xi32>
      %le3A_1670 = arith.constant 0.000000e+00 : f32
      %le3A_1671 = vector.broadcast %le3A_1670 : f32 to vector<16xf32>
      %le3A_1672 = arith.cmpf ole, %gather3A_1653, %le3A_1671 : vector<16xf32>
      %jit3A_1673 = arith.constant 15 : i32
      %broadcast_in_dim3A_1674 = vector.broadcast %jit3A_1673 : i32 to vector<16xi32>
      %select_n3A_1675 = arith.select %le3A_1672, %broadcast_in_dim3A_1674, %sub3A_1669 : vector<16xi1>, vector<16xi32>
      %max3A_1676 = arith.constant 0 : i32
      %max3A_1677 = vector.broadcast %max3A_1676 : i32 to vector<16xi32>
      %max3A_1678 = arith.maxsi %select_n3A_1675, %max3A_1677 : vector<16xi32>
      %min3A_1679 = arith.constant 15 : i32
      %min3A_1680 = vector.broadcast %min3A_1679 : i32 to vector<16xi32>
      %min3A_1681 = arith.minsi %max3A_1678, %min3A_1680 : vector<16xi32>
      %mul3A_1682 = arith.constant 16 : i32
      %mul3A_1683 = vector.broadcast %mul3A_1682 : i32 to vector<16xi32>
      %mul3A_1684 = arith.muli %iota3A, %mul3A_1683 : vector<16xi32>
      %add3A_1685 = arith.addi %mul3A_1684, %min3A_1681 : vector<16xi32>
      tpu.vector_store_idx %arg8[%add3A_1685], %gather3A_1653 {add = true} : memref<256xf32, #tpu.memory_space<vmem>>[vector<16xi32>], vector<16xf32>,
      tpu.vector_store_idx %arg9[%add3A_1685], %convert_element_type3A_1657 {add = true} : memref<256xf32, #tpu.memory_space<vmem>>[vector<16xi32>], vector<16xf32>,
      %add3A_1686 = arith.constant 64 : i32
      %add3A_1687 = vector.broadcast %add3A_1686 : i32 to vector<16xi32>
      %add3A_1688 = arith.addi %add3A_1687, %iota3A : vector<16xi32>
      %add3A_1689 = arith.constant 64 : i32
      %add3A_1690 = arith.addi %mul3A_1513, %add3A_1689 : i32
      %get3A_1691 = arith.index_cast %add3A_1690 : i32 to index
      %get3A_1692 = tpu.vector_load %arg5[%get3A_1691] {strides = array<i32>} : memref<9216xi32, #tpu.memory_space<vmem>>, vector<16xi32>,
      %and3A_1693 = arith.constant 127 : i32
      %and3A_1694 = vector.broadcast %and3A_1693 : i32 to vector<16xi32>
      %and3A_1695 = arith.andi %get3A_1692, %and3A_1694 : vector<16xi32>
      %gather3A_1696 = tpu.vector_load_idx %arg6[%and3A_1695, %add3A_1688] : memref<100x256xf32, #tpu.memory_space<vmem>>[vector<16xi32>, vector<16xi32>], vector<16xf32>,
      %shift_right_arithmetic3A_1697 = arith.constant 7 : i32
      %shift_right_arithmetic3A_1698 = vector.broadcast %shift_right_arithmetic3A_1697 : i32 to vector<16xi32>
      %shift_right_arithmetic3A_1699 = arith.shrsi %get3A_1692, %shift_right_arithmetic3A_1698 : vector<16xi32>
      %convert_element_type3A_1700 = arith.sitofp %shift_right_arithmetic3A_1699 : vector<16xi32> to vector<16xf32>
      %mul3A_1701 = arith.constant 1.500000e+01 : f32
      %mul3A_1702 = vector.broadcast %mul3A_1701 : f32 to vector<16xf32>
      %mul3A_1703 = arith.mulf %gather3A_1696, %mul3A_1702 : vector<16xf32>
      %convert_element_type3A_1704 = arith.fptosi %mul3A_1703 : vector<16xf32> to vector<16xi32>
      %convert_element_type3A_1705 = arith.sitofp %convert_element_type3A_1704 : vector<16xi32> to vector<16xf32>
      %eq3A_1706 = arith.cmpf oeq, %mul3A_1703, %convert_element_type3A_1705 : vector<16xf32>
      %jit3A_1707 = arith.constant 1 : i32
      %jit3A_1708 = arith.constant 0 : i32
      %broadcast_in_dim3A_1709 = vector.broadcast %jit3A_1707 : i32 to vector<16xi32>
      %broadcast_in_dim3A_1710 = vector.broadcast %jit3A_1708 : i32 to vector<16xi32>
      %select_n3A_1711 = arith.select %eq3A_1706, %broadcast_in_dim3A_1709, %broadcast_in_dim3A_1710 : vector<16xi1>, vector<16xi32>
      %sub3A_1712 = arith.subi %convert_element_type3A_1704, %select_n3A_1711 : vector<16xi32>
      %le3A_1713 = arith.constant 0.000000e+00 : f32
      %le3A_1714 = vector.broadcast %le3A_1713 : f32 to vector<16xf32>
      %le3A_1715 = arith.cmpf ole, %gather3A_1696, %le3A_1714 : vector<16xf32>
      %jit3A_1716 = arith.constant 15 : i32
      %broadcast_in_dim3A_1717 = vector.broadcast %jit3A_1716 : i32 to vector<16xi32>
      %select_n3A_1718 = arith.select %le3A_1715, %broadcast_in_dim3A_1717, %sub3A_1712 : vector<16xi1>, vector<16xi32>
      %max3A_1719 = arith.constant 0 : i32
      %max3A_1720 = vector.broadcast %max3A_1719 : i32 to vector<16xi32>
      %max3A_1721 = arith.maxsi %select_n3A_1718, %max3A_1720 : vector<16xi32>
      %min3A_1722 = arith.constant 15 : i32
      %min3A_1723 = vector.broadcast %min3A_1722 : i32 to vector<16xi32>
      %min3A_1724 = arith.minsi %max3A_1721, %min3A_1723 : vector<16xi32>
      %mul3A_1725 = arith.constant 16 : i32
      %mul3A_1726 = vector.broadcast %mul3A_1725 : i32 to vector<16xi32>
      %mul3A_1727 = arith.muli %iota3A, %mul3A_1726 : vector<16xi32>
      %add3A_1728 = arith.addi %mul3A_1727, %min3A_1724 : vector<16xi32>
      tpu.vector_store_idx %arg8[%add3A_1728], %gather3A_1696 {add = true} : memref<256xf32, #tpu.memory_space<vmem>>[vector<16xi32>], vector<16xf32>,
      tpu.vector_store_idx %arg9[%add3A_1728], %convert_element_type3A_1700 {add = true} : memref<256xf32, #tpu.memory_space<vmem>>[vector<16xi32>], vector<16xf32>,
      %add3A_1729 = arith.constant 80 : i32
      %add3A_1730 = vector.broadcast %add3A_1729 : i32 to vector<16xi32>
      %add3A_1731 = arith.addi %add3A_1730, %iota3A : vector<16xi32>
      %add3A_1732 = arith.constant 80 : i32
      %add3A_1733 = arith.addi %mul3A_1513, %add3A_1732 : i32
      %get3A_1734 = arith.index_cast %add3A_1733 : i32 to index
      %get3A_1735 = tpu.vector_load %arg5[%get3A_1734] {strides = array<i32>} : memref<9216xi32, #tpu.memory_space<vmem>>, vector<16xi32>,
      %and3A_1736 = arith.constant 127 : i32
      %and3A_1737 = vector.broadcast %and3A_1736 : i32 to vector<16xi32>
      %and3A_1738 = arith.andi %get3A_1735, %and3A_1737 : vector<16xi32>
      %gather3A_1739 = tpu.vector_load_idx %arg6[%and3A_1738, %add3A_1731] : memref<100x256xf32, #tpu.memory_space<vmem>>[vector<16xi32>, vector<16xi32>], vector<16xf32>,
      %shift_right_arithmetic3A_1740 = arith.constant 7 : i32
      %shift_right_arithmetic3A_1741 = vector.broadcast %shift_right_arithmetic3A_1740 : i32 to vector<16xi32>
      %shift_right_arithmetic3A_1742 = arith.shrsi %get3A_1735, %shift_right_arithmetic3A_1741 : vector<16xi32>
      %convert_element_type3A_1743 = arith.sitofp %shift_right_arithmetic3A_1742 : vector<16xi32> to vector<16xf32>
      %mul3A_1744 = arith.constant 1.500000e+01 : f32
      %mul3A_1745 = vector.broadcast %mul3A_1744 : f32 to vector<16xf32>
      %mul3A_1746 = arith.mulf %gather3A_1739, %mul3A_1745 : vector<16xf32>
      %convert_element_type3A_1747 = arith.fptosi %mul3A_1746 : vector<16xf32> to vector<16xi32>
      %convert_element_type3A_1748 = arith.sitofp %convert_element_type3A_1747 : vector<16xi32> to vector<16xf32>
      %eq3A_1749 = arith.cmpf oeq, %mul3A_1746, %convert_element_type3A_1748 : vector<16xf32>
      %jit3A_1750 = arith.constant 1 : i32
      %jit3A_1751 = arith.constant 0 : i32
      %broadcast_in_dim3A_1752 = vector.broadcast %jit3A_1750 : i32 to vector<16xi32>
      %broadcast_in_dim3A_1753 = vector.broadcast %jit3A_1751 : i32 to vector<16xi32>
      %select_n3A_1754 = arith.select %eq3A_1749, %broadcast_in_dim3A_1752, %broadcast_in_dim3A_1753 : vector<16xi1>, vector<16xi32>
      %sub3A_1755 = arith.subi %convert_element_type3A_1747, %select_n3A_1754 : vector<16xi32>
      %le3A_1756 = arith.constant 0.000000e+00 : f32
      %le3A_1757 = vector.broadcast %le3A_1756 : f32 to vector<16xf32>
      %le3A_1758 = arith.cmpf ole, %gather3A_1739, %le3A_1757 : vector<16xf32>
      %jit3A_1759 = arith.constant 15 : i32
      %broadcast_in_dim3A_1760 = vector.broadcast %jit3A_1759 : i32 to vector<16xi32>
      %select_n3A_1761 = arith.select %le3A_1758, %broadcast_in_dim3A_1760, %sub3A_1755 : vector<16xi1>, vector<16xi32>
      %max3A_1762 = arith.constant 0 : i32
      %max3A_1763 = vector.broadcast %max3A_1762 : i32 to vector<16xi32>
      %max3A_1764 = arith.maxsi %select_n3A_1761, %max3A_1763 : vector<16xi32>
      %min3A_1765 = arith.constant 15 : i32
      %min3A_1766 = vector.broadcast %min3A_1765 : i32 to vector<16xi32>
      %min3A_1767 = arith.minsi %max3A_1764, %min3A_1766 : vector<16xi32>
      %mul3A_1768 = arith.constant 16 : i32
      %mul3A_1769 = vector.broadcast %mul3A_1768 : i32 to vector<16xi32>
      %mul3A_1770 = arith.muli %iota3A, %mul3A_1769 : vector<16xi32>
      %add3A_1771 = arith.addi %mul3A_1770, %min3A_1767 : vector<16xi32>
      tpu.vector_store_idx %arg8[%add3A_1771], %gather3A_1739 {add = true} : memref<256xf32, #tpu.memory_space<vmem>>[vector<16xi32>], vector<16xf32>,
      tpu.vector_store_idx %arg9[%add3A_1771], %convert_element_type3A_1743 {add = true} : memref<256xf32, #tpu.memory_space<vmem>>[vector<16xi32>], vector<16xf32>,
      %add3A_1772 = arith.constant 96 : i32
      %add3A_1773 = vector.broadcast %add3A_1772 : i32 to vector<16xi32>
      %add3A_1774 = arith.addi %add3A_1773, %iota3A : vector<16xi32>
      %add3A_1775 = arith.constant 96 : i32
      %add3A_1776 = arith.addi %mul3A_1513, %add3A_1775 : i32
      %get3A_1777 = arith.index_cast %add3A_1776 : i32 to index
      %get3A_1778 = tpu.vector_load %arg5[%get3A_1777] {strides = array<i32>} : memref<9216xi32, #tpu.memory_space<vmem>>, vector<16xi32>,
      %and3A_1779 = arith.constant 127 : i32
      %and3A_1780 = vector.broadcast %and3A_1779 : i32 to vector<16xi32>
      %and3A_1781 = arith.andi %get3A_1778, %and3A_1780 : vector<16xi32>
      %gather3A_1782 = tpu.vector_load_idx %arg6[%and3A_1781, %add3A_1774] : memref<100x256xf32, #tpu.memory_space<vmem>>[vector<16xi32>, vector<16xi32>], vector<16xf32>,
      %shift_right_arithmetic3A_1783 = arith.constant 7 : i32
      %shift_right_arithmetic3A_1784 = vector.broadcast %shift_right_arithmetic3A_1783 : i32 to vector<16xi32>
      %shift_right_arithmetic3A_1785 = arith.shrsi %get3A_1778, %shift_right_arithmetic3A_1784 : vector<16xi32>
      %convert_element_type3A_1786 = arith.sitofp %shift_right_arithmetic3A_1785 : vector<16xi32> to vector<16xf32>
      %mul3A_1787 = arith.constant 1.500000e+01 : f32
      %mul3A_1788 = vector.broadcast %mul3A_1787 : f32 to vector<16xf32>
      %mul3A_1789 = arith.mulf %gather3A_1782, %mul3A_1788 : vector<16xf32>
      %convert_element_type3A_1790 = arith.fptosi %mul3A_1789 : vector<16xf32> to vector<16xi32>
      %convert_element_type3A_1791 = arith.sitofp %convert_element_type3A_1790 : vector<16xi32> to vector<16xf32>
      %eq3A_1792 = arith.cmpf oeq, %mul3A_1789, %convert_element_type3A_1791 : vector<16xf32>
      %jit3A_1793 = arith.constant 1 : i32
      %jit3A_1794 = arith.constant 0 : i32
      %broadcast_in_dim3A_1795 = vector.broadcast %jit3A_1793 : i32 to vector<16xi32>
      %broadcast_in_dim3A_1796 = vector.broadcast %jit3A_1794 : i32 to vector<16xi32>
      %select_n3A_1797 = arith.select %eq3A_1792, %broadcast_in_dim3A_1795, %broadcast_in_dim3A_1796 : vector<16xi1>, vector<16xi32>
      %sub3A_1798 = arith.subi %convert_element_type3A_1790, %select_n3A_1797 : vector<16xi32>
      %le3A_1799 = arith.constant 0.000000e+00 : f32
      %le3A_1800 = vector.broadcast %le3A_1799 : f32 to vector<16xf32>
      %le3A_1801 = arith.cmpf ole, %gather3A_1782, %le3A_1800 : vector<16xf32>
      %jit3A_1802 = arith.constant 15 : i32
      %broadcast_in_dim3A_1803 = vector.broadcast %jit3A_1802 : i32 to vector<16xi32>
      %select_n3A_1804 = arith.select %le3A_1801, %broadcast_in_dim3A_1803, %sub3A_1798 : vector<16xi1>, vector<16xi32>
      %max3A_1805 = arith.constant 0 : i32
      %max3A_1806 = vector.broadcast %max3A_1805 : i32 to vector<16xi32>
      %max3A_1807 = arith.maxsi %select_n3A_1804, %max3A_1806 : vector<16xi32>
      %min3A_1808 = arith.constant 15 : i32
      %min3A_1809 = vector.broadcast %min3A_1808 : i32 to vector<16xi32>
      %min3A_1810 = arith.minsi %max3A_1807, %min3A_1809 : vector<16xi32>
      %mul3A_1811 = arith.constant 16 : i32
      %mul3A_1812 = vector.broadcast %mul3A_1811 : i32 to vector<16xi32>
      %mul3A_1813 = arith.muli %iota3A, %mul3A_1812 : vector<16xi32>
      %add3A_1814 = arith.addi %mul3A_1813, %min3A_1810 : vector<16xi32>
      tpu.vector_store_idx %arg8[%add3A_1814], %gather3A_1782 {add = true} : memref<256xf32, #tpu.memory_space<vmem>>[vector<16xi32>], vector<16xf32>,
      tpu.vector_store_idx %arg9[%add3A_1814], %convert_element_type3A_1786 {add = true} : memref<256xf32, #tpu.memory_space<vmem>>[vector<16xi32>], vector<16xf32>,
      %add3A_1815 = arith.constant 112 : i32
      %add3A_1816 = vector.broadcast %add3A_1815 : i32 to vector<16xi32>
      %add3A_1817 = arith.addi %add3A_1816, %iota3A : vector<16xi32>
      %add3A_1818 = arith.constant 112 : i32
      %add3A_1819 = arith.addi %mul3A_1513, %add3A_1818 : i32
      %get3A_1820 = arith.index_cast %add3A_1819 : i32 to index
      %get3A_1821 = tpu.vector_load %arg5[%get3A_1820] {strides = array<i32>} : memref<9216xi32, #tpu.memory_space<vmem>>, vector<16xi32>,
      %and3A_1822 = arith.constant 127 : i32
      %and3A_1823 = vector.broadcast %and3A_1822 : i32 to vector<16xi32>
      %and3A_1824 = arith.andi %get3A_1821, %and3A_1823 : vector<16xi32>
      %gather3A_1825 = tpu.vector_load_idx %arg6[%and3A_1824, %add3A_1817] : memref<100x256xf32, #tpu.memory_space<vmem>>[vector<16xi32>, vector<16xi32>], vector<16xf32>,
      %shift_right_arithmetic3A_1826 = arith.constant 7 : i32
      %shift_right_arithmetic3A_1827 = vector.broadcast %shift_right_arithmetic3A_1826 : i32 to vector<16xi32>
      %shift_right_arithmetic3A_1828 = arith.shrsi %get3A_1821, %shift_right_arithmetic3A_1827 : vector<16xi32>
      %convert_element_type3A_1829 = arith.sitofp %shift_right_arithmetic3A_1828 : vector<16xi32> to vector<16xf32>
      %mul3A_1830 = arith.constant 1.500000e+01 : f32
      %mul3A_1831 = vector.broadcast %mul3A_1830 : f32 to vector<16xf32>
      %mul3A_1832 = arith.mulf %gather3A_1825, %mul3A_1831 : vector<16xf32>
      %convert_element_type3A_1833 = arith.fptosi %mul3A_1832 : vector<16xf32> to vector<16xi32>
      %convert_element_type3A_1834 = arith.sitofp %convert_element_type3A_1833 : vector<16xi32> to vector<16xf32>
      %eq3A_1835 = arith.cmpf oeq, %mul3A_1832, %convert_element_type3A_1834 : vector<16xf32>
      %jit3A_1836 = arith.constant 1 : i32
      %jit3A_1837 = arith.constant 0 : i32
      %broadcast_in_dim3A_1838 = vector.broadcast %jit3A_1836 : i32 to vector<16xi32>
      %broadcast_in_dim3A_1839 = vector.broadcast %jit3A_1837 : i32 to vector<16xi32>
      %select_n3A_1840 = arith.select %eq3A_1835, %broadcast_in_dim3A_1838, %broadcast_in_dim3A_1839 : vector<16xi1>, vector<16xi32>
      %sub3A_1841 = arith.subi %convert_element_type3A_1833, %select_n3A_1840 : vector<16xi32>
      %le3A_1842 = arith.constant 0.000000e+00 : f32
      %le3A_1843 = vector.broadcast %le3A_1842 : f32 to vector<16xf32>
      %le3A_1844 = arith.cmpf ole, %gather3A_1825, %le3A_1843 : vector<16xf32>
      %jit3A_1845 = arith.constant 15 : i32
      %broadcast_in_dim3A_1846 = vector.broadcast %jit3A_1845 : i32 to vector<16xi32>
      %select_n3A_1847 = arith.select %le3A_1844, %broadcast_in_dim3A_1846, %sub3A_1841 : vector<16xi1>, vector<16xi32>
      %max3A_1848 = arith.constant 0 : i32
      %max3A_1849 = vector.broadcast %max3A_1848 : i32 to vector<16xi32>
      %max3A_1850 = arith.maxsi %select_n3A_1847, %max3A_1849 : vector<16xi32>
      %min3A_1851 = arith.constant 15 : i32
      %min3A_1852 = vector.broadcast %min3A_1851 : i32 to vector<16xi32>
      %min3A_1853 = arith.minsi %max3A_1850, %min3A_1852 : vector<16xi32>
      %mul3A_1854 = arith.constant 16 : i32
      %mul3A_1855 = vector.broadcast %mul3A_1854 : i32 to vector<16xi32>
      %mul3A_1856 = arith.muli %iota3A, %mul3A_1855 : vector<16xi32>
      %add3A_1857 = arith.addi %mul3A_1856, %min3A_1853 : vector<16xi32>
      tpu.vector_store_idx %arg8[%add3A_1857], %gather3A_1825 {add = true} : memref<256xf32, #tpu.memory_space<vmem>>[vector<16xi32>], vector<16xf32>,
      tpu.vector_store_idx %arg9[%add3A_1857], %convert_element_type3A_1829 {add = true} : memref<256xf32, #tpu.memory_space<vmem>>[vector<16xi32>], vector<16xf32>,
      %add3A_1858 = arith.constant 128 : i32
      %add3A_1859 = vector.broadcast %add3A_1858 : i32 to vector<16xi32>
      %add3A_1860 = arith.addi %add3A_1859, %iota3A : vector<16xi32>
      %add3A_1861 = arith.constant 128 : i32
      %add3A_1862 = arith.addi %mul3A_1513, %add3A_1861 : i32
      %get3A_1863 = arith.index_cast %add3A_1862 : i32 to index
      %get3A_1864 = tpu.vector_load %arg5[%get3A_1863] {strides = array<i32>} : memref<9216xi32, #tpu.memory_space<vmem>>, vector<16xi32>,
      %and3A_1865 = arith.constant 127 : i32
      %and3A_1866 = vector.broadcast %and3A_1865 : i32 to vector<16xi32>
      %and3A_1867 = arith.andi %get3A_1864, %and3A_1866 : vector<16xi32>
      %gather3A_1868 = tpu.vector_load_idx %arg6[%and3A_1867, %add3A_1860] : memref<100x256xf32, #tpu.memory_space<vmem>>[vector<16xi32>, vector<16xi32>], vector<16xf32>,
      %shift_right_arithmetic3A_1869 = arith.constant 7 : i32
      %shift_right_arithmetic3A_1870 = vector.broadcast %shift_right_arithmetic3A_1869 : i32 to vector<16xi32>
      %shift_right_arithmetic3A_1871 = arith.shrsi %get3A_1864, %shift_right_arithmetic3A_1870 : vector<16xi32>
      %convert_element_type3A_1872 = arith.sitofp %shift_right_arithmetic3A_1871 : vector<16xi32> to vector<16xf32>
      %mul3A_1873 = arith.constant 1.500000e+01 : f32
      %mul3A_1874 = vector.broadcast %mul3A_1873 : f32 to vector<16xf32>
      %mul3A_1875 = arith.mulf %gather3A_1868, %mul3A_1874 : vector<16xf32>
      %convert_element_type3A_1876 = arith.fptosi %mul3A_1875 : vector<16xf32> to vector<16xi32>
      %convert_element_type3A_1877 = arith.sitofp %convert_element_type3A_1876 : vector<16xi32> to vector<16xf32>
      %eq3A_1878 = arith.cmpf oeq, %mul3A_1875, %convert_element_type3A_1877 : vector<16xf32>
      %jit3A_1879 = arith.constant 1 : i32
      %jit3A_1880 = arith.constant 0 : i32
      %broadcast_in_dim3A_1881 = vector.broadcast %jit3A_1879 : i32 to vector<16xi32>
      %broadcast_in_dim3A_1882 = vector.broadcast %jit3A_1880 : i32 to vector<16xi32>
      %select_n3A_1883 = arith.select %eq3A_1878, %broadcast_in_dim3A_1881, %broadcast_in_dim3A_1882 : vector<16xi1>, vector<16xi32>
      %sub3A_1884 = arith.subi %convert_element_type3A_1876, %select_n3A_1883 : vector<16xi32>
      %le3A_1885 = arith.constant 0.000000e+00 : f32
      %le3A_1886 = vector.broadcast %le3A_1885 : f32 to vector<16xf32>
      %le3A_1887 = arith.cmpf ole, %gather3A_1868, %le3A_1886 : vector<16xf32>
      %jit3A_1888 = arith.constant 15 : i32
      %broadcast_in_dim3A_1889 = vector.broadcast %jit3A_1888 : i32 to vector<16xi32>
      %select_n3A_1890 = arith.select %le3A_1887, %broadcast_in_dim3A_1889, %sub3A_1884 : vector<16xi1>, vector<16xi32>
      %max3A_1891 = arith.constant 0 : i32
      %max3A_1892 = vector.broadcast %max3A_1891 : i32 to vector<16xi32>
      %max3A_1893 = arith.maxsi %select_n3A_1890, %max3A_1892 : vector<16xi32>
      %min3A_1894 = arith.constant 15 : i32
      %min3A_1895 = vector.broadcast %min3A_1894 : i32 to vector<16xi32>
      %min3A_1896 = arith.minsi %max3A_1893, %min3A_1895 : vector<16xi32>
      %mul3A_1897 = arith.constant 16 : i32
      %mul3A_1898 = vector.broadcast %mul3A_1897 : i32 to vector<16xi32>
      %mul3A_1899 = arith.muli %iota3A, %mul3A_1898 : vector<16xi32>
      %add3A_1900 = arith.addi %mul3A_1899, %min3A_1896 : vector<16xi32>
      tpu.vector_store_idx %arg8[%add3A_1900], %gather3A_1868 {add = true} : memref<256xf32, #tpu.memory_space<vmem>>[vector<16xi32>], vector<16xf32>,
      tpu.vector_store_idx %arg9[%add3A_1900], %convert_element_type3A_1872 {add = true} : memref<256xf32, #tpu.memory_space<vmem>>[vector<16xi32>], vector<16xf32>,
      %add3A_1901 = arith.constant 144 : i32
      %add3A_1902 = vector.broadcast %add3A_1901 : i32 to vector<16xi32>
      %add3A_1903 = arith.addi %add3A_1902, %iota3A : vector<16xi32>
      %add3A_1904 = arith.constant 144 : i32
      %add3A_1905 = arith.addi %mul3A_1513, %add3A_1904 : i32
      %get3A_1906 = arith.index_cast %add3A_1905 : i32 to index
      %get3A_1907 = tpu.vector_load %arg5[%get3A_1906] {strides = array<i32>} : memref<9216xi32, #tpu.memory_space<vmem>>, vector<16xi32>,
      %and3A_1908 = arith.constant 127 : i32
      %and3A_1909 = vector.broadcast %and3A_1908 : i32 to vector<16xi32>
      %and3A_1910 = arith.andi %get3A_1907, %and3A_1909 : vector<16xi32>
      %gather3A_1911 = tpu.vector_load_idx %arg6[%and3A_1910, %add3A_1903] : memref<100x256xf32, #tpu.memory_space<vmem>>[vector<16xi32>, vector<16xi32>], vector<16xf32>,
      %shift_right_arithmetic3A_1912 = arith.constant 7 : i32
      %shift_right_arithmetic3A_1913 = vector.broadcast %shift_right_arithmetic3A_1912 : i32 to vector<16xi32>
      %shift_right_arithmetic3A_1914 = arith.shrsi %get3A_1907, %shift_right_arithmetic3A_1913 : vector<16xi32>
      %convert_element_type3A_1915 = arith.sitofp %shift_right_arithmetic3A_1914 : vector<16xi32> to vector<16xf32>
      %mul3A_1916 = arith.constant 1.500000e+01 : f32
      %mul3A_1917 = vector.broadcast %mul3A_1916 : f32 to vector<16xf32>
      %mul3A_1918 = arith.mulf %gather3A_1911, %mul3A_1917 : vector<16xf32>
      %convert_element_type3A_1919 = arith.fptosi %mul3A_1918 : vector<16xf32> to vector<16xi32>
      %convert_element_type3A_1920 = arith.sitofp %convert_element_type3A_1919 : vector<16xi32> to vector<16xf32>
      %eq3A_1921 = arith.cmpf oeq, %mul3A_1918, %convert_element_type3A_1920 : vector<16xf32>
      %jit3A_1922 = arith.constant 1 : i32
      %jit3A_1923 = arith.constant 0 : i32
      %broadcast_in_dim3A_1924 = vector.broadcast %jit3A_1922 : i32 to vector<16xi32>
      %broadcast_in_dim3A_1925 = vector.broadcast %jit3A_1923 : i32 to vector<16xi32>
      %select_n3A_1926 = arith.select %eq3A_1921, %broadcast_in_dim3A_1924, %broadcast_in_dim3A_1925 : vector<16xi1>, vector<16xi32>
      %sub3A_1927 = arith.subi %convert_element_type3A_1919, %select_n3A_1926 : vector<16xi32>
      %le3A_1928 = arith.constant 0.000000e+00 : f32
      %le3A_1929 = vector.broadcast %le3A_1928 : f32 to vector<16xf32>
      %le3A_1930 = arith.cmpf ole, %gather3A_1911, %le3A_1929 : vector<16xf32>
      %jit3A_1931 = arith.constant 15 : i32
      %broadcast_in_dim3A_1932 = vector.broadcast %jit3A_1931 : i32 to vector<16xi32>
      %select_n3A_1933 = arith.select %le3A_1930, %broadcast_in_dim3A_1932, %sub3A_1927 : vector<16xi1>, vector<16xi32>
      %max3A_1934 = arith.constant 0 : i32
      %max3A_1935 = vector.broadcast %max3A_1934 : i32 to vector<16xi32>
      %max3A_1936 = arith.maxsi %select_n3A_1933, %max3A_1935 : vector<16xi32>
      %min3A_1937 = arith.constant 15 : i32
      %min3A_1938 = vector.broadcast %min3A_1937 : i32 to vector<16xi32>
      %min3A_1939 = arith.minsi %max3A_1936, %min3A_1938 : vector<16xi32>
      %mul3A_1940 = arith.constant 16 : i32
      %mul3A_1941 = vector.broadcast %mul3A_1940 : i32 to vector<16xi32>
      %mul3A_1942 = arith.muli %iota3A, %mul3A_1941 : vector<16xi32>
      %add3A_1943 = arith.addi %mul3A_1942, %min3A_1939 : vector<16xi32>
      tpu.vector_store_idx %arg8[%add3A_1943], %gather3A_1911 {add = true} : memref<256xf32, #tpu.memory_space<vmem>>[vector<16xi32>], vector<16xf32>,
      tpu.vector_store_idx %arg9[%add3A_1943], %convert_element_type3A_1915 {add = true} : memref<256xf32, #tpu.memory_space<vmem>>[vector<16xi32>], vector<16xf32>,
      %add3A_1944 = arith.constant 160 : i32
      %add3A_1945 = vector.broadcast %add3A_1944 : i32 to vector<16xi32>
      %add3A_1946 = arith.addi %add3A_1945, %iota3A : vector<16xi32>
      %add3A_1947 = arith.constant 160 : i32
      %add3A_1948 = arith.addi %mul3A_1513, %add3A_1947 : i32
      %get3A_1949 = arith.index_cast %add3A_1948 : i32 to index
      %get3A_1950 = tpu.vector_load %arg5[%get3A_1949] {strides = array<i32>} : memref<9216xi32, #tpu.memory_space<vmem>>, vector<16xi32>,
      %and3A_1951 = arith.constant 127 : i32
      %and3A_1952 = vector.broadcast %and3A_1951 : i32 to vector<16xi32>
      %and3A_1953 = arith.andi %get3A_1950, %and3A_1952 : vector<16xi32>
      %gather3A_1954 = tpu.vector_load_idx %arg6[%and3A_1953, %add3A_1946] : memref<100x256xf32, #tpu.memory_space<vmem>>[vector<16xi32>, vector<16xi32>], vector<16xf32>,
      %shift_right_arithmetic3A_1955 = arith.constant 7 : i32
      %shift_right_arithmetic3A_1956 = vector.broadcast %shift_right_arithmetic3A_1955 : i32 to vector<16xi32>
      %shift_right_arithmetic3A_1957 = arith.shrsi %get3A_1950, %shift_right_arithmetic3A_1956 : vector<16xi32>
      %convert_element_type3A_1958 = arith.sitofp %shift_right_arithmetic3A_1957 : vector<16xi32> to vector<16xf32>
      %mul3A_1959 = arith.constant 1.500000e+01 : f32
      %mul3A_1960 = vector.broadcast %mul3A_1959 : f32 to vector<16xf32>
      %mul3A_1961 = arith.mulf %gather3A_1954, %mul3A_1960 : vector<16xf32>
      %convert_element_type3A_1962 = arith.fptosi %mul3A_1961 : vector<16xf32> to vector<16xi32>
      %convert_element_type3A_1963 = arith.sitofp %convert_element_type3A_1962 : vector<16xi32> to vector<16xf32>
      %eq3A_1964 = arith.cmpf oeq, %mul3A_1961, %convert_element_type3A_1963 : vector<16xf32>
      %jit3A_1965 = arith.constant 1 : i32
      %jit3A_1966 = arith.constant 0 : i32
      %broadcast_in_dim3A_1967 = vector.broadcast %jit3A_1965 : i32 to vector<16xi32>
      %broadcast_in_dim3A_1968 = vector.broadcast %jit3A_1966 : i32 to vector<16xi32>
      %select_n3A_1969 = arith.select %eq3A_1964, %broadcast_in_dim3A_1967, %broadcast_in_dim3A_1968 : vector<16xi1>, vector<16xi32>
      %sub3A_1970 = arith.subi %convert_element_type3A_1962, %select_n3A_1969 : vector<16xi32>
      %le3A_1971 = arith.constant 0.000000e+00 : f32
      %le3A_1972 = vector.broadcast %le3A_1971 : f32 to vector<16xf32>
      %le3A_1973 = arith.cmpf ole, %gather3A_1954, %le3A_1972 : vector<16xf32>
      %jit3A_1974 = arith.constant 15 : i32
      %broadcast_in_dim3A_1975 = vector.broadcast %jit3A_1974 : i32 to vector<16xi32>
      %select_n3A_1976 = arith.select %le3A_1973, %broadcast_in_dim3A_1975, %sub3A_1970 : vector<16xi1>, vector<16xi32>
      %max3A_1977 = arith.constant 0 : i32
      %max3A_1978 = vector.broadcast %max3A_1977 : i32 to vector<16xi32>
      %max3A_1979 = arith.maxsi %select_n3A_1976, %max3A_1978 : vector<16xi32>
      %min3A_1980 = arith.constant 15 : i32
      %min3A_1981 = vector.broadcast %min3A_1980 : i32 to vector<16xi32>
      %min3A_1982 = arith.minsi %max3A_1979, %min3A_1981 : vector<16xi32>
      %mul3A_1983 = arith.constant 16 : i32
      %mul3A_1984 = vector.broadcast %mul3A_1983 : i32 to vector<16xi32>
      %mul3A_1985 = arith.muli %iota3A, %mul3A_1984 : vector<16xi32>
      %add3A_1986 = arith.addi %mul3A_1985, %min3A_1982 : vector<16xi32>
      tpu.vector_store_idx %arg8[%add3A_1986], %gather3A_1954 {add = true} : memref<256xf32, #tpu.memory_space<vmem>>[vector<16xi32>], vector<16xf32>,
      tpu.vector_store_idx %arg9[%add3A_1986], %convert_element_type3A_1958 {add = true} : memref<256xf32, #tpu.memory_space<vmem>>[vector<16xi32>], vector<16xf32>,
      %add3A_1987 = arith.constant 176 : i32
      %add3A_1988 = vector.broadcast %add3A_1987 : i32 to vector<16xi32>
      %add3A_1989 = arith.addi %add3A_1988, %iota3A : vector<16xi32>
      %add3A_1990 = arith.constant 176 : i32
      %add3A_1991 = arith.addi %mul3A_1513, %add3A_1990 : i32
      %get3A_1992 = arith.index_cast %add3A_1991 : i32 to index
      %get3A_1993 = tpu.vector_load %arg5[%get3A_1992] {strides = array<i32>} : memref<9216xi32, #tpu.memory_space<vmem>>, vector<16xi32>,
      %and3A_1994 = arith.constant 127 : i32
      %and3A_1995 = vector.broadcast %and3A_1994 : i32 to vector<16xi32>
      %and3A_1996 = arith.andi %get3A_1993, %and3A_1995 : vector<16xi32>
      %gather3A_1997 = tpu.vector_load_idx %arg6[%and3A_1996, %add3A_1989] : memref<100x256xf32, #tpu.memory_space<vmem>>[vector<16xi32>, vector<16xi32>], vector<16xf32>,
      %shift_right_arithmetic3A_1998 = arith.constant 7 : i32
      %shift_right_arithmetic3A_1999 = vector.broadcast %shift_right_arithmetic3A_1998 : i32 to vector<16xi32>
      %shift_right_arithmetic3A_2000 = arith.shrsi %get3A_1993, %shift_right_arithmetic3A_1999 : vector<16xi32>
      %convert_element_type3A_2001 = arith.sitofp %shift_right_arithmetic3A_2000 : vector<16xi32> to vector<16xf32>
      %mul3A_2002 = arith.constant 1.500000e+01 : f32
      %mul3A_2003 = vector.broadcast %mul3A_2002 : f32 to vector<16xf32>
      %mul3A_2004 = arith.mulf %gather3A_1997, %mul3A_2003 : vector<16xf32>
      %convert_element_type3A_2005 = arith.fptosi %mul3A_2004 : vector<16xf32> to vector<16xi32>
      %convert_element_type3A_2006 = arith.sitofp %convert_element_type3A_2005 : vector<16xi32> to vector<16xf32>
      %eq3A_2007 = arith.cmpf oeq, %mul3A_2004, %convert_element_type3A_2006 : vector<16xf32>
      %jit3A_2008 = arith.constant 1 : i32
      %jit3A_2009 = arith.constant 0 : i32
      %broadcast_in_dim3A_2010 = vector.broadcast %jit3A_2008 : i32 to vector<16xi32>
      %broadcast_in_dim3A_2011 = vector.broadcast %jit3A_2009 : i32 to vector<16xi32>
      %select_n3A_2012 = arith.select %eq3A_2007, %broadcast_in_dim3A_2010, %broadcast_in_dim3A_2011 : vector<16xi1>, vector<16xi32>
      %sub3A_2013 = arith.subi %convert_element_type3A_2005, %select_n3A_2012 : vector<16xi32>
      %le3A_2014 = arith.constant 0.000000e+00 : f32
      %le3A_2015 = vector.broadcast %le3A_2014 : f32 to vector<16xf32>
      %le3A_2016 = arith.cmpf ole, %gather3A_1997, %le3A_2015 : vector<16xf32>
      %jit3A_2017 = arith.constant 15 : i32
      %broadcast_in_dim3A_2018 = vector.broadcast %jit3A_2017 : i32 to vector<16xi32>
      %select_n3A_2019 = arith.select %le3A_2016, %broadcast_in_dim3A_2018, %sub3A_2013 : vector<16xi1>, vector<16xi32>
      %max3A_2020 = arith.constant 0 : i32
      %max3A_2021 = vector.broadcast %max3A_2020 : i32 to vector<16xi32>
      %max3A_2022 = arith.maxsi %select_n3A_2019, %max3A_2021 : vector<16xi32>
      %min3A_2023 = arith.constant 15 : i32
      %min3A_2024 = vector.broadcast %min3A_2023 : i32 to vector<16xi32>
      %min3A_2025 = arith.minsi %max3A_2022, %min3A_2024 : vector<16xi32>
      %mul3A_2026 = arith.constant 16 : i32
      %mul3A_2027 = vector.broadcast %mul3A_2026 : i32 to vector<16xi32>
      %mul3A_2028 = arith.muli %iota3A, %mul3A_2027 : vector<16xi32>
      %add3A_2029 = arith.addi %mul3A_2028, %min3A_2025 : vector<16xi32>
      tpu.vector_store_idx %arg8[%add3A_2029], %gather3A_1997 {add = true} : memref<256xf32, #tpu.memory_space<vmem>>[vector<16xi32>], vector<16xf32>,
      tpu.vector_store_idx %arg9[%add3A_2029], %convert_element_type3A_2001 {add = true} : memref<256xf32, #tpu.memory_space<vmem>>[vector<16xi32>], vector<16xf32>,
      %add3A_2030 = arith.constant 192 : i32
      %add3A_2031 = vector.broadcast %add3A_2030 : i32 to vector<16xi32>
      %add3A_2032 = arith.addi %add3A_2031, %iota3A : vector<16xi32>
      %add3A_2033 = arith.constant 192 : i32
      %add3A_2034 = arith.addi %mul3A_1513, %add3A_2033 : i32
      %get3A_2035 = arith.index_cast %add3A_2034 : i32 to index
      %get3A_2036 = tpu.vector_load %arg5[%get3A_2035] {strides = array<i32>} : memref<9216xi32, #tpu.memory_space<vmem>>, vector<16xi32>,
      %and3A_2037 = arith.constant 127 : i32
      %and3A_2038 = vector.broadcast %and3A_2037 : i32 to vector<16xi32>
      %and3A_2039 = arith.andi %get3A_2036, %and3A_2038 : vector<16xi32>
      %gather3A_2040 = tpu.vector_load_idx %arg6[%and3A_2039, %add3A_2032] : memref<100x256xf32, #tpu.memory_space<vmem>>[vector<16xi32>, vector<16xi32>], vector<16xf32>,
      %shift_right_arithmetic3A_2041 = arith.constant 7 : i32
      %shift_right_arithmetic3A_2042 = vector.broadcast %shift_right_arithmetic3A_2041 : i32 to vector<16xi32>
      %shift_right_arithmetic3A_2043 = arith.shrsi %get3A_2036, %shift_right_arithmetic3A_2042 : vector<16xi32>
      %convert_element_type3A_2044 = arith.sitofp %shift_right_arithmetic3A_2043 : vector<16xi32> to vector<16xf32>
      %mul3A_2045 = arith.constant 1.500000e+01 : f32
      %mul3A_2046 = vector.broadcast %mul3A_2045 : f32 to vector<16xf32>
      %mul3A_2047 = arith.mulf %gather3A_2040, %mul3A_2046 : vector<16xf32>
      %convert_element_type3A_2048 = arith.fptosi %mul3A_2047 : vector<16xf32> to vector<16xi32>
      %convert_element_type3A_2049 = arith.sitofp %convert_element_type3A_2048 : vector<16xi32> to vector<16xf32>
      %eq3A_2050 = arith.cmpf oeq, %mul3A_2047, %convert_element_type3A_2049 : vector<16xf32>
      %jit3A_2051 = arith.constant 1 : i32
      %jit3A_2052 = arith.constant 0 : i32
      %broadcast_in_dim3A_2053 = vector.broadcast %jit3A_2051 : i32 to vector<16xi32>
      %broadcast_in_dim3A_2054 = vector.broadcast %jit3A_2052 : i32 to vector<16xi32>
      %select_n3A_2055 = arith.select %eq3A_2050, %broadcast_in_dim3A_2053, %broadcast_in_dim3A_2054 : vector<16xi1>, vector<16xi32>
      %sub3A_2056 = arith.subi %convert_element_type3A_2048, %select_n3A_2055 : vector<16xi32>
      %le3A_2057 = arith.constant 0.000000e+00 : f32
      %le3A_2058 = vector.broadcast %le3A_2057 : f32 to vector<16xf32>
      %le3A_2059 = arith.cmpf ole, %gather3A_2040, %le3A_2058 : vector<16xf32>
      %jit3A_2060 = arith.constant 15 : i32
      %broadcast_in_dim3A_2061 = vector.broadcast %jit3A_2060 : i32 to vector<16xi32>
      %select_n3A_2062 = arith.select %le3A_2059, %broadcast_in_dim3A_2061, %sub3A_2056 : vector<16xi1>, vector<16xi32>
      %max3A_2063 = arith.constant 0 : i32
      %max3A_2064 = vector.broadcast %max3A_2063 : i32 to vector<16xi32>
      %max3A_2065 = arith.maxsi %select_n3A_2062, %max3A_2064 : vector<16xi32>
      %min3A_2066 = arith.constant 15 : i32
      %min3A_2067 = vector.broadcast %min3A_2066 : i32 to vector<16xi32>
      %min3A_2068 = arith.minsi %max3A_2065, %min3A_2067 : vector<16xi32>
      %mul3A_2069 = arith.constant 16 : i32
      %mul3A_2070 = vector.broadcast %mul3A_2069 : i32 to vector<16xi32>
      %mul3A_2071 = arith.muli %iota3A, %mul3A_2070 : vector<16xi32>
      %add3A_2072 = arith.addi %mul3A_2071, %min3A_2068 : vector<16xi32>
      tpu.vector_store_idx %arg8[%add3A_2072], %gather3A_2040 {add = true} : memref<256xf32, #tpu.memory_space<vmem>>[vector<16xi32>], vector<16xf32>,
      tpu.vector_store_idx %arg9[%add3A_2072], %convert_element_type3A_2044 {add = true} : memref<256xf32, #tpu.memory_space<vmem>>[vector<16xi32>], vector<16xf32>,
      %add3A_2073 = arith.constant 208 : i32
      %add3A_2074 = vector.broadcast %add3A_2073 : i32 to vector<16xi32>
      %add3A_2075 = arith.addi %add3A_2074, %iota3A : vector<16xi32>
      %add3A_2076 = arith.constant 208 : i32
      %add3A_2077 = arith.addi %mul3A_1513, %add3A_2076 : i32
      %get3A_2078 = arith.index_cast %add3A_2077 : i32 to index
      %get3A_2079 = tpu.vector_load %arg5[%get3A_2078] {strides = array<i32>} : memref<9216xi32, #tpu.memory_space<vmem>>, vector<16xi32>,
      %and3A_2080 = arith.constant 127 : i32
      %and3A_2081 = vector.broadcast %and3A_2080 : i32 to vector<16xi32>
      %and3A_2082 = arith.andi %get3A_2079, %and3A_2081 : vector<16xi32>
      %gather3A_2083 = tpu.vector_load_idx %arg6[%and3A_2082, %add3A_2075] : memref<100x256xf32, #tpu.memory_space<vmem>>[vector<16xi32>, vector<16xi32>], vector<16xf32>,
      %shift_right_arithmetic3A_2084 = arith.constant 7 : i32
      %shift_right_arithmetic3A_2085 = vector.broadcast %shift_right_arithmetic3A_2084 : i32 to vector<16xi32>
      %shift_right_arithmetic3A_2086 = arith.shrsi %get3A_2079, %shift_right_arithmetic3A_2085 : vector<16xi32>
      %convert_element_type3A_2087 = arith.sitofp %shift_right_arithmetic3A_2086 : vector<16xi32> to vector<16xf32>
      %mul3A_2088 = arith.constant 1.500000e+01 : f32
      %mul3A_2089 = vector.broadcast %mul3A_2088 : f32 to vector<16xf32>
      %mul3A_2090 = arith.mulf %gather3A_2083, %mul3A_2089 : vector<16xf32>
      %convert_element_type3A_2091 = arith.fptosi %mul3A_2090 : vector<16xf32> to vector<16xi32>
      %convert_element_type3A_2092 = arith.sitofp %convert_element_type3A_2091 : vector<16xi32> to vector<16xf32>
      %eq3A_2093 = arith.cmpf oeq, %mul3A_2090, %convert_element_type3A_2092 : vector<16xf32>
      %jit3A_2094 = arith.constant 1 : i32
      %jit3A_2095 = arith.constant 0 : i32
      %broadcast_in_dim3A_2096 = vector.broadcast %jit3A_2094 : i32 to vector<16xi32>
      %broadcast_in_dim3A_2097 = vector.broadcast %jit3A_2095 : i32 to vector<16xi32>
      %select_n3A_2098 = arith.select %eq3A_2093, %broadcast_in_dim3A_2096, %broadcast_in_dim3A_2097 : vector<16xi1>, vector<16xi32>
      %sub3A_2099 = arith.subi %convert_element_type3A_2091, %select_n3A_2098 : vector<16xi32>
      %le3A_2100 = arith.constant 0.000000e+00 : f32
      %le3A_2101 = vector.broadcast %le3A_2100 : f32 to vector<16xf32>
      %le3A_2102 = arith.cmpf ole, %gather3A_2083, %le3A_2101 : vector<16xf32>
      %jit3A_2103 = arith.constant 15 : i32
      %broadcast_in_dim3A_2104 = vector.broadcast %jit3A_2103 : i32 to vector<16xi32>
      %select_n3A_2105 = arith.select %le3A_2102, %broadcast_in_dim3A_2104, %sub3A_2099 : vector<16xi1>, vector<16xi32>
      %max3A_2106 = arith.constant 0 : i32
      %max3A_2107 = vector.broadcast %max3A_2106 : i32 to vector<16xi32>
      %max3A_2108 = arith.maxsi %select_n3A_2105, %max3A_2107 : vector<16xi32>
      %min3A_2109 = arith.constant 15 : i32
      %min3A_2110 = vector.broadcast %min3A_2109 : i32 to vector<16xi32>
      %min3A_2111 = arith.minsi %max3A_2108, %min3A_2110 : vector<16xi32>
      %mul3A_2112 = arith.constant 16 : i32
      %mul3A_2113 = vector.broadcast %mul3A_2112 : i32 to vector<16xi32>
      %mul3A_2114 = arith.muli %iota3A, %mul3A_2113 : vector<16xi32>
      %add3A_2115 = arith.addi %mul3A_2114, %min3A_2111 : vector<16xi32>
      tpu.vector_store_idx %arg8[%add3A_2115], %gather3A_2083 {add = true} : memref<256xf32, #tpu.memory_space<vmem>>[vector<16xi32>], vector<16xf32>,
      tpu.vector_store_idx %arg9[%add3A_2115], %convert_element_type3A_2087 {add = true} : memref<256xf32, #tpu.memory_space<vmem>>[vector<16xi32>], vector<16xf32>,
      %add3A_2116 = arith.constant 224 : i32
      %add3A_2117 = vector.broadcast %add3A_2116 : i32 to vector<16xi32>
      %add3A_2118 = arith.addi %add3A_2117, %iota3A : vector<16xi32>
      %add3A_2119 = arith.constant 224 : i32
      %add3A_2120 = arith.addi %mul3A_1513, %add3A_2119 : i32
      %get3A_2121 = arith.index_cast %add3A_2120 : i32 to index
      %get3A_2122 = tpu.vector_load %arg5[%get3A_2121] {strides = array<i32>} : memref<9216xi32, #tpu.memory_space<vmem>>, vector<16xi32>,
      %and3A_2123 = arith.constant 127 : i32
      %and3A_2124 = vector.broadcast %and3A_2123 : i32 to vector<16xi32>
      %and3A_2125 = arith.andi %get3A_2122, %and3A_2124 : vector<16xi32>
      %gather3A_2126 = tpu.vector_load_idx %arg6[%and3A_2125, %add3A_2118] : memref<100x256xf32, #tpu.memory_space<vmem>>[vector<16xi32>, vector<16xi32>], vector<16xf32>,
      %shift_right_arithmetic3A_2127 = arith.constant 7 : i32
      %shift_right_arithmetic3A_2128 = vector.broadcast %shift_right_arithmetic3A_2127 : i32 to vector<16xi32>
      %shift_right_arithmetic3A_2129 = arith.shrsi %get3A_2122, %shift_right_arithmetic3A_2128 : vector<16xi32>
      %convert_element_type3A_2130 = arith.sitofp %shift_right_arithmetic3A_2129 : vector<16xi32> to vector<16xf32>
      %mul3A_2131 = arith.constant 1.500000e+01 : f32
      %mul3A_2132 = vector.broadcast %mul3A_2131 : f32 to vector<16xf32>
      %mul3A_2133 = arith.mulf %gather3A_2126, %mul3A_2132 : vector<16xf32>
      %convert_element_type3A_2134 = arith.fptosi %mul3A_2133 : vector<16xf32> to vector<16xi32>
      %convert_element_type3A_2135 = arith.sitofp %convert_element_type3A_2134 : vector<16xi32> to vector<16xf32>
      %eq3A_2136 = arith.cmpf oeq, %mul3A_2133, %convert_element_type3A_2135 : vector<16xf32>
      %jit3A_2137 = arith.constant 1 : i32
      %jit3A_2138 = arith.constant 0 : i32
      %broadcast_in_dim3A_2139 = vector.broadcast %jit3A_2137 : i32 to vector<16xi32>
      %broadcast_in_dim3A_2140 = vector.broadcast %jit3A_2138 : i32 to vector<16xi32>
      %select_n3A_2141 = arith.select %eq3A_2136, %broadcast_in_dim3A_2139, %broadcast_in_dim3A_2140 : vector<16xi1>, vector<16xi32>
      %sub3A_2142 = arith.subi %convert_element_type3A_2134, %select_n3A_2141 : vector<16xi32>
      %le3A_2143 = arith.constant 0.000000e+00 : f32
      %le3A_2144 = vector.broadcast %le3A_2143 : f32 to vector<16xf32>
      %le3A_2145 = arith.cmpf ole, %gather3A_2126, %le3A_2144 : vector<16xf32>
      %jit3A_2146 = arith.constant 15 : i32
      %broadcast_in_dim3A_2147 = vector.broadcast %jit3A_2146 : i32 to vector<16xi32>
      %select_n3A_2148 = arith.select %le3A_2145, %broadcast_in_dim3A_2147, %sub3A_2142 : vector<16xi1>, vector<16xi32>
      %max3A_2149 = arith.constant 0 : i32
      %max3A_2150 = vector.broadcast %max3A_2149 : i32 to vector<16xi32>
      %max3A_2151 = arith.maxsi %select_n3A_2148, %max3A_2150 : vector<16xi32>
      %min3A_2152 = arith.constant 15 : i32
      %min3A_2153 = vector.broadcast %min3A_2152 : i32 to vector<16xi32>
      %min3A_2154 = arith.minsi %max3A_2151, %min3A_2153 : vector<16xi32>
      %mul3A_2155 = arith.constant 16 : i32
      %mul3A_2156 = vector.broadcast %mul3A_2155 : i32 to vector<16xi32>
      %mul3A_2157 = arith.muli %iota3A, %mul3A_2156 : vector<16xi32>
      %add3A_2158 = arith.addi %mul3A_2157, %min3A_2154 : vector<16xi32>
      tpu.vector_store_idx %arg8[%add3A_2158], %gather3A_2126 {add = true} : memref<256xf32, #tpu.memory_space<vmem>>[vector<16xi32>], vector<16xf32>,
      tpu.vector_store_idx %arg9[%add3A_2158], %convert_element_type3A_2130 {add = true} : memref<256xf32, #tpu.memory_space<vmem>>[vector<16xi32>], vector<16xf32>,
      %add3A_2159 = arith.constant 240 : i32
      %add3A_2160 = vector.broadcast %add3A_2159 : i32 to vector<16xi32>
      %add3A_2161 = arith.addi %add3A_2160, %iota3A : vector<16xi32>
      %add3A_2162 = arith.constant 240 : i32
      %add3A_2163 = arith.addi %mul3A_1513, %add3A_2162 : i32
      %get3A_2164 = arith.index_cast %add3A_2163 : i32 to index
      %get3A_2165 = tpu.vector_load %arg5[%get3A_2164] {strides = array<i32>} : memref<9216xi32, #tpu.memory_space<vmem>>, vector<16xi32>,
      %and3A_2166 = arith.constant 127 : i32
      %and3A_2167 = vector.broadcast %and3A_2166 : i32 to vector<16xi32>
      %and3A_2168 = arith.andi %get3A_2165, %and3A_2167 : vector<16xi32>
      %gather3A_2169 = tpu.vector_load_idx %arg6[%and3A_2168, %add3A_2161] : memref<100x256xf32, #tpu.memory_space<vmem>>[vector<16xi32>, vector<16xi32>], vector<16xf32>,
      %shift_right_arithmetic3A_2170 = arith.constant 7 : i32
      %shift_right_arithmetic3A_2171 = vector.broadcast %shift_right_arithmetic3A_2170 : i32 to vector<16xi32>
      %shift_right_arithmetic3A_2172 = arith.shrsi %get3A_2165, %shift_right_arithmetic3A_2171 : vector<16xi32>
      %convert_element_type3A_2173 = arith.sitofp %shift_right_arithmetic3A_2172 : vector<16xi32> to vector<16xf32>
      %mul3A_2174 = arith.constant 1.500000e+01 : f32
      %mul3A_2175 = vector.broadcast %mul3A_2174 : f32 to vector<16xf32>
      %mul3A_2176 = arith.mulf %gather3A_2169, %mul3A_2175 : vector<16xf32>
      %convert_element_type3A_2177 = arith.fptosi %mul3A_2176 : vector<16xf32> to vector<16xi32>
      %convert_element_type3A_2178 = arith.sitofp %convert_element_type3A_2177 : vector<16xi32> to vector<16xf32>
      %eq3A_2179 = arith.cmpf oeq, %mul3A_2176, %convert_element_type3A_2178 : vector<16xf32>
      %jit3A_2180 = arith.constant 1 : i32
      %jit3A_2181 = arith.constant 0 : i32
      %broadcast_in_dim3A_2182 = vector.broadcast %jit3A_2180 : i32 to vector<16xi32>
      %broadcast_in_dim3A_2183 = vector.broadcast %jit3A_2181 : i32 to vector<16xi32>
      %select_n3A_2184 = arith.select %eq3A_2179, %broadcast_in_dim3A_2182, %broadcast_in_dim3A_2183 : vector<16xi1>, vector<16xi32>
      %sub3A_2185 = arith.subi %convert_element_type3A_2177, %select_n3A_2184 : vector<16xi32>
      %le3A_2186 = arith.constant 0.000000e+00 : f32
      %le3A_2187 = vector.broadcast %le3A_2186 : f32 to vector<16xf32>
      %le3A_2188 = arith.cmpf ole, %gather3A_2169, %le3A_2187 : vector<16xf32>
      %jit3A_2189 = arith.constant 15 : i32
      %broadcast_in_dim3A_2190 = vector.broadcast %jit3A_2189 : i32 to vector<16xi32>
      %select_n3A_2191 = arith.select %le3A_2188, %broadcast_in_dim3A_2190, %sub3A_2185 : vector<16xi1>, vector<16xi32>
      %max3A_2192 = arith.constant 0 : i32
      %max3A_2193 = vector.broadcast %max3A_2192 : i32 to vector<16xi32>
      %max3A_2194 = arith.maxsi %select_n3A_2191, %max3A_2193 : vector<16xi32>
      %min3A_2195 = arith.constant 15 : i32
      %min3A_2196 = vector.broadcast %min3A_2195 : i32 to vector<16xi32>
      %min3A_2197 = arith.minsi %max3A_2194, %min3A_2196 : vector<16xi32>
      %mul3A_2198 = arith.constant 16 : i32
      %mul3A_2199 = vector.broadcast %mul3A_2198 : i32 to vector<16xi32>
      %mul3A_2200 = arith.muli %iota3A, %mul3A_2199 : vector<16xi32>
      %add3A_2201 = arith.addi %mul3A_2200, %min3A_2197 : vector<16xi32>
      tpu.vector_store_idx %arg8[%add3A_2201], %gather3A_2169 {add = true} : memref<256xf32, #tpu.memory_space<vmem>>[vector<16xi32>], vector<16xf32>,
      tpu.vector_store_idx %arg9[%add3A_2201], %convert_element_type3A_2173 {add = true} : memref<256xf32, #tpu.memory_space<vmem>>[vector<16xi32>], vector<16xf32>,
      %dma_wait3A_2202 = arith.constant 0 : i32
      %dma_wait3A_2203 = arith.constant 0 : i32
      %dma_wait3A_2204 = tpu.memref_slice %arg2[%dma_wait3A_2202, %dma_wait3A_2203] : memref<100x500000xf32, #tpu.memory_space<hbm>> -> memref<100x256xf32, #tpu.memory_space<hbm>>
      %dma_wait3A_2205 = arith.constant 0 : i32
      %dma_wait3A_2206 = arith.constant 0 : i32
      %dma_wait3A_2207 = tpu.memref_slice %arg2[%dma_wait3A_2205, %dma_wait3A_2206] : memref<100x500000xf32, #tpu.memory_space<hbm>> -> memref<100x256xf32, #tpu.memory_space<hbm>>
      tpu.wait_dma2 semaphore(%arg12 : memref<!tpu.dma_semaphore, #tpu.memory_space<semaphore_mem>>) src(%dma_wait3A_2207 : memref<100x256xf32, #tpu.memory_space<hbm>>) dst(%arg7 : memref<100x256xf32, #tpu.memory_space<vmem>>)
      %add3A_2208 = arith.constant 2 : i32
      %add3A_2209 = arith.addi %mul3A_1495, %add3A_2208 : i32
      %mul3A_2210 = arith.constant 256 : i32
      %mul3A_2211 = arith.muli %add3A_2209, %mul3A_2210 : i32
      %add3A_2212 = arith.addi %multiple_of3A, %mul3A_2211 : i32
      %multiple_of3A_2213 = tpu.assume_multiple %add3A_2212, 256 : i32
      %dma_start3A_2214 = arith.constant 0 : i32
      %dma_start3A_2215 = tpu.memref_slice %arg2[%dma_start3A_2214, %multiple_of3A_2213] : memref<100x500000xf32, #tpu.memory_space<hbm>> -> memref<100x256xf32, #tpu.memory_space<hbm>>
      %dma_start3A_2216 = arith.constant 0 : i32
      %dma_start3A_2217 = tpu.memref_slice %arg2[%dma_start3A_2216, %multiple_of3A_2213] : memref<100x500000xf32, #tpu.memory_space<hbm>> -> memref<100x256xf32, #tpu.memory_space<hbm>>
      tpu.enqueue_dma source(%dma_start3A_2217 : memref<100x256xf32, #tpu.memory_space<hbm>>) target(%arg6 : memref<100x256xf32, #tpu.memory_space<vmem>>) target_semaphore(%arg11 : memref<!tpu.dma_semaphore, #tpu.memory_space<semaphore_mem>>)
      %add3A_2218 = arith.constant 1 : i32
      %add3A_2219 = arith.addi %mul3A_1495, %add3A_2218 : i32
      %mul3A_2220 = arith.constant 256 : i32
      %mul3A_2221 = arith.muli %add3A_2219, %mul3A_2220 : i32
      %add3A_2222 = arith.constant 0 : i32
      %add3A_2223 = vector.broadcast %add3A_2222 : i32 to vector<16xi32>
      %add3A_2224 = arith.addi %add3A_2223, %iota3A : vector<16xi32>
      %add3A_2225 = arith.constant 0 : i32
      %add3A_2226 = arith.addi %mul3A_2221, %add3A_2225 : i32
      %get3A_2227 = arith.index_cast %add3A_2226 : i32 to index
      %get3A_2228 = tpu.vector_load %arg5[%get3A_2227] {strides = array<i32>} : memref<9216xi32, #tpu.memory_space<vmem>>, vector<16xi32>,
      %and3A_2229 = arith.constant 127 : i32
      %and3A_2230 = vector.broadcast %and3A_2229 : i32 to vector<16xi32>
      %and3A_2231 = arith.andi %get3A_2228, %and3A_2230 : vector<16xi32>
      %gather3A_2232 = tpu.vector_load_idx %arg7[%and3A_2231, %add3A_2224] : memref<100x256xf32, #tpu.memory_space<vmem>>[vector<16xi32>, vector<16xi32>], vector<16xf32>,
      %shift_right_arithmetic3A_2233 = arith.constant 7 : i32
      %shift_right_arithmetic3A_2234 = vector.broadcast %shift_right_arithmetic3A_2233 : i32 to vector<16xi32>
      %shift_right_arithmetic3A_2235 = arith.shrsi %get3A_2228, %shift_right_arithmetic3A_2234 : vector<16xi32>
      %convert_element_type3A_2236 = arith.sitofp %shift_right_arithmetic3A_2235 : vector<16xi32> to vector<16xf32>
      %mul3A_2237 = arith.constant 1.500000e+01 : f32
      %mul3A_2238 = vector.broadcast %mul3A_2237 : f32 to vector<16xf32>
      %mul3A_2239 = arith.mulf %gather3A_2232, %mul3A_2238 : vector<16xf32>
      %convert_element_type3A_2240 = arith.fptosi %mul3A_2239 : vector<16xf32> to vector<16xi32>
      %convert_element_type3A_2241 = arith.sitofp %convert_element_type3A_2240 : vector<16xi32> to vector<16xf32>
      %eq3A_2242 = arith.cmpf oeq, %mul3A_2239, %convert_element_type3A_2241 : vector<16xf32>
      %jit3A_2243 = arith.constant 1 : i32
      %jit3A_2244 = arith.constant 0 : i32
      %broadcast_in_dim3A_2245 = vector.broadcast %jit3A_2243 : i32 to vector<16xi32>
      %broadcast_in_dim3A_2246 = vector.broadcast %jit3A_2244 : i32 to vector<16xi32>
      %select_n3A_2247 = arith.select %eq3A_2242, %broadcast_in_dim3A_2245, %broadcast_in_dim3A_2246 : vector<16xi1>, vector<16xi32>
      %sub3A_2248 = arith.subi %convert_element_type3A_2240, %select_n3A_2247 : vector<16xi32>
      %le3A_2249 = arith.constant 0.000000e+00 : f32
      %le3A_2250 = vector.broadcast %le3A_2249 : f32 to vector<16xf32>
      %le3A_2251 = arith.cmpf ole, %gather3A_2232, %le3A_2250 : vector<16xf32>
      %jit3A_2252 = arith.constant 15 : i32
      %broadcast_in_dim3A_2253 = vector.broadcast %jit3A_2252 : i32 to vector<16xi32>
      %select_n3A_2254 = arith.select %le3A_2251, %broadcast_in_dim3A_2253, %sub3A_2248 : vector<16xi1>, vector<16xi32>
      %max3A_2255 = arith.constant 0 : i32
      %max3A_2256 = vector.broadcast %max3A_2255 : i32 to vector<16xi32>
      %max3A_2257 = arith.maxsi %select_n3A_2254, %max3A_2256 : vector<16xi32>
      %min3A_2258 = arith.constant 15 : i32
      %min3A_2259 = vector.broadcast %min3A_2258 : i32 to vector<16xi32>
      %min3A_2260 = arith.minsi %max3A_2257, %min3A_2259 : vector<16xi32>
      %mul3A_2261 = arith.constant 16 : i32
      %mul3A_2262 = vector.broadcast %mul3A_2261 : i32 to vector<16xi32>
      %mul3A_2263 = arith.muli %iota3A, %mul3A_2262 : vector<16xi32>
      %add3A_2264 = arith.addi %mul3A_2263, %min3A_2260 : vector<16xi32>
      tpu.vector_store_idx %arg8[%add3A_2264], %gather3A_2232 {add = true} : memref<256xf32, #tpu.memory_space<vmem>>[vector<16xi32>], vector<16xf32>,
      tpu.vector_store_idx %arg9[%add3A_2264], %convert_element_type3A_2236 {add = true} : memref<256xf32, #tpu.memory_space<vmem>>[vector<16xi32>], vector<16xf32>,
      %add3A_2265 = arith.constant 16 : i32
      %add3A_2266 = vector.broadcast %add3A_2265 : i32 to vector<16xi32>
      %add3A_2267 = arith.addi %add3A_2266, %iota3A : vector<16xi32>
      %add3A_2268 = arith.constant 16 : i32
      %add3A_2269 = arith.addi %mul3A_2221, %add3A_2268 : i32
      %get3A_2270 = arith.index_cast %add3A_2269 : i32 to index
      %get3A_2271 = tpu.vector_load %arg5[%get3A_2270] {strides = array<i32>} : memref<9216xi32, #tpu.memory_space<vmem>>, vector<16xi32>,
      %and3A_2272 = arith.constant 127 : i32
      %and3A_2273 = vector.broadcast %and3A_2272 : i32 to vector<16xi32>
      %and3A_2274 = arith.andi %get3A_2271, %and3A_2273 : vector<16xi32>
      %gather3A_2275 = tpu.vector_load_idx %arg7[%and3A_2274, %add3A_2267] : memref<100x256xf32, #tpu.memory_space<vmem>>[vector<16xi32>, vector<16xi32>], vector<16xf32>,
      %shift_right_arithmetic3A_2276 = arith.constant 7 : i32
      %shift_right_arithmetic3A_2277 = vector.broadcast %shift_right_arithmetic3A_2276 : i32 to vector<16xi32>
      %shift_right_arithmetic3A_2278 = arith.shrsi %get3A_2271, %shift_right_arithmetic3A_2277 : vector<16xi32>
      %convert_element_type3A_2279 = arith.sitofp %shift_right_arithmetic3A_2278 : vector<16xi32> to vector<16xf32>
      %mul3A_2280 = arith.constant 1.500000e+01 : f32
      %mul3A_2281 = vector.broadcast %mul3A_2280 : f32 to vector<16xf32>
      %mul3A_2282 = arith.mulf %gather3A_2275, %mul3A_2281 : vector<16xf32>
      %convert_element_type3A_2283 = arith.fptosi %mul3A_2282 : vector<16xf32> to vector<16xi32>
      %convert_element_type3A_2284 = arith.sitofp %convert_element_type3A_2283 : vector<16xi32> to vector<16xf32>
      %eq3A_2285 = arith.cmpf oeq, %mul3A_2282, %convert_element_type3A_2284 : vector<16xf32>
      %jit3A_2286 = arith.constant 1 : i32
      %jit3A_2287 = arith.constant 0 : i32
      %broadcast_in_dim3A_2288 = vector.broadcast %jit3A_2286 : i32 to vector<16xi32>
      %broadcast_in_dim3A_2289 = vector.broadcast %jit3A_2287 : i32 to vector<16xi32>
      %select_n3A_2290 = arith.select %eq3A_2285, %broadcast_in_dim3A_2288, %broadcast_in_dim3A_2289 : vector<16xi1>, vector<16xi32>
      %sub3A_2291 = arith.subi %convert_element_type3A_2283, %select_n3A_2290 : vector<16xi32>
      %le3A_2292 = arith.constant 0.000000e+00 : f32
      %le3A_2293 = vector.broadcast %le3A_2292 : f32 to vector<16xf32>
      %le3A_2294 = arith.cmpf ole, %gather3A_2275, %le3A_2293 : vector<16xf32>
      %jit3A_2295 = arith.constant 15 : i32
      %broadcast_in_dim3A_2296 = vector.broadcast %jit3A_2295 : i32 to vector<16xi32>
      %select_n3A_2297 = arith.select %le3A_2294, %broadcast_in_dim3A_2296, %sub3A_2291 : vector<16xi1>, vector<16xi32>
      %max3A_2298 = arith.constant 0 : i32
      %max3A_2299 = vector.broadcast %max3A_2298 : i32 to vector<16xi32>
      %max3A_2300 = arith.maxsi %select_n3A_2297, %max3A_2299 : vector<16xi32>
      %min3A_2301 = arith.constant 15 : i32
      %min3A_2302 = vector.broadcast %min3A_2301 : i32 to vector<16xi32>
      %min3A_2303 = arith.minsi %max3A_2300, %min3A_2302 : vector<16xi32>
      %mul3A_2304 = arith.constant 16 : i32
      %mul3A_2305 = vector.broadcast %mul3A_2304 : i32 to vector<16xi32>
      %mul3A_2306 = arith.muli %iota3A, %mul3A_2305 : vector<16xi32>
      %add3A_2307 = arith.addi %mul3A_2306, %min3A_2303 : vector<16xi32>
      tpu.vector_store_idx %arg8[%add3A_2307], %gather3A_2275 {add = true} : memref<256xf32, #tpu.memory_space<vmem>>[vector<16xi32>], vector<16xf32>,
      tpu.vector_store_idx %arg9[%add3A_2307], %convert_element_type3A_2279 {add = true} : memref<256xf32, #tpu.memory_space<vmem>>[vector<16xi32>], vector<16xf32>,
      %add3A_2308 = arith.constant 32 : i32
      %add3A_2309 = vector.broadcast %add3A_2308 : i32 to vector<16xi32>
      %add3A_2310 = arith.addi %add3A_2309, %iota3A : vector<16xi32>
      %add3A_2311 = arith.constant 32 : i32
      %add3A_2312 = arith.addi %mul3A_2221, %add3A_2311 : i32
      %get3A_2313 = arith.index_cast %add3A_2312 : i32 to index
      %get3A_2314 = tpu.vector_load %arg5[%get3A_2313] {strides = array<i32>} : memref<9216xi32, #tpu.memory_space<vmem>>, vector<16xi32>,
      %and3A_2315 = arith.constant 127 : i32
      %and3A_2316 = vector.broadcast %and3A_2315 : i32 to vector<16xi32>
      %and3A_2317 = arith.andi %get3A_2314, %and3A_2316 : vector<16xi32>
      %gather3A_2318 = tpu.vector_load_idx %arg7[%and3A_2317, %add3A_2310] : memref<100x256xf32, #tpu.memory_space<vmem>>[vector<16xi32>, vector<16xi32>], vector<16xf32>,
      %shift_right_arithmetic3A_2319 = arith.constant 7 : i32
      %shift_right_arithmetic3A_2320 = vector.broadcast %shift_right_arithmetic3A_2319 : i32 to vector<16xi32>
      %shift_right_arithmetic3A_2321 = arith.shrsi %get3A_2314, %shift_right_arithmetic3A_2320 : vector<16xi32>
      %convert_element_type3A_2322 = arith.sitofp %shift_right_arithmetic3A_2321 : vector<16xi32> to vector<16xf32>
      %mul3A_2323 = arith.constant 1.500000e+01 : f32
      %mul3A_2324 = vector.broadcast %mul3A_2323 : f32 to vector<16xf32>
      %mul3A_2325 = arith.mulf %gather3A_2318, %mul3A_2324 : vector<16xf32>
      %convert_element_type3A_2326 = arith.fptosi %mul3A_2325 : vector<16xf32> to vector<16xi32>
      %convert_element_type3A_2327 = arith.sitofp %convert_element_type3A_2326 : vector<16xi32> to vector<16xf32>
      %eq3A_2328 = arith.cmpf oeq, %mul3A_2325, %convert_element_type3A_2327 : vector<16xf32>
      %jit3A_2329 = arith.constant 1 : i32
      %jit3A_2330 = arith.constant 0 : i32
      %broadcast_in_dim3A_2331 = vector.broadcast %jit3A_2329 : i32 to vector<16xi32>
      %broadcast_in_dim3A_2332 = vector.broadcast %jit3A_2330 : i32 to vector<16xi32>
      %select_n3A_2333 = arith.select %eq3A_2328, %broadcast_in_dim3A_2331, %broadcast_in_dim3A_2332 : vector<16xi1>, vector<16xi32>
      %sub3A_2334 = arith.subi %convert_element_type3A_2326, %select_n3A_2333 : vector<16xi32>
      %le3A_2335 = arith.constant 0.000000e+00 : f32
      %le3A_2336 = vector.broadcast %le3A_2335 : f32 to vector<16xf32>
      %le3A_2337 = arith.cmpf ole, %gather3A_2318, %le3A_2336 : vector<16xf32>
      %jit3A_2338 = arith.constant 15 : i32
      %broadcast_in_dim3A_2339 = vector.broadcast %jit3A_2338 : i32 to vector<16xi32>
      %select_n3A_2340 = arith.select %le3A_2337, %broadcast_in_dim3A_2339, %sub3A_2334 : vector<16xi1>, vector<16xi32>
      %max3A_2341 = arith.constant 0 : i32
      %max3A_2342 = vector.broadcast %max3A_2341 : i32 to vector<16xi32>
      %max3A_2343 = arith.maxsi %select_n3A_2340, %max3A_2342 : vector<16xi32>
      %min3A_2344 = arith.constant 15 : i32
      %min3A_2345 = vector.broadcast %min3A_2344 : i32 to vector<16xi32>
      %min3A_2346 = arith.minsi %max3A_2343, %min3A_2345 : vector<16xi32>
      %mul3A_2347 = arith.constant 16 : i32
      %mul3A_2348 = vector.broadcast %mul3A_2347 : i32 to vector<16xi32>
      %mul3A_2349 = arith.muli %iota3A, %mul3A_2348 : vector<16xi32>
      %add3A_2350 = arith.addi %mul3A_2349, %min3A_2346 : vector<16xi32>
      tpu.vector_store_idx %arg8[%add3A_2350], %gather3A_2318 {add = true} : memref<256xf32, #tpu.memory_space<vmem>>[vector<16xi32>], vector<16xf32>,
      tpu.vector_store_idx %arg9[%add3A_2350], %convert_element_type3A_2322 {add = true} : memref<256xf32, #tpu.memory_space<vmem>>[vector<16xi32>], vector<16xf32>,
      %add3A_2351 = arith.constant 48 : i32
      %add3A_2352 = vector.broadcast %add3A_2351 : i32 to vector<16xi32>
      %add3A_2353 = arith.addi %add3A_2352, %iota3A : vector<16xi32>
      %add3A_2354 = arith.constant 48 : i32
      %add3A_2355 = arith.addi %mul3A_2221, %add3A_2354 : i32
      %get3A_2356 = arith.index_cast %add3A_2355 : i32 to index
      %get3A_2357 = tpu.vector_load %arg5[%get3A_2356] {strides = array<i32>} : memref<9216xi32, #tpu.memory_space<vmem>>, vector<16xi32>,
      %and3A_2358 = arith.constant 127 : i32
      %and3A_2359 = vector.broadcast %and3A_2358 : i32 to vector<16xi32>
      %and3A_2360 = arith.andi %get3A_2357, %and3A_2359 : vector<16xi32>
      %gather3A_2361 = tpu.vector_load_idx %arg7[%and3A_2360, %add3A_2353] : memref<100x256xf32, #tpu.memory_space<vmem>>[vector<16xi32>, vector<16xi32>], vector<16xf32>,
      %shift_right_arithmetic3A_2362 = arith.constant 7 : i32
      %shift_right_arithmetic3A_2363 = vector.broadcast %shift_right_arithmetic3A_2362 : i32 to vector<16xi32>
      %shift_right_arithmetic3A_2364 = arith.shrsi %get3A_2357, %shift_right_arithmetic3A_2363 : vector<16xi32>
      %convert_element_type3A_2365 = arith.sitofp %shift_right_arithmetic3A_2364 : vector<16xi32> to vector<16xf32>
      %mul3A_2366 = arith.constant 1.500000e+01 : f32
      %mul3A_2367 = vector.broadcast %mul3A_2366 : f32 to vector<16xf32>
      %mul3A_2368 = arith.mulf %gather3A_2361, %mul3A_2367 : vector<16xf32>
      %convert_element_type3A_2369 = arith.fptosi %mul3A_2368 : vector<16xf32> to vector<16xi32>
      %convert_element_type3A_2370 = arith.sitofp %convert_element_type3A_2369 : vector<16xi32> to vector<16xf32>
      %eq3A_2371 = arith.cmpf oeq, %mul3A_2368, %convert_element_type3A_2370 : vector<16xf32>
      %jit3A_2372 = arith.constant 1 : i32
      %jit3A_2373 = arith.constant 0 : i32
      %broadcast_in_dim3A_2374 = vector.broadcast %jit3A_2372 : i32 to vector<16xi32>
      %broadcast_in_dim3A_2375 = vector.broadcast %jit3A_2373 : i32 to vector<16xi32>
      %select_n3A_2376 = arith.select %eq3A_2371, %broadcast_in_dim3A_2374, %broadcast_in_dim3A_2375 : vector<16xi1>, vector<16xi32>
      %sub3A_2377 = arith.subi %convert_element_type3A_2369, %select_n3A_2376 : vector<16xi32>
      %le3A_2378 = arith.constant 0.000000e+00 : f32
      %le3A_2379 = vector.broadcast %le3A_2378 : f32 to vector<16xf32>
      %le3A_2380 = arith.cmpf ole, %gather3A_2361, %le3A_2379 : vector<16xf32>
      %jit3A_2381 = arith.constant 15 : i32
      %broadcast_in_dim3A_2382 = vector.broadcast %jit3A_2381 : i32 to vector<16xi32>
      %select_n3A_2383 = arith.select %le3A_2380, %broadcast_in_dim3A_2382, %sub3A_2377 : vector<16xi1>, vector<16xi32>
      %max3A_2384 = arith.constant 0 : i32
      %max3A_2385 = vector.broadcast %max3A_2384 : i32 to vector<16xi32>
      %max3A_2386 = arith.maxsi %select_n3A_2383, %max3A_2385 : vector<16xi32>
      %min3A_2387 = arith.constant 15 : i32
      %min3A_2388 = vector.broadcast %min3A_2387 : i32 to vector<16xi32>
      %min3A_2389 = arith.minsi %max3A_2386, %min3A_2388 : vector<16xi32>
      %mul3A_2390 = arith.constant 16 : i32
      %mul3A_2391 = vector.broadcast %mul3A_2390 : i32 to vector<16xi32>
      %mul3A_2392 = arith.muli %iota3A, %mul3A_2391 : vector<16xi32>
      %add3A_2393 = arith.addi %mul3A_2392, %min3A_2389 : vector<16xi32>
      tpu.vector_store_idx %arg8[%add3A_2393], %gather3A_2361 {add = true} : memref<256xf32, #tpu.memory_space<vmem>>[vector<16xi32>], vector<16xf32>,
      tpu.vector_store_idx %arg9[%add3A_2393], %convert_element_type3A_2365 {add = true} : memref<256xf32, #tpu.memory_space<vmem>>[vector<16xi32>], vector<16xf32>,
      %add3A_2394 = arith.constant 64 : i32
      %add3A_2395 = vector.broadcast %add3A_2394 : i32 to vector<16xi32>
      %add3A_2396 = arith.addi %add3A_2395, %iota3A : vector<16xi32>
      %add3A_2397 = arith.constant 64 : i32
      %add3A_2398 = arith.addi %mul3A_2221, %add3A_2397 : i32
      %get3A_2399 = arith.index_cast %add3A_2398 : i32 to index
      %get3A_2400 = tpu.vector_load %arg5[%get3A_2399] {strides = array<i32>} : memref<9216xi32, #tpu.memory_space<vmem>>, vector<16xi32>,
      %and3A_2401 = arith.constant 127 : i32
      %and3A_2402 = vector.broadcast %and3A_2401 : i32 to vector<16xi32>
      %and3A_2403 = arith.andi %get3A_2400, %and3A_2402 : vector<16xi32>
      %gather3A_2404 = tpu.vector_load_idx %arg7[%and3A_2403, %add3A_2396] : memref<100x256xf32, #tpu.memory_space<vmem>>[vector<16xi32>, vector<16xi32>], vector<16xf32>,
      %shift_right_arithmetic3A_2405 = arith.constant 7 : i32
      %shift_right_arithmetic3A_2406 = vector.broadcast %shift_right_arithmetic3A_2405 : i32 to vector<16xi32>
      %shift_right_arithmetic3A_2407 = arith.shrsi %get3A_2400, %shift_right_arithmetic3A_2406 : vector<16xi32>
      %convert_element_type3A_2408 = arith.sitofp %shift_right_arithmetic3A_2407 : vector<16xi32> to vector<16xf32>
      %mul3A_2409 = arith.constant 1.500000e+01 : f32
      %mul3A_2410 = vector.broadcast %mul3A_2409 : f32 to vector<16xf32>
      %mul3A_2411 = arith.mulf %gather3A_2404, %mul3A_2410 : vector<16xf32>
      %convert_element_type3A_2412 = arith.fptosi %mul3A_2411 : vector<16xf32> to vector<16xi32>
      %convert_element_type3A_2413 = arith.sitofp %convert_element_type3A_2412 : vector<16xi32> to vector<16xf32>
      %eq3A_2414 = arith.cmpf oeq, %mul3A_2411, %convert_element_type3A_2413 : vector<16xf32>
      %jit3A_2415 = arith.constant 1 : i32
      %jit3A_2416 = arith.constant 0 : i32
      %broadcast_in_dim3A_2417 = vector.broadcast %jit3A_2415 : i32 to vector<16xi32>
      %broadcast_in_dim3A_2418 = vector.broadcast %jit3A_2416 : i32 to vector<16xi32>
      %select_n3A_2419 = arith.select %eq3A_2414, %broadcast_in_dim3A_2417, %broadcast_in_dim3A_2418 : vector<16xi1>, vector<16xi32>
      %sub3A_2420 = arith.subi %convert_element_type3A_2412, %select_n3A_2419 : vector<16xi32>
      %le3A_2421 = arith.constant 0.000000e+00 : f32
      %le3A_2422 = vector.broadcast %le3A_2421 : f32 to vector<16xf32>
      %le3A_2423 = arith.cmpf ole, %gather3A_2404, %le3A_2422 : vector<16xf32>
      %jit3A_2424 = arith.constant 15 : i32
      %broadcast_in_dim3A_2425 = vector.broadcast %jit3A_2424 : i32 to vector<16xi32>
      %select_n3A_2426 = arith.select %le3A_2423, %broadcast_in_dim3A_2425, %sub3A_2420 : vector<16xi1>, vector<16xi32>
      %max3A_2427 = arith.constant 0 : i32
      %max3A_2428 = vector.broadcast %max3A_2427 : i32 to vector<16xi32>
      %max3A_2429 = arith.maxsi %select_n3A_2426, %max3A_2428 : vector<16xi32>
      %min3A_2430 = arith.constant 15 : i32
      %min3A_2431 = vector.broadcast %min3A_2430 : i32 to vector<16xi32>
      %min3A_2432 = arith.minsi %max3A_2429, %min3A_2431 : vector<16xi32>
      %mul3A_2433 = arith.constant 16 : i32
      %mul3A_2434 = vector.broadcast %mul3A_2433 : i32 to vector<16xi32>
      %mul3A_2435 = arith.muli %iota3A, %mul3A_2434 : vector<16xi32>
      %add3A_2436 = arith.addi %mul3A_2435, %min3A_2432 : vector<16xi32>
      tpu.vector_store_idx %arg8[%add3A_2436], %gather3A_2404 {add = true} : memref<256xf32, #tpu.memory_space<vmem>>[vector<16xi32>], vector<16xf32>,
      tpu.vector_store_idx %arg9[%add3A_2436], %convert_element_type3A_2408 {add = true} : memref<256xf32, #tpu.memory_space<vmem>>[vector<16xi32>], vector<16xf32>,
      %add3A_2437 = arith.constant 80 : i32
      %add3A_2438 = vector.broadcast %add3A_2437 : i32 to vector<16xi32>
      %add3A_2439 = arith.addi %add3A_2438, %iota3A : vector<16xi32>
      %add3A_2440 = arith.constant 80 : i32
      %add3A_2441 = arith.addi %mul3A_2221, %add3A_2440 : i32
      %get3A_2442 = arith.index_cast %add3A_2441 : i32 to index
      %get3A_2443 = tpu.vector_load %arg5[%get3A_2442] {strides = array<i32>} : memref<9216xi32, #tpu.memory_space<vmem>>, vector<16xi32>,
      %and3A_2444 = arith.constant 127 : i32
      %and3A_2445 = vector.broadcast %and3A_2444 : i32 to vector<16xi32>
      %and3A_2446 = arith.andi %get3A_2443, %and3A_2445 : vector<16xi32>
      %gather3A_2447 = tpu.vector_load_idx %arg7[%and3A_2446, %add3A_2439] : memref<100x256xf32, #tpu.memory_space<vmem>>[vector<16xi32>, vector<16xi32>], vector<16xf32>,
      %shift_right_arithmetic3A_2448 = arith.constant 7 : i32
      %shift_right_arithmetic3A_2449 = vector.broadcast %shift_right_arithmetic3A_2448 : i32 to vector<16xi32>
      %shift_right_arithmetic3A_2450 = arith.shrsi %get3A_2443, %shift_right_arithmetic3A_2449 : vector<16xi32>
      %convert_element_type3A_2451 = arith.sitofp %shift_right_arithmetic3A_2450 : vector<16xi32> to vector<16xf32>
      %mul3A_2452 = arith.constant 1.500000e+01 : f32
      %mul3A_2453 = vector.broadcast %mul3A_2452 : f32 to vector<16xf32>
      %mul3A_2454 = arith.mulf %gather3A_2447, %mul3A_2453 : vector<16xf32>
      %convert_element_type3A_2455 = arith.fptosi %mul3A_2454 : vector<16xf32> to vector<16xi32>
      %convert_element_type3A_2456 = arith.sitofp %convert_element_type3A_2455 : vector<16xi32> to vector<16xf32>
      %eq3A_2457 = arith.cmpf oeq, %mul3A_2454, %convert_element_type3A_2456 : vector<16xf32>
      %jit3A_2458 = arith.constant 1 : i32
      %jit3A_2459 = arith.constant 0 : i32
      %broadcast_in_dim3A_2460 = vector.broadcast %jit3A_2458 : i32 to vector<16xi32>
      %broadcast_in_dim3A_2461 = vector.broadcast %jit3A_2459 : i32 to vector<16xi32>
      %select_n3A_2462 = arith.select %eq3A_2457, %broadcast_in_dim3A_2460, %broadcast_in_dim3A_2461 : vector<16xi1>, vector<16xi32>
      %sub3A_2463 = arith.subi %convert_element_type3A_2455, %select_n3A_2462 : vector<16xi32>
      %le3A_2464 = arith.constant 0.000000e+00 : f32
      %le3A_2465 = vector.broadcast %le3A_2464 : f32 to vector<16xf32>
      %le3A_2466 = arith.cmpf ole, %gather3A_2447, %le3A_2465 : vector<16xf32>
      %jit3A_2467 = arith.constant 15 : i32
      %broadcast_in_dim3A_2468 = vector.broadcast %jit3A_2467 : i32 to vector<16xi32>
      %select_n3A_2469 = arith.select %le3A_2466, %broadcast_in_dim3A_2468, %sub3A_2463 : vector<16xi1>, vector<16xi32>
      %max3A_2470 = arith.constant 0 : i32
      %max3A_2471 = vector.broadcast %max3A_2470 : i32 to vector<16xi32>
      %max3A_2472 = arith.maxsi %select_n3A_2469, %max3A_2471 : vector<16xi32>
      %min3A_2473 = arith.constant 15 : i32
      %min3A_2474 = vector.broadcast %min3A_2473 : i32 to vector<16xi32>
      %min3A_2475 = arith.minsi %max3A_2472, %min3A_2474 : vector<16xi32>
      %mul3A_2476 = arith.constant 16 : i32
      %mul3A_2477 = vector.broadcast %mul3A_2476 : i32 to vector<16xi32>
      %mul3A_2478 = arith.muli %iota3A, %mul3A_2477 : vector<16xi32>
      %add3A_2479 = arith.addi %mul3A_2478, %min3A_2475 : vector<16xi32>
      tpu.vector_store_idx %arg8[%add3A_2479], %gather3A_2447 {add = true} : memref<256xf32, #tpu.memory_space<vmem>>[vector<16xi32>], vector<16xf32>,
      tpu.vector_store_idx %arg9[%add3A_2479], %convert_element_type3A_2451 {add = true} : memref<256xf32, #tpu.memory_space<vmem>>[vector<16xi32>], vector<16xf32>,
      %add3A_2480 = arith.constant 96 : i32
      %add3A_2481 = vector.broadcast %add3A_2480 : i32 to vector<16xi32>
      %add3A_2482 = arith.addi %add3A_2481, %iota3A : vector<16xi32>
      %add3A_2483 = arith.constant 96 : i32
      %add3A_2484 = arith.addi %mul3A_2221, %add3A_2483 : i32
      %get3A_2485 = arith.index_cast %add3A_2484 : i32 to index
      %get3A_2486 = tpu.vector_load %arg5[%get3A_2485] {strides = array<i32>} : memref<9216xi32, #tpu.memory_space<vmem>>, vector<16xi32>,
      %and3A_2487 = arith.constant 127 : i32
      %and3A_2488 = vector.broadcast %and3A_2487 : i32 to vector<16xi32>
      %and3A_2489 = arith.andi %get3A_2486, %and3A_2488 : vector<16xi32>
      %gather3A_2490 = tpu.vector_load_idx %arg7[%and3A_2489, %add3A_2482] : memref<100x256xf32, #tpu.memory_space<vmem>>[vector<16xi32>, vector<16xi32>], vector<16xf32>,
      %shift_right_arithmetic3A_2491 = arith.constant 7 : i32
      %shift_right_arithmetic3A_2492 = vector.broadcast %shift_right_arithmetic3A_2491 : i32 to vector<16xi32>
      %shift_right_arithmetic3A_2493 = arith.shrsi %get3A_2486, %shift_right_arithmetic3A_2492 : vector<16xi32>
      %convert_element_type3A_2494 = arith.sitofp %shift_right_arithmetic3A_2493 : vector<16xi32> to vector<16xf32>
      %mul3A_2495 = arith.constant 1.500000e+01 : f32
      %mul3A_2496 = vector.broadcast %mul3A_2495 : f32 to vector<16xf32>
      %mul3A_2497 = arith.mulf %gather3A_2490, %mul3A_2496 : vector<16xf32>
      %convert_element_type3A_2498 = arith.fptosi %mul3A_2497 : vector<16xf32> to vector<16xi32>
      %convert_element_type3A_2499 = arith.sitofp %convert_element_type3A_2498 : vector<16xi32> to vector<16xf32>
      %eq3A_2500 = arith.cmpf oeq, %mul3A_2497, %convert_element_type3A_2499 : vector<16xf32>
      %jit3A_2501 = arith.constant 1 : i32
      %jit3A_2502 = arith.constant 0 : i32
      %broadcast_in_dim3A_2503 = vector.broadcast %jit3A_2501 : i32 to vector<16xi32>
      %broadcast_in_dim3A_2504 = vector.broadcast %jit3A_2502 : i32 to vector<16xi32>
      %select_n3A_2505 = arith.select %eq3A_2500, %broadcast_in_dim3A_2503, %broadcast_in_dim3A_2504 : vector<16xi1>, vector<16xi32>
      %sub3A_2506 = arith.subi %convert_element_type3A_2498, %select_n3A_2505 : vector<16xi32>
      %le3A_2507 = arith.constant 0.000000e+00 : f32
      %le3A_2508 = vector.broadcast %le3A_2507 : f32 to vector<16xf32>
      %le3A_2509 = arith.cmpf ole, %gather3A_2490, %le3A_2508 : vector<16xf32>
      %jit3A_2510 = arith.constant 15 : i32
      %broadcast_in_dim3A_2511 = vector.broadcast %jit3A_2510 : i32 to vector<16xi32>
      %select_n3A_2512 = arith.select %le3A_2509, %broadcast_in_dim3A_2511, %sub3A_2506 : vector<16xi1>, vector<16xi32>
      %max3A_2513 = arith.constant 0 : i32
      %max3A_2514 = vector.broadcast %max3A_2513 : i32 to vector<16xi32>
      %max3A_2515 = arith.maxsi %select_n3A_2512, %max3A_2514 : vector<16xi32>
      %min3A_2516 = arith.constant 15 : i32
      %min3A_2517 = vector.broadcast %min3A_2516 : i32 to vector<16xi32>
      %min3A_2518 = arith.minsi %max3A_2515, %min3A_2517 : vector<16xi32>
      %mul3A_2519 = arith.constant 16 : i32
      %mul3A_2520 = vector.broadcast %mul3A_2519 : i32 to vector<16xi32>
      %mul3A_2521 = arith.muli %iota3A, %mul3A_2520 : vector<16xi32>
      %add3A_2522 = arith.addi %mul3A_2521, %min3A_2518 : vector<16xi32>
      tpu.vector_store_idx %arg8[%add3A_2522], %gather3A_2490 {add = true} : memref<256xf32, #tpu.memory_space<vmem>>[vector<16xi32>], vector<16xf32>,
      tpu.vector_store_idx %arg9[%add3A_2522], %convert_element_type3A_2494 {add = true} : memref<256xf32, #tpu.memory_space<vmem>>[vector<16xi32>], vector<16xf32>,
      %add3A_2523 = arith.constant 112 : i32
      %add3A_2524 = vector.broadcast %add3A_2523 : i32 to vector<16xi32>
      %add3A_2525 = arith.addi %add3A_2524, %iota3A : vector<16xi32>
      %add3A_2526 = arith.constant 112 : i32
      %add3A_2527 = arith.addi %mul3A_2221, %add3A_2526 : i32
      %get3A_2528 = arith.index_cast %add3A_2527 : i32 to index
      %get3A_2529 = tpu.vector_load %arg5[%get3A_2528] {strides = array<i32>} : memref<9216xi32, #tpu.memory_space<vmem>>, vector<16xi32>,
      %and3A_2530 = arith.constant 127 : i32
      %and3A_2531 = vector.broadcast %and3A_2530 : i32 to vector<16xi32>
      %and3A_2532 = arith.andi %get3A_2529, %and3A_2531 : vector<16xi32>
      %gather3A_2533 = tpu.vector_load_idx %arg7[%and3A_2532, %add3A_2525] : memref<100x256xf32, #tpu.memory_space<vmem>>[vector<16xi32>, vector<16xi32>], vector<16xf32>,
      %shift_right_arithmetic3A_2534 = arith.constant 7 : i32
      %shift_right_arithmetic3A_2535 = vector.broadcast %shift_right_arithmetic3A_2534 : i32 to vector<16xi32>
      %shift_right_arithmetic3A_2536 = arith.shrsi %get3A_2529, %shift_right_arithmetic3A_2535 : vector<16xi32>
      %convert_element_type3A_2537 = arith.sitofp %shift_right_arithmetic3A_2536 : vector<16xi32> to vector<16xf32>
      %mul3A_2538 = arith.constant 1.500000e+01 : f32
      %mul3A_2539 = vector.broadcast %mul3A_2538 : f32 to vector<16xf32>
      %mul3A_2540 = arith.mulf %gather3A_2533, %mul3A_2539 : vector<16xf32>
      %convert_element_type3A_2541 = arith.fptosi %mul3A_2540 : vector<16xf32> to vector<16xi32>
      %convert_element_type3A_2542 = arith.sitofp %convert_element_type3A_2541 : vector<16xi32> to vector<16xf32>
      %eq3A_2543 = arith.cmpf oeq, %mul3A_2540, %convert_element_type3A_2542 : vector<16xf32>
      %jit3A_2544 = arith.constant 1 : i32
      %jit3A_2545 = arith.constant 0 : i32
      %broadcast_in_dim3A_2546 = vector.broadcast %jit3A_2544 : i32 to vector<16xi32>
      %broadcast_in_dim3A_2547 = vector.broadcast %jit3A_2545 : i32 to vector<16xi32>
      %select_n3A_2548 = arith.select %eq3A_2543, %broadcast_in_dim3A_2546, %broadcast_in_dim3A_2547 : vector<16xi1>, vector<16xi32>
      %sub3A_2549 = arith.subi %convert_element_type3A_2541, %select_n3A_2548 : vector<16xi32>
      %le3A_2550 = arith.constant 0.000000e+00 : f32
      %le3A_2551 = vector.broadcast %le3A_2550 : f32 to vector<16xf32>
      %le3A_2552 = arith.cmpf ole, %gather3A_2533, %le3A_2551 : vector<16xf32>
      %jit3A_2553 = arith.constant 15 : i32
      %broadcast_in_dim3A_2554 = vector.broadcast %jit3A_2553 : i32 to vector<16xi32>
      %select_n3A_2555 = arith.select %le3A_2552, %broadcast_in_dim3A_2554, %sub3A_2549 : vector<16xi1>, vector<16xi32>
      %max3A_2556 = arith.constant 0 : i32
      %max3A_2557 = vector.broadcast %max3A_2556 : i32 to vector<16xi32>
      %max3A_2558 = arith.maxsi %select_n3A_2555, %max3A_2557 : vector<16xi32>
      %min3A_2559 = arith.constant 15 : i32
      %min3A_2560 = vector.broadcast %min3A_2559 : i32 to vector<16xi32>
      %min3A_2561 = arith.minsi %max3A_2558, %min3A_2560 : vector<16xi32>
      %mul3A_2562 = arith.constant 16 : i32
      %mul3A_2563 = vector.broadcast %mul3A_2562 : i32 to vector<16xi32>
      %mul3A_2564 = arith.muli %iota3A, %mul3A_2563 : vector<16xi32>
      %add3A_2565 = arith.addi %mul3A_2564, %min3A_2561 : vector<16xi32>
      tpu.vector_store_idx %arg8[%add3A_2565], %gather3A_2533 {add = true} : memref<256xf32, #tpu.memory_space<vmem>>[vector<16xi32>], vector<16xf32>,
      tpu.vector_store_idx %arg9[%add3A_2565], %convert_element_type3A_2537 {add = true} : memref<256xf32, #tpu.memory_space<vmem>>[vector<16xi32>], vector<16xf32>,
      %add3A_2566 = arith.constant 128 : i32
      %add3A_2567 = vector.broadcast %add3A_2566 : i32 to vector<16xi32>
      %add3A_2568 = arith.addi %add3A_2567, %iota3A : vector<16xi32>
      %add3A_2569 = arith.constant 128 : i32
      %add3A_2570 = arith.addi %mul3A_2221, %add3A_2569 : i32
      %get3A_2571 = arith.index_cast %add3A_2570 : i32 to index
      %get3A_2572 = tpu.vector_load %arg5[%get3A_2571] {strides = array<i32>} : memref<9216xi32, #tpu.memory_space<vmem>>, vector<16xi32>,
      %and3A_2573 = arith.constant 127 : i32
      %and3A_2574 = vector.broadcast %and3A_2573 : i32 to vector<16xi32>
      %and3A_2575 = arith.andi %get3A_2572, %and3A_2574 : vector<16xi32>
      %gather3A_2576 = tpu.vector_load_idx %arg7[%and3A_2575, %add3A_2568] : memref<100x256xf32, #tpu.memory_space<vmem>>[vector<16xi32>, vector<16xi32>], vector<16xf32>,
      %shift_right_arithmetic3A_2577 = arith.constant 7 : i32
      %shift_right_arithmetic3A_2578 = vector.broadcast %shift_right_arithmetic3A_2577 : i32 to vector<16xi32>
      %shift_right_arithmetic3A_2579 = arith.shrsi %get3A_2572, %shift_right_arithmetic3A_2578 : vector<16xi32>
      %convert_element_type3A_2580 = arith.sitofp %shift_right_arithmetic3A_2579 : vector<16xi32> to vector<16xf32>
      %mul3A_2581 = arith.constant 1.500000e+01 : f32
      %mul3A_2582 = vector.broadcast %mul3A_2581 : f32 to vector<16xf32>
      %mul3A_2583 = arith.mulf %gather3A_2576, %mul3A_2582 : vector<16xf32>
      %convert_element_type3A_2584 = arith.fptosi %mul3A_2583 : vector<16xf32> to vector<16xi32>
      %convert_element_type3A_2585 = arith.sitofp %convert_element_type3A_2584 : vector<16xi32> to vector<16xf32>
      %eq3A_2586 = arith.cmpf oeq, %mul3A_2583, %convert_element_type3A_2585 : vector<16xf32>
      %jit3A_2587 = arith.constant 1 : i32
      %jit3A_2588 = arith.constant 0 : i32
      %broadcast_in_dim3A_2589 = vector.broadcast %jit3A_2587 : i32 to vector<16xi32>
      %broadcast_in_dim3A_2590 = vector.broadcast %jit3A_2588 : i32 to vector<16xi32>
      %select_n3A_2591 = arith.select %eq3A_2586, %broadcast_in_dim3A_2589, %broadcast_in_dim3A_2590 : vector<16xi1>, vector<16xi32>
      %sub3A_2592 = arith.subi %convert_element_type3A_2584, %select_n3A_2591 : vector<16xi32>
      %le3A_2593 = arith.constant 0.000000e+00 : f32
      %le3A_2594 = vector.broadcast %le3A_2593 : f32 to vector<16xf32>
      %le3A_2595 = arith.cmpf ole, %gather3A_2576, %le3A_2594 : vector<16xf32>
      %jit3A_2596 = arith.constant 15 : i32
      %broadcast_in_dim3A_2597 = vector.broadcast %jit3A_2596 : i32 to vector<16xi32>
      %select_n3A_2598 = arith.select %le3A_2595, %broadcast_in_dim3A_2597, %sub3A_2592 : vector<16xi1>, vector<16xi32>
      %max3A_2599 = arith.constant 0 : i32
      %max3A_2600 = vector.broadcast %max3A_2599 : i32 to vector<16xi32>
      %max3A_2601 = arith.maxsi %select_n3A_2598, %max3A_2600 : vector<16xi32>
      %min3A_2602 = arith.constant 15 : i32
      %min3A_2603 = vector.broadcast %min3A_2602 : i32 to vector<16xi32>
      %min3A_2604 = arith.minsi %max3A_2601, %min3A_2603 : vector<16xi32>
      %mul3A_2605 = arith.constant 16 : i32
      %mul3A_2606 = vector.broadcast %mul3A_2605 : i32 to vector<16xi32>
      %mul3A_2607 = arith.muli %iota3A, %mul3A_2606 : vector<16xi32>
      %add3A_2608 = arith.addi %mul3A_2607, %min3A_2604 : vector<16xi32>
      tpu.vector_store_idx %arg8[%add3A_2608], %gather3A_2576 {add = true} : memref<256xf32, #tpu.memory_space<vmem>>[vector<16xi32>], vector<16xf32>,
      tpu.vector_store_idx %arg9[%add3A_2608], %convert_element_type3A_2580 {add = true} : memref<256xf32, #tpu.memory_space<vmem>>[vector<16xi32>], vector<16xf32>,
      %add3A_2609 = arith.constant 144 : i32
      %add3A_2610 = vector.broadcast %add3A_2609 : i32 to vector<16xi32>
      %add3A_2611 = arith.addi %add3A_2610, %iota3A : vector<16xi32>
      %add3A_2612 = arith.constant 144 : i32
      %add3A_2613 = arith.addi %mul3A_2221, %add3A_2612 : i32
      %get3A_2614 = arith.index_cast %add3A_2613 : i32 to index
      %get3A_2615 = tpu.vector_load %arg5[%get3A_2614] {strides = array<i32>} : memref<9216xi32, #tpu.memory_space<vmem>>, vector<16xi32>,
      %and3A_2616 = arith.constant 127 : i32
      %and3A_2617 = vector.broadcast %and3A_2616 : i32 to vector<16xi32>
      %and3A_2618 = arith.andi %get3A_2615, %and3A_2617 : vector<16xi32>
      %gather3A_2619 = tpu.vector_load_idx %arg7[%and3A_2618, %add3A_2611] : memref<100x256xf32, #tpu.memory_space<vmem>>[vector<16xi32>, vector<16xi32>], vector<16xf32>,
      %shift_right_arithmetic3A_2620 = arith.constant 7 : i32
      %shift_right_arithmetic3A_2621 = vector.broadcast %shift_right_arithmetic3A_2620 : i32 to vector<16xi32>
      %shift_right_arithmetic3A_2622 = arith.shrsi %get3A_2615, %shift_right_arithmetic3A_2621 : vector<16xi32>
      %convert_element_type3A_2623 = arith.sitofp %shift_right_arithmetic3A_2622 : vector<16xi32> to vector<16xf32>
      %mul3A_2624 = arith.constant 1.500000e+01 : f32
      %mul3A_2625 = vector.broadcast %mul3A_2624 : f32 to vector<16xf32>
      %mul3A_2626 = arith.mulf %gather3A_2619, %mul3A_2625 : vector<16xf32>
      %convert_element_type3A_2627 = arith.fptosi %mul3A_2626 : vector<16xf32> to vector<16xi32>
      %convert_element_type3A_2628 = arith.sitofp %convert_element_type3A_2627 : vector<16xi32> to vector<16xf32>
      %eq3A_2629 = arith.cmpf oeq, %mul3A_2626, %convert_element_type3A_2628 : vector<16xf32>
      %jit3A_2630 = arith.constant 1 : i32
      %jit3A_2631 = arith.constant 0 : i32
      %broadcast_in_dim3A_2632 = vector.broadcast %jit3A_2630 : i32 to vector<16xi32>
      %broadcast_in_dim3A_2633 = vector.broadcast %jit3A_2631 : i32 to vector<16xi32>
      %select_n3A_2634 = arith.select %eq3A_2629, %broadcast_in_dim3A_2632, %broadcast_in_dim3A_2633 : vector<16xi1>, vector<16xi32>
      %sub3A_2635 = arith.subi %convert_element_type3A_2627, %select_n3A_2634 : vector<16xi32>
      %le3A_2636 = arith.constant 0.000000e+00 : f32
      %le3A_2637 = vector.broadcast %le3A_2636 : f32 to vector<16xf32>
      %le3A_2638 = arith.cmpf ole, %gather3A_2619, %le3A_2637 : vector<16xf32>
      %jit3A_2639 = arith.constant 15 : i32
      %broadcast_in_dim3A_2640 = vector.broadcast %jit3A_2639 : i32 to vector<16xi32>
      %select_n3A_2641 = arith.select %le3A_2638, %broadcast_in_dim3A_2640, %sub3A_2635 : vector<16xi1>, vector<16xi32>
      %max3A_2642 = arith.constant 0 : i32
      %max3A_2643 = vector.broadcast %max3A_2642 : i32 to vector<16xi32>
      %max3A_2644 = arith.maxsi %select_n3A_2641, %max3A_2643 : vector<16xi32>
      %min3A_2645 = arith.constant 15 : i32
      %min3A_2646 = vector.broadcast %min3A_2645 : i32 to vector<16xi32>
      %min3A_2647 = arith.minsi %max3A_2644, %min3A_2646 : vector<16xi32>
      %mul3A_2648 = arith.constant 16 : i32
      %mul3A_2649 = vector.broadcast %mul3A_2648 : i32 to vector<16xi32>
      %mul3A_2650 = arith.muli %iota3A, %mul3A_2649 : vector<16xi32>
      %add3A_2651 = arith.addi %mul3A_2650, %min3A_2647 : vector<16xi32>
      tpu.vector_store_idx %arg8[%add3A_2651], %gather3A_2619 {add = true} : memref<256xf32, #tpu.memory_space<vmem>>[vector<16xi32>], vector<16xf32>,
      tpu.vector_store_idx %arg9[%add3A_2651], %convert_element_type3A_2623 {add = true} : memref<256xf32, #tpu.memory_space<vmem>>[vector<16xi32>], vector<16xf32>,
      %add3A_2652 = arith.constant 160 : i32
      %add3A_2653 = vector.broadcast %add3A_2652 : i32 to vector<16xi32>
      %add3A_2654 = arith.addi %add3A_2653, %iota3A : vector<16xi32>
      %add3A_2655 = arith.constant 160 : i32
      %add3A_2656 = arith.addi %mul3A_2221, %add3A_2655 : i32
      %get3A_2657 = arith.index_cast %add3A_2656 : i32 to index
      %get3A_2658 = tpu.vector_load %arg5[%get3A_2657] {strides = array<i32>} : memref<9216xi32, #tpu.memory_space<vmem>>, vector<16xi32>,
      %and3A_2659 = arith.constant 127 : i32
      %and3A_2660 = vector.broadcast %and3A_2659 : i32 to vector<16xi32>
      %and3A_2661 = arith.andi %get3A_2658, %and3A_2660 : vector<16xi32>
      %gather3A_2662 = tpu.vector_load_idx %arg7[%and3A_2661, %add3A_2654] : memref<100x256xf32, #tpu.memory_space<vmem>>[vector<16xi32>, vector<16xi32>], vector<16xf32>,
      %shift_right_arithmetic3A_2663 = arith.constant 7 : i32
      %shift_right_arithmetic3A_2664 = vector.broadcast %shift_right_arithmetic3A_2663 : i32 to vector<16xi32>
      %shift_right_arithmetic3A_2665 = arith.shrsi %get3A_2658, %shift_right_arithmetic3A_2664 : vector<16xi32>
      %convert_element_type3A_2666 = arith.sitofp %shift_right_arithmetic3A_2665 : vector<16xi32> to vector<16xf32>
      %mul3A_2667 = arith.constant 1.500000e+01 : f32
      %mul3A_2668 = vector.broadcast %mul3A_2667 : f32 to vector<16xf32>
      %mul3A_2669 = arith.mulf %gather3A_2662, %mul3A_2668 : vector<16xf32>
      %convert_element_type3A_2670 = arith.fptosi %mul3A_2669 : vector<16xf32> to vector<16xi32>
      %convert_element_type3A_2671 = arith.sitofp %convert_element_type3A_2670 : vector<16xi32> to vector<16xf32>
      %eq3A_2672 = arith.cmpf oeq, %mul3A_2669, %convert_element_type3A_2671 : vector<16xf32>
      %jit3A_2673 = arith.constant 1 : i32
      %jit3A_2674 = arith.constant 0 : i32
      %broadcast_in_dim3A_2675 = vector.broadcast %jit3A_2673 : i32 to vector<16xi32>
      %broadcast_in_dim3A_2676 = vector.broadcast %jit3A_2674 : i32 to vector<16xi32>
      %select_n3A_2677 = arith.select %eq3A_2672, %broadcast_in_dim3A_2675, %broadcast_in_dim3A_2676 : vector<16xi1>, vector<16xi32>
      %sub3A_2678 = arith.subi %convert_element_type3A_2670, %select_n3A_2677 : vector<16xi32>
      %le3A_2679 = arith.constant 0.000000e+00 : f32
      %le3A_2680 = vector.broadcast %le3A_2679 : f32 to vector<16xf32>
      %le3A_2681 = arith.cmpf ole, %gather3A_2662, %le3A_2680 : vector<16xf32>
      %jit3A_2682 = arith.constant 15 : i32
      %broadcast_in_dim3A_2683 = vector.broadcast %jit3A_2682 : i32 to vector<16xi32>
      %select_n3A_2684 = arith.select %le3A_2681, %broadcast_in_dim3A_2683, %sub3A_2678 : vector<16xi1>, vector<16xi32>
      %max3A_2685 = arith.constant 0 : i32
      %max3A_2686 = vector.broadcast %max3A_2685 : i32 to vector<16xi32>
      %max3A_2687 = arith.maxsi %select_n3A_2684, %max3A_2686 : vector<16xi32>
      %min3A_2688 = arith.constant 15 : i32
      %min3A_2689 = vector.broadcast %min3A_2688 : i32 to vector<16xi32>
      %min3A_2690 = arith.minsi %max3A_2687, %min3A_2689 : vector<16xi32>
      %mul3A_2691 = arith.constant 16 : i32
      %mul3A_2692 = vector.broadcast %mul3A_2691 : i32 to vector<16xi32>
      %mul3A_2693 = arith.muli %iota3A, %mul3A_2692 : vector<16xi32>
      %add3A_2694 = arith.addi %mul3A_2693, %min3A_2690 : vector<16xi32>
      tpu.vector_store_idx %arg8[%add3A_2694], %gather3A_2662 {add = true} : memref<256xf32, #tpu.memory_space<vmem>>[vector<16xi32>], vector<16xf32>,
      tpu.vector_store_idx %arg9[%add3A_2694], %convert_element_type3A_2666 {add = true} : memref<256xf32, #tpu.memory_space<vmem>>[vector<16xi32>], vector<16xf32>,
      %add3A_2695 = arith.constant 176 : i32
      %add3A_2696 = vector.broadcast %add3A_2695 : i32 to vector<16xi32>
      %add3A_2697 = arith.addi %add3A_2696, %iota3A : vector<16xi32>
      %add3A_2698 = arith.constant 176 : i32
      %add3A_2699 = arith.addi %mul3A_2221, %add3A_2698 : i32
      %get3A_2700 = arith.index_cast %add3A_2699 : i32 to index
      %get3A_2701 = tpu.vector_load %arg5[%get3A_2700] {strides = array<i32>} : memref<9216xi32, #tpu.memory_space<vmem>>, vector<16xi32>,
      %and3A_2702 = arith.constant 127 : i32
      %and3A_2703 = vector.broadcast %and3A_2702 : i32 to vector<16xi32>
      %and3A_2704 = arith.andi %get3A_2701, %and3A_2703 : vector<16xi32>
      %gather3A_2705 = tpu.vector_load_idx %arg7[%and3A_2704, %add3A_2697] : memref<100x256xf32, #tpu.memory_space<vmem>>[vector<16xi32>, vector<16xi32>], vector<16xf32>,
      %shift_right_arithmetic3A_2706 = arith.constant 7 : i32
      %shift_right_arithmetic3A_2707 = vector.broadcast %shift_right_arithmetic3A_2706 : i32 to vector<16xi32>
      %shift_right_arithmetic3A_2708 = arith.shrsi %get3A_2701, %shift_right_arithmetic3A_2707 : vector<16xi32>
      %convert_element_type3A_2709 = arith.sitofp %shift_right_arithmetic3A_2708 : vector<16xi32> to vector<16xf32>
      %mul3A_2710 = arith.constant 1.500000e+01 : f32
      %mul3A_2711 = vector.broadcast %mul3A_2710 : f32 to vector<16xf32>
      %mul3A_2712 = arith.mulf %gather3A_2705, %mul3A_2711 : vector<16xf32>
      %convert_element_type3A_2713 = arith.fptosi %mul3A_2712 : vector<16xf32> to vector<16xi32>
      %convert_element_type3A_2714 = arith.sitofp %convert_element_type3A_2713 : vector<16xi32> to vector<16xf32>
      %eq3A_2715 = arith.cmpf oeq, %mul3A_2712, %convert_element_type3A_2714 : vector<16xf32>
      %jit3A_2716 = arith.constant 1 : i32
      %jit3A_2717 = arith.constant 0 : i32
      %broadcast_in_dim3A_2718 = vector.broadcast %jit3A_2716 : i32 to vector<16xi32>
      %broadcast_in_dim3A_2719 = vector.broadcast %jit3A_2717 : i32 to vector<16xi32>
      %select_n3A_2720 = arith.select %eq3A_2715, %broadcast_in_dim3A_2718, %broadcast_in_dim3A_2719 : vector<16xi1>, vector<16xi32>
      %sub3A_2721 = arith.subi %convert_element_type3A_2713, %select_n3A_2720 : vector<16xi32>
      %le3A_2722 = arith.constant 0.000000e+00 : f32
      %le3A_2723 = vector.broadcast %le3A_2722 : f32 to vector<16xf32>
      %le3A_2724 = arith.cmpf ole, %gather3A_2705, %le3A_2723 : vector<16xf32>
      %jit3A_2725 = arith.constant 15 : i32
      %broadcast_in_dim3A_2726 = vector.broadcast %jit3A_2725 : i32 to vector<16xi32>
      %select_n3A_2727 = arith.select %le3A_2724, %broadcast_in_dim3A_2726, %sub3A_2721 : vector<16xi1>, vector<16xi32>
      %max3A_2728 = arith.constant 0 : i32
      %max3A_2729 = vector.broadcast %max3A_2728 : i32 to vector<16xi32>
      %max3A_2730 = arith.maxsi %select_n3A_2727, %max3A_2729 : vector<16xi32>
      %min3A_2731 = arith.constant 15 : i32
      %min3A_2732 = vector.broadcast %min3A_2731 : i32 to vector<16xi32>
      %min3A_2733 = arith.minsi %max3A_2730, %min3A_2732 : vector<16xi32>
      %mul3A_2734 = arith.constant 16 : i32
      %mul3A_2735 = vector.broadcast %mul3A_2734 : i32 to vector<16xi32>
      %mul3A_2736 = arith.muli %iota3A, %mul3A_2735 : vector<16xi32>
      %add3A_2737 = arith.addi %mul3A_2736, %min3A_2733 : vector<16xi32>
      tpu.vector_store_idx %arg8[%add3A_2737], %gather3A_2705 {add = true} : memref<256xf32, #tpu.memory_space<vmem>>[vector<16xi32>], vector<16xf32>,
      tpu.vector_store_idx %arg9[%add3A_2737], %convert_element_type3A_2709 {add = true} : memref<256xf32, #tpu.memory_space<vmem>>[vector<16xi32>], vector<16xf32>,
      %add3A_2738 = arith.constant 192 : i32
      %add3A_2739 = vector.broadcast %add3A_2738 : i32 to vector<16xi32>
      %add3A_2740 = arith.addi %add3A_2739, %iota3A : vector<16xi32>
      %add3A_2741 = arith.constant 192 : i32
      %add3A_2742 = arith.addi %mul3A_2221, %add3A_2741 : i32
      %get3A_2743 = arith.index_cast %add3A_2742 : i32 to index
      %get3A_2744 = tpu.vector_load %arg5[%get3A_2743] {strides = array<i32>} : memref<9216xi32, #tpu.memory_space<vmem>>, vector<16xi32>,
      %and3A_2745 = arith.constant 127 : i32
      %and3A_2746 = vector.broadcast %and3A_2745 : i32 to vector<16xi32>
      %and3A_2747 = arith.andi %get3A_2744, %and3A_2746 : vector<16xi32>
      %gather3A_2748 = tpu.vector_load_idx %arg7[%and3A_2747, %add3A_2740] : memref<100x256xf32, #tpu.memory_space<vmem>>[vector<16xi32>, vector<16xi32>], vector<16xf32>,
      %shift_right_arithmetic3A_2749 = arith.constant 7 : i32
      %shift_right_arithmetic3A_2750 = vector.broadcast %shift_right_arithmetic3A_2749 : i32 to vector<16xi32>
      %shift_right_arithmetic3A_2751 = arith.shrsi %get3A_2744, %shift_right_arithmetic3A_2750 : vector<16xi32>
      %convert_element_type3A_2752 = arith.sitofp %shift_right_arithmetic3A_2751 : vector<16xi32> to vector<16xf32>
      %mul3A_2753 = arith.constant 1.500000e+01 : f32
      %mul3A_2754 = vector.broadcast %mul3A_2753 : f32 to vector<16xf32>
      %mul3A_2755 = arith.mulf %gather3A_2748, %mul3A_2754 : vector<16xf32>
      %convert_element_type3A_2756 = arith.fptosi %mul3A_2755 : vector<16xf32> to vector<16xi32>
      %convert_element_type3A_2757 = arith.sitofp %convert_element_type3A_2756 : vector<16xi32> to vector<16xf32>
      %eq3A_2758 = arith.cmpf oeq, %mul3A_2755, %convert_element_type3A_2757 : vector<16xf32>
      %jit3A_2759 = arith.constant 1 : i32
      %jit3A_2760 = arith.constant 0 : i32
      %broadcast_in_dim3A_2761 = vector.broadcast %jit3A_2759 : i32 to vector<16xi32>
      %broadcast_in_dim3A_2762 = vector.broadcast %jit3A_2760 : i32 to vector<16xi32>
      %select_n3A_2763 = arith.select %eq3A_2758, %broadcast_in_dim3A_2761, %broadcast_in_dim3A_2762 : vector<16xi1>, vector<16xi32>
      %sub3A_2764 = arith.subi %convert_element_type3A_2756, %select_n3A_2763 : vector<16xi32>
      %le3A_2765 = arith.constant 0.000000e+00 : f32
      %le3A_2766 = vector.broadcast %le3A_2765 : f32 to vector<16xf32>
      %le3A_2767 = arith.cmpf ole, %gather3A_2748, %le3A_2766 : vector<16xf32>
      %jit3A_2768 = arith.constant 15 : i32
      %broadcast_in_dim3A_2769 = vector.broadcast %jit3A_2768 : i32 to vector<16xi32>
      %select_n3A_2770 = arith.select %le3A_2767, %broadcast_in_dim3A_2769, %sub3A_2764 : vector<16xi1>, vector<16xi32>
      %max3A_2771 = arith.constant 0 : i32
      %max3A_2772 = vector.broadcast %max3A_2771 : i32 to vector<16xi32>
      %max3A_2773 = arith.maxsi %select_n3A_2770, %max3A_2772 : vector<16xi32>
      %min3A_2774 = arith.constant 15 : i32
      %min3A_2775 = vector.broadcast %min3A_2774 : i32 to vector<16xi32>
      %min3A_2776 = arith.minsi %max3A_2773, %min3A_2775 : vector<16xi32>
      %mul3A_2777 = arith.constant 16 : i32
      %mul3A_2778 = vector.broadcast %mul3A_2777 : i32 to vector<16xi32>
      %mul3A_2779 = arith.muli %iota3A, %mul3A_2778 : vector<16xi32>
      %add3A_2780 = arith.addi %mul3A_2779, %min3A_2776 : vector<16xi32>
      tpu.vector_store_idx %arg8[%add3A_2780], %gather3A_2748 {add = true} : memref<256xf32, #tpu.memory_space<vmem>>[vector<16xi32>], vector<16xf32>,
      tpu.vector_store_idx %arg9[%add3A_2780], %convert_element_type3A_2752 {add = true} : memref<256xf32, #tpu.memory_space<vmem>>[vector<16xi32>], vector<16xf32>,
      %add3A_2781 = arith.constant 208 : i32
      %add3A_2782 = vector.broadcast %add3A_2781 : i32 to vector<16xi32>
      %add3A_2783 = arith.addi %add3A_2782, %iota3A : vector<16xi32>
      %add3A_2784 = arith.constant 208 : i32
      %add3A_2785 = arith.addi %mul3A_2221, %add3A_2784 : i32
      %get3A_2786 = arith.index_cast %add3A_2785 : i32 to index
      %get3A_2787 = tpu.vector_load %arg5[%get3A_2786] {strides = array<i32>} : memref<9216xi32, #tpu.memory_space<vmem>>, vector<16xi32>,
      %and3A_2788 = arith.constant 127 : i32
      %and3A_2789 = vector.broadcast %and3A_2788 : i32 to vector<16xi32>
      %and3A_2790 = arith.andi %get3A_2787, %and3A_2789 : vector<16xi32>
      %gather3A_2791 = tpu.vector_load_idx %arg7[%and3A_2790, %add3A_2783] : memref<100x256xf32, #tpu.memory_space<vmem>>[vector<16xi32>, vector<16xi32>], vector<16xf32>,
      %shift_right_arithmetic3A_2792 = arith.constant 7 : i32
      %shift_right_arithmetic3A_2793 = vector.broadcast %shift_right_arithmetic3A_2792 : i32 to vector<16xi32>
      %shift_right_arithmetic3A_2794 = arith.shrsi %get3A_2787, %shift_right_arithmetic3A_2793 : vector<16xi32>
      %convert_element_type3A_2795 = arith.sitofp %shift_right_arithmetic3A_2794 : vector<16xi32> to vector<16xf32>
      %mul3A_2796 = arith.constant 1.500000e+01 : f32
      %mul3A_2797 = vector.broadcast %mul3A_2796 : f32 to vector<16xf32>
      %mul3A_2798 = arith.mulf %gather3A_2791, %mul3A_2797 : vector<16xf32>
      %convert_element_type3A_2799 = arith.fptosi %mul3A_2798 : vector<16xf32> to vector<16xi32>
      %convert_element_type3A_2800 = arith.sitofp %convert_element_type3A_2799 : vector<16xi32> to vector<16xf32>
      %eq3A_2801 = arith.cmpf oeq, %mul3A_2798, %convert_element_type3A_2800 : vector<16xf32>
      %jit3A_2802 = arith.constant 1 : i32
      %jit3A_2803 = arith.constant 0 : i32
      %broadcast_in_dim3A_2804 = vector.broadcast %jit3A_2802 : i32 to vector<16xi32>
      %broadcast_in_dim3A_2805 = vector.broadcast %jit3A_2803 : i32 to vector<16xi32>
      %select_n3A_2806 = arith.select %eq3A_2801, %broadcast_in_dim3A_2804, %broadcast_in_dim3A_2805 : vector<16xi1>, vector<16xi32>
      %sub3A_2807 = arith.subi %convert_element_type3A_2799, %select_n3A_2806 : vector<16xi32>
      %le3A_2808 = arith.constant 0.000000e+00 : f32
      %le3A_2809 = vector.broadcast %le3A_2808 : f32 to vector<16xf32>
      %le3A_2810 = arith.cmpf ole, %gather3A_2791, %le3A_2809 : vector<16xf32>
      %jit3A_2811 = arith.constant 15 : i32
      %broadcast_in_dim3A_2812 = vector.broadcast %jit3A_2811 : i32 to vector<16xi32>
      %select_n3A_2813 = arith.select %le3A_2810, %broadcast_in_dim3A_2812, %sub3A_2807 : vector<16xi1>, vector<16xi32>
      %max3A_2814 = arith.constant 0 : i32
      %max3A_2815 = vector.broadcast %max3A_2814 : i32 to vector<16xi32>
      %max3A_2816 = arith.maxsi %select_n3A_2813, %max3A_2815 : vector<16xi32>
      %min3A_2817 = arith.constant 15 : i32
      %min3A_2818 = vector.broadcast %min3A_2817 : i32 to vector<16xi32>
      %min3A_2819 = arith.minsi %max3A_2816, %min3A_2818 : vector<16xi32>
      %mul3A_2820 = arith.constant 16 : i32
      %mul3A_2821 = vector.broadcast %mul3A_2820 : i32 to vector<16xi32>
      %mul3A_2822 = arith.muli %iota3A, %mul3A_2821 : vector<16xi32>
      %add3A_2823 = arith.addi %mul3A_2822, %min3A_2819 : vector<16xi32>
      tpu.vector_store_idx %arg8[%add3A_2823], %gather3A_2791 {add = true} : memref<256xf32, #tpu.memory_space<vmem>>[vector<16xi32>], vector<16xf32>,
      tpu.vector_store_idx %arg9[%add3A_2823], %convert_element_type3A_2795 {add = true} : memref<256xf32, #tpu.memory_space<vmem>>[vector<16xi32>], vector<16xf32>,
      %add3A_2824 = arith.constant 224 : i32
      %add3A_2825 = vector.broadcast %add3A_2824 : i32 to vector<16xi32>
      %add3A_2826 = arith.addi %add3A_2825, %iota3A : vector<16xi32>
      %add3A_2827 = arith.constant 224 : i32
      %add3A_2828 = arith.addi %mul3A_2221, %add3A_2827 : i32
      %get3A_2829 = arith.index_cast %add3A_2828 : i32 to index
      %get3A_2830 = tpu.vector_load %arg5[%get3A_2829] {strides = array<i32>} : memref<9216xi32, #tpu.memory_space<vmem>>, vector<16xi32>,
      %and3A_2831 = arith.constant 127 : i32
      %and3A_2832 = vector.broadcast %and3A_2831 : i32 to vector<16xi32>
      %and3A_2833 = arith.andi %get3A_2830, %and3A_2832 : vector<16xi32>
      %gather3A_2834 = tpu.vector_load_idx %arg7[%and3A_2833, %add3A_2826] : memref<100x256xf32, #tpu.memory_space<vmem>>[vector<16xi32>, vector<16xi32>], vector<16xf32>,
      %shift_right_arithmetic3A_2835 = arith.constant 7 : i32
      %shift_right_arithmetic3A_2836 = vector.broadcast %shift_right_arithmetic3A_2835 : i32 to vector<16xi32>
      %shift_right_arithmetic3A_2837 = arith.shrsi %get3A_2830, %shift_right_arithmetic3A_2836 : vector<16xi32>
      %convert_element_type3A_2838 = arith.sitofp %shift_right_arithmetic3A_2837 : vector<16xi32> to vector<16xf32>
      %mul3A_2839 = arith.constant 1.500000e+01 : f32
      %mul3A_2840 = vector.broadcast %mul3A_2839 : f32 to vector<16xf32>
      %mul3A_2841 = arith.mulf %gather3A_2834, %mul3A_2840 : vector<16xf32>
      %convert_element_type3A_2842 = arith.fptosi %mul3A_2841 : vector<16xf32> to vector<16xi32>
      %convert_element_type3A_2843 = arith.sitofp %convert_element_type3A_2842 : vector<16xi32> to vector<16xf32>
      %eq3A_2844 = arith.cmpf oeq, %mul3A_2841, %convert_element_type3A_2843 : vector<16xf32>
      %jit3A_2845 = arith.constant 1 : i32
      %jit3A_2846 = arith.constant 0 : i32
      %broadcast_in_dim3A_2847 = vector.broadcast %jit3A_2845 : i32 to vector<16xi32>
      %broadcast_in_dim3A_2848 = vector.broadcast %jit3A_2846 : i32 to vector<16xi32>
      %select_n3A_2849 = arith.select %eq3A_2844, %broadcast_in_dim3A_2847, %broadcast_in_dim3A_2848 : vector<16xi1>, vector<16xi32>
      %sub3A_2850 = arith.subi %convert_element_type3A_2842, %select_n3A_2849 : vector<16xi32>
      %le3A_2851 = arith.constant 0.000000e+00 : f32
      %le3A_2852 = vector.broadcast %le3A_2851 : f32 to vector<16xf32>
      %le3A_2853 = arith.cmpf ole, %gather3A_2834, %le3A_2852 : vector<16xf32>
      %jit3A_2854 = arith.constant 15 : i32
      %broadcast_in_dim3A_2855 = vector.broadcast %jit3A_2854 : i32 to vector<16xi32>
      %select_n3A_2856 = arith.select %le3A_2853, %broadcast_in_dim3A_2855, %sub3A_2850 : vector<16xi1>, vector<16xi32>
      %max3A_2857 = arith.constant 0 : i32
      %max3A_2858 = vector.broadcast %max3A_2857 : i32 to vector<16xi32>
      %max3A_2859 = arith.maxsi %select_n3A_2856, %max3A_2858 : vector<16xi32>
      %min3A_2860 = arith.constant 15 : i32
      %min3A_2861 = vector.broadcast %min3A_2860 : i32 to vector<16xi32>
      %min3A_2862 = arith.minsi %max3A_2859, %min3A_2861 : vector<16xi32>
      %mul3A_2863 = arith.constant 16 : i32
      %mul3A_2864 = vector.broadcast %mul3A_2863 : i32 to vector<16xi32>
      %mul3A_2865 = arith.muli %iota3A, %mul3A_2864 : vector<16xi32>
      %add3A_2866 = arith.addi %mul3A_2865, %min3A_2862 : vector<16xi32>
      tpu.vector_store_idx %arg8[%add3A_2866], %gather3A_2834 {add = true} : memref<256xf32, #tpu.memory_space<vmem>>[vector<16xi32>], vector<16xf32>,
      tpu.vector_store_idx %arg9[%add3A_2866], %convert_element_type3A_2838 {add = true} : memref<256xf32, #tpu.memory_space<vmem>>[vector<16xi32>], vector<16xf32>,
      %add3A_2867 = arith.constant 240 : i32
      %add3A_2868 = vector.broadcast %add3A_2867 : i32 to vector<16xi32>
      %add3A_2869 = arith.addi %add3A_2868, %iota3A : vector<16xi32>
      %add3A_2870 = arith.constant 240 : i32
      %add3A_2871 = arith.addi %mul3A_2221, %add3A_2870 : i32
      %get3A_2872 = arith.index_cast %add3A_2871 : i32 to index
      %get3A_2873 = tpu.vector_load %arg5[%get3A_2872] {strides = array<i32>} : memref<9216xi32, #tpu.memory_space<vmem>>, vector<16xi32>,
      %and3A_2874 = arith.constant 127 : i32
      %and3A_2875 = vector.broadcast %and3A_2874 : i32 to vector<16xi32>
      %and3A_2876 = arith.andi %get3A_2873, %and3A_2875 : vector<16xi32>
      %gather3A_2877 = tpu.vector_load_idx %arg7[%and3A_2876, %add3A_2869] : memref<100x256xf32, #tpu.memory_space<vmem>>[vector<16xi32>, vector<16xi32>], vector<16xf32>,
      %shift_right_arithmetic3A_2878 = arith.constant 7 : i32
      %shift_right_arithmetic3A_2879 = vector.broadcast %shift_right_arithmetic3A_2878 : i32 to vector<16xi32>
      %shift_right_arithmetic3A_2880 = arith.shrsi %get3A_2873, %shift_right_arithmetic3A_2879 : vector<16xi32>
      %convert_element_type3A_2881 = arith.sitofp %shift_right_arithmetic3A_2880 : vector<16xi32> to vector<16xf32>
      %mul3A_2882 = arith.constant 1.500000e+01 : f32
      %mul3A_2883 = vector.broadcast %mul3A_2882 : f32 to vector<16xf32>
      %mul3A_2884 = arith.mulf %gather3A_2877, %mul3A_2883 : vector<16xf32>
      %convert_element_type3A_2885 = arith.fptosi %mul3A_2884 : vector<16xf32> to vector<16xi32>
      %convert_element_type3A_2886 = arith.sitofp %convert_element_type3A_2885 : vector<16xi32> to vector<16xf32>
      %eq3A_2887 = arith.cmpf oeq, %mul3A_2884, %convert_element_type3A_2886 : vector<16xf32>
      %jit3A_2888 = arith.constant 1 : i32
      %jit3A_2889 = arith.constant 0 : i32
      %broadcast_in_dim3A_2890 = vector.broadcast %jit3A_2888 : i32 to vector<16xi32>
      %broadcast_in_dim3A_2891 = vector.broadcast %jit3A_2889 : i32 to vector<16xi32>
      %select_n3A_2892 = arith.select %eq3A_2887, %broadcast_in_dim3A_2890, %broadcast_in_dim3A_2891 : vector<16xi1>, vector<16xi32>
      %sub3A_2893 = arith.subi %convert_element_type3A_2885, %select_n3A_2892 : vector<16xi32>
      %le3A_2894 = arith.constant 0.000000e+00 : f32
      %le3A_2895 = vector.broadcast %le3A_2894 : f32 to vector<16xf32>
      %le3A_2896 = arith.cmpf ole, %gather3A_2877, %le3A_2895 : vector<16xf32>
      %jit3A_2897 = arith.constant 15 : i32
      %broadcast_in_dim3A_2898 = vector.broadcast %jit3A_2897 : i32 to vector<16xi32>
      %select_n3A_2899 = arith.select %le3A_2896, %broadcast_in_dim3A_2898, %sub3A_2893 : vector<16xi1>, vector<16xi32>
      %max3A_2900 = arith.constant 0 : i32
      %max3A_2901 = vector.broadcast %max3A_2900 : i32 to vector<16xi32>
      %max3A_2902 = arith.maxsi %select_n3A_2899, %max3A_2901 : vector<16xi32>
      %min3A_2903 = arith.constant 15 : i32
      %min3A_2904 = vector.broadcast %min3A_2903 : i32 to vector<16xi32>
      %min3A_2905 = arith.minsi %max3A_2902, %min3A_2904 : vector<16xi32>
      %mul3A_2906 = arith.constant 16 : i32
      %mul3A_2907 = vector.broadcast %mul3A_2906 : i32 to vector<16xi32>
      %mul3A_2908 = arith.muli %iota3A, %mul3A_2907 : vector<16xi32>
      %add3A_2909 = arith.addi %mul3A_2908, %min3A_2905 : vector<16xi32>
      tpu.vector_store_idx %arg8[%add3A_2909], %gather3A_2877 {add = true} : memref<256xf32, #tpu.memory_space<vmem>>[vector<16xi32>], vector<16xf32>,
      tpu.vector_store_idx %arg9[%add3A_2909], %convert_element_type3A_2881 {add = true} : memref<256xf32, #tpu.memory_space<vmem>>[vector<16xi32>], vector<16xf32>,
    }
    %scan3A_76 = arith.constant 17 : i32
    %dma_wait3A = arith.constant 0 : i32
    %dma_wait3A_77 = arith.constant 0 : i32
    %dma_wait3A_78 = tpu.memref_slice %arg2[%dma_wait3A, %dma_wait3A_77] : memref<100x500000xf32, #tpu.memory_space<hbm>> -> memref<100x256xf32, #tpu.memory_space<hbm>>
    %dma_wait3A_79 = arith.constant 0 : i32
    %dma_wait3A_80 = arith.constant 0 : i32
    %dma_wait3A_81 = tpu.memref_slice %arg2[%dma_wait3A_79, %dma_wait3A_80] : memref<100x500000xf32, #tpu.memory_space<hbm>> -> memref<100x256xf32, #tpu.memory_space<hbm>>
    tpu.wait_dma2 semaphore(%arg11 : memref<!tpu.dma_semaphore, #tpu.memory_space<semaphore_mem>>) src(%dma_wait3A_81 : memref<100x256xf32, #tpu.memory_space<hbm>>) dst(%arg6 : memref<100x256xf32, #tpu.memory_space<vmem>>)
    %add3A_82 = arith.constant 8960 : i32
    %add3A_83 = arith.addi %multiple_of3A, %add3A_82 : i32
    %multiple_of3A_84 = tpu.assume_multiple %add3A_83, 256 : i32
    %dma_start3A_85 = arith.constant 0 : i32
    %dma_start3A_86 = tpu.memref_slice %arg2[%dma_start3A_85, %multiple_of3A_84] : memref<100x500000xf32, #tpu.memory_space<hbm>> -> memref<100x256xf32, #tpu.memory_space<hbm>>
    %dma_start3A_87 = arith.constant 0 : i32
    %dma_start3A_88 = tpu.memref_slice %arg2[%dma_start3A_87, %multiple_of3A_84] : memref<100x500000xf32, #tpu.memory_space<hbm>> -> memref<100x256xf32, #tpu.memory_space<hbm>>
    tpu.enqueue_dma source(%dma_start3A_88 : memref<100x256xf32, #tpu.memory_space<hbm>>) target(%arg7 : memref<100x256xf32, #tpu.memory_space<vmem>>) target_semaphore(%arg12 : memref<!tpu.dma_semaphore, #tpu.memory_space<semaphore_mem>>)
    %add3A_89 = arith.constant 0 : i32
    %add3A_90 = vector.broadcast %add3A_89 : i32 to vector<16xi32>
    %add3A_91 = arith.addi %add3A_90, %iota3A : vector<16xi32>
    %get3A = arith.constant 8704 : index
    %get3A_92 = tpu.vector_load %arg5[%get3A] {strides = array<i32>} : memref<9216xi32, #tpu.memory_space<vmem>>, vector<16xi32>,
    %and3A = arith.constant 127 : i32
    %and3A_93 = vector.broadcast %and3A : i32 to vector<16xi32>
    %and3A_94 = arith.andi %get3A_92, %and3A_93 : vector<16xi32>
    %gather3A = tpu.vector_load_idx %arg6[%and3A_94, %add3A_91] : memref<100x256xf32, #tpu.memory_space<vmem>>[vector<16xi32>, vector<16xi32>], vector<16xf32>,
    %shift_right_arithmetic3A = arith.constant 7 : i32
    %shift_right_arithmetic3A_95 = vector.broadcast %shift_right_arithmetic3A : i32 to vector<16xi32>
    %shift_right_arithmetic3A_96 = arith.shrsi %get3A_92, %shift_right_arithmetic3A_95 : vector<16xi32>
    %convert_element_type3A = arith.sitofp %shift_right_arithmetic3A_96 : vector<16xi32> to vector<16xf32>
    %mul3A_97 = arith.constant 1.500000e+01 : f32
    %mul3A_98 = vector.broadcast %mul3A_97 : f32 to vector<16xf32>
    %mul3A_99 = arith.mulf %gather3A, %mul3A_98 : vector<16xf32>
    %convert_element_type3A_100 = arith.fptosi %mul3A_99 : vector<16xf32> to vector<16xi32>
    %convert_element_type3A_101 = arith.sitofp %convert_element_type3A_100 : vector<16xi32> to vector<16xf32>
    %eq3A = arith.cmpf oeq, %mul3A_99, %convert_element_type3A_101 : vector<16xf32>
    %jit3A = arith.constant 1 : i32
    %jit3A_102 = arith.constant 0 : i32
    %broadcast_in_dim3A_103 = vector.broadcast %jit3A : i32 to vector<16xi32>
    %broadcast_in_dim3A_104 = vector.broadcast %jit3A_102 : i32 to vector<16xi32>
    %select_n3A = arith.select %eq3A, %broadcast_in_dim3A_103, %broadcast_in_dim3A_104 : vector<16xi1>, vector<16xi32>
    %sub3A = arith.subi %convert_element_type3A_100, %select_n3A : vector<16xi32>
    %le3A = arith.constant 0.000000e+00 : f32
    %le3A_105 = vector.broadcast %le3A : f32 to vector<16xf32>
    %le3A_106 = arith.cmpf ole, %gather3A, %le3A_105 : vector<16xf32>
    %jit3A_107 = arith.constant 15 : i32
    %broadcast_in_dim3A_108 = vector.broadcast %jit3A_107 : i32 to vector<16xi32>
    %select_n3A_109 = arith.select %le3A_106, %broadcast_in_dim3A_108, %sub3A : vector<16xi1>, vector<16xi32>
    %max3A = arith.constant 0 : i32
    %max3A_110 = vector.broadcast %max3A : i32 to vector<16xi32>
    %max3A_111 = arith.maxsi %select_n3A_109, %max3A_110 : vector<16xi32>
    %min3A = arith.constant 15 : i32
    %min3A_112 = vector.broadcast %min3A : i32 to vector<16xi32>
    %min3A_113 = arith.minsi %max3A_111, %min3A_112 : vector<16xi32>
    %mul3A_114 = arith.constant 16 : i32
    %mul3A_115 = vector.broadcast %mul3A_114 : i32 to vector<16xi32>
    %mul3A_116 = arith.muli %iota3A, %mul3A_115 : vector<16xi32>
    %add3A_117 = arith.addi %mul3A_116, %min3A_113 : vector<16xi32>
    tpu.vector_store_idx %arg8[%add3A_117], %gather3A {add = true} : memref<256xf32, #tpu.memory_space<vmem>>[vector<16xi32>], vector<16xf32>,
    tpu.vector_store_idx %arg9[%add3A_117], %convert_element_type3A {add = true} : memref<256xf32, #tpu.memory_space<vmem>>[vector<16xi32>], vector<16xf32>,
    %add3A_118 = arith.constant 16 : i32
    %add3A_119 = vector.broadcast %add3A_118 : i32 to vector<16xi32>
    %add3A_120 = arith.addi %add3A_119, %iota3A : vector<16xi32>
    %get3A_121 = arith.constant 8720 : index
    %get3A_122 = tpu.vector_load %arg5[%get3A_121] {strides = array<i32>} : memref<9216xi32, #tpu.memory_space<vmem>>, vector<16xi32>,
    %and3A_123 = arith.constant 127 : i32
    %and3A_124 = vector.broadcast %and3A_123 : i32 to vector<16xi32>
    %and3A_125 = arith.andi %get3A_122, %and3A_124 : vector<16xi32>
    %gather3A_126 = tpu.vector_load_idx %arg6[%and3A_125, %add3A_120] : memref<100x256xf32, #tpu.memory_space<vmem>>[vector<16xi32>, vector<16xi32>], vector<16xf32>,
    %shift_right_arithmetic3A_127 = arith.constant 7 : i32
    %shift_right_arithmetic3A_128 = vector.broadcast %shift_right_arithmetic3A_127 : i32 to vector<16xi32>
    %shift_right_arithmetic3A_129 = arith.shrsi %get3A_122, %shift_right_arithmetic3A_128 : vector<16xi32>
    %convert_element_type3A_130 = arith.sitofp %shift_right_arithmetic3A_129 : vector<16xi32> to vector<16xf32>
    %mul3A_131 = arith.constant 1.500000e+01 : f32
    %mul3A_132 = vector.broadcast %mul3A_131 : f32 to vector<16xf32>
    %mul3A_133 = arith.mulf %gather3A_126, %mul3A_132 : vector<16xf32>
    %convert_element_type3A_134 = arith.fptosi %mul3A_133 : vector<16xf32> to vector<16xi32>
    %convert_element_type3A_135 = arith.sitofp %convert_element_type3A_134 : vector<16xi32> to vector<16xf32>
    %eq3A_136 = arith.cmpf oeq, %mul3A_133, %convert_element_type3A_135 : vector<16xf32>
    %jit3A_137 = arith.constant 1 : i32
    %jit3A_138 = arith.constant 0 : i32
    %broadcast_in_dim3A_139 = vector.broadcast %jit3A_137 : i32 to vector<16xi32>
    %broadcast_in_dim3A_140 = vector.broadcast %jit3A_138 : i32 to vector<16xi32>
    %select_n3A_141 = arith.select %eq3A_136, %broadcast_in_dim3A_139, %broadcast_in_dim3A_140 : vector<16xi1>, vector<16xi32>
    %sub3A_142 = arith.subi %convert_element_type3A_134, %select_n3A_141 : vector<16xi32>
    %le3A_143 = arith.constant 0.000000e+00 : f32
    %le3A_144 = vector.broadcast %le3A_143 : f32 to vector<16xf32>
    %le3A_145 = arith.cmpf ole, %gather3A_126, %le3A_144 : vector<16xf32>
    %jit3A_146 = arith.constant 15 : i32
    %broadcast_in_dim3A_147 = vector.broadcast %jit3A_146 : i32 to vector<16xi32>
    %select_n3A_148 = arith.select %le3A_145, %broadcast_in_dim3A_147, %sub3A_142 : vector<16xi1>, vector<16xi32>
    %max3A_149 = arith.constant 0 : i32
    %max3A_150 = vector.broadcast %max3A_149 : i32 to vector<16xi32>
    %max3A_151 = arith.maxsi %select_n3A_148, %max3A_150 : vector<16xi32>
    %min3A_152 = arith.constant 15 : i32
    %min3A_153 = vector.broadcast %min3A_152 : i32 to vector<16xi32>
    %min3A_154 = arith.minsi %max3A_151, %min3A_153 : vector<16xi32>
    %mul3A_155 = arith.constant 16 : i32
    %mul3A_156 = vector.broadcast %mul3A_155 : i32 to vector<16xi32>
    %mul3A_157 = arith.muli %iota3A, %mul3A_156 : vector<16xi32>
    %add3A_158 = arith.addi %mul3A_157, %min3A_154 : vector<16xi32>
    tpu.vector_store_idx %arg8[%add3A_158], %gather3A_126 {add = true} : memref<256xf32, #tpu.memory_space<vmem>>[vector<16xi32>], vector<16xf32>,
    tpu.vector_store_idx %arg9[%add3A_158], %convert_element_type3A_130 {add = true} : memref<256xf32, #tpu.memory_space<vmem>>[vector<16xi32>], vector<16xf32>,
    %add3A_159 = arith.constant 32 : i32
    %add3A_160 = vector.broadcast %add3A_159 : i32 to vector<16xi32>
    %add3A_161 = arith.addi %add3A_160, %iota3A : vector<16xi32>
    %get3A_162 = arith.constant 8736 : index
    %get3A_163 = tpu.vector_load %arg5[%get3A_162] {strides = array<i32>} : memref<9216xi32, #tpu.memory_space<vmem>>, vector<16xi32>,
    %and3A_164 = arith.constant 127 : i32
    %and3A_165 = vector.broadcast %and3A_164 : i32 to vector<16xi32>
    %and3A_166 = arith.andi %get3A_163, %and3A_165 : vector<16xi32>
    %gather3A_167 = tpu.vector_load_idx %arg6[%and3A_166, %add3A_161] : memref<100x256xf32, #tpu.memory_space<vmem>>[vector<16xi32>, vector<16xi32>], vector<16xf32>,
    %shift_right_arithmetic3A_168 = arith.constant 7 : i32
    %shift_right_arithmetic3A_169 = vector.broadcast %shift_right_arithmetic3A_168 : i32 to vector<16xi32>
    %shift_right_arithmetic3A_170 = arith.shrsi %get3A_163, %shift_right_arithmetic3A_169 : vector<16xi32>
    %convert_element_type3A_171 = arith.sitofp %shift_right_arithmetic3A_170 : vector<16xi32> to vector<16xf32>
    %mul3A_172 = arith.constant 1.500000e+01 : f32
    %mul3A_173 = vector.broadcast %mul3A_172 : f32 to vector<16xf32>
    %mul3A_174 = arith.mulf %gather3A_167, %mul3A_173 : vector<16xf32>
    %convert_element_type3A_175 = arith.fptosi %mul3A_174 : vector<16xf32> to vector<16xi32>
    %convert_element_type3A_176 = arith.sitofp %convert_element_type3A_175 : vector<16xi32> to vector<16xf32>
    %eq3A_177 = arith.cmpf oeq, %mul3A_174, %convert_element_type3A_176 : vector<16xf32>
    %jit3A_178 = arith.constant 1 : i32
    %jit3A_179 = arith.constant 0 : i32
    %broadcast_in_dim3A_180 = vector.broadcast %jit3A_178 : i32 to vector<16xi32>
    %broadcast_in_dim3A_181 = vector.broadcast %jit3A_179 : i32 to vector<16xi32>
    %select_n3A_182 = arith.select %eq3A_177, %broadcast_in_dim3A_180, %broadcast_in_dim3A_181 : vector<16xi1>, vector<16xi32>
    %sub3A_183 = arith.subi %convert_element_type3A_175, %select_n3A_182 : vector<16xi32>
    %le3A_184 = arith.constant 0.000000e+00 : f32
    %le3A_185 = vector.broadcast %le3A_184 : f32 to vector<16xf32>
    %le3A_186 = arith.cmpf ole, %gather3A_167, %le3A_185 : vector<16xf32>
    %jit3A_187 = arith.constant 15 : i32
    %broadcast_in_dim3A_188 = vector.broadcast %jit3A_187 : i32 to vector<16xi32>
    %select_n3A_189 = arith.select %le3A_186, %broadcast_in_dim3A_188, %sub3A_183 : vector<16xi1>, vector<16xi32>
    %max3A_190 = arith.constant 0 : i32
    %max3A_191 = vector.broadcast %max3A_190 : i32 to vector<16xi32>
    %max3A_192 = arith.maxsi %select_n3A_189, %max3A_191 : vector<16xi32>
    %min3A_193 = arith.constant 15 : i32
    %min3A_194 = vector.broadcast %min3A_193 : i32 to vector<16xi32>
    %min3A_195 = arith.minsi %max3A_192, %min3A_194 : vector<16xi32>
    %mul3A_196 = arith.constant 16 : i32
    %mul3A_197 = vector.broadcast %mul3A_196 : i32 to vector<16xi32>
    %mul3A_198 = arith.muli %iota3A, %mul3A_197 : vector<16xi32>
    %add3A_199 = arith.addi %mul3A_198, %min3A_195 : vector<16xi32>
    tpu.vector_store_idx %arg8[%add3A_199], %gather3A_167 {add = true} : memref<256xf32, #tpu.memory_space<vmem>>[vector<16xi32>], vector<16xf32>,
    tpu.vector_store_idx %arg9[%add3A_199], %convert_element_type3A_171 {add = true} : memref<256xf32, #tpu.memory_space<vmem>>[vector<16xi32>], vector<16xf32>,
    %add3A_200 = arith.constant 48 : i32
    %add3A_201 = vector.broadcast %add3A_200 : i32 to vector<16xi32>
    %add3A_202 = arith.addi %add3A_201, %iota3A : vector<16xi32>
    %get3A_203 = arith.constant 8752 : index
    %get3A_204 = tpu.vector_load %arg5[%get3A_203] {strides = array<i32>} : memref<9216xi32, #tpu.memory_space<vmem>>, vector<16xi32>,
    %and3A_205 = arith.constant 127 : i32
    %and3A_206 = vector.broadcast %and3A_205 : i32 to vector<16xi32>
    %and3A_207 = arith.andi %get3A_204, %and3A_206 : vector<16xi32>
    %gather3A_208 = tpu.vector_load_idx %arg6[%and3A_207, %add3A_202] : memref<100x256xf32, #tpu.memory_space<vmem>>[vector<16xi32>, vector<16xi32>], vector<16xf32>,
    %shift_right_arithmetic3A_209 = arith.constant 7 : i32
    %shift_right_arithmetic3A_210 = vector.broadcast %shift_right_arithmetic3A_209 : i32 to vector<16xi32>
    %shift_right_arithmetic3A_211 = arith.shrsi %get3A_204, %shift_right_arithmetic3A_210 : vector<16xi32>
    %convert_element_type3A_212 = arith.sitofp %shift_right_arithmetic3A_211 : vector<16xi32> to vector<16xf32>
    %mul3A_213 = arith.constant 1.500000e+01 : f32
    %mul3A_214 = vector.broadcast %mul3A_213 : f32 to vector<16xf32>
    %mul3A_215 = arith.mulf %gather3A_208, %mul3A_214 : vector<16xf32>
    %convert_element_type3A_216 = arith.fptosi %mul3A_215 : vector<16xf32> to vector<16xi32>
    %convert_element_type3A_217 = arith.sitofp %convert_element_type3A_216 : vector<16xi32> to vector<16xf32>
    %eq3A_218 = arith.cmpf oeq, %mul3A_215, %convert_element_type3A_217 : vector<16xf32>
    %jit3A_219 = arith.constant 1 : i32
    %jit3A_220 = arith.constant 0 : i32
    %broadcast_in_dim3A_221 = vector.broadcast %jit3A_219 : i32 to vector<16xi32>
    %broadcast_in_dim3A_222 = vector.broadcast %jit3A_220 : i32 to vector<16xi32>
    %select_n3A_223 = arith.select %eq3A_218, %broadcast_in_dim3A_221, %broadcast_in_dim3A_222 : vector<16xi1>, vector<16xi32>
    %sub3A_224 = arith.subi %convert_element_type3A_216, %select_n3A_223 : vector<16xi32>
    %le3A_225 = arith.constant 0.000000e+00 : f32
    %le3A_226 = vector.broadcast %le3A_225 : f32 to vector<16xf32>
    %le3A_227 = arith.cmpf ole, %gather3A_208, %le3A_226 : vector<16xf32>
    %jit3A_228 = arith.constant 15 : i32
    %broadcast_in_dim3A_229 = vector.broadcast %jit3A_228 : i32 to vector<16xi32>
    %select_n3A_230 = arith.select %le3A_227, %broadcast_in_dim3A_229, %sub3A_224 : vector<16xi1>, vector<16xi32>
    %max3A_231 = arith.constant 0 : i32
    %max3A_232 = vector.broadcast %max3A_231 : i32 to vector<16xi32>
    %max3A_233 = arith.maxsi %select_n3A_230, %max3A_232 : vector<16xi32>
    %min3A_234 = arith.constant 15 : i32
    %min3A_235 = vector.broadcast %min3A_234 : i32 to vector<16xi32>
    %min3A_236 = arith.minsi %max3A_233, %min3A_235 : vector<16xi32>
    %mul3A_237 = arith.constant 16 : i32
    %mul3A_238 = vector.broadcast %mul3A_237 : i32 to vector<16xi32>
    %mul3A_239 = arith.muli %iota3A, %mul3A_238 : vector<16xi32>
    %add3A_240 = arith.addi %mul3A_239, %min3A_236 : vector<16xi32>
    tpu.vector_store_idx %arg8[%add3A_240], %gather3A_208 {add = true} : memref<256xf32, #tpu.memory_space<vmem>>[vector<16xi32>], vector<16xf32>,
    tpu.vector_store_idx %arg9[%add3A_240], %convert_element_type3A_212 {add = true} : memref<256xf32, #tpu.memory_space<vmem>>[vector<16xi32>], vector<16xf32>,
    %add3A_241 = arith.constant 64 : i32
    %add3A_242 = vector.broadcast %add3A_241 : i32 to vector<16xi32>
    %add3A_243 = arith.addi %add3A_242, %iota3A : vector<16xi32>
    %get3A_244 = arith.constant 8768 : index
    %get3A_245 = tpu.vector_load %arg5[%get3A_244] {strides = array<i32>} : memref<9216xi32, #tpu.memory_space<vmem>>, vector<16xi32>,
    %and3A_246 = arith.constant 127 : i32
    %and3A_247 = vector.broadcast %and3A_246 : i32 to vector<16xi32>
    %and3A_248 = arith.andi %get3A_245, %and3A_247 : vector<16xi32>
    %gather3A_249 = tpu.vector_load_idx %arg6[%and3A_248, %add3A_243] : memref<100x256xf32, #tpu.memory_space<vmem>>[vector<16xi32>, vector<16xi32>], vector<16xf32>,
    %shift_right_arithmetic3A_250 = arith.constant 7 : i32
    %shift_right_arithmetic3A_251 = vector.broadcast %shift_right_arithmetic3A_250 : i32 to vector<16xi32>
    %shift_right_arithmetic3A_252 = arith.shrsi %get3A_245, %shift_right_arithmetic3A_251 : vector<16xi32>
    %convert_element_type3A_253 = arith.sitofp %shift_right_arithmetic3A_252 : vector<16xi32> to vector<16xf32>
    %mul3A_254 = arith.constant 1.500000e+01 : f32
    %mul3A_255 = vector.broadcast %mul3A_254 : f32 to vector<16xf32>
    %mul3A_256 = arith.mulf %gather3A_249, %mul3A_255 : vector<16xf32>
    %convert_element_type3A_257 = arith.fptosi %mul3A_256 : vector<16xf32> to vector<16xi32>
    %convert_element_type3A_258 = arith.sitofp %convert_element_type3A_257 : vector<16xi32> to vector<16xf32>
    %eq3A_259 = arith.cmpf oeq, %mul3A_256, %convert_element_type3A_258 : vector<16xf32>
    %jit3A_260 = arith.constant 1 : i32
    %jit3A_261 = arith.constant 0 : i32
    %broadcast_in_dim3A_262 = vector.broadcast %jit3A_260 : i32 to vector<16xi32>
    %broadcast_in_dim3A_263 = vector.broadcast %jit3A_261 : i32 to vector<16xi32>
    %select_n3A_264 = arith.select %eq3A_259, %broadcast_in_dim3A_262, %broadcast_in_dim3A_263 : vector<16xi1>, vector<16xi32>
    %sub3A_265 = arith.subi %convert_element_type3A_257, %select_n3A_264 : vector<16xi32>
    %le3A_266 = arith.constant 0.000000e+00 : f32
    %le3A_267 = vector.broadcast %le3A_266 : f32 to vector<16xf32>
    %le3A_268 = arith.cmpf ole, %gather3A_249, %le3A_267 : vector<16xf32>
    %jit3A_269 = arith.constant 15 : i32
    %broadcast_in_dim3A_270 = vector.broadcast %jit3A_269 : i32 to vector<16xi32>
    %select_n3A_271 = arith.select %le3A_268, %broadcast_in_dim3A_270, %sub3A_265 : vector<16xi1>, vector<16xi32>
    %max3A_272 = arith.constant 0 : i32
    %max3A_273 = vector.broadcast %max3A_272 : i32 to vector<16xi32>
    %max3A_274 = arith.maxsi %select_n3A_271, %max3A_273 : vector<16xi32>
    %min3A_275 = arith.constant 15 : i32
    %min3A_276 = vector.broadcast %min3A_275 : i32 to vector<16xi32>
    %min3A_277 = arith.minsi %max3A_274, %min3A_276 : vector<16xi32>
    %mul3A_278 = arith.constant 16 : i32
    %mul3A_279 = vector.broadcast %mul3A_278 : i32 to vector<16xi32>
    %mul3A_280 = arith.muli %iota3A, %mul3A_279 : vector<16xi32>
    %add3A_281 = arith.addi %mul3A_280, %min3A_277 : vector<16xi32>
    tpu.vector_store_idx %arg8[%add3A_281], %gather3A_249 {add = true} : memref<256xf32, #tpu.memory_space<vmem>>[vector<16xi32>], vector<16xf32>,
    tpu.vector_store_idx %arg9[%add3A_281], %convert_element_type3A_253 {add = true} : memref<256xf32, #tpu.memory_space<vmem>>[vector<16xi32>], vector<16xf32>,
    %add3A_282 = arith.constant 80 : i32
    %add3A_283 = vector.broadcast %add3A_282 : i32 to vector<16xi32>
    %add3A_284 = arith.addi %add3A_283, %iota3A : vector<16xi32>
    %get3A_285 = arith.constant 8784 : index
    %get3A_286 = tpu.vector_load %arg5[%get3A_285] {strides = array<i32>} : memref<9216xi32, #tpu.memory_space<vmem>>, vector<16xi32>,
    %and3A_287 = arith.constant 127 : i32
    %and3A_288 = vector.broadcast %and3A_287 : i32 to vector<16xi32>
    %and3A_289 = arith.andi %get3A_286, %and3A_288 : vector<16xi32>
    %gather3A_290 = tpu.vector_load_idx %arg6[%and3A_289, %add3A_284] : memref<100x256xf32, #tpu.memory_space<vmem>>[vector<16xi32>, vector<16xi32>], vector<16xf32>,
    %shift_right_arithmetic3A_291 = arith.constant 7 : i32
    %shift_right_arithmetic3A_292 = vector.broadcast %shift_right_arithmetic3A_291 : i32 to vector<16xi32>
    %shift_right_arithmetic3A_293 = arith.shrsi %get3A_286, %shift_right_arithmetic3A_292 : vector<16xi32>
    %convert_element_type3A_294 = arith.sitofp %shift_right_arithmetic3A_293 : vector<16xi32> to vector<16xf32>
    %mul3A_295 = arith.constant 1.500000e+01 : f32
    %mul3A_296 = vector.broadcast %mul3A_295 : f32 to vector<16xf32>
    %mul3A_297 = arith.mulf %gather3A_290, %mul3A_296 : vector<16xf32>
    %convert_element_type3A_298 = arith.fptosi %mul3A_297 : vector<16xf32> to vector<16xi32>
    %convert_element_type3A_299 = arith.sitofp %convert_element_type3A_298 : vector<16xi32> to vector<16xf32>
    %eq3A_300 = arith.cmpf oeq, %mul3A_297, %convert_element_type3A_299 : vector<16xf32>
    %jit3A_301 = arith.constant 1 : i32
    %jit3A_302 = arith.constant 0 : i32
    %broadcast_in_dim3A_303 = vector.broadcast %jit3A_301 : i32 to vector<16xi32>
    %broadcast_in_dim3A_304 = vector.broadcast %jit3A_302 : i32 to vector<16xi32>
    %select_n3A_305 = arith.select %eq3A_300, %broadcast_in_dim3A_303, %broadcast_in_dim3A_304 : vector<16xi1>, vector<16xi32>
    %sub3A_306 = arith.subi %convert_element_type3A_298, %select_n3A_305 : vector<16xi32>
    %le3A_307 = arith.constant 0.000000e+00 : f32
    %le3A_308 = vector.broadcast %le3A_307 : f32 to vector<16xf32>
    %le3A_309 = arith.cmpf ole, %gather3A_290, %le3A_308 : vector<16xf32>
    %jit3A_310 = arith.constant 15 : i32
    %broadcast_in_dim3A_311 = vector.broadcast %jit3A_310 : i32 to vector<16xi32>
    %select_n3A_312 = arith.select %le3A_309, %broadcast_in_dim3A_311, %sub3A_306 : vector<16xi1>, vector<16xi32>
    %max3A_313 = arith.constant 0 : i32
    %max3A_314 = vector.broadcast %max3A_313 : i32 to vector<16xi32>
    %max3A_315 = arith.maxsi %select_n3A_312, %max3A_314 : vector<16xi32>
    %min3A_316 = arith.constant 15 : i32
    %min3A_317 = vector.broadcast %min3A_316 : i32 to vector<16xi32>
    %min3A_318 = arith.minsi %max3A_315, %min3A_317 : vector<16xi32>
    %mul3A_319 = arith.constant 16 : i32
    %mul3A_320 = vector.broadcast %mul3A_319 : i32 to vector<16xi32>
    %mul3A_321 = arith.muli %iota3A, %mul3A_320 : vector<16xi32>
    %add3A_322 = arith.addi %mul3A_321, %min3A_318 : vector<16xi32>
    tpu.vector_store_idx %arg8[%add3A_322], %gather3A_290 {add = true} : memref<256xf32, #tpu.memory_space<vmem>>[vector<16xi32>], vector<16xf32>,
    tpu.vector_store_idx %arg9[%add3A_322], %convert_element_type3A_294 {add = true} : memref<256xf32, #tpu.memory_space<vmem>>[vector<16xi32>], vector<16xf32>,
    %add3A_323 = arith.constant 96 : i32
    %add3A_324 = vector.broadcast %add3A_323 : i32 to vector<16xi32>
    %add3A_325 = arith.addi %add3A_324, %iota3A : vector<16xi32>
    %get3A_326 = arith.constant 8800 : index
    %get3A_327 = tpu.vector_load %arg5[%get3A_326] {strides = array<i32>} : memref<9216xi32, #tpu.memory_space<vmem>>, vector<16xi32>,
    %and3A_328 = arith.constant 127 : i32
    %and3A_329 = vector.broadcast %and3A_328 : i32 to vector<16xi32>
    %and3A_330 = arith.andi %get3A_327, %and3A_329 : vector<16xi32>
    %gather3A_331 = tpu.vector_load_idx %arg6[%and3A_330, %add3A_325] : memref<100x256xf32, #tpu.memory_space<vmem>>[vector<16xi32>, vector<16xi32>], vector<16xf32>,
    %shift_right_arithmetic3A_332 = arith.constant 7 : i32
    %shift_right_arithmetic3A_333 = vector.broadcast %shift_right_arithmetic3A_332 : i32 to vector<16xi32>
    %shift_right_arithmetic3A_334 = arith.shrsi %get3A_327, %shift_right_arithmetic3A_333 : vector<16xi32>
    %convert_element_type3A_335 = arith.sitofp %shift_right_arithmetic3A_334 : vector<16xi32> to vector<16xf32>
    %mul3A_336 = arith.constant 1.500000e+01 : f32
    %mul3A_337 = vector.broadcast %mul3A_336 : f32 to vector<16xf32>
    %mul3A_338 = arith.mulf %gather3A_331, %mul3A_337 : vector<16xf32>
    %convert_element_type3A_339 = arith.fptosi %mul3A_338 : vector<16xf32> to vector<16xi32>
    %convert_element_type3A_340 = arith.sitofp %convert_element_type3A_339 : vector<16xi32> to vector<16xf32>
    %eq3A_341 = arith.cmpf oeq, %mul3A_338, %convert_element_type3A_340 : vector<16xf32>
    %jit3A_342 = arith.constant 1 : i32
    %jit3A_343 = arith.constant 0 : i32
    %broadcast_in_dim3A_344 = vector.broadcast %jit3A_342 : i32 to vector<16xi32>
    %broadcast_in_dim3A_345 = vector.broadcast %jit3A_343 : i32 to vector<16xi32>
    %select_n3A_346 = arith.select %eq3A_341, %broadcast_in_dim3A_344, %broadcast_in_dim3A_345 : vector<16xi1>, vector<16xi32>
    %sub3A_347 = arith.subi %convert_element_type3A_339, %select_n3A_346 : vector<16xi32>
    %le3A_348 = arith.constant 0.000000e+00 : f32
    %le3A_349 = vector.broadcast %le3A_348 : f32 to vector<16xf32>
    %le3A_350 = arith.cmpf ole, %gather3A_331, %le3A_349 : vector<16xf32>
    %jit3A_351 = arith.constant 15 : i32
    %broadcast_in_dim3A_352 = vector.broadcast %jit3A_351 : i32 to vector<16xi32>
    %select_n3A_353 = arith.select %le3A_350, %broadcast_in_dim3A_352, %sub3A_347 : vector<16xi1>, vector<16xi32>
    %max3A_354 = arith.constant 0 : i32
    %max3A_355 = vector.broadcast %max3A_354 : i32 to vector<16xi32>
    %max3A_356 = arith.maxsi %select_n3A_353, %max3A_355 : vector<16xi32>
    %min3A_357 = arith.constant 15 : i32
    %min3A_358 = vector.broadcast %min3A_357 : i32 to vector<16xi32>
    %min3A_359 = arith.minsi %max3A_356, %min3A_358 : vector<16xi32>
    %mul3A_360 = arith.constant 16 : i32
    %mul3A_361 = vector.broadcast %mul3A_360 : i32 to vector<16xi32>
    %mul3A_362 = arith.muli %iota3A, %mul3A_361 : vector<16xi32>
    %add3A_363 = arith.addi %mul3A_362, %min3A_359 : vector<16xi32>
    tpu.vector_store_idx %arg8[%add3A_363], %gather3A_331 {add = true} : memref<256xf32, #tpu.memory_space<vmem>>[vector<16xi32>], vector<16xf32>,
    tpu.vector_store_idx %arg9[%add3A_363], %convert_element_type3A_335 {add = true} : memref<256xf32, #tpu.memory_space<vmem>>[vector<16xi32>], vector<16xf32>,
    %add3A_364 = arith.constant 112 : i32
    %add3A_365 = vector.broadcast %add3A_364 : i32 to vector<16xi32>
    %add3A_366 = arith.addi %add3A_365, %iota3A : vector<16xi32>
    %get3A_367 = arith.constant 8816 : index
    %get3A_368 = tpu.vector_load %arg5[%get3A_367] {strides = array<i32>} : memref<9216xi32, #tpu.memory_space<vmem>>, vector<16xi32>,
    %and3A_369 = arith.constant 127 : i32
    %and3A_370 = vector.broadcast %and3A_369 : i32 to vector<16xi32>
    %and3A_371 = arith.andi %get3A_368, %and3A_370 : vector<16xi32>
    %gather3A_372 = tpu.vector_load_idx %arg6[%and3A_371, %add3A_366] : memref<100x256xf32, #tpu.memory_space<vmem>>[vector<16xi32>, vector<16xi32>], vector<16xf32>,
    %shift_right_arithmetic3A_373 = arith.constant 7 : i32
    %shift_right_arithmetic3A_374 = vector.broadcast %shift_right_arithmetic3A_373 : i32 to vector<16xi32>
    %shift_right_arithmetic3A_375 = arith.shrsi %get3A_368, %shift_right_arithmetic3A_374 : vector<16xi32>
    %convert_element_type3A_376 = arith.sitofp %shift_right_arithmetic3A_375 : vector<16xi32> to vector<16xf32>
    %mul3A_377 = arith.constant 1.500000e+01 : f32
    %mul3A_378 = vector.broadcast %mul3A_377 : f32 to vector<16xf32>
    %mul3A_379 = arith.mulf %gather3A_372, %mul3A_378 : vector<16xf32>
    %convert_element_type3A_380 = arith.fptosi %mul3A_379 : vector<16xf32> to vector<16xi32>
    %convert_element_type3A_381 = arith.sitofp %convert_element_type3A_380 : vector<16xi32> to vector<16xf32>
    %eq3A_382 = arith.cmpf oeq, %mul3A_379, %convert_element_type3A_381 : vector<16xf32>
    %jit3A_383 = arith.constant 1 : i32
    %jit3A_384 = arith.constant 0 : i32
    %broadcast_in_dim3A_385 = vector.broadcast %jit3A_383 : i32 to vector<16xi32>
    %broadcast_in_dim3A_386 = vector.broadcast %jit3A_384 : i32 to vector<16xi32>
    %select_n3A_387 = arith.select %eq3A_382, %broadcast_in_dim3A_385, %broadcast_in_dim3A_386 : vector<16xi1>, vector<16xi32>
    %sub3A_388 = arith.subi %convert_element_type3A_380, %select_n3A_387 : vector<16xi32>
    %le3A_389 = arith.constant 0.000000e+00 : f32
    %le3A_390 = vector.broadcast %le3A_389 : f32 to vector<16xf32>
    %le3A_391 = arith.cmpf ole, %gather3A_372, %le3A_390 : vector<16xf32>
    %jit3A_392 = arith.constant 15 : i32
    %broadcast_in_dim3A_393 = vector.broadcast %jit3A_392 : i32 to vector<16xi32>
    %select_n3A_394 = arith.select %le3A_391, %broadcast_in_dim3A_393, %sub3A_388 : vector<16xi1>, vector<16xi32>
    %max3A_395 = arith.constant 0 : i32
    %max3A_396 = vector.broadcast %max3A_395 : i32 to vector<16xi32>
    %max3A_397 = arith.maxsi %select_n3A_394, %max3A_396 : vector<16xi32>
    %min3A_398 = arith.constant 15 : i32
    %min3A_399 = vector.broadcast %min3A_398 : i32 to vector<16xi32>
    %min3A_400 = arith.minsi %max3A_397, %min3A_399 : vector<16xi32>
    %mul3A_401 = arith.constant 16 : i32
    %mul3A_402 = vector.broadcast %mul3A_401 : i32 to vector<16xi32>
    %mul3A_403 = arith.muli %iota3A, %mul3A_402 : vector<16xi32>
    %add3A_404 = arith.addi %mul3A_403, %min3A_400 : vector<16xi32>
    tpu.vector_store_idx %arg8[%add3A_404], %gather3A_372 {add = true} : memref<256xf32, #tpu.memory_space<vmem>>[vector<16xi32>], vector<16xf32>,
    tpu.vector_store_idx %arg9[%add3A_404], %convert_element_type3A_376 {add = true} : memref<256xf32, #tpu.memory_space<vmem>>[vector<16xi32>], vector<16xf32>,
    %add3A_405 = arith.constant 128 : i32
    %add3A_406 = vector.broadcast %add3A_405 : i32 to vector<16xi32>
    %add3A_407 = arith.addi %add3A_406, %iota3A : vector<16xi32>
    %get3A_408 = arith.constant 8832 : index
    %get3A_409 = tpu.vector_load %arg5[%get3A_408] {strides = array<i32>} : memref<9216xi32, #tpu.memory_space<vmem>>, vector<16xi32>,
    %and3A_410 = arith.constant 127 : i32
    %and3A_411 = vector.broadcast %and3A_410 : i32 to vector<16xi32>
    %and3A_412 = arith.andi %get3A_409, %and3A_411 : vector<16xi32>
    %gather3A_413 = tpu.vector_load_idx %arg6[%and3A_412, %add3A_407] : memref<100x256xf32, #tpu.memory_space<vmem>>[vector<16xi32>, vector<16xi32>], vector<16xf32>,
    %shift_right_arithmetic3A_414 = arith.constant 7 : i32
    %shift_right_arithmetic3A_415 = vector.broadcast %shift_right_arithmetic3A_414 : i32 to vector<16xi32>
    %shift_right_arithmetic3A_416 = arith.shrsi %get3A_409, %shift_right_arithmetic3A_415 : vector<16xi32>
    %convert_element_type3A_417 = arith.sitofp %shift_right_arithmetic3A_416 : vector<16xi32> to vector<16xf32>
    %mul3A_418 = arith.constant 1.500000e+01 : f32
    %mul3A_419 = vector.broadcast %mul3A_418 : f32 to vector<16xf32>
    %mul3A_420 = arith.mulf %gather3A_413, %mul3A_419 : vector<16xf32>
    %convert_element_type3A_421 = arith.fptosi %mul3A_420 : vector<16xf32> to vector<16xi32>
    %convert_element_type3A_422 = arith.sitofp %convert_element_type3A_421 : vector<16xi32> to vector<16xf32>
    %eq3A_423 = arith.cmpf oeq, %mul3A_420, %convert_element_type3A_422 : vector<16xf32>
    %jit3A_424 = arith.constant 1 : i32
    %jit3A_425 = arith.constant 0 : i32
    %broadcast_in_dim3A_426 = vector.broadcast %jit3A_424 : i32 to vector<16xi32>
    %broadcast_in_dim3A_427 = vector.broadcast %jit3A_425 : i32 to vector<16xi32>
    %select_n3A_428 = arith.select %eq3A_423, %broadcast_in_dim3A_426, %broadcast_in_dim3A_427 : vector<16xi1>, vector<16xi32>
    %sub3A_429 = arith.subi %convert_element_type3A_421, %select_n3A_428 : vector<16xi32>
    %le3A_430 = arith.constant 0.000000e+00 : f32
    %le3A_431 = vector.broadcast %le3A_430 : f32 to vector<16xf32>
    %le3A_432 = arith.cmpf ole, %gather3A_413, %le3A_431 : vector<16xf32>
    %jit3A_433 = arith.constant 15 : i32
    %broadcast_in_dim3A_434 = vector.broadcast %jit3A_433 : i32 to vector<16xi32>
    %select_n3A_435 = arith.select %le3A_432, %broadcast_in_dim3A_434, %sub3A_429 : vector<16xi1>, vector<16xi32>
    %max3A_436 = arith.constant 0 : i32
    %max3A_437 = vector.broadcast %max3A_436 : i32 to vector<16xi32>
    %max3A_438 = arith.maxsi %select_n3A_435, %max3A_437 : vector<16xi32>
    %min3A_439 = arith.constant 15 : i32
    %min3A_440 = vector.broadcast %min3A_439 : i32 to vector<16xi32>
    %min3A_441 = arith.minsi %max3A_438, %min3A_440 : vector<16xi32>
    %mul3A_442 = arith.constant 16 : i32
    %mul3A_443 = vector.broadcast %mul3A_442 : i32 to vector<16xi32>
    %mul3A_444 = arith.muli %iota3A, %mul3A_443 : vector<16xi32>
    %add3A_445 = arith.addi %mul3A_444, %min3A_441 : vector<16xi32>
    tpu.vector_store_idx %arg8[%add3A_445], %gather3A_413 {add = true} : memref<256xf32, #tpu.memory_space<vmem>>[vector<16xi32>], vector<16xf32>,
    tpu.vector_store_idx %arg9[%add3A_445], %convert_element_type3A_417 {add = true} : memref<256xf32, #tpu.memory_space<vmem>>[vector<16xi32>], vector<16xf32>,
    %add3A_446 = arith.constant 144 : i32
    %add3A_447 = vector.broadcast %add3A_446 : i32 to vector<16xi32>
    %add3A_448 = arith.addi %add3A_447, %iota3A : vector<16xi32>
    %get3A_449 = arith.constant 8848 : index
    %get3A_450 = tpu.vector_load %arg5[%get3A_449] {strides = array<i32>} : memref<9216xi32, #tpu.memory_space<vmem>>, vector<16xi32>,
    %and3A_451 = arith.constant 127 : i32
    %and3A_452 = vector.broadcast %and3A_451 : i32 to vector<16xi32>
    %and3A_453 = arith.andi %get3A_450, %and3A_452 : vector<16xi32>
    %gather3A_454 = tpu.vector_load_idx %arg6[%and3A_453, %add3A_448] : memref<100x256xf32, #tpu.memory_space<vmem>>[vector<16xi32>, vector<16xi32>], vector<16xf32>,
    %shift_right_arithmetic3A_455 = arith.constant 7 : i32
    %shift_right_arithmetic3A_456 = vector.broadcast %shift_right_arithmetic3A_455 : i32 to vector<16xi32>
    %shift_right_arithmetic3A_457 = arith.shrsi %get3A_450, %shift_right_arithmetic3A_456 : vector<16xi32>
    %convert_element_type3A_458 = arith.sitofp %shift_right_arithmetic3A_457 : vector<16xi32> to vector<16xf32>
    %mul3A_459 = arith.constant 1.500000e+01 : f32
    %mul3A_460 = vector.broadcast %mul3A_459 : f32 to vector<16xf32>
    %mul3A_461 = arith.mulf %gather3A_454, %mul3A_460 : vector<16xf32>
    %convert_element_type3A_462 = arith.fptosi %mul3A_461 : vector<16xf32> to vector<16xi32>
    %convert_element_type3A_463 = arith.sitofp %convert_element_type3A_462 : vector<16xi32> to vector<16xf32>
    %eq3A_464 = arith.cmpf oeq, %mul3A_461, %convert_element_type3A_463 : vector<16xf32>
    %jit3A_465 = arith.constant 1 : i32
    %jit3A_466 = arith.constant 0 : i32
    %broadcast_in_dim3A_467 = vector.broadcast %jit3A_465 : i32 to vector<16xi32>
    %broadcast_in_dim3A_468 = vector.broadcast %jit3A_466 : i32 to vector<16xi32>
    %select_n3A_469 = arith.select %eq3A_464, %broadcast_in_dim3A_467, %broadcast_in_dim3A_468 : vector<16xi1>, vector<16xi32>
    %sub3A_470 = arith.subi %convert_element_type3A_462, %select_n3A_469 : vector<16xi32>
    %le3A_471 = arith.constant 0.000000e+00 : f32
    %le3A_472 = vector.broadcast %le3A_471 : f32 to vector<16xf32>
    %le3A_473 = arith.cmpf ole, %gather3A_454, %le3A_472 : vector<16xf32>
    %jit3A_474 = arith.constant 15 : i32
    %broadcast_in_dim3A_475 = vector.broadcast %jit3A_474 : i32 to vector<16xi32>
    %select_n3A_476 = arith.select %le3A_473, %broadcast_in_dim3A_475, %sub3A_470 : vector<16xi1>, vector<16xi32>
    %max3A_477 = arith.constant 0 : i32
    %max3A_478 = vector.broadcast %max3A_477 : i32 to vector<16xi32>
    %max3A_479 = arith.maxsi %select_n3A_476, %max3A_478 : vector<16xi32>
    %min3A_480 = arith.constant 15 : i32
    %min3A_481 = vector.broadcast %min3A_480 : i32 to vector<16xi32>
    %min3A_482 = arith.minsi %max3A_479, %min3A_481 : vector<16xi32>
    %mul3A_483 = arith.constant 16 : i32
    %mul3A_484 = vector.broadcast %mul3A_483 : i32 to vector<16xi32>
    %mul3A_485 = arith.muli %iota3A, %mul3A_484 : vector<16xi32>
    %add3A_486 = arith.addi %mul3A_485, %min3A_482 : vector<16xi32>
    tpu.vector_store_idx %arg8[%add3A_486], %gather3A_454 {add = true} : memref<256xf32, #tpu.memory_space<vmem>>[vector<16xi32>], vector<16xf32>,
    tpu.vector_store_idx %arg9[%add3A_486], %convert_element_type3A_458 {add = true} : memref<256xf32, #tpu.memory_space<vmem>>[vector<16xi32>], vector<16xf32>,
    %add3A_487 = arith.constant 160 : i32
    %add3A_488 = vector.broadcast %add3A_487 : i32 to vector<16xi32>
    %add3A_489 = arith.addi %add3A_488, %iota3A : vector<16xi32>
    %get3A_490 = arith.constant 8864 : index
    %get3A_491 = tpu.vector_load %arg5[%get3A_490] {strides = array<i32>} : memref<9216xi32, #tpu.memory_space<vmem>>, vector<16xi32>,
    %and3A_492 = arith.constant 127 : i32
    %and3A_493 = vector.broadcast %and3A_492 : i32 to vector<16xi32>
    %and3A_494 = arith.andi %get3A_491, %and3A_493 : vector<16xi32>
    %gather3A_495 = tpu.vector_load_idx %arg6[%and3A_494, %add3A_489] : memref<100x256xf32, #tpu.memory_space<vmem>>[vector<16xi32>, vector<16xi32>], vector<16xf32>,
    %shift_right_arithmetic3A_496 = arith.constant 7 : i32
    %shift_right_arithmetic3A_497 = vector.broadcast %shift_right_arithmetic3A_496 : i32 to vector<16xi32>
    %shift_right_arithmetic3A_498 = arith.shrsi %get3A_491, %shift_right_arithmetic3A_497 : vector<16xi32>
    %convert_element_type3A_499 = arith.sitofp %shift_right_arithmetic3A_498 : vector<16xi32> to vector<16xf32>
    %mul3A_500 = arith.constant 1.500000e+01 : f32
    %mul3A_501 = vector.broadcast %mul3A_500 : f32 to vector<16xf32>
    %mul3A_502 = arith.mulf %gather3A_495, %mul3A_501 : vector<16xf32>
    %convert_element_type3A_503 = arith.fptosi %mul3A_502 : vector<16xf32> to vector<16xi32>
    %convert_element_type3A_504 = arith.sitofp %convert_element_type3A_503 : vector<16xi32> to vector<16xf32>
    %eq3A_505 = arith.cmpf oeq, %mul3A_502, %convert_element_type3A_504 : vector<16xf32>
    %jit3A_506 = arith.constant 1 : i32
    %jit3A_507 = arith.constant 0 : i32
    %broadcast_in_dim3A_508 = vector.broadcast %jit3A_506 : i32 to vector<16xi32>
    %broadcast_in_dim3A_509 = vector.broadcast %jit3A_507 : i32 to vector<16xi32>
    %select_n3A_510 = arith.select %eq3A_505, %broadcast_in_dim3A_508, %broadcast_in_dim3A_509 : vector<16xi1>, vector<16xi32>
    %sub3A_511 = arith.subi %convert_element_type3A_503, %select_n3A_510 : vector<16xi32>
    %le3A_512 = arith.constant 0.000000e+00 : f32
    %le3A_513 = vector.broadcast %le3A_512 : f32 to vector<16xf32>
    %le3A_514 = arith.cmpf ole, %gather3A_495, %le3A_513 : vector<16xf32>
    %jit3A_515 = arith.constant 15 : i32
    %broadcast_in_dim3A_516 = vector.broadcast %jit3A_515 : i32 to vector<16xi32>
    %select_n3A_517 = arith.select %le3A_514, %broadcast_in_dim3A_516, %sub3A_511 : vector<16xi1>, vector<16xi32>
    %max3A_518 = arith.constant 0 : i32
    %max3A_519 = vector.broadcast %max3A_518 : i32 to vector<16xi32>
    %max3A_520 = arith.maxsi %select_n3A_517, %max3A_519 : vector<16xi32>
    %min3A_521 = arith.constant 15 : i32
    %min3A_522 = vector.broadcast %min3A_521 : i32 to vector<16xi32>
    %min3A_523 = arith.minsi %max3A_520, %min3A_522 : vector<16xi32>
    %mul3A_524 = arith.constant 16 : i32
    %mul3A_525 = vector.broadcast %mul3A_524 : i32 to vector<16xi32>
    %mul3A_526 = arith.muli %iota3A, %mul3A_525 : vector<16xi32>
    %add3A_527 = arith.addi %mul3A_526, %min3A_523 : vector<16xi32>
    tpu.vector_store_idx %arg8[%add3A_527], %gather3A_495 {add = true} : memref<256xf32, #tpu.memory_space<vmem>>[vector<16xi32>], vector<16xf32>,
    tpu.vector_store_idx %arg9[%add3A_527], %convert_element_type3A_499 {add = true} : memref<256xf32, #tpu.memory_space<vmem>>[vector<16xi32>], vector<16xf32>,
    %add3A_528 = arith.constant 176 : i32
    %add3A_529 = vector.broadcast %add3A_528 : i32 to vector<16xi32>
    %add3A_530 = arith.addi %add3A_529, %iota3A : vector<16xi32>
    %get3A_531 = arith.constant 8880 : index
    %get3A_532 = tpu.vector_load %arg5[%get3A_531] {strides = array<i32>} : memref<9216xi32, #tpu.memory_space<vmem>>, vector<16xi32>,
    %and3A_533 = arith.constant 127 : i32
    %and3A_534 = vector.broadcast %and3A_533 : i32 to vector<16xi32>
    %and3A_535 = arith.andi %get3A_532, %and3A_534 : vector<16xi32>
    %gather3A_536 = tpu.vector_load_idx %arg6[%and3A_535, %add3A_530] : memref<100x256xf32, #tpu.memory_space<vmem>>[vector<16xi32>, vector<16xi32>], vector<16xf32>,
    %shift_right_arithmetic3A_537 = arith.constant 7 : i32
    %shift_right_arithmetic3A_538 = vector.broadcast %shift_right_arithmetic3A_537 : i32 to vector<16xi32>
    %shift_right_arithmetic3A_539 = arith.shrsi %get3A_532, %shift_right_arithmetic3A_538 : vector<16xi32>
    %convert_element_type3A_540 = arith.sitofp %shift_right_arithmetic3A_539 : vector<16xi32> to vector<16xf32>
    %mul3A_541 = arith.constant 1.500000e+01 : f32
    %mul3A_542 = vector.broadcast %mul3A_541 : f32 to vector<16xf32>
    %mul3A_543 = arith.mulf %gather3A_536, %mul3A_542 : vector<16xf32>
    %convert_element_type3A_544 = arith.fptosi %mul3A_543 : vector<16xf32> to vector<16xi32>
    %convert_element_type3A_545 = arith.sitofp %convert_element_type3A_544 : vector<16xi32> to vector<16xf32>
    %eq3A_546 = arith.cmpf oeq, %mul3A_543, %convert_element_type3A_545 : vector<16xf32>
    %jit3A_547 = arith.constant 1 : i32
    %jit3A_548 = arith.constant 0 : i32
    %broadcast_in_dim3A_549 = vector.broadcast %jit3A_547 : i32 to vector<16xi32>
    %broadcast_in_dim3A_550 = vector.broadcast %jit3A_548 : i32 to vector<16xi32>
    %select_n3A_551 = arith.select %eq3A_546, %broadcast_in_dim3A_549, %broadcast_in_dim3A_550 : vector<16xi1>, vector<16xi32>
    %sub3A_552 = arith.subi %convert_element_type3A_544, %select_n3A_551 : vector<16xi32>
    %le3A_553 = arith.constant 0.000000e+00 : f32
    %le3A_554 = vector.broadcast %le3A_553 : f32 to vector<16xf32>
    %le3A_555 = arith.cmpf ole, %gather3A_536, %le3A_554 : vector<16xf32>
    %jit3A_556 = arith.constant 15 : i32
    %broadcast_in_dim3A_557 = vector.broadcast %jit3A_556 : i32 to vector<16xi32>
    %select_n3A_558 = arith.select %le3A_555, %broadcast_in_dim3A_557, %sub3A_552 : vector<16xi1>, vector<16xi32>
    %max3A_559 = arith.constant 0 : i32
    %max3A_560 = vector.broadcast %max3A_559 : i32 to vector<16xi32>
    %max3A_561 = arith.maxsi %select_n3A_558, %max3A_560 : vector<16xi32>
    %min3A_562 = arith.constant 15 : i32
    %min3A_563 = vector.broadcast %min3A_562 : i32 to vector<16xi32>
    %min3A_564 = arith.minsi %max3A_561, %min3A_563 : vector<16xi32>
    %mul3A_565 = arith.constant 16 : i32
    %mul3A_566 = vector.broadcast %mul3A_565 : i32 to vector<16xi32>
    %mul3A_567 = arith.muli %iota3A, %mul3A_566 : vector<16xi32>
    %add3A_568 = arith.addi %mul3A_567, %min3A_564 : vector<16xi32>
    tpu.vector_store_idx %arg8[%add3A_568], %gather3A_536 {add = true} : memref<256xf32, #tpu.memory_space<vmem>>[vector<16xi32>], vector<16xf32>,
    tpu.vector_store_idx %arg9[%add3A_568], %convert_element_type3A_540 {add = true} : memref<256xf32, #tpu.memory_space<vmem>>[vector<16xi32>], vector<16xf32>,
    %add3A_569 = arith.constant 192 : i32
    %add3A_570 = vector.broadcast %add3A_569 : i32 to vector<16xi32>
    %add3A_571 = arith.addi %add3A_570, %iota3A : vector<16xi32>
    %get3A_572 = arith.constant 8896 : index
    %get3A_573 = tpu.vector_load %arg5[%get3A_572] {strides = array<i32>} : memref<9216xi32, #tpu.memory_space<vmem>>, vector<16xi32>,
    %and3A_574 = arith.constant 127 : i32
    %and3A_575 = vector.broadcast %and3A_574 : i32 to vector<16xi32>
    %and3A_576 = arith.andi %get3A_573, %and3A_575 : vector<16xi32>
    %gather3A_577 = tpu.vector_load_idx %arg6[%and3A_576, %add3A_571] : memref<100x256xf32, #tpu.memory_space<vmem>>[vector<16xi32>, vector<16xi32>], vector<16xf32>,
    %shift_right_arithmetic3A_578 = arith.constant 7 : i32
    %shift_right_arithmetic3A_579 = vector.broadcast %shift_right_arithmetic3A_578 : i32 to vector<16xi32>
    %shift_right_arithmetic3A_580 = arith.shrsi %get3A_573, %shift_right_arithmetic3A_579 : vector<16xi32>
    %convert_element_type3A_581 = arith.sitofp %shift_right_arithmetic3A_580 : vector<16xi32> to vector<16xf32>
    %mul3A_582 = arith.constant 1.500000e+01 : f32
    %mul3A_583 = vector.broadcast %mul3A_582 : f32 to vector<16xf32>
    %mul3A_584 = arith.mulf %gather3A_577, %mul3A_583 : vector<16xf32>
    %convert_element_type3A_585 = arith.fptosi %mul3A_584 : vector<16xf32> to vector<16xi32>
    %convert_element_type3A_586 = arith.sitofp %convert_element_type3A_585 : vector<16xi32> to vector<16xf32>
    %eq3A_587 = arith.cmpf oeq, %mul3A_584, %convert_element_type3A_586 : vector<16xf32>
    %jit3A_588 = arith.constant 1 : i32
    %jit3A_589 = arith.constant 0 : i32
    %broadcast_in_dim3A_590 = vector.broadcast %jit3A_588 : i32 to vector<16xi32>
    %broadcast_in_dim3A_591 = vector.broadcast %jit3A_589 : i32 to vector<16xi32>
    %select_n3A_592 = arith.select %eq3A_587, %broadcast_in_dim3A_590, %broadcast_in_dim3A_591 : vector<16xi1>, vector<16xi32>
    %sub3A_593 = arith.subi %convert_element_type3A_585, %select_n3A_592 : vector<16xi32>
    %le3A_594 = arith.constant 0.000000e+00 : f32
    %le3A_595 = vector.broadcast %le3A_594 : f32 to vector<16xf32>
    %le3A_596 = arith.cmpf ole, %gather3A_577, %le3A_595 : vector<16xf32>
    %jit3A_597 = arith.constant 15 : i32
    %broadcast_in_dim3A_598 = vector.broadcast %jit3A_597 : i32 to vector<16xi32>
    %select_n3A_599 = arith.select %le3A_596, %broadcast_in_dim3A_598, %sub3A_593 : vector<16xi1>, vector<16xi32>
    %max3A_600 = arith.constant 0 : i32
    %max3A_601 = vector.broadcast %max3A_600 : i32 to vector<16xi32>
    %max3A_602 = arith.maxsi %select_n3A_599, %max3A_601 : vector<16xi32>
    %min3A_603 = arith.constant 15 : i32
    %min3A_604 = vector.broadcast %min3A_603 : i32 to vector<16xi32>
    %min3A_605 = arith.minsi %max3A_602, %min3A_604 : vector<16xi32>
    %mul3A_606 = arith.constant 16 : i32
    %mul3A_607 = vector.broadcast %mul3A_606 : i32 to vector<16xi32>
    %mul3A_608 = arith.muli %iota3A, %mul3A_607 : vector<16xi32>
    %add3A_609 = arith.addi %mul3A_608, %min3A_605 : vector<16xi32>
    tpu.vector_store_idx %arg8[%add3A_609], %gather3A_577 {add = true} : memref<256xf32, #tpu.memory_space<vmem>>[vector<16xi32>], vector<16xf32>,
    tpu.vector_store_idx %arg9[%add3A_609], %convert_element_type3A_581 {add = true} : memref<256xf32, #tpu.memory_space<vmem>>[vector<16xi32>], vector<16xf32>,
    %add3A_610 = arith.constant 208 : i32
    %add3A_611 = vector.broadcast %add3A_610 : i32 to vector<16xi32>
    %add3A_612 = arith.addi %add3A_611, %iota3A : vector<16xi32>
    %get3A_613 = arith.constant 8912 : index
    %get3A_614 = tpu.vector_load %arg5[%get3A_613] {strides = array<i32>} : memref<9216xi32, #tpu.memory_space<vmem>>, vector<16xi32>,
    %and3A_615 = arith.constant 127 : i32
    %and3A_616 = vector.broadcast %and3A_615 : i32 to vector<16xi32>
    %and3A_617 = arith.andi %get3A_614, %and3A_616 : vector<16xi32>
    %gather3A_618 = tpu.vector_load_idx %arg6[%and3A_617, %add3A_612] : memref<100x256xf32, #tpu.memory_space<vmem>>[vector<16xi32>, vector<16xi32>], vector<16xf32>,
    %shift_right_arithmetic3A_619 = arith.constant 7 : i32
    %shift_right_arithmetic3A_620 = vector.broadcast %shift_right_arithmetic3A_619 : i32 to vector<16xi32>
    %shift_right_arithmetic3A_621 = arith.shrsi %get3A_614, %shift_right_arithmetic3A_620 : vector<16xi32>
    %convert_element_type3A_622 = arith.sitofp %shift_right_arithmetic3A_621 : vector<16xi32> to vector<16xf32>
    %mul3A_623 = arith.constant 1.500000e+01 : f32
    %mul3A_624 = vector.broadcast %mul3A_623 : f32 to vector<16xf32>
    %mul3A_625 = arith.mulf %gather3A_618, %mul3A_624 : vector<16xf32>
    %convert_element_type3A_626 = arith.fptosi %mul3A_625 : vector<16xf32> to vector<16xi32>
    %convert_element_type3A_627 = arith.sitofp %convert_element_type3A_626 : vector<16xi32> to vector<16xf32>
    %eq3A_628 = arith.cmpf oeq, %mul3A_625, %convert_element_type3A_627 : vector<16xf32>
    %jit3A_629 = arith.constant 1 : i32
    %jit3A_630 = arith.constant 0 : i32
    %broadcast_in_dim3A_631 = vector.broadcast %jit3A_629 : i32 to vector<16xi32>
    %broadcast_in_dim3A_632 = vector.broadcast %jit3A_630 : i32 to vector<16xi32>
    %select_n3A_633 = arith.select %eq3A_628, %broadcast_in_dim3A_631, %broadcast_in_dim3A_632 : vector<16xi1>, vector<16xi32>
    %sub3A_634 = arith.subi %convert_element_type3A_626, %select_n3A_633 : vector<16xi32>
    %le3A_635 = arith.constant 0.000000e+00 : f32
    %le3A_636 = vector.broadcast %le3A_635 : f32 to vector<16xf32>
    %le3A_637 = arith.cmpf ole, %gather3A_618, %le3A_636 : vector<16xf32>
    %jit3A_638 = arith.constant 15 : i32
    %broadcast_in_dim3A_639 = vector.broadcast %jit3A_638 : i32 to vector<16xi32>
    %select_n3A_640 = arith.select %le3A_637, %broadcast_in_dim3A_639, %sub3A_634 : vector<16xi1>, vector<16xi32>
    %max3A_641 = arith.constant 0 : i32
    %max3A_642 = vector.broadcast %max3A_641 : i32 to vector<16xi32>
    %max3A_643 = arith.maxsi %select_n3A_640, %max3A_642 : vector<16xi32>
    %min3A_644 = arith.constant 15 : i32
    %min3A_645 = vector.broadcast %min3A_644 : i32 to vector<16xi32>
    %min3A_646 = arith.minsi %max3A_643, %min3A_645 : vector<16xi32>
    %mul3A_647 = arith.constant 16 : i32
    %mul3A_648 = vector.broadcast %mul3A_647 : i32 to vector<16xi32>
    %mul3A_649 = arith.muli %iota3A, %mul3A_648 : vector<16xi32>
    %add3A_650 = arith.addi %mul3A_649, %min3A_646 : vector<16xi32>
    tpu.vector_store_idx %arg8[%add3A_650], %gather3A_618 {add = true} : memref<256xf32, #tpu.memory_space<vmem>>[vector<16xi32>], vector<16xf32>,
    tpu.vector_store_idx %arg9[%add3A_650], %convert_element_type3A_622 {add = true} : memref<256xf32, #tpu.memory_space<vmem>>[vector<16xi32>], vector<16xf32>,
    %add3A_651 = arith.constant 224 : i32
    %add3A_652 = vector.broadcast %add3A_651 : i32 to vector<16xi32>
    %add3A_653 = arith.addi %add3A_652, %iota3A : vector<16xi32>
    %get3A_654 = arith.constant 8928 : index
    %get3A_655 = tpu.vector_load %arg5[%get3A_654] {strides = array<i32>} : memref<9216xi32, #tpu.memory_space<vmem>>, vector<16xi32>,
    %and3A_656 = arith.constant 127 : i32
    %and3A_657 = vector.broadcast %and3A_656 : i32 to vector<16xi32>
    %and3A_658 = arith.andi %get3A_655, %and3A_657 : vector<16xi32>
    %gather3A_659 = tpu.vector_load_idx %arg6[%and3A_658, %add3A_653] : memref<100x256xf32, #tpu.memory_space<vmem>>[vector<16xi32>, vector<16xi32>], vector<16xf32>,
    %shift_right_arithmetic3A_660 = arith.constant 7 : i32
    %shift_right_arithmetic3A_661 = vector.broadcast %shift_right_arithmetic3A_660 : i32 to vector<16xi32>
    %shift_right_arithmetic3A_662 = arith.shrsi %get3A_655, %shift_right_arithmetic3A_661 : vector<16xi32>
    %convert_element_type3A_663 = arith.sitofp %shift_right_arithmetic3A_662 : vector<16xi32> to vector<16xf32>
    %mul3A_664 = arith.constant 1.500000e+01 : f32
    %mul3A_665 = vector.broadcast %mul3A_664 : f32 to vector<16xf32>
    %mul3A_666 = arith.mulf %gather3A_659, %mul3A_665 : vector<16xf32>
    %convert_element_type3A_667 = arith.fptosi %mul3A_666 : vector<16xf32> to vector<16xi32>
    %convert_element_type3A_668 = arith.sitofp %convert_element_type3A_667 : vector<16xi32> to vector<16xf32>
    %eq3A_669 = arith.cmpf oeq, %mul3A_666, %convert_element_type3A_668 : vector<16xf32>
    %jit3A_670 = arith.constant 1 : i32
    %jit3A_671 = arith.constant 0 : i32
    %broadcast_in_dim3A_672 = vector.broadcast %jit3A_670 : i32 to vector<16xi32>
    %broadcast_in_dim3A_673 = vector.broadcast %jit3A_671 : i32 to vector<16xi32>
    %select_n3A_674 = arith.select %eq3A_669, %broadcast_in_dim3A_672, %broadcast_in_dim3A_673 : vector<16xi1>, vector<16xi32>
    %sub3A_675 = arith.subi %convert_element_type3A_667, %select_n3A_674 : vector<16xi32>
    %le3A_676 = arith.constant 0.000000e+00 : f32
    %le3A_677 = vector.broadcast %le3A_676 : f32 to vector<16xf32>
    %le3A_678 = arith.cmpf ole, %gather3A_659, %le3A_677 : vector<16xf32>
    %jit3A_679 = arith.constant 15 : i32
    %broadcast_in_dim3A_680 = vector.broadcast %jit3A_679 : i32 to vector<16xi32>
    %select_n3A_681 = arith.select %le3A_678, %broadcast_in_dim3A_680, %sub3A_675 : vector<16xi1>, vector<16xi32>
    %max3A_682 = arith.constant 0 : i32
    %max3A_683 = vector.broadcast %max3A_682 : i32 to vector<16xi32>
    %max3A_684 = arith.maxsi %select_n3A_681, %max3A_683 : vector<16xi32>
    %min3A_685 = arith.constant 15 : i32
    %min3A_686 = vector.broadcast %min3A_685 : i32 to vector<16xi32>
    %min3A_687 = arith.minsi %max3A_684, %min3A_686 : vector<16xi32>
    %mul3A_688 = arith.constant 16 : i32
    %mul3A_689 = vector.broadcast %mul3A_688 : i32 to vector<16xi32>
    %mul3A_690 = arith.muli %iota3A, %mul3A_689 : vector<16xi32>
    %add3A_691 = arith.addi %mul3A_690, %min3A_687 : vector<16xi32>
    tpu.vector_store_idx %arg8[%add3A_691], %gather3A_659 {add = true} : memref<256xf32, #tpu.memory_space<vmem>>[vector<16xi32>], vector<16xf32>,
    tpu.vector_store_idx %arg9[%add3A_691], %convert_element_type3A_663 {add = true} : memref<256xf32, #tpu.memory_space<vmem>>[vector<16xi32>], vector<16xf32>,
    %add3A_692 = arith.constant 240 : i32
    %add3A_693 = vector.broadcast %add3A_692 : i32 to vector<16xi32>
    %add3A_694 = arith.addi %add3A_693, %iota3A : vector<16xi32>
    %get3A_695 = arith.constant 8944 : index
    %get3A_696 = tpu.vector_load %arg5[%get3A_695] {strides = array<i32>} : memref<9216xi32, #tpu.memory_space<vmem>>, vector<16xi32>,
    %and3A_697 = arith.constant 127 : i32
    %and3A_698 = vector.broadcast %and3A_697 : i32 to vector<16xi32>
    %and3A_699 = arith.andi %get3A_696, %and3A_698 : vector<16xi32>
    %gather3A_700 = tpu.vector_load_idx %arg6[%and3A_699, %add3A_694] : memref<100x256xf32, #tpu.memory_space<vmem>>[vector<16xi32>, vector<16xi32>], vector<16xf32>,
    %shift_right_arithmetic3A_701 = arith.constant 7 : i32
    %shift_right_arithmetic3A_702 = vector.broadcast %shift_right_arithmetic3A_701 : i32 to vector<16xi32>
    %shift_right_arithmetic3A_703 = arith.shrsi %get3A_696, %shift_right_arithmetic3A_702 : vector<16xi32>
    %convert_element_type3A_704 = arith.sitofp %shift_right_arithmetic3A_703 : vector<16xi32> to vector<16xf32>
    %mul3A_705 = arith.constant 1.500000e+01 : f32
    %mul3A_706 = vector.broadcast %mul3A_705 : f32 to vector<16xf32>
    %mul3A_707 = arith.mulf %gather3A_700, %mul3A_706 : vector<16xf32>
    %convert_element_type3A_708 = arith.fptosi %mul3A_707 : vector<16xf32> to vector<16xi32>
    %convert_element_type3A_709 = arith.sitofp %convert_element_type3A_708 : vector<16xi32> to vector<16xf32>
    %eq3A_710 = arith.cmpf oeq, %mul3A_707, %convert_element_type3A_709 : vector<16xf32>
    %jit3A_711 = arith.constant 1 : i32
    %jit3A_712 = arith.constant 0 : i32
    %broadcast_in_dim3A_713 = vector.broadcast %jit3A_711 : i32 to vector<16xi32>
    %broadcast_in_dim3A_714 = vector.broadcast %jit3A_712 : i32 to vector<16xi32>
    %select_n3A_715 = arith.select %eq3A_710, %broadcast_in_dim3A_713, %broadcast_in_dim3A_714 : vector<16xi1>, vector<16xi32>
    %sub3A_716 = arith.subi %convert_element_type3A_708, %select_n3A_715 : vector<16xi32>
    %le3A_717 = arith.constant 0.000000e+00 : f32
    %le3A_718 = vector.broadcast %le3A_717 : f32 to vector<16xf32>
    %le3A_719 = arith.cmpf ole, %gather3A_700, %le3A_718 : vector<16xf32>
    %jit3A_720 = arith.constant 15 : i32
    %broadcast_in_dim3A_721 = vector.broadcast %jit3A_720 : i32 to vector<16xi32>
    %select_n3A_722 = arith.select %le3A_719, %broadcast_in_dim3A_721, %sub3A_716 : vector<16xi1>, vector<16xi32>
    %max3A_723 = arith.constant 0 : i32
    %max3A_724 = vector.broadcast %max3A_723 : i32 to vector<16xi32>
    %max3A_725 = arith.maxsi %select_n3A_722, %max3A_724 : vector<16xi32>
    %min3A_726 = arith.constant 15 : i32
    %min3A_727 = vector.broadcast %min3A_726 : i32 to vector<16xi32>
    %min3A_728 = arith.minsi %max3A_725, %min3A_727 : vector<16xi32>
    %mul3A_729 = arith.constant 16 : i32
    %mul3A_730 = vector.broadcast %mul3A_729 : i32 to vector<16xi32>
    %mul3A_731 = arith.muli %iota3A, %mul3A_730 : vector<16xi32>
    %add3A_732 = arith.addi %mul3A_731, %min3A_728 : vector<16xi32>
    tpu.vector_store_idx %arg8[%add3A_732], %gather3A_700 {add = true} : memref<256xf32, #tpu.memory_space<vmem>>[vector<16xi32>], vector<16xf32>,
    tpu.vector_store_idx %arg9[%add3A_732], %convert_element_type3A_704 {add = true} : memref<256xf32, #tpu.memory_space<vmem>>[vector<16xi32>], vector<16xf32>,
    %dma_wait3A_733 = arith.constant 0 : i32
    %dma_wait3A_734 = arith.constant 0 : i32
    %dma_wait3A_735 = tpu.memref_slice %arg2[%dma_wait3A_733, %dma_wait3A_734] : memref<100x500000xf32, #tpu.memory_space<hbm>> -> memref<100x256xf32, #tpu.memory_space<hbm>>
    %dma_wait3A_736 = arith.constant 0 : i32
    %dma_wait3A_737 = arith.constant 0 : i32
    %dma_wait3A_738 = tpu.memref_slice %arg2[%dma_wait3A_736, %dma_wait3A_737] : memref<100x500000xf32, #tpu.memory_space<hbm>> -> memref<100x256xf32, #tpu.memory_space<hbm>>
    tpu.wait_dma2 semaphore(%arg12 : memref<!tpu.dma_semaphore, #tpu.memory_space<semaphore_mem>>) src(%dma_wait3A_738 : memref<100x256xf32, #tpu.memory_space<hbm>>) dst(%arg7 : memref<100x256xf32, #tpu.memory_space<vmem>>)
    %add3A_739 = arith.constant 0 : i32
    %add3A_740 = vector.broadcast %add3A_739 : i32 to vector<16xi32>
    %add3A_741 = arith.addi %add3A_740, %iota3A : vector<16xi32>
    %get3A_742 = arith.constant 8960 : index
    %get3A_743 = tpu.vector_load %arg5[%get3A_742] {strides = array<i32>} : memref<9216xi32, #tpu.memory_space<vmem>>, vector<16xi32>,
    %and3A_744 = arith.constant 127 : i32
    %and3A_745 = vector.broadcast %and3A_744 : i32 to vector<16xi32>
    %and3A_746 = arith.andi %get3A_743, %and3A_745 : vector<16xi32>
    %gather3A_747 = tpu.vector_load_idx %arg7[%and3A_746, %add3A_741] : memref<100x256xf32, #tpu.memory_space<vmem>>[vector<16xi32>, vector<16xi32>], vector<16xf32>,
    %shift_right_arithmetic3A_748 = arith.constant 7 : i32
    %shift_right_arithmetic3A_749 = vector.broadcast %shift_right_arithmetic3A_748 : i32 to vector<16xi32>
    %shift_right_arithmetic3A_750 = arith.shrsi %get3A_743, %shift_right_arithmetic3A_749 : vector<16xi32>
    %convert_element_type3A_751 = arith.sitofp %shift_right_arithmetic3A_750 : vector<16xi32> to vector<16xf32>
    %mul3A_752 = arith.constant 1.500000e+01 : f32
    %mul3A_753 = vector.broadcast %mul3A_752 : f32 to vector<16xf32>
    %mul3A_754 = arith.mulf %gather3A_747, %mul3A_753 : vector<16xf32>
    %convert_element_type3A_755 = arith.fptosi %mul3A_754 : vector<16xf32> to vector<16xi32>
    %convert_element_type3A_756 = arith.sitofp %convert_element_type3A_755 : vector<16xi32> to vector<16xf32>
    %eq3A_757 = arith.cmpf oeq, %mul3A_754, %convert_element_type3A_756 : vector<16xf32>
    %jit3A_758 = arith.constant 1 : i32
    %jit3A_759 = arith.constant 0 : i32
    %broadcast_in_dim3A_760 = vector.broadcast %jit3A_758 : i32 to vector<16xi32>
    %broadcast_in_dim3A_761 = vector.broadcast %jit3A_759 : i32 to vector<16xi32>
    %select_n3A_762 = arith.select %eq3A_757, %broadcast_in_dim3A_760, %broadcast_in_dim3A_761 : vector<16xi1>, vector<16xi32>
    %sub3A_763 = arith.subi %convert_element_type3A_755, %select_n3A_762 : vector<16xi32>
    %le3A_764 = arith.constant 0.000000e+00 : f32
    %le3A_765 = vector.broadcast %le3A_764 : f32 to vector<16xf32>
    %le3A_766 = arith.cmpf ole, %gather3A_747, %le3A_765 : vector<16xf32>
    %jit3A_767 = arith.constant 15 : i32
    %broadcast_in_dim3A_768 = vector.broadcast %jit3A_767 : i32 to vector<16xi32>
    %select_n3A_769 = arith.select %le3A_766, %broadcast_in_dim3A_768, %sub3A_763 : vector<16xi1>, vector<16xi32>
    %max3A_770 = arith.constant 0 : i32
    %max3A_771 = vector.broadcast %max3A_770 : i32 to vector<16xi32>
    %max3A_772 = arith.maxsi %select_n3A_769, %max3A_771 : vector<16xi32>
    %min3A_773 = arith.constant 15 : i32
    %min3A_774 = vector.broadcast %min3A_773 : i32 to vector<16xi32>
    %min3A_775 = arith.minsi %max3A_772, %min3A_774 : vector<16xi32>
    %mul3A_776 = arith.constant 16 : i32
    %mul3A_777 = vector.broadcast %mul3A_776 : i32 to vector<16xi32>
    %mul3A_778 = arith.muli %iota3A, %mul3A_777 : vector<16xi32>
    %add3A_779 = arith.addi %mul3A_778, %min3A_775 : vector<16xi32>
    tpu.vector_store_idx %arg8[%add3A_779], %gather3A_747 {add = true} : memref<256xf32, #tpu.memory_space<vmem>>[vector<16xi32>], vector<16xf32>,
    tpu.vector_store_idx %arg9[%add3A_779], %convert_element_type3A_751 {add = true} : memref<256xf32, #tpu.memory_space<vmem>>[vector<16xi32>], vector<16xf32>,
    %add3A_780 = arith.constant 16 : i32
    %add3A_781 = vector.broadcast %add3A_780 : i32 to vector<16xi32>
    %add3A_782 = arith.addi %add3A_781, %iota3A : vector<16xi32>
    %get3A_783 = arith.constant 8976 : index
    %get3A_784 = tpu.vector_load %arg5[%get3A_783] {strides = array<i32>} : memref<9216xi32, #tpu.memory_space<vmem>>, vector<16xi32>,
    %and3A_785 = arith.constant 127 : i32
    %and3A_786 = vector.broadcast %and3A_785 : i32 to vector<16xi32>
    %and3A_787 = arith.andi %get3A_784, %and3A_786 : vector<16xi32>
    %gather3A_788 = tpu.vector_load_idx %arg7[%and3A_787, %add3A_782] : memref<100x256xf32, #tpu.memory_space<vmem>>[vector<16xi32>, vector<16xi32>], vector<16xf32>,
    %shift_right_arithmetic3A_789 = arith.constant 7 : i32
    %shift_right_arithmetic3A_790 = vector.broadcast %shift_right_arithmetic3A_789 : i32 to vector<16xi32>
    %shift_right_arithmetic3A_791 = arith.shrsi %get3A_784, %shift_right_arithmetic3A_790 : vector<16xi32>
    %convert_element_type3A_792 = arith.sitofp %shift_right_arithmetic3A_791 : vector<16xi32> to vector<16xf32>
    %mul3A_793 = arith.constant 1.500000e+01 : f32
    %mul3A_794 = vector.broadcast %mul3A_793 : f32 to vector<16xf32>
    %mul3A_795 = arith.mulf %gather3A_788, %mul3A_794 : vector<16xf32>
    %convert_element_type3A_796 = arith.fptosi %mul3A_795 : vector<16xf32> to vector<16xi32>
    %convert_element_type3A_797 = arith.sitofp %convert_element_type3A_796 : vector<16xi32> to vector<16xf32>
    %eq3A_798 = arith.cmpf oeq, %mul3A_795, %convert_element_type3A_797 : vector<16xf32>
    %jit3A_799 = arith.constant 1 : i32
    %jit3A_800 = arith.constant 0 : i32
    %broadcast_in_dim3A_801 = vector.broadcast %jit3A_799 : i32 to vector<16xi32>
    %broadcast_in_dim3A_802 = vector.broadcast %jit3A_800 : i32 to vector<16xi32>
    %select_n3A_803 = arith.select %eq3A_798, %broadcast_in_dim3A_801, %broadcast_in_dim3A_802 : vector<16xi1>, vector<16xi32>
    %sub3A_804 = arith.subi %convert_element_type3A_796, %select_n3A_803 : vector<16xi32>
    %le3A_805 = arith.constant 0.000000e+00 : f32
    %le3A_806 = vector.broadcast %le3A_805 : f32 to vector<16xf32>
    %le3A_807 = arith.cmpf ole, %gather3A_788, %le3A_806 : vector<16xf32>
    %jit3A_808 = arith.constant 15 : i32
    %broadcast_in_dim3A_809 = vector.broadcast %jit3A_808 : i32 to vector<16xi32>
    %select_n3A_810 = arith.select %le3A_807, %broadcast_in_dim3A_809, %sub3A_804 : vector<16xi1>, vector<16xi32>
    %max3A_811 = arith.constant 0 : i32
    %max3A_812 = vector.broadcast %max3A_811 : i32 to vector<16xi32>
    %max3A_813 = arith.maxsi %select_n3A_810, %max3A_812 : vector<16xi32>
    %min3A_814 = arith.constant 15 : i32
    %min3A_815 = vector.broadcast %min3A_814 : i32 to vector<16xi32>
    %min3A_816 = arith.minsi %max3A_813, %min3A_815 : vector<16xi32>
    %mul3A_817 = arith.constant 16 : i32
    %mul3A_818 = vector.broadcast %mul3A_817 : i32 to vector<16xi32>
    %mul3A_819 = arith.muli %iota3A, %mul3A_818 : vector<16xi32>
    %add3A_820 = arith.addi %mul3A_819, %min3A_816 : vector<16xi32>
    tpu.vector_store_idx %arg8[%add3A_820], %gather3A_788 {add = true} : memref<256xf32, #tpu.memory_space<vmem>>[vector<16xi32>], vector<16xf32>,
    tpu.vector_store_idx %arg9[%add3A_820], %convert_element_type3A_792 {add = true} : memref<256xf32, #tpu.memory_space<vmem>>[vector<16xi32>], vector<16xf32>,
    %add3A_821 = arith.constant 32 : i32
    %add3A_822 = vector.broadcast %add3A_821 : i32 to vector<16xi32>
    %add3A_823 = arith.addi %add3A_822, %iota3A : vector<16xi32>
    %get3A_824 = arith.constant 8992 : index
    %get3A_825 = tpu.vector_load %arg5[%get3A_824] {strides = array<i32>} : memref<9216xi32, #tpu.memory_space<vmem>>, vector<16xi32>,
    %and3A_826 = arith.constant 127 : i32
    %and3A_827 = vector.broadcast %and3A_826 : i32 to vector<16xi32>
    %and3A_828 = arith.andi %get3A_825, %and3A_827 : vector<16xi32>
    %gather3A_829 = tpu.vector_load_idx %arg7[%and3A_828, %add3A_823] : memref<100x256xf32, #tpu.memory_space<vmem>>[vector<16xi32>, vector<16xi32>], vector<16xf32>,
    %shift_right_arithmetic3A_830 = arith.constant 7 : i32
    %shift_right_arithmetic3A_831 = vector.broadcast %shift_right_arithmetic3A_830 : i32 to vector<16xi32>
    %shift_right_arithmetic3A_832 = arith.shrsi %get3A_825, %shift_right_arithmetic3A_831 : vector<16xi32>
    %convert_element_type3A_833 = arith.sitofp %shift_right_arithmetic3A_832 : vector<16xi32> to vector<16xf32>
    %mul3A_834 = arith.constant 1.500000e+01 : f32
    %mul3A_835 = vector.broadcast %mul3A_834 : f32 to vector<16xf32>
    %mul3A_836 = arith.mulf %gather3A_829, %mul3A_835 : vector<16xf32>
    %convert_element_type3A_837 = arith.fptosi %mul3A_836 : vector<16xf32> to vector<16xi32>
    %convert_element_type3A_838 = arith.sitofp %convert_element_type3A_837 : vector<16xi32> to vector<16xf32>
    %eq3A_839 = arith.cmpf oeq, %mul3A_836, %convert_element_type3A_838 : vector<16xf32>
    %jit3A_840 = arith.constant 1 : i32
    %jit3A_841 = arith.constant 0 : i32
    %broadcast_in_dim3A_842 = vector.broadcast %jit3A_840 : i32 to vector<16xi32>
    %broadcast_in_dim3A_843 = vector.broadcast %jit3A_841 : i32 to vector<16xi32>
    %select_n3A_844 = arith.select %eq3A_839, %broadcast_in_dim3A_842, %broadcast_in_dim3A_843 : vector<16xi1>, vector<16xi32>
    %sub3A_845 = arith.subi %convert_element_type3A_837, %select_n3A_844 : vector<16xi32>
    %le3A_846 = arith.constant 0.000000e+00 : f32
    %le3A_847 = vector.broadcast %le3A_846 : f32 to vector<16xf32>
    %le3A_848 = arith.cmpf ole, %gather3A_829, %le3A_847 : vector<16xf32>
    %jit3A_849 = arith.constant 15 : i32
    %broadcast_in_dim3A_850 = vector.broadcast %jit3A_849 : i32 to vector<16xi32>
    %select_n3A_851 = arith.select %le3A_848, %broadcast_in_dim3A_850, %sub3A_845 : vector<16xi1>, vector<16xi32>
    %max3A_852 = arith.constant 0 : i32
    %max3A_853 = vector.broadcast %max3A_852 : i32 to vector<16xi32>
    %max3A_854 = arith.maxsi %select_n3A_851, %max3A_853 : vector<16xi32>
    %min3A_855 = arith.constant 15 : i32
    %min3A_856 = vector.broadcast %min3A_855 : i32 to vector<16xi32>
    %min3A_857 = arith.minsi %max3A_854, %min3A_856 : vector<16xi32>
    %mul3A_858 = arith.constant 16 : i32
    %mul3A_859 = vector.broadcast %mul3A_858 : i32 to vector<16xi32>
    %mul3A_860 = arith.muli %iota3A, %mul3A_859 : vector<16xi32>
    %add3A_861 = arith.addi %mul3A_860, %min3A_857 : vector<16xi32>
    tpu.vector_store_idx %arg8[%add3A_861], %gather3A_829 {add = true} : memref<256xf32, #tpu.memory_space<vmem>>[vector<16xi32>], vector<16xf32>,
    tpu.vector_store_idx %arg9[%add3A_861], %convert_element_type3A_833 {add = true} : memref<256xf32, #tpu.memory_space<vmem>>[vector<16xi32>], vector<16xf32>,
    %add3A_862 = arith.constant 48 : i32
    %add3A_863 = vector.broadcast %add3A_862 : i32 to vector<16xi32>
    %add3A_864 = arith.addi %add3A_863, %iota3A : vector<16xi32>
    %get3A_865 = arith.constant 9008 : index
    %get3A_866 = tpu.vector_load %arg5[%get3A_865] {strides = array<i32>} : memref<9216xi32, #tpu.memory_space<vmem>>, vector<16xi32>,
    %and3A_867 = arith.constant 127 : i32
    %and3A_868 = vector.broadcast %and3A_867 : i32 to vector<16xi32>
    %and3A_869 = arith.andi %get3A_866, %and3A_868 : vector<16xi32>
    %gather3A_870 = tpu.vector_load_idx %arg7[%and3A_869, %add3A_864] : memref<100x256xf32, #tpu.memory_space<vmem>>[vector<16xi32>, vector<16xi32>], vector<16xf32>,
    %shift_right_arithmetic3A_871 = arith.constant 7 : i32
    %shift_right_arithmetic3A_872 = vector.broadcast %shift_right_arithmetic3A_871 : i32 to vector<16xi32>
    %shift_right_arithmetic3A_873 = arith.shrsi %get3A_866, %shift_right_arithmetic3A_872 : vector<16xi32>
    %convert_element_type3A_874 = arith.sitofp %shift_right_arithmetic3A_873 : vector<16xi32> to vector<16xf32>
    %mul3A_875 = arith.constant 1.500000e+01 : f32
    %mul3A_876 = vector.broadcast %mul3A_875 : f32 to vector<16xf32>
    %mul3A_877 = arith.mulf %gather3A_870, %mul3A_876 : vector<16xf32>
    %convert_element_type3A_878 = arith.fptosi %mul3A_877 : vector<16xf32> to vector<16xi32>
    %convert_element_type3A_879 = arith.sitofp %convert_element_type3A_878 : vector<16xi32> to vector<16xf32>
    %eq3A_880 = arith.cmpf oeq, %mul3A_877, %convert_element_type3A_879 : vector<16xf32>
    %jit3A_881 = arith.constant 1 : i32
    %jit3A_882 = arith.constant 0 : i32
    %broadcast_in_dim3A_883 = vector.broadcast %jit3A_881 : i32 to vector<16xi32>
    %broadcast_in_dim3A_884 = vector.broadcast %jit3A_882 : i32 to vector<16xi32>
    %select_n3A_885 = arith.select %eq3A_880, %broadcast_in_dim3A_883, %broadcast_in_dim3A_884 : vector<16xi1>, vector<16xi32>
    %sub3A_886 = arith.subi %convert_element_type3A_878, %select_n3A_885 : vector<16xi32>
    %le3A_887 = arith.constant 0.000000e+00 : f32
    %le3A_888 = vector.broadcast %le3A_887 : f32 to vector<16xf32>
    %le3A_889 = arith.cmpf ole, %gather3A_870, %le3A_888 : vector<16xf32>
    %jit3A_890 = arith.constant 15 : i32
    %broadcast_in_dim3A_891 = vector.broadcast %jit3A_890 : i32 to vector<16xi32>
    %select_n3A_892 = arith.select %le3A_889, %broadcast_in_dim3A_891, %sub3A_886 : vector<16xi1>, vector<16xi32>
    %max3A_893 = arith.constant 0 : i32
    %max3A_894 = vector.broadcast %max3A_893 : i32 to vector<16xi32>
    %max3A_895 = arith.maxsi %select_n3A_892, %max3A_894 : vector<16xi32>
    %min3A_896 = arith.constant 15 : i32
    %min3A_897 = vector.broadcast %min3A_896 : i32 to vector<16xi32>
    %min3A_898 = arith.minsi %max3A_895, %min3A_897 : vector<16xi32>
    %mul3A_899 = arith.constant 16 : i32
    %mul3A_900 = vector.broadcast %mul3A_899 : i32 to vector<16xi32>
    %mul3A_901 = arith.muli %iota3A, %mul3A_900 : vector<16xi32>
    %add3A_902 = arith.addi %mul3A_901, %min3A_898 : vector<16xi32>
    tpu.vector_store_idx %arg8[%add3A_902], %gather3A_870 {add = true} : memref<256xf32, #tpu.memory_space<vmem>>[vector<16xi32>], vector<16xf32>,
    tpu.vector_store_idx %arg9[%add3A_902], %convert_element_type3A_874 {add = true} : memref<256xf32, #tpu.memory_space<vmem>>[vector<16xi32>], vector<16xf32>,
    %add3A_903 = arith.constant 64 : i32
    %add3A_904 = vector.broadcast %add3A_903 : i32 to vector<16xi32>
    %add3A_905 = arith.addi %add3A_904, %iota3A : vector<16xi32>
    %get3A_906 = arith.constant 9024 : index
    %get3A_907 = tpu.vector_load %arg5[%get3A_906] {strides = array<i32>} : memref<9216xi32, #tpu.memory_space<vmem>>, vector<16xi32>,
    %and3A_908 = arith.constant 127 : i32
    %and3A_909 = vector.broadcast %and3A_908 : i32 to vector<16xi32>
    %and3A_910 = arith.andi %get3A_907, %and3A_909 : vector<16xi32>
    %gather3A_911 = tpu.vector_load_idx %arg7[%and3A_910, %add3A_905] : memref<100x256xf32, #tpu.memory_space<vmem>>[vector<16xi32>, vector<16xi32>], vector<16xf32>,
    %shift_right_arithmetic3A_912 = arith.constant 7 : i32
    %shift_right_arithmetic3A_913 = vector.broadcast %shift_right_arithmetic3A_912 : i32 to vector<16xi32>
    %shift_right_arithmetic3A_914 = arith.shrsi %get3A_907, %shift_right_arithmetic3A_913 : vector<16xi32>
    %convert_element_type3A_915 = arith.sitofp %shift_right_arithmetic3A_914 : vector<16xi32> to vector<16xf32>
    %mul3A_916 = arith.constant 1.500000e+01 : f32
    %mul3A_917 = vector.broadcast %mul3A_916 : f32 to vector<16xf32>
    %mul3A_918 = arith.mulf %gather3A_911, %mul3A_917 : vector<16xf32>
    %convert_element_type3A_919 = arith.fptosi %mul3A_918 : vector<16xf32> to vector<16xi32>
    %convert_element_type3A_920 = arith.sitofp %convert_element_type3A_919 : vector<16xi32> to vector<16xf32>
    %eq3A_921 = arith.cmpf oeq, %mul3A_918, %convert_element_type3A_920 : vector<16xf32>
    %jit3A_922 = arith.constant 1 : i32
    %jit3A_923 = arith.constant 0 : i32
    %broadcast_in_dim3A_924 = vector.broadcast %jit3A_922 : i32 to vector<16xi32>
    %broadcast_in_dim3A_925 = vector.broadcast %jit3A_923 : i32 to vector<16xi32>
    %select_n3A_926 = arith.select %eq3A_921, %broadcast_in_dim3A_924, %broadcast_in_dim3A_925 : vector<16xi1>, vector<16xi32>
    %sub3A_927 = arith.subi %convert_element_type3A_919, %select_n3A_926 : vector<16xi32>
    %le3A_928 = arith.constant 0.000000e+00 : f32
    %le3A_929 = vector.broadcast %le3A_928 : f32 to vector<16xf32>
    %le3A_930 = arith.cmpf ole, %gather3A_911, %le3A_929 : vector<16xf32>
    %jit3A_931 = arith.constant 15 : i32
    %broadcast_in_dim3A_932 = vector.broadcast %jit3A_931 : i32 to vector<16xi32>
    %select_n3A_933 = arith.select %le3A_930, %broadcast_in_dim3A_932, %sub3A_927 : vector<16xi1>, vector<16xi32>
    %max3A_934 = arith.constant 0 : i32
    %max3A_935 = vector.broadcast %max3A_934 : i32 to vector<16xi32>
    %max3A_936 = arith.maxsi %select_n3A_933, %max3A_935 : vector<16xi32>
    %min3A_937 = arith.constant 15 : i32
    %min3A_938 = vector.broadcast %min3A_937 : i32 to vector<16xi32>
    %min3A_939 = arith.minsi %max3A_936, %min3A_938 : vector<16xi32>
    %mul3A_940 = arith.constant 16 : i32
    %mul3A_941 = vector.broadcast %mul3A_940 : i32 to vector<16xi32>
    %mul3A_942 = arith.muli %iota3A, %mul3A_941 : vector<16xi32>
    %add3A_943 = arith.addi %mul3A_942, %min3A_939 : vector<16xi32>
    tpu.vector_store_idx %arg8[%add3A_943], %gather3A_911 {add = true} : memref<256xf32, #tpu.memory_space<vmem>>[vector<16xi32>], vector<16xf32>,
    tpu.vector_store_idx %arg9[%add3A_943], %convert_element_type3A_915 {add = true} : memref<256xf32, #tpu.memory_space<vmem>>[vector<16xi32>], vector<16xf32>,
    %add3A_944 = arith.constant 80 : i32
    %add3A_945 = vector.broadcast %add3A_944 : i32 to vector<16xi32>
    %add3A_946 = arith.addi %add3A_945, %iota3A : vector<16xi32>
    %get3A_947 = arith.constant 9040 : index
    %get3A_948 = tpu.vector_load %arg5[%get3A_947] {strides = array<i32>} : memref<9216xi32, #tpu.memory_space<vmem>>, vector<16xi32>,
    %and3A_949 = arith.constant 127 : i32
    %and3A_950 = vector.broadcast %and3A_949 : i32 to vector<16xi32>
    %and3A_951 = arith.andi %get3A_948, %and3A_950 : vector<16xi32>
    %gather3A_952 = tpu.vector_load_idx %arg7[%and3A_951, %add3A_946] : memref<100x256xf32, #tpu.memory_space<vmem>>[vector<16xi32>, vector<16xi32>], vector<16xf32>,
    %shift_right_arithmetic3A_953 = arith.constant 7 : i32
    %shift_right_arithmetic3A_954 = vector.broadcast %shift_right_arithmetic3A_953 : i32 to vector<16xi32>
    %shift_right_arithmetic3A_955 = arith.shrsi %get3A_948, %shift_right_arithmetic3A_954 : vector<16xi32>
    %convert_element_type3A_956 = arith.sitofp %shift_right_arithmetic3A_955 : vector<16xi32> to vector<16xf32>
    %mul3A_957 = arith.constant 1.500000e+01 : f32
    %mul3A_958 = vector.broadcast %mul3A_957 : f32 to vector<16xf32>
    %mul3A_959 = arith.mulf %gather3A_952, %mul3A_958 : vector<16xf32>
    %convert_element_type3A_960 = arith.fptosi %mul3A_959 : vector<16xf32> to vector<16xi32>
    %convert_element_type3A_961 = arith.sitofp %convert_element_type3A_960 : vector<16xi32> to vector<16xf32>
    %eq3A_962 = arith.cmpf oeq, %mul3A_959, %convert_element_type3A_961 : vector<16xf32>
    %jit3A_963 = arith.constant 1 : i32
    %jit3A_964 = arith.constant 0 : i32
    %broadcast_in_dim3A_965 = vector.broadcast %jit3A_963 : i32 to vector<16xi32>
    %broadcast_in_dim3A_966 = vector.broadcast %jit3A_964 : i32 to vector<16xi32>
    %select_n3A_967 = arith.select %eq3A_962, %broadcast_in_dim3A_965, %broadcast_in_dim3A_966 : vector<16xi1>, vector<16xi32>
    %sub3A_968 = arith.subi %convert_element_type3A_960, %select_n3A_967 : vector<16xi32>
    %le3A_969 = arith.constant 0.000000e+00 : f32
    %le3A_970 = vector.broadcast %le3A_969 : f32 to vector<16xf32>
    %le3A_971 = arith.cmpf ole, %gather3A_952, %le3A_970 : vector<16xf32>
    %jit3A_972 = arith.constant 15 : i32
    %broadcast_in_dim3A_973 = vector.broadcast %jit3A_972 : i32 to vector<16xi32>
    %select_n3A_974 = arith.select %le3A_971, %broadcast_in_dim3A_973, %sub3A_968 : vector<16xi1>, vector<16xi32>
    %max3A_975 = arith.constant 0 : i32
    %max3A_976 = vector.broadcast %max3A_975 : i32 to vector<16xi32>
    %max3A_977 = arith.maxsi %select_n3A_974, %max3A_976 : vector<16xi32>
    %min3A_978 = arith.constant 15 : i32
    %min3A_979 = vector.broadcast %min3A_978 : i32 to vector<16xi32>
    %min3A_980 = arith.minsi %max3A_977, %min3A_979 : vector<16xi32>
    %mul3A_981 = arith.constant 16 : i32
    %mul3A_982 = vector.broadcast %mul3A_981 : i32 to vector<16xi32>
    %mul3A_983 = arith.muli %iota3A, %mul3A_982 : vector<16xi32>
    %add3A_984 = arith.addi %mul3A_983, %min3A_980 : vector<16xi32>
    tpu.vector_store_idx %arg8[%add3A_984], %gather3A_952 {add = true} : memref<256xf32, #tpu.memory_space<vmem>>[vector<16xi32>], vector<16xf32>,
    tpu.vector_store_idx %arg9[%add3A_984], %convert_element_type3A_956 {add = true} : memref<256xf32, #tpu.memory_space<vmem>>[vector<16xi32>], vector<16xf32>,
    %add3A_985 = arith.constant 96 : i32
    %add3A_986 = vector.broadcast %add3A_985 : i32 to vector<16xi32>
    %add3A_987 = arith.addi %add3A_986, %iota3A : vector<16xi32>
    %get3A_988 = arith.constant 9056 : index
    %get3A_989 = tpu.vector_load %arg5[%get3A_988] {strides = array<i32>} : memref<9216xi32, #tpu.memory_space<vmem>>, vector<16xi32>,
    %and3A_990 = arith.constant 127 : i32
    %and3A_991 = vector.broadcast %and3A_990 : i32 to vector<16xi32>
    %and3A_992 = arith.andi %get3A_989, %and3A_991 : vector<16xi32>
    %gather3A_993 = tpu.vector_load_idx %arg7[%and3A_992, %add3A_987] : memref<100x256xf32, #tpu.memory_space<vmem>>[vector<16xi32>, vector<16xi32>], vector<16xf32>,
    %shift_right_arithmetic3A_994 = arith.constant 7 : i32
    %shift_right_arithmetic3A_995 = vector.broadcast %shift_right_arithmetic3A_994 : i32 to vector<16xi32>
    %shift_right_arithmetic3A_996 = arith.shrsi %get3A_989, %shift_right_arithmetic3A_995 : vector<16xi32>
    %convert_element_type3A_997 = arith.sitofp %shift_right_arithmetic3A_996 : vector<16xi32> to vector<16xf32>
    %mul3A_998 = arith.constant 1.500000e+01 : f32
    %mul3A_999 = vector.broadcast %mul3A_998 : f32 to vector<16xf32>
    %mul3A_1000 = arith.mulf %gather3A_993, %mul3A_999 : vector<16xf32>
    %convert_element_type3A_1001 = arith.fptosi %mul3A_1000 : vector<16xf32> to vector<16xi32>
    %convert_element_type3A_1002 = arith.sitofp %convert_element_type3A_1001 : vector<16xi32> to vector<16xf32>
    %eq3A_1003 = arith.cmpf oeq, %mul3A_1000, %convert_element_type3A_1002 : vector<16xf32>
    %jit3A_1004 = arith.constant 1 : i32
    %jit3A_1005 = arith.constant 0 : i32
    %broadcast_in_dim3A_1006 = vector.broadcast %jit3A_1004 : i32 to vector<16xi32>
    %broadcast_in_dim3A_1007 = vector.broadcast %jit3A_1005 : i32 to vector<16xi32>
    %select_n3A_1008 = arith.select %eq3A_1003, %broadcast_in_dim3A_1006, %broadcast_in_dim3A_1007 : vector<16xi1>, vector<16xi32>
    %sub3A_1009 = arith.subi %convert_element_type3A_1001, %select_n3A_1008 : vector<16xi32>
    %le3A_1010 = arith.constant 0.000000e+00 : f32
    %le3A_1011 = vector.broadcast %le3A_1010 : f32 to vector<16xf32>
    %le3A_1012 = arith.cmpf ole, %gather3A_993, %le3A_1011 : vector<16xf32>
    %jit3A_1013 = arith.constant 15 : i32
    %broadcast_in_dim3A_1014 = vector.broadcast %jit3A_1013 : i32 to vector<16xi32>
    %select_n3A_1015 = arith.select %le3A_1012, %broadcast_in_dim3A_1014, %sub3A_1009 : vector<16xi1>, vector<16xi32>
    %max3A_1016 = arith.constant 0 : i32
    %max3A_1017 = vector.broadcast %max3A_1016 : i32 to vector<16xi32>
    %max3A_1018 = arith.maxsi %select_n3A_1015, %max3A_1017 : vector<16xi32>
    %min3A_1019 = arith.constant 15 : i32
    %min3A_1020 = vector.broadcast %min3A_1019 : i32 to vector<16xi32>
    %min3A_1021 = arith.minsi %max3A_1018, %min3A_1020 : vector<16xi32>
    %mul3A_1022 = arith.constant 16 : i32
    %mul3A_1023 = vector.broadcast %mul3A_1022 : i32 to vector<16xi32>
    %mul3A_1024 = arith.muli %iota3A, %mul3A_1023 : vector<16xi32>
    %add3A_1025 = arith.addi %mul3A_1024, %min3A_1021 : vector<16xi32>
    tpu.vector_store_idx %arg8[%add3A_1025], %gather3A_993 {add = true} : memref<256xf32, #tpu.memory_space<vmem>>[vector<16xi32>], vector<16xf32>,
    tpu.vector_store_idx %arg9[%add3A_1025], %convert_element_type3A_997 {add = true} : memref<256xf32, #tpu.memory_space<vmem>>[vector<16xi32>], vector<16xf32>,
    %add3A_1026 = arith.constant 112 : i32
    %add3A_1027 = vector.broadcast %add3A_1026 : i32 to vector<16xi32>
    %add3A_1028 = arith.addi %add3A_1027, %iota3A : vector<16xi32>
    %get3A_1029 = arith.constant 9072 : index
    %get3A_1030 = tpu.vector_load %arg5[%get3A_1029] {strides = array<i32>} : memref<9216xi32, #tpu.memory_space<vmem>>, vector<16xi32>,
    %and3A_1031 = arith.constant 127 : i32
    %and3A_1032 = vector.broadcast %and3A_1031 : i32 to vector<16xi32>
    %and3A_1033 = arith.andi %get3A_1030, %and3A_1032 : vector<16xi32>
    %gather3A_1034 = tpu.vector_load_idx %arg7[%and3A_1033, %add3A_1028] : memref<100x256xf32, #tpu.memory_space<vmem>>[vector<16xi32>, vector<16xi32>], vector<16xf32>,
    %shift_right_arithmetic3A_1035 = arith.constant 7 : i32
    %shift_right_arithmetic3A_1036 = vector.broadcast %shift_right_arithmetic3A_1035 : i32 to vector<16xi32>
    %shift_right_arithmetic3A_1037 = arith.shrsi %get3A_1030, %shift_right_arithmetic3A_1036 : vector<16xi32>
    %convert_element_type3A_1038 = arith.sitofp %shift_right_arithmetic3A_1037 : vector<16xi32> to vector<16xf32>
    %mul3A_1039 = arith.constant 1.500000e+01 : f32
    %mul3A_1040 = vector.broadcast %mul3A_1039 : f32 to vector<16xf32>
    %mul3A_1041 = arith.mulf %gather3A_1034, %mul3A_1040 : vector<16xf32>
    %convert_element_type3A_1042 = arith.fptosi %mul3A_1041 : vector<16xf32> to vector<16xi32>
    %convert_element_type3A_1043 = arith.sitofp %convert_element_type3A_1042 : vector<16xi32> to vector<16xf32>
    %eq3A_1044 = arith.cmpf oeq, %mul3A_1041, %convert_element_type3A_1043 : vector<16xf32>
    %jit3A_1045 = arith.constant 1 : i32
    %jit3A_1046 = arith.constant 0 : i32
    %broadcast_in_dim3A_1047 = vector.broadcast %jit3A_1045 : i32 to vector<16xi32>
    %broadcast_in_dim3A_1048 = vector.broadcast %jit3A_1046 : i32 to vector<16xi32>
    %select_n3A_1049 = arith.select %eq3A_1044, %broadcast_in_dim3A_1047, %broadcast_in_dim3A_1048 : vector<16xi1>, vector<16xi32>
    %sub3A_1050 = arith.subi %convert_element_type3A_1042, %select_n3A_1049 : vector<16xi32>
    %le3A_1051 = arith.constant 0.000000e+00 : f32
    %le3A_1052 = vector.broadcast %le3A_1051 : f32 to vector<16xf32>
    %le3A_1053 = arith.cmpf ole, %gather3A_1034, %le3A_1052 : vector<16xf32>
    %jit3A_1054 = arith.constant 15 : i32
    %broadcast_in_dim3A_1055 = vector.broadcast %jit3A_1054 : i32 to vector<16xi32>
    %select_n3A_1056 = arith.select %le3A_1053, %broadcast_in_dim3A_1055, %sub3A_1050 : vector<16xi1>, vector<16xi32>
    %max3A_1057 = arith.constant 0 : i32
    %max3A_1058 = vector.broadcast %max3A_1057 : i32 to vector<16xi32>
    %max3A_1059 = arith.maxsi %select_n3A_1056, %max3A_1058 : vector<16xi32>
    %min3A_1060 = arith.constant 15 : i32
    %min3A_1061 = vector.broadcast %min3A_1060 : i32 to vector<16xi32>
    %min3A_1062 = arith.minsi %max3A_1059, %min3A_1061 : vector<16xi32>
    %mul3A_1063 = arith.constant 16 : i32
    %mul3A_1064 = vector.broadcast %mul3A_1063 : i32 to vector<16xi32>
    %mul3A_1065 = arith.muli %iota3A, %mul3A_1064 : vector<16xi32>
    %add3A_1066 = arith.addi %mul3A_1065, %min3A_1062 : vector<16xi32>
    tpu.vector_store_idx %arg8[%add3A_1066], %gather3A_1034 {add = true} : memref<256xf32, #tpu.memory_space<vmem>>[vector<16xi32>], vector<16xf32>,
    tpu.vector_store_idx %arg9[%add3A_1066], %convert_element_type3A_1038 {add = true} : memref<256xf32, #tpu.memory_space<vmem>>[vector<16xi32>], vector<16xf32>,
    %add3A_1067 = arith.constant 128 : i32
    %add3A_1068 = vector.broadcast %add3A_1067 : i32 to vector<16xi32>
    %add3A_1069 = arith.addi %add3A_1068, %iota3A : vector<16xi32>
    %get3A_1070 = arith.constant 9088 : index
    %get3A_1071 = tpu.vector_load %arg5[%get3A_1070] {strides = array<i32>} : memref<9216xi32, #tpu.memory_space<vmem>>, vector<16xi32>,
    %and3A_1072 = arith.constant 127 : i32
    %and3A_1073 = vector.broadcast %and3A_1072 : i32 to vector<16xi32>
    %and3A_1074 = arith.andi %get3A_1071, %and3A_1073 : vector<16xi32>
    %gather3A_1075 = tpu.vector_load_idx %arg7[%and3A_1074, %add3A_1069] : memref<100x256xf32, #tpu.memory_space<vmem>>[vector<16xi32>, vector<16xi32>], vector<16xf32>,
    %shift_right_arithmetic3A_1076 = arith.constant 7 : i32
    %shift_right_arithmetic3A_1077 = vector.broadcast %shift_right_arithmetic3A_1076 : i32 to vector<16xi32>
    %shift_right_arithmetic3A_1078 = arith.shrsi %get3A_1071, %shift_right_arithmetic3A_1077 : vector<16xi32>
    %convert_element_type3A_1079 = arith.sitofp %shift_right_arithmetic3A_1078 : vector<16xi32> to vector<16xf32>
    %mul3A_1080 = arith.constant 1.500000e+01 : f32
    %mul3A_1081 = vector.broadcast %mul3A_1080 : f32 to vector<16xf32>
    %mul3A_1082 = arith.mulf %gather3A_1075, %mul3A_1081 : vector<16xf32>
    %convert_element_type3A_1083 = arith.fptosi %mul3A_1082 : vector<16xf32> to vector<16xi32>
    %convert_element_type3A_1084 = arith.sitofp %convert_element_type3A_1083 : vector<16xi32> to vector<16xf32>
    %eq3A_1085 = arith.cmpf oeq, %mul3A_1082, %convert_element_type3A_1084 : vector<16xf32>
    %jit3A_1086 = arith.constant 1 : i32
    %jit3A_1087 = arith.constant 0 : i32
    %broadcast_in_dim3A_1088 = vector.broadcast %jit3A_1086 : i32 to vector<16xi32>
    %broadcast_in_dim3A_1089 = vector.broadcast %jit3A_1087 : i32 to vector<16xi32>
    %select_n3A_1090 = arith.select %eq3A_1085, %broadcast_in_dim3A_1088, %broadcast_in_dim3A_1089 : vector<16xi1>, vector<16xi32>
    %sub3A_1091 = arith.subi %convert_element_type3A_1083, %select_n3A_1090 : vector<16xi32>
    %le3A_1092 = arith.constant 0.000000e+00 : f32
    %le3A_1093 = vector.broadcast %le3A_1092 : f32 to vector<16xf32>
    %le3A_1094 = arith.cmpf ole, %gather3A_1075, %le3A_1093 : vector<16xf32>
    %jit3A_1095 = arith.constant 15 : i32
    %broadcast_in_dim3A_1096 = vector.broadcast %jit3A_1095 : i32 to vector<16xi32>
    %select_n3A_1097 = arith.select %le3A_1094, %broadcast_in_dim3A_1096, %sub3A_1091 : vector<16xi1>, vector<16xi32>
    %max3A_1098 = arith.constant 0 : i32
    %max3A_1099 = vector.broadcast %max3A_1098 : i32 to vector<16xi32>
    %max3A_1100 = arith.maxsi %select_n3A_1097, %max3A_1099 : vector<16xi32>
    %min3A_1101 = arith.constant 15 : i32
    %min3A_1102 = vector.broadcast %min3A_1101 : i32 to vector<16xi32>
    %min3A_1103 = arith.minsi %max3A_1100, %min3A_1102 : vector<16xi32>
    %mul3A_1104 = arith.constant 16 : i32
    %mul3A_1105 = vector.broadcast %mul3A_1104 : i32 to vector<16xi32>
    %mul3A_1106 = arith.muli %iota3A, %mul3A_1105 : vector<16xi32>
    %add3A_1107 = arith.addi %mul3A_1106, %min3A_1103 : vector<16xi32>
    tpu.vector_store_idx %arg8[%add3A_1107], %gather3A_1075 {add = true} : memref<256xf32, #tpu.memory_space<vmem>>[vector<16xi32>], vector<16xf32>,
    tpu.vector_store_idx %arg9[%add3A_1107], %convert_element_type3A_1079 {add = true} : memref<256xf32, #tpu.memory_space<vmem>>[vector<16xi32>], vector<16xf32>,
    %add3A_1108 = arith.constant 144 : i32
    %add3A_1109 = vector.broadcast %add3A_1108 : i32 to vector<16xi32>
    %add3A_1110 = arith.addi %add3A_1109, %iota3A : vector<16xi32>
    %get3A_1111 = arith.constant 9104 : index
    %get3A_1112 = tpu.vector_load %arg5[%get3A_1111] {strides = array<i32>} : memref<9216xi32, #tpu.memory_space<vmem>>, vector<16xi32>,
    %and3A_1113 = arith.constant 127 : i32
    %and3A_1114 = vector.broadcast %and3A_1113 : i32 to vector<16xi32>
    %and3A_1115 = arith.andi %get3A_1112, %and3A_1114 : vector<16xi32>
    %gather3A_1116 = tpu.vector_load_idx %arg7[%and3A_1115, %add3A_1110] : memref<100x256xf32, #tpu.memory_space<vmem>>[vector<16xi32>, vector<16xi32>], vector<16xf32>,
    %shift_right_arithmetic3A_1117 = arith.constant 7 : i32
    %shift_right_arithmetic3A_1118 = vector.broadcast %shift_right_arithmetic3A_1117 : i32 to vector<16xi32>
    %shift_right_arithmetic3A_1119 = arith.shrsi %get3A_1112, %shift_right_arithmetic3A_1118 : vector<16xi32>
    %convert_element_type3A_1120 = arith.sitofp %shift_right_arithmetic3A_1119 : vector<16xi32> to vector<16xf32>
    %mul3A_1121 = arith.constant 1.500000e+01 : f32
    %mul3A_1122 = vector.broadcast %mul3A_1121 : f32 to vector<16xf32>
    %mul3A_1123 = arith.mulf %gather3A_1116, %mul3A_1122 : vector<16xf32>
    %convert_element_type3A_1124 = arith.fptosi %mul3A_1123 : vector<16xf32> to vector<16xi32>
    %convert_element_type3A_1125 = arith.sitofp %convert_element_type3A_1124 : vector<16xi32> to vector<16xf32>
    %eq3A_1126 = arith.cmpf oeq, %mul3A_1123, %convert_element_type3A_1125 : vector<16xf32>
    %jit3A_1127 = arith.constant 1 : i32
    %jit3A_1128 = arith.constant 0 : i32
    %broadcast_in_dim3A_1129 = vector.broadcast %jit3A_1127 : i32 to vector<16xi32>
    %broadcast_in_dim3A_1130 = vector.broadcast %jit3A_1128 : i32 to vector<16xi32>
    %select_n3A_1131 = arith.select %eq3A_1126, %broadcast_in_dim3A_1129, %broadcast_in_dim3A_1130 : vector<16xi1>, vector<16xi32>
    %sub3A_1132 = arith.subi %convert_element_type3A_1124, %select_n3A_1131 : vector<16xi32>
    %le3A_1133 = arith.constant 0.000000e+00 : f32
    %le3A_1134 = vector.broadcast %le3A_1133 : f32 to vector<16xf32>
    %le3A_1135 = arith.cmpf ole, %gather3A_1116, %le3A_1134 : vector<16xf32>
    %jit3A_1136 = arith.constant 15 : i32
    %broadcast_in_dim3A_1137 = vector.broadcast %jit3A_1136 : i32 to vector<16xi32>
    %select_n3A_1138 = arith.select %le3A_1135, %broadcast_in_dim3A_1137, %sub3A_1132 : vector<16xi1>, vector<16xi32>
    %max3A_1139 = arith.constant 0 : i32
    %max3A_1140 = vector.broadcast %max3A_1139 : i32 to vector<16xi32>
    %max3A_1141 = arith.maxsi %select_n3A_1138, %max3A_1140 : vector<16xi32>
    %min3A_1142 = arith.constant 15 : i32
    %min3A_1143 = vector.broadcast %min3A_1142 : i32 to vector<16xi32>
    %min3A_1144 = arith.minsi %max3A_1141, %min3A_1143 : vector<16xi32>
    %mul3A_1145 = arith.constant 16 : i32
    %mul3A_1146 = vector.broadcast %mul3A_1145 : i32 to vector<16xi32>
    %mul3A_1147 = arith.muli %iota3A, %mul3A_1146 : vector<16xi32>
    %add3A_1148 = arith.addi %mul3A_1147, %min3A_1144 : vector<16xi32>
    tpu.vector_store_idx %arg8[%add3A_1148], %gather3A_1116 {add = true} : memref<256xf32, #tpu.memory_space<vmem>>[vector<16xi32>], vector<16xf32>,
    tpu.vector_store_idx %arg9[%add3A_1148], %convert_element_type3A_1120 {add = true} : memref<256xf32, #tpu.memory_space<vmem>>[vector<16xi32>], vector<16xf32>,
    %add3A_1149 = arith.constant 160 : i32
    %add3A_1150 = vector.broadcast %add3A_1149 : i32 to vector<16xi32>
    %add3A_1151 = arith.addi %add3A_1150, %iota3A : vector<16xi32>
    %get3A_1152 = arith.constant 9120 : index
    %get3A_1153 = tpu.vector_load %arg5[%get3A_1152] {strides = array<i32>} : memref<9216xi32, #tpu.memory_space<vmem>>, vector<16xi32>,
    %and3A_1154 = arith.constant 127 : i32
    %and3A_1155 = vector.broadcast %and3A_1154 : i32 to vector<16xi32>
    %and3A_1156 = arith.andi %get3A_1153, %and3A_1155 : vector<16xi32>
    %gather3A_1157 = tpu.vector_load_idx %arg7[%and3A_1156, %add3A_1151] : memref<100x256xf32, #tpu.memory_space<vmem>>[vector<16xi32>, vector<16xi32>], vector<16xf32>,
    %shift_right_arithmetic3A_1158 = arith.constant 7 : i32
    %shift_right_arithmetic3A_1159 = vector.broadcast %shift_right_arithmetic3A_1158 : i32 to vector<16xi32>
    %shift_right_arithmetic3A_1160 = arith.shrsi %get3A_1153, %shift_right_arithmetic3A_1159 : vector<16xi32>
    %convert_element_type3A_1161 = arith.sitofp %shift_right_arithmetic3A_1160 : vector<16xi32> to vector<16xf32>
    %mul3A_1162 = arith.constant 1.500000e+01 : f32
    %mul3A_1163 = vector.broadcast %mul3A_1162 : f32 to vector<16xf32>
    %mul3A_1164 = arith.mulf %gather3A_1157, %mul3A_1163 : vector<16xf32>
    %convert_element_type3A_1165 = arith.fptosi %mul3A_1164 : vector<16xf32> to vector<16xi32>
    %convert_element_type3A_1166 = arith.sitofp %convert_element_type3A_1165 : vector<16xi32> to vector<16xf32>
    %eq3A_1167 = arith.cmpf oeq, %mul3A_1164, %convert_element_type3A_1166 : vector<16xf32>
    %jit3A_1168 = arith.constant 1 : i32
    %jit3A_1169 = arith.constant 0 : i32
    %broadcast_in_dim3A_1170 = vector.broadcast %jit3A_1168 : i32 to vector<16xi32>
    %broadcast_in_dim3A_1171 = vector.broadcast %jit3A_1169 : i32 to vector<16xi32>
    %select_n3A_1172 = arith.select %eq3A_1167, %broadcast_in_dim3A_1170, %broadcast_in_dim3A_1171 : vector<16xi1>, vector<16xi32>
    %sub3A_1173 = arith.subi %convert_element_type3A_1165, %select_n3A_1172 : vector<16xi32>
    %le3A_1174 = arith.constant 0.000000e+00 : f32
    %le3A_1175 = vector.broadcast %le3A_1174 : f32 to vector<16xf32>
    %le3A_1176 = arith.cmpf ole, %gather3A_1157, %le3A_1175 : vector<16xf32>
    %jit3A_1177 = arith.constant 15 : i32
    %broadcast_in_dim3A_1178 = vector.broadcast %jit3A_1177 : i32 to vector<16xi32>
    %select_n3A_1179 = arith.select %le3A_1176, %broadcast_in_dim3A_1178, %sub3A_1173 : vector<16xi1>, vector<16xi32>
    %max3A_1180 = arith.constant 0 : i32
    %max3A_1181 = vector.broadcast %max3A_1180 : i32 to vector<16xi32>
    %max3A_1182 = arith.maxsi %select_n3A_1179, %max3A_1181 : vector<16xi32>
    %min3A_1183 = arith.constant 15 : i32
    %min3A_1184 = vector.broadcast %min3A_1183 : i32 to vector<16xi32>
    %min3A_1185 = arith.minsi %max3A_1182, %min3A_1184 : vector<16xi32>
    %mul3A_1186 = arith.constant 16 : i32
    %mul3A_1187 = vector.broadcast %mul3A_1186 : i32 to vector<16xi32>
    %mul3A_1188 = arith.muli %iota3A, %mul3A_1187 : vector<16xi32>
    %add3A_1189 = arith.addi %mul3A_1188, %min3A_1185 : vector<16xi32>
    tpu.vector_store_idx %arg8[%add3A_1189], %gather3A_1157 {add = true} : memref<256xf32, #tpu.memory_space<vmem>>[vector<16xi32>], vector<16xf32>,
    tpu.vector_store_idx %arg9[%add3A_1189], %convert_element_type3A_1161 {add = true} : memref<256xf32, #tpu.memory_space<vmem>>[vector<16xi32>], vector<16xf32>,
    %add3A_1190 = arith.constant 176 : i32
    %add3A_1191 = vector.broadcast %add3A_1190 : i32 to vector<16xi32>
    %add3A_1192 = arith.addi %add3A_1191, %iota3A : vector<16xi32>
    %get3A_1193 = arith.constant 9136 : index
    %get3A_1194 = tpu.vector_load %arg5[%get3A_1193] {strides = array<i32>} : memref<9216xi32, #tpu.memory_space<vmem>>, vector<16xi32>,
    %and3A_1195 = arith.constant 127 : i32
    %and3A_1196 = vector.broadcast %and3A_1195 : i32 to vector<16xi32>
    %and3A_1197 = arith.andi %get3A_1194, %and3A_1196 : vector<16xi32>
    %gather3A_1198 = tpu.vector_load_idx %arg7[%and3A_1197, %add3A_1192] : memref<100x256xf32, #tpu.memory_space<vmem>>[vector<16xi32>, vector<16xi32>], vector<16xf32>,
    %shift_right_arithmetic3A_1199 = arith.constant 7 : i32
    %shift_right_arithmetic3A_1200 = vector.broadcast %shift_right_arithmetic3A_1199 : i32 to vector<16xi32>
    %shift_right_arithmetic3A_1201 = arith.shrsi %get3A_1194, %shift_right_arithmetic3A_1200 : vector<16xi32>
    %convert_element_type3A_1202 = arith.sitofp %shift_right_arithmetic3A_1201 : vector<16xi32> to vector<16xf32>
    %mul3A_1203 = arith.constant 1.500000e+01 : f32
    %mul3A_1204 = vector.broadcast %mul3A_1203 : f32 to vector<16xf32>
    %mul3A_1205 = arith.mulf %gather3A_1198, %mul3A_1204 : vector<16xf32>
    %convert_element_type3A_1206 = arith.fptosi %mul3A_1205 : vector<16xf32> to vector<16xi32>
    %convert_element_type3A_1207 = arith.sitofp %convert_element_type3A_1206 : vector<16xi32> to vector<16xf32>
    %eq3A_1208 = arith.cmpf oeq, %mul3A_1205, %convert_element_type3A_1207 : vector<16xf32>
    %jit3A_1209 = arith.constant 1 : i32
    %jit3A_1210 = arith.constant 0 : i32
    %broadcast_in_dim3A_1211 = vector.broadcast %jit3A_1209 : i32 to vector<16xi32>
    %broadcast_in_dim3A_1212 = vector.broadcast %jit3A_1210 : i32 to vector<16xi32>
    %select_n3A_1213 = arith.select %eq3A_1208, %broadcast_in_dim3A_1211, %broadcast_in_dim3A_1212 : vector<16xi1>, vector<16xi32>
    %sub3A_1214 = arith.subi %convert_element_type3A_1206, %select_n3A_1213 : vector<16xi32>
    %le3A_1215 = arith.constant 0.000000e+00 : f32
    %le3A_1216 = vector.broadcast %le3A_1215 : f32 to vector<16xf32>
    %le3A_1217 = arith.cmpf ole, %gather3A_1198, %le3A_1216 : vector<16xf32>
    %jit3A_1218 = arith.constant 15 : i32
    %broadcast_in_dim3A_1219 = vector.broadcast %jit3A_1218 : i32 to vector<16xi32>
    %select_n3A_1220 = arith.select %le3A_1217, %broadcast_in_dim3A_1219, %sub3A_1214 : vector<16xi1>, vector<16xi32>
    %max3A_1221 = arith.constant 0 : i32
    %max3A_1222 = vector.broadcast %max3A_1221 : i32 to vector<16xi32>
    %max3A_1223 = arith.maxsi %select_n3A_1220, %max3A_1222 : vector<16xi32>
    %min3A_1224 = arith.constant 15 : i32
    %min3A_1225 = vector.broadcast %min3A_1224 : i32 to vector<16xi32>
    %min3A_1226 = arith.minsi %max3A_1223, %min3A_1225 : vector<16xi32>
    %mul3A_1227 = arith.constant 16 : i32
    %mul3A_1228 = vector.broadcast %mul3A_1227 : i32 to vector<16xi32>
    %mul3A_1229 = arith.muli %iota3A, %mul3A_1228 : vector<16xi32>
    %add3A_1230 = arith.addi %mul3A_1229, %min3A_1226 : vector<16xi32>
    tpu.vector_store_idx %arg8[%add3A_1230], %gather3A_1198 {add = true} : memref<256xf32, #tpu.memory_space<vmem>>[vector<16xi32>], vector<16xf32>,
    tpu.vector_store_idx %arg9[%add3A_1230], %convert_element_type3A_1202 {add = true} : memref<256xf32, #tpu.memory_space<vmem>>[vector<16xi32>], vector<16xf32>,
    %add3A_1231 = arith.constant 192 : i32
    %add3A_1232 = vector.broadcast %add3A_1231 : i32 to vector<16xi32>
    %add3A_1233 = arith.addi %add3A_1232, %iota3A : vector<16xi32>
    %get3A_1234 = arith.constant 9152 : index
    %get3A_1235 = tpu.vector_load %arg5[%get3A_1234] {strides = array<i32>} : memref<9216xi32, #tpu.memory_space<vmem>>, vector<16xi32>,
    %and3A_1236 = arith.constant 127 : i32
    %and3A_1237 = vector.broadcast %and3A_1236 : i32 to vector<16xi32>
    %and3A_1238 = arith.andi %get3A_1235, %and3A_1237 : vector<16xi32>
    %gather3A_1239 = tpu.vector_load_idx %arg7[%and3A_1238, %add3A_1233] : memref<100x256xf32, #tpu.memory_space<vmem>>[vector<16xi32>, vector<16xi32>], vector<16xf32>,
    %shift_right_arithmetic3A_1240 = arith.constant 7 : i32
    %shift_right_arithmetic3A_1241 = vector.broadcast %shift_right_arithmetic3A_1240 : i32 to vector<16xi32>
    %shift_right_arithmetic3A_1242 = arith.shrsi %get3A_1235, %shift_right_arithmetic3A_1241 : vector<16xi32>
    %convert_element_type3A_1243 = arith.sitofp %shift_right_arithmetic3A_1242 : vector<16xi32> to vector<16xf32>
    %mul3A_1244 = arith.constant 1.500000e+01 : f32
    %mul3A_1245 = vector.broadcast %mul3A_1244 : f32 to vector<16xf32>
    %mul3A_1246 = arith.mulf %gather3A_1239, %mul3A_1245 : vector<16xf32>
    %convert_element_type3A_1247 = arith.fptosi %mul3A_1246 : vector<16xf32> to vector<16xi32>
    %convert_element_type3A_1248 = arith.sitofp %convert_element_type3A_1247 : vector<16xi32> to vector<16xf32>
    %eq3A_1249 = arith.cmpf oeq, %mul3A_1246, %convert_element_type3A_1248 : vector<16xf32>
    %jit3A_1250 = arith.constant 1 : i32
    %jit3A_1251 = arith.constant 0 : i32
    %broadcast_in_dim3A_1252 = vector.broadcast %jit3A_1250 : i32 to vector<16xi32>
    %broadcast_in_dim3A_1253 = vector.broadcast %jit3A_1251 : i32 to vector<16xi32>
    %select_n3A_1254 = arith.select %eq3A_1249, %broadcast_in_dim3A_1252, %broadcast_in_dim3A_1253 : vector<16xi1>, vector<16xi32>
    %sub3A_1255 = arith.subi %convert_element_type3A_1247, %select_n3A_1254 : vector<16xi32>
    %le3A_1256 = arith.constant 0.000000e+00 : f32
    %le3A_1257 = vector.broadcast %le3A_1256 : f32 to vector<16xf32>
    %le3A_1258 = arith.cmpf ole, %gather3A_1239, %le3A_1257 : vector<16xf32>
    %jit3A_1259 = arith.constant 15 : i32
    %broadcast_in_dim3A_1260 = vector.broadcast %jit3A_1259 : i32 to vector<16xi32>
    %select_n3A_1261 = arith.select %le3A_1258, %broadcast_in_dim3A_1260, %sub3A_1255 : vector<16xi1>, vector<16xi32>
    %max3A_1262 = arith.constant 0 : i32
    %max3A_1263 = vector.broadcast %max3A_1262 : i32 to vector<16xi32>
    %max3A_1264 = arith.maxsi %select_n3A_1261, %max3A_1263 : vector<16xi32>
    %min3A_1265 = arith.constant 15 : i32
    %min3A_1266 = vector.broadcast %min3A_1265 : i32 to vector<16xi32>
    %min3A_1267 = arith.minsi %max3A_1264, %min3A_1266 : vector<16xi32>
    %mul3A_1268 = arith.constant 16 : i32
    %mul3A_1269 = vector.broadcast %mul3A_1268 : i32 to vector<16xi32>
    %mul3A_1270 = arith.muli %iota3A, %mul3A_1269 : vector<16xi32>
    %add3A_1271 = arith.addi %mul3A_1270, %min3A_1267 : vector<16xi32>
    tpu.vector_store_idx %arg8[%add3A_1271], %gather3A_1239 {add = true} : memref<256xf32, #tpu.memory_space<vmem>>[vector<16xi32>], vector<16xf32>,
    tpu.vector_store_idx %arg9[%add3A_1271], %convert_element_type3A_1243 {add = true} : memref<256xf32, #tpu.memory_space<vmem>>[vector<16xi32>], vector<16xf32>,
    %add3A_1272 = arith.constant 208 : i32
    %add3A_1273 = vector.broadcast %add3A_1272 : i32 to vector<16xi32>
    %add3A_1274 = arith.addi %add3A_1273, %iota3A : vector<16xi32>
    %get3A_1275 = arith.constant 9168 : index
    %get3A_1276 = tpu.vector_load %arg5[%get3A_1275] {strides = array<i32>} : memref<9216xi32, #tpu.memory_space<vmem>>, vector<16xi32>,
    %and3A_1277 = arith.constant 127 : i32
    %and3A_1278 = vector.broadcast %and3A_1277 : i32 to vector<16xi32>
    %and3A_1279 = arith.andi %get3A_1276, %and3A_1278 : vector<16xi32>
    %gather3A_1280 = tpu.vector_load_idx %arg7[%and3A_1279, %add3A_1274] : memref<100x256xf32, #tpu.memory_space<vmem>>[vector<16xi32>, vector<16xi32>], vector<16xf32>,
    %shift_right_arithmetic3A_1281 = arith.constant 7 : i32
    %shift_right_arithmetic3A_1282 = vector.broadcast %shift_right_arithmetic3A_1281 : i32 to vector<16xi32>
    %shift_right_arithmetic3A_1283 = arith.shrsi %get3A_1276, %shift_right_arithmetic3A_1282 : vector<16xi32>
    %convert_element_type3A_1284 = arith.sitofp %shift_right_arithmetic3A_1283 : vector<16xi32> to vector<16xf32>
    %mul3A_1285 = arith.constant 1.500000e+01 : f32
    %mul3A_1286 = vector.broadcast %mul3A_1285 : f32 to vector<16xf32>
    %mul3A_1287 = arith.mulf %gather3A_1280, %mul3A_1286 : vector<16xf32>
    %convert_element_type3A_1288 = arith.fptosi %mul3A_1287 : vector<16xf32> to vector<16xi32>
    %convert_element_type3A_1289 = arith.sitofp %convert_element_type3A_1288 : vector<16xi32> to vector<16xf32>
    %eq3A_1290 = arith.cmpf oeq, %mul3A_1287, %convert_element_type3A_1289 : vector<16xf32>
    %jit3A_1291 = arith.constant 1 : i32
    %jit3A_1292 = arith.constant 0 : i32
    %broadcast_in_dim3A_1293 = vector.broadcast %jit3A_1291 : i32 to vector<16xi32>
    %broadcast_in_dim3A_1294 = vector.broadcast %jit3A_1292 : i32 to vector<16xi32>
    %select_n3A_1295 = arith.select %eq3A_1290, %broadcast_in_dim3A_1293, %broadcast_in_dim3A_1294 : vector<16xi1>, vector<16xi32>
    %sub3A_1296 = arith.subi %convert_element_type3A_1288, %select_n3A_1295 : vector<16xi32>
    %le3A_1297 = arith.constant 0.000000e+00 : f32
    %le3A_1298 = vector.broadcast %le3A_1297 : f32 to vector<16xf32>
    %le3A_1299 = arith.cmpf ole, %gather3A_1280, %le3A_1298 : vector<16xf32>
    %jit3A_1300 = arith.constant 15 : i32
    %broadcast_in_dim3A_1301 = vector.broadcast %jit3A_1300 : i32 to vector<16xi32>
    %select_n3A_1302 = arith.select %le3A_1299, %broadcast_in_dim3A_1301, %sub3A_1296 : vector<16xi1>, vector<16xi32>
    %max3A_1303 = arith.constant 0 : i32
    %max3A_1304 = vector.broadcast %max3A_1303 : i32 to vector<16xi32>
    %max3A_1305 = arith.maxsi %select_n3A_1302, %max3A_1304 : vector<16xi32>
    %min3A_1306 = arith.constant 15 : i32
    %min3A_1307 = vector.broadcast %min3A_1306 : i32 to vector<16xi32>
    %min3A_1308 = arith.minsi %max3A_1305, %min3A_1307 : vector<16xi32>
    %mul3A_1309 = arith.constant 16 : i32
    %mul3A_1310 = vector.broadcast %mul3A_1309 : i32 to vector<16xi32>
    %mul3A_1311 = arith.muli %iota3A, %mul3A_1310 : vector<16xi32>
    %add3A_1312 = arith.addi %mul3A_1311, %min3A_1308 : vector<16xi32>
    tpu.vector_store_idx %arg8[%add3A_1312], %gather3A_1280 {add = true} : memref<256xf32, #tpu.memory_space<vmem>>[vector<16xi32>], vector<16xf32>,
    tpu.vector_store_idx %arg9[%add3A_1312], %convert_element_type3A_1284 {add = true} : memref<256xf32, #tpu.memory_space<vmem>>[vector<16xi32>], vector<16xf32>,
    %add3A_1313 = arith.constant 224 : i32
    %add3A_1314 = vector.broadcast %add3A_1313 : i32 to vector<16xi32>
    %add3A_1315 = arith.addi %add3A_1314, %iota3A : vector<16xi32>
    %get3A_1316 = arith.constant 9184 : index
    %get3A_1317 = tpu.vector_load %arg5[%get3A_1316] {strides = array<i32>} : memref<9216xi32, #tpu.memory_space<vmem>>, vector<16xi32>,
    %and3A_1318 = arith.constant 127 : i32
    %and3A_1319 = vector.broadcast %and3A_1318 : i32 to vector<16xi32>
    %and3A_1320 = arith.andi %get3A_1317, %and3A_1319 : vector<16xi32>
    %gather3A_1321 = tpu.vector_load_idx %arg7[%and3A_1320, %add3A_1315] : memref<100x256xf32, #tpu.memory_space<vmem>>[vector<16xi32>, vector<16xi32>], vector<16xf32>,
    %shift_right_arithmetic3A_1322 = arith.constant 7 : i32
    %shift_right_arithmetic3A_1323 = vector.broadcast %shift_right_arithmetic3A_1322 : i32 to vector<16xi32>
    %shift_right_arithmetic3A_1324 = arith.shrsi %get3A_1317, %shift_right_arithmetic3A_1323 : vector<16xi32>
    %convert_element_type3A_1325 = arith.sitofp %shift_right_arithmetic3A_1324 : vector<16xi32> to vector<16xf32>
    %mul3A_1326 = arith.constant 1.500000e+01 : f32
    %mul3A_1327 = vector.broadcast %mul3A_1326 : f32 to vector<16xf32>
    %mul3A_1328 = arith.mulf %gather3A_1321, %mul3A_1327 : vector<16xf32>
    %convert_element_type3A_1329 = arith.fptosi %mul3A_1328 : vector<16xf32> to vector<16xi32>
    %convert_element_type3A_1330 = arith.sitofp %convert_element_type3A_1329 : vector<16xi32> to vector<16xf32>
    %eq3A_1331 = arith.cmpf oeq, %mul3A_1328, %convert_element_type3A_1330 : vector<16xf32>
    %jit3A_1332 = arith.constant 1 : i32
    %jit3A_1333 = arith.constant 0 : i32
    %broadcast_in_dim3A_1334 = vector.broadcast %jit3A_1332 : i32 to vector<16xi32>
    %broadcast_in_dim3A_1335 = vector.broadcast %jit3A_1333 : i32 to vector<16xi32>
    %select_n3A_1336 = arith.select %eq3A_1331, %broadcast_in_dim3A_1334, %broadcast_in_dim3A_1335 : vector<16xi1>, vector<16xi32>
    %sub3A_1337 = arith.subi %convert_element_type3A_1329, %select_n3A_1336 : vector<16xi32>
    %le3A_1338 = arith.constant 0.000000e+00 : f32
    %le3A_1339 = vector.broadcast %le3A_1338 : f32 to vector<16xf32>
    %le3A_1340 = arith.cmpf ole, %gather3A_1321, %le3A_1339 : vector<16xf32>
    %jit3A_1341 = arith.constant 15 : i32
    %broadcast_in_dim3A_1342 = vector.broadcast %jit3A_1341 : i32 to vector<16xi32>
    %select_n3A_1343 = arith.select %le3A_1340, %broadcast_in_dim3A_1342, %sub3A_1337 : vector<16xi1>, vector<16xi32>
    %max3A_1344 = arith.constant 0 : i32
    %max3A_1345 = vector.broadcast %max3A_1344 : i32 to vector<16xi32>
    %max3A_1346 = arith.maxsi %select_n3A_1343, %max3A_1345 : vector<16xi32>
    %min3A_1347 = arith.constant 15 : i32
    %min3A_1348 = vector.broadcast %min3A_1347 : i32 to vector<16xi32>
    %min3A_1349 = arith.minsi %max3A_1346, %min3A_1348 : vector<16xi32>
    %mul3A_1350 = arith.constant 16 : i32
    %mul3A_1351 = vector.broadcast %mul3A_1350 : i32 to vector<16xi32>
    %mul3A_1352 = arith.muli %iota3A, %mul3A_1351 : vector<16xi32>
    %add3A_1353 = arith.addi %mul3A_1352, %min3A_1349 : vector<16xi32>
    tpu.vector_store_idx %arg8[%add3A_1353], %gather3A_1321 {add = true} : memref<256xf32, #tpu.memory_space<vmem>>[vector<16xi32>], vector<16xf32>,
    tpu.vector_store_idx %arg9[%add3A_1353], %convert_element_type3A_1325 {add = true} : memref<256xf32, #tpu.memory_space<vmem>>[vector<16xi32>], vector<16xf32>,
    %add3A_1354 = arith.constant 240 : i32
    %add3A_1355 = vector.broadcast %add3A_1354 : i32 to vector<16xi32>
    %add3A_1356 = arith.addi %add3A_1355, %iota3A : vector<16xi32>
    %get3A_1357 = arith.constant 9200 : index
    %get3A_1358 = tpu.vector_load %arg5[%get3A_1357] {strides = array<i32>} : memref<9216xi32, #tpu.memory_space<vmem>>, vector<16xi32>,
    %and3A_1359 = arith.constant 127 : i32
    %and3A_1360 = vector.broadcast %and3A_1359 : i32 to vector<16xi32>
    %and3A_1361 = arith.andi %get3A_1358, %and3A_1360 : vector<16xi32>
    %gather3A_1362 = tpu.vector_load_idx %arg7[%and3A_1361, %add3A_1356] : memref<100x256xf32, #tpu.memory_space<vmem>>[vector<16xi32>, vector<16xi32>], vector<16xf32>,
    %shift_right_arithmetic3A_1363 = arith.constant 7 : i32
    %shift_right_arithmetic3A_1364 = vector.broadcast %shift_right_arithmetic3A_1363 : i32 to vector<16xi32>
    %shift_right_arithmetic3A_1365 = arith.shrsi %get3A_1358, %shift_right_arithmetic3A_1364 : vector<16xi32>
    %convert_element_type3A_1366 = arith.sitofp %shift_right_arithmetic3A_1365 : vector<16xi32> to vector<16xf32>
    %mul3A_1367 = arith.constant 1.500000e+01 : f32
    %mul3A_1368 = vector.broadcast %mul3A_1367 : f32 to vector<16xf32>
    %mul3A_1369 = arith.mulf %gather3A_1362, %mul3A_1368 : vector<16xf32>
    %convert_element_type3A_1370 = arith.fptosi %mul3A_1369 : vector<16xf32> to vector<16xi32>
    %convert_element_type3A_1371 = arith.sitofp %convert_element_type3A_1370 : vector<16xi32> to vector<16xf32>
    %eq3A_1372 = arith.cmpf oeq, %mul3A_1369, %convert_element_type3A_1371 : vector<16xf32>
    %jit3A_1373 = arith.constant 1 : i32
    %jit3A_1374 = arith.constant 0 : i32
    %broadcast_in_dim3A_1375 = vector.broadcast %jit3A_1373 : i32 to vector<16xi32>
    %broadcast_in_dim3A_1376 = vector.broadcast %jit3A_1374 : i32 to vector<16xi32>
    %select_n3A_1377 = arith.select %eq3A_1372, %broadcast_in_dim3A_1375, %broadcast_in_dim3A_1376 : vector<16xi1>, vector<16xi32>
    %sub3A_1378 = arith.subi %convert_element_type3A_1370, %select_n3A_1377 : vector<16xi32>
    %le3A_1379 = arith.constant 0.000000e+00 : f32
    %le3A_1380 = vector.broadcast %le3A_1379 : f32 to vector<16xf32>
    %le3A_1381 = arith.cmpf ole, %gather3A_1362, %le3A_1380 : vector<16xf32>
    %jit3A_1382 = arith.constant 15 : i32
    %broadcast_in_dim3A_1383 = vector.broadcast %jit3A_1382 : i32 to vector<16xi32>
    %select_n3A_1384 = arith.select %le3A_1381, %broadcast_in_dim3A_1383, %sub3A_1378 : vector<16xi1>, vector<16xi32>
    %max3A_1385 = arith.constant 0 : i32
    %max3A_1386 = vector.broadcast %max3A_1385 : i32 to vector<16xi32>
    %max3A_1387 = arith.maxsi %select_n3A_1384, %max3A_1386 : vector<16xi32>
    %min3A_1388 = arith.constant 15 : i32
    %min3A_1389 = vector.broadcast %min3A_1388 : i32 to vector<16xi32>
    %min3A_1390 = arith.minsi %max3A_1387, %min3A_1389 : vector<16xi32>
    %mul3A_1391 = arith.constant 16 : i32
    %mul3A_1392 = vector.broadcast %mul3A_1391 : i32 to vector<16xi32>
    %mul3A_1393 = arith.muli %iota3A, %mul3A_1392 : vector<16xi32>
    %add3A_1394 = arith.addi %mul3A_1393, %min3A_1390 : vector<16xi32>
    tpu.vector_store_idx %arg8[%add3A_1394], %gather3A_1362 {add = true} : memref<256xf32, #tpu.memory_space<vmem>>[vector<16xi32>], vector<16xf32>,
    tpu.vector_store_idx %arg9[%add3A_1394], %convert_element_type3A_1366 {add = true} : memref<256xf32, #tpu.memory_space<vmem>>[vector<16xi32>], vector<16xf32>,
    %get3A_1395 = arith.constant 0 : index
    %get3A_1396 = tpu.vector_load %arg8[%get3A_1395] {strides = array<i32>} : memref<256xf32, #tpu.memory_space<vmem>>, vector<16xf32>,
    %get3A_1397 = arith.constant 0 : index
    %get3A_1398 = tpu.vector_load %arg9[%get3A_1397] {strides = array<i32>} : memref<256xf32, #tpu.memory_space<vmem>>, vector<16xf32>,
    %get3A_1399 = arith.constant 16 : index
    %get3A_1400 = tpu.vector_load %arg8[%get3A_1399] {strides = array<i32>} : memref<256xf32, #tpu.memory_space<vmem>>, vector<16xf32>,
    %add3A_1401 = arith.addf %get3A_1396, %get3A_1400 : vector<16xf32>
    %get3A_1402 = arith.constant 16 : index
    %get3A_1403 = tpu.vector_load %arg9[%get3A_1402] {strides = array<i32>} : memref<256xf32, #tpu.memory_space<vmem>>, vector<16xf32>,
    %add3A_1404 = arith.addf %get3A_1398, %get3A_1403 : vector<16xf32>
    %get3A_1405 = arith.constant 32 : index
    %get3A_1406 = tpu.vector_load %arg8[%get3A_1405] {strides = array<i32>} : memref<256xf32, #tpu.memory_space<vmem>>, vector<16xf32>,
    %add3A_1407 = arith.addf %add3A_1401, %get3A_1406 : vector<16xf32>
    %get3A_1408 = arith.constant 32 : index
    %get3A_1409 = tpu.vector_load %arg9[%get3A_1408] {strides = array<i32>} : memref<256xf32, #tpu.memory_space<vmem>>, vector<16xf32>,
    %add3A_1410 = arith.addf %add3A_1404, %get3A_1409 : vector<16xf32>
    %get3A_1411 = arith.constant 48 : index
    %get3A_1412 = tpu.vector_load %arg8[%get3A_1411] {strides = array<i32>} : memref<256xf32, #tpu.memory_space<vmem>>, vector<16xf32>,
    %add3A_1413 = arith.addf %add3A_1407, %get3A_1412 : vector<16xf32>
    %get3A_1414 = arith.constant 48 : index
    %get3A_1415 = tpu.vector_load %arg9[%get3A_1414] {strides = array<i32>} : memref<256xf32, #tpu.memory_space<vmem>>, vector<16xf32>,
    %add3A_1416 = arith.addf %add3A_1410, %get3A_1415 : vector<16xf32>
    %get3A_1417 = arith.constant 64 : index
    %get3A_1418 = tpu.vector_load %arg8[%get3A_1417] {strides = array<i32>} : memref<256xf32, #tpu.memory_space<vmem>>, vector<16xf32>,
    %add3A_1419 = arith.addf %add3A_1413, %get3A_1418 : vector<16xf32>
    %get3A_1420 = arith.constant 64 : index
    %get3A_1421 = tpu.vector_load %arg9[%get3A_1420] {strides = array<i32>} : memref<256xf32, #tpu.memory_space<vmem>>, vector<16xf32>,
    %add3A_1422 = arith.addf %add3A_1416, %get3A_1421 : vector<16xf32>
    %get3A_1423 = arith.constant 80 : index
    %get3A_1424 = tpu.vector_load %arg8[%get3A_1423] {strides = array<i32>} : memref<256xf32, #tpu.memory_space<vmem>>, vector<16xf32>,
    %add3A_1425 = arith.addf %add3A_1419, %get3A_1424 : vector<16xf32>
    %get3A_1426 = arith.constant 80 : index
    %get3A_1427 = tpu.vector_load %arg9[%get3A_1426] {strides = array<i32>} : memref<256xf32, #tpu.memory_space<vmem>>, vector<16xf32>,
    %add3A_1428 = arith.addf %add3A_1422, %get3A_1427 : vector<16xf32>
    %get3A_1429 = arith.constant 96 : index
    %get3A_1430 = tpu.vector_load %arg8[%get3A_1429] {strides = array<i32>} : memref<256xf32, #tpu.memory_space<vmem>>, vector<16xf32>,
    %add3A_1431 = arith.addf %add3A_1425, %get3A_1430 : vector<16xf32>
    %get3A_1432 = arith.constant 96 : index
    %get3A_1433 = tpu.vector_load %arg9[%get3A_1432] {strides = array<i32>} : memref<256xf32, #tpu.memory_space<vmem>>, vector<16xf32>,
    %add3A_1434 = arith.addf %add3A_1428, %get3A_1433 : vector<16xf32>
    %get3A_1435 = arith.constant 112 : index
    %get3A_1436 = tpu.vector_load %arg8[%get3A_1435] {strides = array<i32>} : memref<256xf32, #tpu.memory_space<vmem>>, vector<16xf32>,
    %add3A_1437 = arith.addf %add3A_1431, %get3A_1436 : vector<16xf32>
    %get3A_1438 = arith.constant 112 : index
    %get3A_1439 = tpu.vector_load %arg9[%get3A_1438] {strides = array<i32>} : memref<256xf32, #tpu.memory_space<vmem>>, vector<16xf32>,
    %add3A_1440 = arith.addf %add3A_1434, %get3A_1439 : vector<16xf32>
    %get3A_1441 = arith.constant 128 : index
    %get3A_1442 = tpu.vector_load %arg8[%get3A_1441] {strides = array<i32>} : memref<256xf32, #tpu.memory_space<vmem>>, vector<16xf32>,
    %add3A_1443 = arith.addf %add3A_1437, %get3A_1442 : vector<16xf32>
    %get3A_1444 = arith.constant 128 : index
    %get3A_1445 = tpu.vector_load %arg9[%get3A_1444] {strides = array<i32>} : memref<256xf32, #tpu.memory_space<vmem>>, vector<16xf32>,
    %add3A_1446 = arith.addf %add3A_1440, %get3A_1445 : vector<16xf32>
    %get3A_1447 = arith.constant 144 : index
    %get3A_1448 = tpu.vector_load %arg8[%get3A_1447] {strides = array<i32>} : memref<256xf32, #tpu.memory_space<vmem>>, vector<16xf32>,
    %add3A_1449 = arith.addf %add3A_1443, %get3A_1448 : vector<16xf32>
    %get3A_1450 = arith.constant 144 : index
    %get3A_1451 = tpu.vector_load %arg9[%get3A_1450] {strides = array<i32>} : memref<256xf32, #tpu.memory_space<vmem>>, vector<16xf32>,
    %add3A_1452 = arith.addf %add3A_1446, %get3A_1451 : vector<16xf32>
    %get3A_1453 = arith.constant 160 : index
    %get3A_1454 = tpu.vector_load %arg8[%get3A_1453] {strides = array<i32>} : memref<256xf32, #tpu.memory_space<vmem>>, vector<16xf32>,
    %add3A_1455 = arith.addf %add3A_1449, %get3A_1454 : vector<16xf32>
    %get3A_1456 = arith.constant 160 : index
    %get3A_1457 = tpu.vector_load %arg9[%get3A_1456] {strides = array<i32>} : memref<256xf32, #tpu.memory_space<vmem>>, vector<16xf32>,
    %add3A_1458 = arith.addf %add3A_1452, %get3A_1457 : vector<16xf32>
    %get3A_1459 = arith.constant 176 : index
    %get3A_1460 = tpu.vector_load %arg8[%get3A_1459] {strides = array<i32>} : memref<256xf32, #tpu.memory_space<vmem>>, vector<16xf32>,
    %add3A_1461 = arith.addf %add3A_1455, %get3A_1460 : vector<16xf32>
    %get3A_1462 = arith.constant 176 : index
    %get3A_1463 = tpu.vector_load %arg9[%get3A_1462] {strides = array<i32>} : memref<256xf32, #tpu.memory_space<vmem>>, vector<16xf32>,
    %add3A_1464 = arith.addf %add3A_1458, %get3A_1463 : vector<16xf32>
    %get3A_1465 = arith.constant 192 : index
    %get3A_1466 = tpu.vector_load %arg8[%get3A_1465] {strides = array<i32>} : memref<256xf32, #tpu.memory_space<vmem>>, vector<16xf32>,
    %add3A_1467 = arith.addf %add3A_1461, %get3A_1466 : vector<16xf32>
    %get3A_1468 = arith.constant 192 : index
    %get3A_1469 = tpu.vector_load %arg9[%get3A_1468] {strides = array<i32>} : memref<256xf32, #tpu.memory_space<vmem>>, vector<16xf32>,
    %add3A_1470 = arith.addf %add3A_1464, %get3A_1469 : vector<16xf32>
    %get3A_1471 = arith.constant 208 : index
    %get3A_1472 = tpu.vector_load %arg8[%get3A_1471] {strides = array<i32>} : memref<256xf32, #tpu.memory_space<vmem>>, vector<16xf32>,
    %add3A_1473 = arith.addf %add3A_1467, %get3A_1472 : vector<16xf32>
    %get3A_1474 = arith.constant 208 : index
    %get3A_1475 = tpu.vector_load %arg9[%get3A_1474] {strides = array<i32>} : memref<256xf32, #tpu.memory_space<vmem>>, vector<16xf32>,
    %add3A_1476 = arith.addf %add3A_1470, %get3A_1475 : vector<16xf32>
    %get3A_1477 = arith.constant 224 : index
    %get3A_1478 = tpu.vector_load %arg8[%get3A_1477] {strides = array<i32>} : memref<256xf32, #tpu.memory_space<vmem>>, vector<16xf32>,
    %add3A_1479 = arith.addf %add3A_1473, %get3A_1478 : vector<16xf32>
    %get3A_1480 = arith.constant 224 : index
    %get3A_1481 = tpu.vector_load %arg9[%get3A_1480] {strides = array<i32>} : memref<256xf32, #tpu.memory_space<vmem>>, vector<16xf32>,
    %add3A_1482 = arith.addf %add3A_1476, %get3A_1481 : vector<16xf32>
    %get3A_1483 = arith.constant 240 : index
    %get3A_1484 = tpu.vector_load %arg8[%get3A_1483] {strides = array<i32>} : memref<256xf32, #tpu.memory_space<vmem>>, vector<16xf32>,
    %add3A_1485 = arith.addf %add3A_1479, %get3A_1484 : vector<16xf32>
    %get3A_1486 = arith.constant 240 : index
    %get3A_1487 = tpu.vector_load %arg9[%get3A_1486] {strides = array<i32>} : memref<256xf32, #tpu.memory_space<vmem>>, vector<16xf32>,
    %add3A_1488 = arith.addf %add3A_1482, %get3A_1487 : vector<16xf32>
    %swap3A_1489 = arith.constant 0 : index
    %swap3A_1490 = tpu.vector_load %arg10[%swap3A_1489] {strides = array<i32>} : memref<32xf32, #tpu.memory_space<vmem>>, vector<16xf32>,
    tpu.vector_store %arg10[%swap3A_1489], %add3A_1485 {strides = array<i32>} : memref<32xf32, #tpu.memory_space<vmem>>, vector<16xf32>,
    %swap3A_1491 = arith.constant 16 : index
    %swap3A_1492 = tpu.vector_load %arg10[%swap3A_1491] {strides = array<i32>} : memref<32xf32, #tpu.memory_space<vmem>>, vector<16xf32>,
    tpu.vector_store %arg10[%swap3A_1491], %add3A_1488 {strides = array<i32>} : memref<32xf32, #tpu.memory_space<vmem>>, vector<16xf32>,
    "tpu.region"() ({
      %run_scoped3A = tpu.sem_alloc : memref<!tpu.dma_semaphore, #tpu.memory_space<semaphore_mem>>
      %dma_start3A_1493 = arith.constant 0 : i32
      %dma_start3A_1494 = tpu.memref_slice %arg4[%add3A, %dma_start3A_1493] : memref<32x32xf32, #tpu.memory_space<hbm>> -> memref<1x32xf32, #tpu.memory_space<hbm>>
      %dma_start3A_1495 = tpu.memref_squeeze %dma_start3A_1494 : memref<1x32xf32, #tpu.memory_space<hbm>> -> memref<32xf32, #tpu.memory_space<hbm>>
      %dma_start3A_1496 = arith.constant 0 : i32
      %dma_start3A_1497 = tpu.memref_slice %arg4[%add3A, %dma_start3A_1496] : memref<32x32xf32, #tpu.memory_space<hbm>> -> memref<1x32xf32, #tpu.memory_space<hbm>>
      %dma_start3A_1498 = tpu.memref_squeeze %dma_start3A_1497 : memref<1x32xf32, #tpu.memory_space<hbm>> -> memref<32xf32, #tpu.memory_space<hbm>>
      tpu.enqueue_dma source(%arg10 : memref<32xf32, #tpu.memory_space<vmem>>) target(%dma_start3A_1498 : memref<32xf32, #tpu.memory_space<hbm>>) target_semaphore(%run_scoped3A : memref<!tpu.dma_semaphore, #tpu.memory_space<semaphore_mem>>)
      %dma_wait3A_1499 = arith.constant 0 : i32
      %dma_wait3A_1500 = tpu.memref_slice %arg4[%add3A, %dma_wait3A_1499] : memref<32x32xf32, #tpu.memory_space<hbm>> -> memref<1x32xf32, #tpu.memory_space<hbm>>
      %dma_wait3A_1501 = tpu.memref_squeeze %dma_wait3A_1500 : memref<1x32xf32, #tpu.memory_space<hbm>> -> memref<32xf32, #tpu.memory_space<hbm>>
      %dma_wait3A_1502 = arith.constant 0 : i32
      %dma_wait3A_1503 = tpu.memref_slice %arg4[%add3A, %dma_wait3A_1502] : memref<32x32xf32, #tpu.memory_space<hbm>> -> memref<1x32xf32, #tpu.memory_space<hbm>>
      %dma_wait3A_1504 = tpu.memref_squeeze %dma_wait3A_1503 : memref<1x32xf32, #tpu.memory_space<hbm>> -> memref<32xf32, #tpu.memory_space<hbm>>
      tpu.wait_dma2 semaphore(%run_scoped3A : memref<!tpu.dma_semaphore, #tpu.memory_space<semaphore_mem>>) src(%arg10 : memref<32xf32, #tpu.memory_space<vmem>>) dst(%dma_wait3A_1504 : memref<32xf32, #tpu.memory_space<hbm>>)
      tpu.yield
    }) : () -> ()
    return
  }
}

module attributes {stable_mosaic.version = 14 : i64} {
  func.func @_tc_body(%arg0: i32, %arg1: memref<2048xi32, #tpu.memory_space<vmem>>, %arg2: memref<100x2048xf32, #tpu.memory_space<vmem>>, %arg3: memref<2x16xf32, #tpu.memory_space<vmem>>) attributes {dimension_semantics = [#tpu.dimension_semantics<arbitrary>], iteration_bounds = array<i64: 101>, scalar_prefetch = 0 : i64, scratch_operands = 0 : i64, tpu.core_type = #tpu.core_type<tc>, window_params = [{transform_indices = @transform_0, window_bounds = array<i64: 2048>}, {transform_indices = @transform_1, window_bounds = array<i64: 100, 2048>}, {pipeline_mode = #tpu.pipeline_mode<synchronous>, transform_indices = @transform_2, window_bounds = array<i64: 2, 16>}]} {
    %get3A = arith.constant 0 : index
    %get3A_0 = vector.load %arg1[%get3A] : memref<2048xi32, #tpu.memory_space<vmem>>, vector<2048xi32>
    %get3A_1 = arith.constant 0 : index
    %get3A_2 = arith.constant 0 : index
    %get3A_3 = vector.load %arg2[%get3A_1, %get3A_2] : memref<100x2048xf32, #tpu.memory_space<vmem>>, vector<100x2048xf32>
    %and3A = arith.constant 127 : i32
    %and3A_4 = vector.broadcast %and3A : i32 to vector<2048xi32>
    %and3A_5 = arith.andi %get3A_0, %and3A_4 : vector<2048xi32>
    %shift_right_arithmetic3A = arith.constant 7 : i32
    %shift_right_arithmetic3A_6 = vector.broadcast %shift_right_arithmetic3A : i32 to vector<2048xi32>
    %shift_right_arithmetic3A_7 = arith.shrsi %get3A_0, %shift_right_arithmetic3A_6 : vector<2048xi32>
    %convert_element_type3A = arith.sitofp %shift_right_arithmetic3A_7 : vector<2048xi32> to vector<2048xf32>
    %iota3A = tpu.iota {dimensions = array<i32: 0>} : vector<100x2048xi32>
    %broadcast_in_dim3A = vector.shape_cast %and3A_5 : vector<2048xi32> to vector<1x2048xi32>
    %eq3A = vector.broadcast %broadcast_in_dim3A : vector<1x2048xi32> to vector<100x2048xi32>
    %eq3A_8 = arith.cmpi eq, %iota3A, %eq3A : vector<100x2048xi32>
    %jit3A = arith.constant 0.000000e+00 : f32
    %broadcast_in_dim3A_9 = vector.broadcast %jit3A : f32 to vector<100x2048xf32>
    %select_n3A = arith.select %eq3A_8, %get3A_3, %broadcast_in_dim3A_9 : vector<100x2048xi1>, vector<100x2048xf32>
    %reduce_sum3A = arith.constant dense<0.000000e+00> : vector<2048xf32>
    %reduce_sum3A_10 = vector.multi_reduction <add>, %select_n3A, %reduce_sum3A [0] : vector<100x2048xf32> to vector<2048xf32>
    %mul3A = arith.constant 2048 : i32
    %mul3A_11 = arith.muli %arg0, %mul3A : i32
    %add3A = arith.constant 294912 : i32
    %add3A_12 = arith.addi %add3A, %mul3A_11 : i32
    %iota3A_13 = tpu.iota {dimensions = array<i32: 1>} : vector<1x2048xi32>
    %iota3A_14 = vector.shape_cast %iota3A_13 : vector<1x2048xi32> to vector<2048xi32>
    %add3A_15 = vector.broadcast %add3A_12 : i32 to vector<2048xi32>
    %add3A_16 = arith.addi %add3A_15, %iota3A_14 : vector<2048xi32>
    %lt3A = arith.constant 500000 : i32
    %lt3A_17 = vector.broadcast %lt3A : i32 to vector<2048xi32>
    %lt3A_18 = arith.cmpi slt, %add3A_16, %lt3A_17 : vector<2048xi32>
    %mul3A_19 = arith.constant 1.500000e+01 : f32
    %mul3A_20 = vector.broadcast %mul3A_19 : f32 to vector<2048xf32>
    %mul3A_21 = arith.mulf %reduce_sum3A_10, %mul3A_20 : vector<2048xf32>
    %convert_element_type3A_22 = arith.fptosi %mul3A_21 : vector<2048xf32> to vector<2048xi32>
    %convert_element_type3A_23 = arith.sitofp %convert_element_type3A_22 : vector<2048xi32> to vector<2048xf32>
    %eq3A_24 = arith.cmpf oeq, %mul3A_21, %convert_element_type3A_23 : vector<2048xf32>
    %jit3A_25 = arith.constant 1 : i32
    %jit3A_26 = arith.constant 0 : i32
    %broadcast_in_dim3A_27 = vector.broadcast %jit3A_25 : i32 to vector<2048xi32>
    %broadcast_in_dim3A_28 = vector.broadcast %jit3A_26 : i32 to vector<2048xi32>
    %select_n3A_29 = arith.select %eq3A_24, %broadcast_in_dim3A_27, %broadcast_in_dim3A_28 : vector<2048xi1>, vector<2048xi32>
    %sub3A = arith.subi %convert_element_type3A_22, %select_n3A_29 : vector<2048xi32>
    %le3A = arith.constant 0.000000e+00 : f32
    %le3A_30 = vector.broadcast %le3A : f32 to vector<2048xf32>
    %le3A_31 = arith.cmpf ole, %reduce_sum3A_10, %le3A_30 : vector<2048xf32>
    %jit3A_32 = arith.constant 15 : i32
    %broadcast_in_dim3A_33 = vector.broadcast %jit3A_32 : i32 to vector<2048xi32>
    %select_n3A_34 = arith.select %le3A_31, %broadcast_in_dim3A_33, %sub3A : vector<2048xi1>, vector<2048xi32>
    %jit3A_35 = arith.constant 15 : i32
    %broadcast_in_dim3A_36 = vector.broadcast %jit3A_35 : i32 to vector<2048xi32>
    %select_n3A_37 = arith.select %lt3A_18, %select_n3A_34, %broadcast_in_dim3A_36 : vector<2048xi1>, vector<2048xi32>
    %max3A = arith.constant 0 : i32
    %max3A_38 = vector.broadcast %max3A : i32 to vector<2048xi32>
    %max3A_39 = arith.maxsi %select_n3A_37, %max3A_38 : vector<2048xi32>
    %min3A = arith.constant 15 : i32
    %min3A_40 = vector.broadcast %min3A : i32 to vector<2048xi32>
    %min3A_41 = arith.minsi %max3A_39, %min3A_40 : vector<2048xi32>
    %iota3A_42 = tpu.iota {dimensions = array<i32: 0>} : vector<16x2048xi32>
    %broadcast_in_dim3A_43 = vector.shape_cast %min3A_41 : vector<2048xi32> to vector<1x2048xi32>
    %eq3A_44 = vector.broadcast %broadcast_in_dim3A_43 : vector<1x2048xi32> to vector<16x2048xi32>
    %eq3A_45 = arith.cmpi eq, %iota3A_42, %eq3A_44 : vector<16x2048xi32>
    %broadcast_in_dim3A_46 = vector.shape_cast %reduce_sum3A_10 : vector<2048xf32> to vector<1x2048xf32>
    %jit3A_47 = arith.constant 0.000000e+00 : f32
    %broadcast_in_dim3A_48 = vector.shape_cast %broadcast_in_dim3A_46 : vector<1x2048xf32> to vector<1x2048xf32>
    %broadcast_in_dim3A_49 = vector.broadcast %broadcast_in_dim3A_48 : vector<1x2048xf32> to vector<16x2048xf32>
    %broadcast_in_dim3A_50 = vector.broadcast %jit3A_47 : f32 to vector<16x2048xf32>
    %select_n3A_51 = arith.select %eq3A_45, %broadcast_in_dim3A_49, %broadcast_in_dim3A_50 : vector<16x2048xi1>, vector<16x2048xf32>
    %reduce_sum3A_52 = arith.constant dense<0.000000e+00> : vector<16xf32>
    %reduce_sum3A_53 = vector.multi_reduction <add>, %select_n3A_51, %reduce_sum3A_52 [1] : vector<16x2048xf32> to vector<16xf32>
    %broadcast_in_dim3A_54 = vector.shape_cast %convert_element_type3A : vector<2048xf32> to vector<1x2048xf32>
    %jit3A_55 = arith.constant 0.000000e+00 : f32
    %broadcast_in_dim3A_56 = vector.shape_cast %broadcast_in_dim3A_54 : vector<1x2048xf32> to vector<1x2048xf32>
    %broadcast_in_dim3A_57 = vector.broadcast %broadcast_in_dim3A_56 : vector<1x2048xf32> to vector<16x2048xf32>
    %broadcast_in_dim3A_58 = vector.broadcast %jit3A_55 : f32 to vector<16x2048xf32>
    %select_n3A_59 = arith.select %eq3A_45, %broadcast_in_dim3A_57, %broadcast_in_dim3A_58 : vector<16x2048xi1>, vector<16x2048xf32>
    %reduce_sum3A_60 = arith.constant dense<0.000000e+00> : vector<16xf32>
    %reduce_sum3A_61 = vector.multi_reduction <add>, %select_n3A_59, %reduce_sum3A_60 [1] : vector<16x2048xf32> to vector<16xf32>
    %eq3A_62 = arith.constant 0 : i32
    %eq3A_63 = arith.cmpi eq, %arg0, %eq3A_62 : i32
    %convert_element_type3A_64 = arith.extui %eq3A_63 : i1 to i32
    %cond3A = arith.constant 0 : i32
    %cond3A_65 = arith.cmpi ne, %convert_element_type3A_64, %cond3A : i32
    scf.if %cond3A_65 {
      %broadcast_in_dim3A_74 = arith.constant 0.000000e+00 : f32
      %broadcast_in_dim3A_75 = vector.broadcast %broadcast_in_dim3A_74 : f32 to vector<2x16xf32>
      %swap3A_76 = arith.constant 0 : index
      %swap3A_77 = arith.constant 0 : index
      %swap3A_78 = vector.load %arg3[%swap3A_76, %swap3A_77] : memref<2x16xf32, #tpu.memory_space<vmem>>, vector<2x16xf32>
      tpu.vector_store %arg3[%swap3A_76, %swap3A_77], %broadcast_in_dim3A_75 {strides = array<i32>} : memref<2x16xf32, #tpu.memory_space<vmem>>, vector<2x16xf32>,
    } else {
    }
    %get3A_66 = arith.constant 0 : index
    %get3A_67 = arith.constant 0 : index
    %get3A_68 = vector.load %arg3[%get3A_66, %get3A_67] : memref<2x16xf32, #tpu.memory_space<vmem>>, vector<2x16xf32>
    %stack3A = vector.shape_cast %reduce_sum3A_53 : vector<16xf32> to vector<1x16xf32>
    %stack3A_69 = vector.shape_cast %reduce_sum3A_61 : vector<16xf32> to vector<1x16xf32>
    %stack3A_70 = tpu.concatenate %stack3A, %stack3A_69 in 0 : vector<1x16xf32>, vector<1x16xf32> -> vector<2x16xf32>
    %add3A_71 = arith.addf %get3A_68, %stack3A_70 : vector<2x16xf32>
    %swap3A = arith.constant 0 : index
    %swap3A_72 = arith.constant 0 : index
    %swap3A_73 = vector.load %arg3[%swap3A, %swap3A_72] : memref<2x16xf32, #tpu.memory_space<vmem>>, vector<2x16xf32>
    tpu.vector_store %arg3[%swap3A, %swap3A_72], %add3A_71 {strides = array<i32>} : memref<2x16xf32, #tpu.memory_space<vmem>>, vector<2x16xf32>,
    return
  }
  func.func @transform_0(%arg0: i32) -> i32 {
    %add3A = arith.constant 144 : i32
    %add3A_0 = arith.addi %add3A, %arg0 : i32
    %c0_i32 = arith.constant 0 : i32
    return %add3A_0 : i32
  }
  func.func @transform_1(%arg0: i32) -> (i32, i32) {
    %add3A = arith.constant 144 : i32
    %add3A_0 = arith.addi %add3A, %arg0 : i32
    %c0_i32 = arith.constant 0 : i32
    %c0_i32_1 = arith.constant 0 : i32
    return %c0_i32, %add3A_0 : i32, i32
  }
  func.func @transform_2(%arg0: i32) -> (i32, i32) {
    %c0_i32 = arith.constant 0 : i32
    %c0_i32_0 = arith.constant 0 : i32
    %c0_i32_1 = arith.constant 0 : i32
    return %c0_i32, %c0_i32_0 : i32, i32
  }
}

</mosaic_0001>

<sc_bundles>
// kernel: _ece_both.4.cloned.1.call-start
scs
__scs_entry_jumppad:
0x0: {  	(pc) =	sbr.rel $0x88, $3  }
0x1: {  	(tag) =	ssettag $0x0;
	lr =	simm.s32 $0x1  }
0x2: {  	[smem:$0x3F9F] =	sst lr;
	_ =	strace $0xD0000000  }
0x3: {  	_ = 	snop  }
0x4: {  	_ = 	snop  }
0x5: {  	_ = 	snop  }
0x6: {  	_ = 	snop  }
0x7: {  	_ = 	snop  }
__scs_overlays_trampoline_lowered:
0x8: {  	[smem:$0x3FAE] =	sst s0  }
0x9: {  	[smem:$0x3FAF] =	sst s1  }
0xa: {  	[smem:$0x3FB0] =	sst s2  }
0xb: {  	[smem:$0x3FB1] =	sst s3  }
0xc: {  	[smem:$0x3FB2] =	sst s4  }
0xd: {  	[smem:$0x3FB3] =	sst s5  }
0xe: {  	[smem:$0x3FB4] =	sst s6  }
0xf: {  	[smem:$0x3FB5] =	sst s7  }
0x10: {  	[smem:$0x3FB6] =	sst s8  }
0x11: {  	[smem:$0x3FB7] =	sst s9;
	s0 =	simm.s32 @!p0 $0x0  }
0x12: {  	s1 =	sld [smem:$0x3F9D];
	s0 =	simm.s32 @p0 $0x1  }
0x13: {  	[smem:$0x3FB8] =	sst s0;
	s0 =	simm.s32 @!p1 $0x0  }
0x14: {  	s2 =	sld [smem:$0x3F9C];
	s0 =	simm.s32 @p1 $0x1  }
0x15: {  	[smem:$0x3FB9] =	sst s0;
	s0 =	simm.s32 @!p2 $0x0  }
0x16: {  	s3 =	sld [smem:$0x3FDB];
	s0 =	simm.s32 @p2 $0x1  }
0x17: {  	s4 =	simm.s32 $0x1BF5;
	[smem:$0x3FBB] =	sst s0  }
0x18: {  	s0 =	sld [smem:$0x3F9E];
	_ =	swait.ge [sflag:s4], $0x0  }
0x19: {  	s7 =	sld [smem:$0x3F9F]  }
0x1a: {  	s8 =	sadd.s32 $0xFFFFE003, lr  }
0x1b: {  	s9 =	sadd.s32 $0xFFFFFEF7, lr;
	s5 =	simm.s32 $0xFFFFFFFF;
	p2 =	slt.u32 s8, $0xFFFFF086  }
0x1c: {  	p1 =	slt.u32 s9, $0xF7A;
	s5 =	simm.s32 @!p2 $0x0  }
0x1d: {  	s5 =	simm.s32 @p1 $0x1;
	p0 =	seq.s32 s7, s2  }
0x1e: {  	s7 =	smul.u32 @!p0 $0xF7A, s2;
	p2 =	seq.s32 @!p0 s5, $0x0  }
0x1f: {  	s9 =	smul.u32 $0xF7A, s1;
	s8 =	simm.s32 @!p0 $0x1BF5;
	p2 =	por !p2, p0  }
0x20: {  	[sflag:s8] =	ssyncset.s32 @!p0 $0xFFFFF086;
	s6 =	sadd.s32 @!p0 s3, s7;
	s7 =	simm.s32 @!p0 $0x108  }
0x21: {  	s3 =	sadd.s32 s3, s9;
	s6 =	sadd.s32 @!p0 $0x88, s6;
	s7 =	simm.s32 @p2 $0x1082  }
0x22: {  	[simem:s7], [sflag:s8] =	dma.local @!p0 [hbm:s6], $0xF7A  }
0x23: {  	s9 =	sor.u32 $0xD0000000, s2;
	s6 =	simm.s32 $0x108;
	_ =	swait.ge @!p0 [sflag:s8], $0x0  }
0x24: {  	s3 =	sadd.s32 $0x88, s3;
	s6 =	simm.s32 @!p1 $0x1082;
	[sflag:s4] =	ssyncset.s32 $0xFFFFF086  }
0x25: {  	[simem:s6], [sflag:s4] =	dma.local [hbm:s3], $0xF7A  }
0x26: {  	[smem:$0x3F9F] =	sst s1;
	(tag) =	ssettag s2;
	_ =	strace s9  }
0x27: {  	s1 =	sld [smem:$0x3FAF]  }
0x28: {  	s2 =	sld [smem:$0x3FB0]  }
0x29: {  	s4 =	sld [smem:$0x3FB2]  }
0x2a: {  	p0 =	seq.s32 s5, $0x0;
	s5 =	sld [smem:$0x3FB3]  }
0x2b: {  	s6 =	sld [smem:$0x3FB4]  }
0x2c: {  	s7 =	sld [smem:$0x3FB5]  }
0x2d: {  	s3 =	simm.s32 $0x108;
	s8 =	sld [smem:$0x3FB6]  }
0x2e: {  	s3 =	simm.s32 @!p0 $0x1082;
	s9 =	sld [smem:$0x3FB7]  }
0x2f: {  	lr =	sadd.s32 s0, s3;
	s0 =	sld [smem:$0x3FAE]  }
0x30: {  	s3 =	sld [smem:$0x3FB1]  }
0x31: {  	[smem:$0x3FBA] =	sst s10  }
0x32: {  	s10 =	sld [smem:$0x3FB8];
	_ =	sdelay $0x3  }
0x33: {  	p0 =	seq.s32 s10, $0x1;
	s10 =	sld [smem:$0x3FBA];
	_ =	sdelay $0x3  }
0x34: {  	[smem:$0x3FBA] =	sst s10  }
0x35: {  	s10 =	sld [smem:$0x3FB9];
	_ =	sdelay $0x3  }
0x36: {  	p1 =	seq.s32 s10, $0x1;
	s10 =	sld [smem:$0x3FBA];
	_ =	sdelay $0x3  }
0x37: {  	[smem:$0x3FBA] =	sst s10  }
0x38: {  	s10 =	sld [smem:$0x3FBB]  }
0x39: {  	_ = 	snop;
	(pc) =	sbr.ind lr, $3  }
0x3a: {  	_ = 	snop  }
0x3b: {  	_ = 	snop  }
0x3c: {  	p2 =	seq.s32 s10, $0x1;
	s10 =	sld [smem:$0x3FBA]  }
0x3d: {  	_ =	shalt  }
0x3e: {  	_ =	shalt  }
0x3f: {  	_ =	shalt  }
0x40: {  	_ =	shalt  }
0x41: {  	_ =	shalt  }
0x42: {  	_ =	shalt  }
0x43: {  	_ =	shalt  }
0x44: {  	_ =	shalt  }
0x45: {  	_ =	shalt  }
0x46: {  	_ =	shalt  }
0x47: {  	_ =	shalt  }
0x48: {  	_ =	shalt  }
0x49: {  	_ =	shalt  }
0x4a: {  	_ =	shalt  }
0x4b: {  	_ =	shalt  }
0x4c: {  	_ =	shalt  }
0x4d: {  	_ =	shalt  }
0x4e: {  	_ =	shalt  }
0x4f: {  	_ =	shalt  }
0x50: {  	_ =	shalt  }
0x51: {  	_ =	shalt  }
0x52: {  	_ =	shalt  }
0x53: {  	_ =	shalt  }
0x54: {  	_ =	shalt  }
0x55: {  	_ =	shalt  }
0x56: {  	_ =	shalt  }
0x57: {  	_ =	shalt  }
0x58: {  	_ =	shalt  }
0x59: {  	_ =	shalt  }
0x5a: {  	_ =	shalt  }
0x5b: {  	_ =	shalt  }
0x5c: {  	_ =	shalt  }
0x5d: {  	_ =	shalt  }
0x5e: {  	_ =	shalt  }
0x5f: {  	_ =	shalt  }
0x60: {  	_ =	shalt  }
0x61: {  	_ =	shalt  }
0x62: {  	_ =	shalt  }
0x63: {  	_ =	shalt  }
0x64: {  	_ =	shalt  }
0x65: {  	_ =	shalt  }
0x66: {  	_ =	shalt  }
0x67: {  	_ =	shalt  }
0x68: {  	_ =	shalt  }
0x69: {  	_ =	shalt  }
0x6a: {  	_ =	shalt  }
0x6b: {  	_ =	shalt  }
0x6c: {  	_ =	shalt  }
0x6d: {  	_ =	shalt  }
0x6e: {  	_ =	shalt  }
0x6f: {  	_ =	shalt  }
0x70: {  	_ =	shalt  }
0x71: {  	_ =	shalt  }
0x72: {  	_ =	shalt  }
0x73: {  	_ =	shalt  }
0x74: {  	_ =	shalt  }
0x75: {  	_ =	shalt  }
0x76: {  	_ =	shalt  }
0x77: {  	_ =	shalt  }
0x78: {  	_ =	shalt  }
0x79: {  	_ =	shalt  }
0x7a: {  	_ =	shalt  }
0x7b: {  	_ =	shalt  }
0x7c: {  	_ =	shalt  }
0x7d: {  	_ =	shalt  }
0x7e: {  	_ =	shalt  }
0x7f: {  	_ =	shalt  }
0x80: {  	_ =	shalt  }
0x81: {  	_ =	shalt  }
0x82: {  	_ =	shalt  }
0x83: {  	_ =	shalt  }
0x84: {  	_ =	shalt  }
0x85: {  	_ =	shalt  }
0x86: {  	_ =	shalt  }
0x87: {  	_ =	shalt  }
.Lfunc_end0:
.L_simem_size_0:
called_computation_lowered:
.L_overlay_start_0:
0x88: {  	s2 =	sld [smem:$0x3FD9]  }
0x89: {  	s3 =	sld [smem:$0x3FFE];
	_ =	sdelay $0x1  }
0x8a: {  	s1 =	srdreg.scid  }
0x8b: {  	s0 =	sand.u32 $0x1, s1  }
0x8c: {  	s15 =	sshll.u32 s0, $0xA;
	s2 =	sadd.s32 s3, s2  }
0x8d: {  	s2 =	sadd.s32 s2, s15  }
0x8e: {  	[smem:$0x3FC6] =	sst s2  }
0x8f: {  	_ = 	snop  }
0x90: {  	s2 =	sld [smem:$0x3FD0];
	_ =	sdelay $0x1  }
0x91: {  	s16 =	sld [smem:$0x3FC9]  }
0x92: {  	s5 =	simm.s32 $0xA;
	s6 =	simm.s32 $0x10;
	s4 =	sld [smem:$0x3FC8]  }
0x93: {  	[smem:s6], [sflag:s5] =	dma.local [hbm:s2], $0x1  }
0x94: {  	_ =	swait.eq [sflag:s5], $0x1  }
0x95: {  	[sflag:s5] =	ssyncset.done $0x0  }
0x96: {  	[sflag:s5] =	ssyncadd.s32 $0xFFFFFFFF  }
0x97: {  	s17 =	sld [smem:$0x10];
	(tm) =	ssettm $0x1  }
0x98: {  	s18 =	sld [smem:$0x3FFB];
	_ =	sdelay $0x3  }
0x99: {  	_ =	strace s18  }
0x9a: {  	s5 =	sld [smem:$0x3FFC];
	_ =	sdelay $0x3  }
0x9b: {  	_ =	strace s5  }
0x9c: {  	s5 =	sld [smem:$0x3FFD];
	_ =	sdelay $0x3  }
0x9d: {  	_ =	strace s5  }
0x9e: {  	_ =	strace $0x8FFFFFFF  }
0x9f: {  	s19 =	sld [smem:$0x3FDB];
	_ =	sdelay $0x1  }
0xa0: {  	s20 =	simm.s32 $_scs_section_size  }
0xa1: {  	s7 =	simm.s32 $_size__tile_overlayer_lowered;
	s8 =	simm.s32 $_tile_overlayer_lowered  }
0xa2: {  	s23 =	simm.s32 $0x1BFF;
	s22 =	sshll.u32 s8, $0x1;
	s5 =	sadd.s32 s20, s19  }
0xa3: {  	s9 =	simm.s32 $0x0;
	s21 =	sshll.u32 s7, $0x1;
	s7 =	sadd.s32 s22, s5  }
0xa4: {  	[timem:s9], [sflag:s23] =	dma.local [hbm:s7], s21  }
0xa5: {  	_ =	swait.ge [sflag:s23], s21  }
0xa6: {  	s6 =	ssub.s32 $0x0, s21;
	[sflag:s23] =	ssyncset.done $0x0  }
0xa7: {  	[sflag:s23] =	ssyncadd.s32 s6;
	_ =	sdelay $0x1  }
0xa8: {  	s24 =	simm.s32 $0x1B8B  }
0xa9: {  	_ =	swait.ge [sflag:s24], $0x1  }
0xaa: {  	[sflag:s24] =	ssyncset.done $0x0  }
0xab: {  	s25 =	simm.s32 $0x1B8E;
	[sflag:s24] =	ssyncadd.s32 $0xFFFFFFFF  }
0xac: {  	s26 =	simm.s32 $execute0_lowered;
	[smem:$0x3FD2] =	sst s25  }
0xad: {  	s6 =	sshll.u32 s26, $0x1;
	_ =	strace $0x80000046;
	[dreg:$0x1] =	wrdreg $0xFFFFFFFF  }
0xae: {  	s28 =	simm.s32 $_size_execute0_lowered;
	s5 =	sadd.s32 s5, s6;
	[dreg:$0x0] =	wrdreg $0x0  }
0xaf: {  	s6 =	sshll.u32 s28, $0x1;
	[dreg:$0x2] =	wrdreg s5  }
0xb0: {  	[dreg:$0x3] =	wrdreg s6  }
0xb1: {  	[dreg:$0x4] =	wrdreg $0xC0  }
0xb2: {  	_ =	task [dreg:s9], $0x5FFFF  }
0xb3: {  	[dreg:$0x1] =	wrdreg $0xFFFFFFFF  }
0xb4: {  	[dreg:$0x0] =	wrdreg $0x60  }
0xb5: {  	[dreg:$0x2] =	wrdreg s16  }
0xb6: {  	[dreg:$0x3] =	wrdreg s4  }
0xb7: {  	[dreg:$0x4] =	wrdreg s17  }
0xb8: {  	[dreg:$0x5] =	wrdreg $0x9  }
0xb9: {  	_ =	task.clear_ibuf [dreg:s9], $0x6FFFF;
	_ =	strace $0x90000046  }
0xba: {  	s29 =	simm.s32 $0x9;
	_ =	strace $0x80000048  }
0xbb: {  	_ =	swait.ge [sflag:s29], $0x1  }
0xbc: {  	[sflag:s29] =	ssyncadd.s32 $0xFFFFFFFF  }
0xbd: {  	_ =	strace $0x90000048  }
0xbe: {  	_ =	sfence  }
0xbf: {  	s30 =	sld [smem:$0x0];
	_ =	sdelay $0x2  }
0xc0: {  	s31 =	sshll.u32 s1, $0xD;
	s1 =	sshrl.u32 s1, $0x2  }
0xc1: {  	s3 =	sand.u32 $0x4000, s31;
	s1 =	sadd.s32 s1, s30  }
0xc2: {  	s0 =	sor.u32 s3, s0;
	s1 =	sshll.u32 s1, $0x11  }
0xc3: {  	s0 =	sor.u32 s1, s0  }
0xc4: {  	s0 =	sadd.s32 $0x8F2B, s0  }
0xc5: {  	[sflag:s0] =	ssyncadd.remote.s32 $0x1  }
0xc6: {  	_ =	sfence.sel $0xFFFF  }
0xc7: {  	[dreg:$0x0] =	wrdreg $0xFFFFFFFF;
	(pc) =	sbr.abs _section_cstart, $3  }
0xc8: {  	[dreg:$0x1] =	wrdreg $0xFFFFFFFF  }
0xc9: {  	_ =	task.clear_ibuf [dreg:s9], $0x2FFFF;
	_ =	strace $0x9FFFFFFF  }
0xca: {  	(tm) =	ssettm $0x7FFFFFFF  }
0xcb: {  	_ =	shalt  }
tec
execute0_lowered:
.L_overlay_start_1:
0x0: {  	(tag) =	ssettag $0x1  }
0x1: {  	s8 =	rddreg [dreg:$0x0]  }
0x2: {  	s0 =	srdreg.scid;
	s3 =	rddreg [dreg:$0x1]  }
0x3: {  	s7 =	rddreg [dreg:$0x2];
	s2 =	simm.s32 $0x0;
	s13 =	simm.s32 $0x1  }
0x4: {  	s14 =	simm.s32 $0x8C00;
	s15 =	simm.s32 $0xF400;
	s16 =	simm.s32 $0xF500  }
0x5: {  	s17 =	simm.s32 $0x2;
	s18 =	simm.s32 $0xF600;
	s19 =	simm.s32 $0x0  }
0x6: {  	s6 =	sand.u32 $0x1, s0;
	s0 =	stileid.u32;
	[smem:$0x7FF] =	sst s2  }
0x7: {  	s1 =	sshll.u32 s6, $0x4;
	s10 =	ssub.s32 $0x2, s6;
	s29 =	smul.u32 $0x24000, s6  }
0x8: {  	s28 =	sshll.u32 s0, $0x4;
	s31 =	smul.u32 $0x2400, s0;
	s9 =	sor.u32 s0, s1  }
0x9: {  	s1 =	rddreg [dreg:$0x3];
	_ =	strace $0x80000047;
	s4 =	smul.u32 $0x2400, s9  }
0xa: {  	v0 =	vlaneseq.u32;
	v2 =	vimm.f32 $0.0e+00;
	s11 =	sshrl.u32 s10, $0x1;
	s5 =	smul.u32 $0x12000, s9;
	s9 =	sshll.u32 s9, $0x4  }
0xb: {  	v3 =	vimm.s32 $0x0;
	v1 =	vmul.u32 $0x10, v0;
	v5 =	vor.u32 $0x10, v0;
	s10 =	ssub.s32 s10, s11;
	s11 =	sand.u32 $0x70, s28;
	s30 =	sand.u32 $0x180, s9  }
0xc: {  	v6 =	vor.u32 $0x20, v0;
	v7 =	vor.u32 $0x30, v0;
	v8 =	vor.u32 $0x40, v0;
	s7 =	sadd.s32 s7, s11;
	s9 =	simm.s32 $0x3;
	s11 =	simm.s32 $0x3D0C00  }
0xd: {  	v9 =	vor.u32 $0x50, v0;
	v10 =	vor.u32 $0x60, v0;
	v11 =	vor.u32 $0x70, v0;
	s12 =	sshrl.u32 s4, $0x3;
	s5 =	sshrl.u32 s5, $0x3;
	s4 =	sadd.s32 s8, s4  }
0xe: {  	v12 =	vor.u32 $0x400, v0;
	v13 =	vor.u32 $0x410, v0;
	v14 =	vor.u32 $0x420, v0;
	s6 =	sadd.s32 s30, s7;
	s7 =	smax.u32 s10, $0x1;
	s10 =	simm.s32 $0x800  }
0xf: {  	v15 =	vor.u32 $0x430, v0;
	v16 =	vor.u32 $0x440, v0;
	v17 =	vor.u32 $0x450, v0;
	s3 =	sadd.s32 s3, s12;
	s5 =	sadd.s32 s8, s5;
	s8 =	sadd.s32 s29, s8  }
0x10: {  	v18 =	vor.u32 $0x460, v0;
	v19 =	vor.u32 $0x470, v0;
	v4 =	vor.u32 $0xF, v1;
	s12 =	simm.s32 $0x2400;
	s5 =	sadd.s32 $0x2300, s5;
	s8 =	sadd.s32 s31, s8  }
.LBB2_1:
0x11: {  	[tilespmem:s2], [sflag:$0x3] =	stream.linear.gather [hbm4b:s3+s2], $0x2400, $0x38;
	[tilespmem:$0xF680] =	vst v63  }
0x12: {  	_ =	swait.ge [sflag:s9], $0x2400  }
0x13: {  	[sflag:s9] =	ssyncset.done $0x0  }
0x14: {  	[sflag:s9] =	ssyncadd.s32 $0xFFFFDC00  }
0x15: {  	[tilespmem:$0xF400] =	vst v2  }
0x16: {  	[tilespmem:$0xF500] =	vst v2  }
0x17: {  	[tilespmem:$0xF410] =	vst v2  }
0x18: {  	[tilespmem:$0xF510] =	vst v2  }
0x19: {  	[tilespmem:$0xF420] =	vst v2  }
0x1a: {  	[tilespmem:$0xF520] =	vst v2  }
0x1b: {  	[tilespmem:$0xF430] =	vst v2  }
0x1c: {  	[tilespmem:$0xF530] =	vst v2  }
0x1d: {  	[tilespmem:$0xF440] =	vst v2  }
0x1e: {  	[tilespmem:$0xF540] =	vst v2  }
0x1f: {  	[tilespmem:$0xF450] =	vst v2  }
0x20: {  	[tilespmem:$0xF550] =	vst v2  }
0x21: {  	[tilespmem:$0xF460] =	vst v2  }
0x22: {  	[tilespmem:$0xF560] =	vst v2  }
0x23: {  	[tilespmem:$0xF470] =	vst v2  }
0x24: {  	[tilespmem:$0xF570] =	vst v2  }
0x25: {  	[tilespmem:$0xF480] =	vst v2  }
0x26: {  	[tilespmem:$0xF580] =	vst v2  }
0x27: {  	[tilespmem:$0xF490] =	vst v2  }
0x28: {  	[tilespmem:$0xF590] =	vst v2  }
0x29: {  	[tilespmem:$0xF4A0] =	vst v2  }
0x2a: {  	[tilespmem:$0xF5A0] =	vst v2  }
0x2b: {  	[tilespmem:$0xF4B0] =	vst v2  }
0x2c: {  	[tilespmem:$0xF5B0] =	vst v2  }
0x2d: {  	[tilespmem:$0xF4C0] =	vst v2  }
0x2e: {  	[tilespmem:$0xF5C0] =	vst v2  }
0x2f: {  	[tilespmem:$0xF4D0] =	vst v2  }
0x30: {  	[tilespmem:$0xF5D0] =	vst v2  }
0x31: {  	[tilespmem:$0xF4E0] =	vst v2  }
0x32: {  	[tilespmem:$0xF5E0] =	vst v2  }
0x33: {  	[tilespmem:$0xF4F0] =	vst v2  }
0x34: {  	s20 =	simm.s32 $0xFFFFDE00;
	s21 =	simm.s32 $0x100;
	[tilespmem:$0xF5F0] =	vst v2  }
0x35: {  	[tilespmem:s12], [sflag:$0x1] =	stream.strided.gather [hbm4b:s4+s10], $0x6800, s11, s10, $0x38;
	[tilespmem:$0xF680] =	vst v63  }
.LBB2_2:
0x36: {  	_ =	swait.ge [sflag:s13], $0x6800  }
0x37: {  	s22 =	sadd.s32 s20, s8;
	[sflag:s13] =	ssyncset.done $0x0  }
0x38: {  	s23 =	sadd.s32 $0x2300, s22;
	[sflag:s13] =	ssyncadd.s32 $0xFFFF9800  }
0x39: {  	[tilespmem:s14], [sflag:$0x2] =	stream.strided.gather [hbm4b:s23+s10], $0x6800, s11, s10, $0x38;
	[tilespmem:$0xF680] =	vst v63  }
0x3a: {  	v20 =	vld [tilespmem:s21+$0xFFFFFF00];
	_ =	sdelay $0x4  }
0x3b: {  	v21 =	vshll.u32 v20, $0x8;
	v22 =	vshll.u32 v20, $0x7  }
0x3c: {  	v21 =	vand.u32 $0x7800, v21;
	v22 =	vand.u32 $0x380, v22  }
0x3d: {  	v21 =	vor.u32 v21, v22  }
0x3e: {  	v21 =	vor.u32 v0, v21;
	_ =	sdelay $0x4  }
0x3f: {  	v21 =	vld.idx.msk [tilespmem:v21+s12+$0x0], $0xffff;
	_ =	sdelay $0x4  }
0x40: {  	v54 =	vmul.f32 $1.500000000e+01, v21;
	_ =	sdelay $0x1  }
0x41: {  	v23 =	vtrunc.f32 v54  }
0x42: {  	v24 =	vcvt.f32.s32 v23;
	vm0 =	veq.f32 v54, v23  }
0x43: {  	v22 =	vsel vm0, $0xFFFFFFFF, v3  }
0x44: {  	v22 =	vadd.s32 v24, v22  }
0x45: {  	vm5 =	vgt.s32 v22, $0x0  }
0x46: {  	v22 =	vnsel vm5, $0x0, v22  }
0x47: {  	v22 =	vmin.u32 v22, $0xF  }
0x48: {  	vm6 =	vle.f32 v21, $0.0e+00;
	v22 =	vor.u32 v1, v22  }
0x49: {  	v22 =	vsel vm6, v4, v22;
	_ =	sdelay $0x2  }
0x4a: {  	v20 =	vshra.s32 v20, $0x7  }
0x4b: {  	v20 =	vcvt.s32.f32 v20  }
0x4c: {  	[tilespmem:v22+s15+$0x0] =	vst.idx.add.f32.msk $0xffff, v21  }
0x4d: {  	[tilespmem:v22+s16+$0x0] =	vst.idx.add.f32.msk $0xffff, v20  }
0x4e: {  	v20 =	vld [tilespmem:s21+$0xFFFFFF10];
	_ =	sdelay $0x4  }
0x4f: {  	v55 =	vshll.u32 v20, $0x8;
	v56 =	vshll.u32 v20, $0x7  }
0x50: {  	v21 =	vand.u32 $0x7800, v55;
	v22 =	vand.u32 $0x380, v56  }
0x51: {  	v21 =	vor.u32 v21, v22  }
0x52: {  	v21 =	vor.u32 v5, v21;
	_ =	sdelay $0x4  }
0x53: {  	v21 =	vld.idx.msk [tilespmem:v21+s12+$0x0], $0xffff;
	_ =	sdelay $0x4  }
0x54: {  	v57 =	vmul.f32 $1.500000000e+01, v21;
	_ =	sdelay $0x1  }
0x55: {  	v58 =	vtrunc.f32 v57  }
0x56: {  	v59 =	vcvt.f32.s32 v58;
	vm7 =	veq.f32 v57, v58  }
0x57: {  	v22 =	vsel vm7, $0xFFFFFFFF, v3  }
0x58: {  	v22 =	vadd.s32 v59, v22  }
0x59: {  	vm8 =	vgt.s32 v22, $0x0  }
0x5a: {  	v22 =	vnsel vm8, $0x0, v22  }
0x5b: {  	v22 =	vmin.u32 v22, $0xF  }
0x5c: {  	vm9 =	vle.f32 v21, $0.0e+00;
	v22 =	vor.u32 v1, v22  }
0x5d: {  	v22 =	vsel vm9, v4, v22;
	_ =	sdelay $0x2  }
0x5e: {  	v20 =	vshra.s32 v20, $0x7  }
0x5f: {  	v20 =	vcvt.s32.f32 v20  }
0x60: {  	[tilespmem:v22+s15+$0x0] =	vst.idx.add.f32.msk $0xffff, v21  }
0x61: {  	[tilespmem:v22+s16+$0x0] =	vst.idx.add.f32.msk $0xffff, v20  }
0x62: {  	v20 =	vld [tilespmem:s21+$0xFFFFFF20];
	_ =	sdelay $0x4  }
0x63: {  	v60 =	vshll.u32 v20, $0x8;
	v61 =	vshll.u32 v20, $0x7  }
0x64: {  	v21 =	vand.u32 $0x7800, v60;
	v22 =	vand.u32 $0x380, v61  }
0x65: {  	v21 =	vor.u32 v21, v22  }
0x66: {  	v21 =	vor.u32 v6, v21;
	_ =	sdelay $0x4  }
0x67: {  	v21 =	vld.idx.msk [tilespmem:v21+s12+$0x0], $0xffff;
	_ =	sdelay $0x4  }
0x68: {  	v62 =	vmul.f32 $1.500000000e+01, v21;
	_ =	sdelay $0x1  }
0x69: {  	v63 =	vtrunc.f32 v62  }
0x6a: {  	v28 =	vcvt.f32.s32 v63;
	vm10 =	veq.f32 v62, v63  }
0x6b: {  	v22 =	vsel vm10, $0xFFFFFFFF, v3  }
0x6c: {  	v22 =	vadd.s32 v28, v22  }
0x6d: {  	vm11 =	vgt.s32 v22, $0x0  }
0x6e: {  	v22 =	vnsel vm11, $0x0, v22  }
0x6f: {  	v22 =	vmin.u32 v22, $0xF  }
0x70: {  	vm12 =	vle.f32 v21, $0.0e+00;
	v22 =	vor.u32 v1, v22  }
0x71: {  	v22 =	vsel vm12, v4, v22;
	_ =	sdelay $0x2  }
0x72: {  	v20 =	vshra.s32 v20, $0x7  }
0x73: {  	v20 =	vcvt.s32.f32 v20  }
0x74: {  	[tilespmem:v22+s15+$0x0] =	vst.idx.add.f32.msk $0xffff, v21  }
0x75: {  	[tilespmem:v22+s16+$0x0] =	vst.idx.add.f32.msk $0xffff, v20  }
0x76: {  	v20 =	vld [tilespmem:s21+$0xFFFFFF30];
	_ =	sdelay $0x4  }
0x77: {  	v29 =	vshll.u32 v20, $0x8;
	v30 =	vshll.u32 v20, $0x7  }
0x78: {  	v21 =	vand.u32 $0x7800, v29;
	v22 =	vand.u32 $0x380, v30  }
0x79: {  	v21 =	vor.u32 v21, v22  }
0x7a: {  	v21 =	vor.u32 v7, v21;
	_ =	sdelay $0x4  }
0x7b: {  	v21 =	vld.idx.msk [tilespmem:v21+s12+$0x0], $0xffff;
	_ =	sdelay $0x4  }
0x7c: {  	v31 =	vmul.f32 $1.500000000e+01, v21;
	_ =	sdelay $0x1  }
0x7d: {  	v32 =	vtrunc.f32 v31  }
0x7e: {  	v33 =	vcvt.f32.s32 v32;
	vm13 =	veq.f32 v31, v32  }
0x7f: {  	v22 =	vsel vm13, $0xFFFFFFFF, v3  }
0x80: {  	v22 =	vadd.s32 v33, v22  }
0x81: {  	vm14 =	vgt.s32 v22, $0x0  }
0x82: {  	v22 =	vnsel vm14, $0x0, v22  }
0x83: {  	v22 =	vmin.u32 v22, $0xF  }
0x84: {  	vm15 =	vle.f32 v21, $0.0e+00;
	v22 =	vor.u32 v1, v22  }
0x85: {  	v22 =	vsel vm15, v4, v22;
	_ =	sdelay $0x2  }
0x86: {  	v20 =	vshra.s32 v20, $0x7  }
0x87: {  	v20 =	vcvt.s32.f32 v20  }
0x88: {  	[tilespmem:v22+s15+$0x0] =	vst.idx.add.f32.msk $0xffff, v21  }
0x89: {  	[tilespmem:v22+s16+$0x0] =	vst.idx.add.f32.msk $0xffff, v20  }
0x8a: {  	v20 =	vld [tilespmem:s21+$0xFFFFFF40];
	_ =	sdelay $0x4  }
0x8b: {  	v34 =	vshll.u32 v20, $0x8;
	v35 =	vshll.u32 v20, $0x7  }
0x8c: {  	v21 =	vand.u32 $0x7800, v34;
	v22 =	vand.u32 $0x380, v35  }
0x8d: {  	v21 =	vor.u32 v21, v22  }
0x8e: {  	v21 =	vor.u32 v8, v21;
	_ =	sdelay $0x4  }
0x8f: {  	v21 =	vld.idx.msk [tilespmem:v21+s12+$0x0], $0xffff;
	_ =	sdelay $0x4  }
0x90: {  	v36 =	vmul.f32 $1.500000000e+01, v21;
	_ =	sdelay $0x1  }
0x91: {  	v37 =	vtrunc.f32 v36  }
0x92: {  	v38 =	vcvt.f32.s32 v37;
	vm4 =	veq.f32 v36, v37  }
0x93: {  	v22 =	vsel vm4, $0xFFFFFFFF, v3  }
0x94: {  	v22 =	vadd.s32 v38, v22  }
0x95: {  	vm5 =	vgt.s32 v22, $0x0  }
0x96: {  	v22 =	vnsel vm5, $0x0, v22  }
0x97: {  	v22 =	vmin.u32 v22, $0xF  }
0x98: {  	vm6 =	vle.f32 v21, $0.0e+00;
	v22 =	vor.u32 v1, v22  }
0x99: {  	v22 =	vsel vm6, v4, v22;
	_ =	sdelay $0x2  }
0x9a: {  	v20 =	vshra.s32 v20, $0x7  }
0x9b: {  	v20 =	vcvt.s32.f32 v20  }
0x9c: {  	[tilespmem:v22+s15+$0x0] =	vst.idx.add.f32.msk $0xffff, v21  }
0x9d: {  	[tilespmem:v22+s16+$0x0] =	vst.idx.add.f32.msk $0xffff, v20  }
0x9e: {  	v20 =	vld [tilespmem:s21+$0xFFFFFF50];
	_ =	sdelay $0x4  }
0x9f: {  	v39 =	vshll.u32 v20, $0x8;
	v40 =	vshll.u32 v20, $0x7  }
0xa0: {  	v21 =	vand.u32 $0x7800, v39;
	v22 =	vand.u32 $0x380, v40  }
0xa1: {  	v21 =	vor.u32 v21, v22  }
0xa2: {  	v21 =	vor.u32 v9, v21;
	_ =	sdelay $0x4  }
0xa3: {  	v21 =	vld.idx.msk [tilespmem:v21+s12+$0x0], $0xffff;
	_ =	sdelay $0x4  }
0xa4: {  	v41 =	vmul.f32 $1.500000000e+01, v21;
	_ =	sdelay $0x1  }
0xa5: {  	v42 =	vtrunc.f32 v41  }
0xa6: {  	v43 =	vcvt.f32.s32 v42;
	vm7 =	veq.f32 v41, v42  }
0xa7: {  	v22 =	vsel vm7, $0xFFFFFFFF, v3  }
0xa8: {  	v22 =	vadd.s32 v43, v22  }
0xa9: {  	vm8 =	vgt.s32 v22, $0x0  }
0xaa: {  	v22 =	vnsel vm8, $0x0, v22  }
0xab: {  	v22 =	vmin.u32 v22, $0xF  }
0xac: {  	vm9 =	vle.f32 v21, $0.0e+00;
	v22 =	vor.u32 v1, v22  }
0xad: {  	v22 =	vsel vm9, v4, v22;
	_ =	sdelay $0x2  }
0xae: {  	v20 =	vshra.s32 v20, $0x7  }
0xaf: {  	v20 =	vcvt.s32.f32 v20  }
0xb0: {  	[tilespmem:v22+s15+$0x0] =	vst.idx.add.f32.msk $0xffff, v21  }
0xb1: {  	[tilespmem:v22+s16+$0x0] =	vst.idx.add.f32.msk $0xffff, v20  }
0xb2: {  	v20 =	vld [tilespmem:s21+$0xFFFFFF60];
	_ =	sdelay $0x4  }
0xb3: {  	v44 =	vshll.u32 v20, $0x8;
	v45 =	vshll.u32 v20, $0x7  }
0xb4: {  	v21 =	vand.u32 $0x7800, v44;
	v22 =	vand.u32 $0x380, v45  }
0xb5: {  	v21 =	vor.u32 v21, v22  }
0xb6: {  	v21 =	vor.u32 v10, v21;
	_ =	sdelay $0x4  }
0xb7: {  	v21 =	vld.idx.msk [tilespmem:v21+s12+$0x0], $0xffff;
	_ =	sdelay $0x4  }
0xb8: {  	v46 =	vmul.f32 $1.500000000e+01, v21;
	_ =	sdelay $0x1  }
0xb9: {  	v47 =	vtrunc.f32 v46  }
0xba: {  	v48 =	vcvt.f32.s32 v47;
	vm10 =	veq.f32 v46, v47  }
0xbb: {  	v22 =	vsel vm10, $0xFFFFFFFF, v3  }
0xbc: {  	v22 =	vadd.s32 v48, v22  }
0xbd: {  	vm11 =	vgt.s32 v22, $0x0  }
0xbe: {  	v22 =	vnsel vm11, $0x0, v22  }
0xbf: {  	v22 =	vmin.u32 v22, $0xF  }
0xc0: {  	vm12 =	vle.f32 v21, $0.0e+00;
	v22 =	vor.u32 v1, v22  }
0xc1: {  	v22 =	vsel vm12, v4, v22;
	_ =	sdelay $0x2  }
0xc2: {  	v20 =	vshra.s32 v20, $0x7  }
0xc3: {  	v20 =	vcvt.s32.f32 v20  }
0xc4: {  	[tilespmem:v22+s15+$0x0] =	vst.idx.add.f32.msk $0xffff, v21  }
0xc5: {  	[tilespmem:v22+s16+$0x0] =	vst.idx.add.f32.msk $0xffff, v20  }
0xc6: {  	v20 =	vld [tilespmem:s21+$0xFFFFFF70];
	_ =	sdelay $0x4  }
0xc7: {  	v49 =	vshll.u32 v20, $0x8;
	v50 =	vshll.u32 v20, $0x7  }
0xc8: {  	v21 =	vand.u32 $0x7800, v49;
	v22 =	vand.u32 $0x380, v50  }
0xc9: {  	v21 =	vor.u32 v21, v22  }
0xca: {  	v21 =	vor.u32 v11, v21;
	_ =	sdelay $0x4  }
0xcb: {  	v21 =	vld.idx.msk [tilespmem:v21+s12+$0x0], $0xffff;
	_ =	sdelay $0x4  }
0xcc: {  	v51 =	vmul.f32 $1.500000000e+01, v21;
	_ =	sdelay $0x1  }
0xcd: {  	v52 =	vtrunc.f32 v51  }
0xce: {  	v53 =	vcvt.f32.s32 v52;
	vm13 =	veq.f32 v51, v52  }
0xcf: {  	v22 =	vsel vm13, $0xFFFFFFFF, v3  }
0xd0: {  	v22 =	vadd.s32 v53, v22  }
0xd1: {  	vm14 =	vgt.s32 v22, $0x0  }
0xd2: {  	v22 =	vnsel vm14, $0x0, v22  }
0xd3: {  	v22 =	vmin.u32 v22, $0xF  }
0xd4: {  	vm15 =	vle.f32 v21, $0.0e+00;
	v22 =	vor.u32 v1, v22  }
0xd5: {  	v22 =	vsel vm15, v4, v22;
	_ =	sdelay $0x2  }
0xd6: {  	v20 =	vshra.s32 v20, $0x7  }
0xd7: {  	v20 =	vcvt.s32.f32 v20  }
0xd8: {  	[tilespmem:v22+s15+$0x0] =	vst.idx.add.f32.msk $0xffff, v21  }
0xd9: {  	[tilespmem:v22+s16+$0x0] =	vst.idx.add.f32.msk $0xffff, v20  }
0xda: {  	v20 =	vld [tilespmem:s21+$0xFFFFFF80];
	_ =	sdelay $0x4  }
0xdb: {  	v54 =	vshll.u32 v20, $0x8;
	v55 =	vshll.u32 v20, $0x7  }
0xdc: {  	v21 =	vand.u32 $0x7800, v54;
	v22 =	vand.u32 $0x380, v55  }
0xdd: {  	v21 =	vor.u32 v22, v21  }
0xde: {  	v21 =	vor.u32 v12, v21;
	_ =	sdelay $0x4  }
0xdf: {  	v21 =	vld.idx.msk [tilespmem:v21+s12+$0x0], $0xffff;
	_ =	sdelay $0x4  }
0xe0: {  	v56 =	vmul.f32 $1.500000000e+01, v21;
	_ =	sdelay $0x1  }
0xe1: {  	v57 =	vtrunc.f32 v56  }
0xe2: {  	v58 =	vcvt.f32.s32 v57;
	vm4 =	veq.f32 v56, v57  }
0xe3: {  	v22 =	vsel vm4, $0xFFFFFFFF, v3  }
0xe4: {  	v22 =	vadd.s32 v58, v22  }
0xe5: {  	vm5 =	vgt.s32 v22, $0x0  }
0xe6: {  	v22 =	vnsel vm5, $0x0, v22  }
0xe7: {  	v22 =	vmin.u32 v22, $0xF  }
0xe8: {  	vm6 =	vle.f32 v21, $0.0e+00;
	v22 =	vor.u32 v1, v22  }
0xe9: {  	v22 =	vsel vm6, v4, v22;
	_ =	sdelay $0x2  }
0xea: {  	v20 =	vshra.s32 v20, $0x7  }
0xeb: {  	v20 =	vcvt.s32.f32 v20  }
0xec: {  	[tilespmem:v22+s15+$0x0] =	vst.idx.add.f32.msk $0xffff, v21  }
0xed: {  	[tilespmem:v22+s16+$0x0] =	vst.idx.add.f32.msk $0xffff, v20  }
0xee: {  	v20 =	vld [tilespmem:s21+$0xFFFFFF90];
	_ =	sdelay $0x4  }
0xef: {  	v59 =	vshll.u32 v20, $0x8;
	v60 =	vshll.u32 v20, $0x7  }
0xf0: {  	v21 =	vand.u32 $0x7800, v59;
	v22 =	vand.u32 $0x380, v60  }
0xf1: {  	v21 =	vor.u32 v22, v21  }
0xf2: {  	v21 =	vor.u32 v13, v21;
	_ =	sdelay $0x4  }
0xf3: {  	v21 =	vld.idx.msk [tilespmem:v21+s12+$0x0], $0xffff;
	_ =	sdelay $0x4  }
0xf4: {  	v61 =	vmul.f32 $1.500000000e+01, v21;
	_ =	sdelay $0x1  }
0xf5: {  	v62 =	vtrunc.f32 v61  }
0xf6: {  	v63 =	vcvt.f32.s32 v62;
	vm7 =	veq.f32 v61, v62  }
0xf7: {  	v22 =	vsel vm7, $0xFFFFFFFF, v3  }
0xf8: {  	v22 =	vadd.s32 v63, v22  }
0xf9: {  	vm8 =	vgt.s32 v22, $0x0  }
0xfa: {  	v22 =	vnsel vm8, $0x0, v22  }
0xfb: {  	v22 =	vmin.u32 v22, $0xF  }
0xfc: {  	vm9 =	vle.f32 v21, $0.0e+00;
	v22 =	vor.u32 v1, v22  }
0xfd: {  	v22 =	vsel vm9, v4, v22;
	_ =	sdelay $0x2  }
0xfe: {  	v20 =	vshra.s32 v20, $0x7  }
0xff: {  	v20 =	vcvt.s32.f32 v20  }
0x100: {  	[tilespmem:v22+s15+$0x0] =	vst.idx.add.f32.msk $0xffff, v21  }
0x101: {  	[tilespmem:v22+s16+$0x0] =	vst.idx.add.f32.msk $0xffff, v20  }
0x102: {  	v20 =	vld [tilespmem:s21+$0xFFFFFFA0];
	_ =	sdelay $0x4  }
0x103: {  	v26 =	vshll.u32 v20, $0x8;
	v27 =	vshll.u32 v20, $0x7  }
0x104: {  	v21 =	vand.u32 $0x7800, v26;
	v22 =	vand.u32 $0x380, v27  }
0x105: {  	v21 =	vor.u32 v22, v21  }
0x106: {  	v21 =	vor.u32 v14, v21;
	_ =	sdelay $0x4  }
0x107: {  	v21 =	vld.idx.msk [tilespmem:v21+s12+$0x0], $0xffff;
	_ =	sdelay $0x4  }
0x108: {  	v28 =	vmul.f32 $1.500000000e+01, v21;
	_ =	sdelay $0x1  }
0x109: {  	v29 =	vtrunc.f32 v28  }
0x10a: {  	v30 =	vcvt.f32.s32 v29;
	vm10 =	veq.f32 v28, v29  }
0x10b: {  	v22 =	vsel vm10, $0xFFFFFFFF, v3  }
0x10c: {  	v22 =	vadd.s32 v30, v22  }
0x10d: {  	vm11 =	vgt.s32 v22, $0x0  }
0x10e: {  	v22 =	vnsel vm11, $0x0, v22  }
0x10f: {  	v22 =	vmin.u32 v22, $0xF  }
0x110: {  	vm12 =	vle.f32 v21, $0.0e+00;
	v22 =	vor.u32 v1, v22  }
0x111: {  	v22 =	vsel vm12, v4, v22;
	_ =	sdelay $0x2  }
0x112: {  	v20 =	vshra.s32 v20, $0x7  }
0x113: {  	v20 =	vcvt.s32.f32 v20  }
0x114: {  	[tilespmem:v22+s15+$0x0] =	vst.idx.add.f32.msk $0xffff, v21  }
0x115: {  	[tilespmem:v22+s16+$0x0] =	vst.idx.add.f32.msk $0xffff, v20  }
0x116: {  	v20 =	vld [tilespmem:s21+$0xFFFFFFB0];
	_ =	sdelay $0x4  }
0x117: {  	v31 =	vshll.u32 v20, $0x8;
	v32 =	vshll.u32 v20, $0x7  }
0x118: {  	v21 =	vand.u32 $0x7800, v31;
	v22 =	vand.u32 $0x380, v32  }
0x119: {  	v21 =	vor.u32 v22, v21  }
0x11a: {  	v21 =	vor.u32 v15, v21;
	_ =	sdelay $0x4  }
0x11b: {  	v21 =	vld.idx.msk [tilespmem:v21+s12+$0x0], $0xffff;
	_ =	sdelay $0x4  }
0x11c: {  	v33 =	vmul.f32 $1.500000000e+01, v21;
	_ =	sdelay $0x1  }
0x11d: {  	v34 =	vtrunc.f32 v33  }
0x11e: {  	v35 =	vcvt.f32.s32 v34;
	vm13 =	veq.f32 v33, v34  }
0x11f: {  	v22 =	vsel vm13, $0xFFFFFFFF, v3  }
0x120: {  	v22 =	vadd.s32 v35, v22  }
0x121: {  	vm14 =	vgt.s32 v22, $0x0  }
0x122: {  	v22 =	vnsel vm14, $0x0, v22  }
0x123: {  	v22 =	vmin.u32 v22, $0xF  }
0x124: {  	vm15 =	vle.f32 v21, $0.0e+00;
	v22 =	vor.u32 v1, v22  }
0x125: {  	v22 =	vsel vm15, v4, v22;
	_ =	sdelay $0x2  }
0x126: {  	v20 =	vshra.s32 v20, $0x7  }
0x127: {  	v20 =	vcvt.s32.f32 v20  }
0x128: {  	[tilespmem:v22+s15+$0x0] =	vst.idx.add.f32.msk $0xffff, v21  }
0x129: {  	[tilespmem:v22+s16+$0x0] =	vst.idx.add.f32.msk $0xffff, v20  }
0x12a: {  	v20 =	vld [tilespmem:s21+$0xFFFFFFC0];
	_ =	sdelay $0x4  }
0x12b: {  	v36 =	vshll.u32 v20, $0x8;
	v37 =	vshll.u32 v20, $0x7  }
0x12c: {  	v21 =	vand.u32 $0x7800, v36;
	v22 =	vand.u32 $0x380, v37  }
0x12d: {  	v21 =	vor.u32 v22, v21  }
0x12e: {  	v21 =	vor.u32 v16, v21;
	_ =	sdelay $0x4  }
0x12f: {  	v21 =	vld.idx.msk [tilespmem:v21+s12+$0x0], $0xffff;
	_ =	sdelay $0x4  }
0x130: {  	v38 =	vmul.f32 $1.500000000e+01, v21;
	_ =	sdelay $0x1  }
0x131: {  	v39 =	vtrunc.f32 v38  }
0x132: {  	v40 =	vcvt.f32.s32 v39;
	vm4 =	veq.f32 v38, v39  }
0x133: {  	v22 =	vsel vm4, $0xFFFFFFFF, v3  }
0x134: {  	v22 =	vadd.s32 v40, v22  }
0x135: {  	vm5 =	vgt.s32 v22, $0x0  }
0x136: {  	v22 =	vnsel vm5, $0x0, v22  }
0x137: {  	v22 =	vmin.u32 v22, $0xF  }
0x138: {  	vm6 =	vle.f32 v21, $0.0e+00;
	v22 =	vor.u32 v1, v22  }
0x139: {  	v22 =	vsel vm6, v4, v22;
	_ =	sdelay $0x2  }
0x13a: {  	v20 =	vshra.s32 v20, $0x7  }
0x13b: {  	v20 =	vcvt.s32.f32 v20  }
0x13c: {  	[tilespmem:v22+s15+$0x0] =	vst.idx.add.f32.msk $0xffff, v21  }
0x13d: {  	[tilespmem:v22+s16+$0x0] =	vst.idx.add.f32.msk $0xffff, v20  }
0x13e: {  	v20 =	vld [tilespmem:s21+$0xFFFFFFD0];
	_ =	sdelay $0x4  }
0x13f: {  	v41 =	vshll.u32 v20, $0x8;
	v42 =	vshll.u32 v20, $0x7  }
0x140: {  	v21 =	vand.u32 $0x7800, v41;
	v22 =	vand.u32 $0x380, v42  }
0x141: {  	v21 =	vor.u32 v22, v21  }
0x142: {  	v21 =	vor.u32 v17, v21;
	_ =	sdelay $0x4  }
0x143: {  	v21 =	vld.idx.msk [tilespmem:v21+s12+$0x0], $0xffff;
	_ =	sdelay $0x4  }
0x144: {  	v43 =	vmul.f32 $1.500000000e+01, v21;
	_ =	sdelay $0x1  }
0x145: {  	v44 =	vtrunc.f32 v43  }
0x146: {  	v45 =	vcvt.f32.s32 v44;
	vm7 =	veq.f32 v43, v44  }
0x147: {  	v22 =	vsel vm7, $0xFFFFFFFF, v3  }
0x148: {  	v22 =	vadd.s32 v45, v22  }
0x149: {  	vm8 =	vgt.s32 v22, $0x0  }
0x14a: {  	v22 =	vnsel vm8, $0x0, v22  }
0x14b: {  	v22 =	vmin.u32 v22, $0xF  }
0x14c: {  	vm9 =	vle.f32 v21, $0.0e+00;
	v22 =	vor.u32 v1, v22  }
0x14d: {  	v22 =	vsel vm9, v4, v22;
	_ =	sdelay $0x2  }
0x14e: {  	v20 =	vshra.s32 v20, $0x7  }
0x14f: {  	v20 =	vcvt.s32.f32 v20  }
0x150: {  	[tilespmem:v22+s15+$0x0] =	vst.idx.add.f32.msk $0xffff, v21  }
0x151: {  	[tilespmem:v22+s16+$0x0] =	vst.idx.add.f32.msk $0xffff, v20  }
0x152: {  	v20 =	vld [tilespmem:s21+$0xFFFFFFE0];
	_ =	sdelay $0x4  }
0x153: {  	v46 =	vshll.u32 v20, $0x8;
	v47 =	vshll.u32 v20, $0x7  }
0x154: {  	v21 =	vand.u32 $0x7800, v46;
	v22 =	vand.u32 $0x380, v47  }
0x155: {  	v21 =	vor.u32 v22, v21  }
0x156: {  	v21 =	vor.u32 v18, v21;
	_ =	sdelay $0x4  }
0x157: {  	v21 =	vld.idx.msk [tilespmem:v21+s12+$0x0], $0xffff;
	_ =	sdelay $0x4  }
0x158: {  	v48 =	vmul.f32 $1.500000000e+01, v21;
	_ =	sdelay $0x1  }
0x159: {  	v49 =	vtrunc.f32 v48  }
0x15a: {  	v50 =	vcvt.f32.s32 v49;
	vm10 =	veq.f32 v48, v49  }
0x15b: {  	v22 =	vsel vm10, $0xFFFFFFFF, v3  }
0x15c: {  	v22 =	vadd.s32 v50, v22  }
0x15d: {  	vm11 =	vgt.s32 v22, $0x0  }
0x15e: {  	v22 =	vnsel vm11, $0x0, v22  }
0x15f: {  	v22 =	vmin.u32 v22, $0xF  }
0x160: {  	vm12 =	vle.f32 v21, $0.0e+00;
	v22 =	vor.u32 v1, v22  }
0x161: {  	v22 =	vsel vm12, v4, v22;
	_ =	sdelay $0x2  }
0x162: {  	v20 =	vshra.s32 v20, $0x7  }
0x163: {  	v20 =	vcvt.s32.f32 v20  }
0x164: {  	[tilespmem:v22+s15+$0x0] =	vst.idx.add.f32.msk $0xffff, v21  }
0x165: {  	[tilespmem:v22+s16+$0x0] =	vst.idx.add.f32.msk $0xffff, v20  }
0x166: {  	v20 =	vld [tilespmem:s21+$0xFFFFFFF0];
	_ =	sdelay $0x4  }
0x167: {  	v51 =	vshll.u32 v20, $0x8;
	v52 =	vshll.u32 v20, $0x7  }
0x168: {  	v21 =	vand.u32 $0x7800, v51;
	v22 =	vand.u32 $0x380, v52  }
0x169: {  	v21 =	vor.u32 v22, v21  }
0x16a: {  	v21 =	vor.u32 v19, v21;
	_ =	sdelay $0x4  }
0x16b: {  	v21 =	vld.idx.msk [tilespmem:v21+s12+$0x0], $0xffff;
	_ =	sdelay $0x4  }
0x16c: {  	v53 =	vmul.f32 $1.500000000e+01, v21;
	_ =	sdelay $0x1  }
0x16d: {  	v54 =	vtrunc.f32 v53  }
0x16e: {  	v55 =	vcvt.f32.s32 v54;
	vm13 =	veq.f32 v53, v54  }
0x16f: {  	v22 =	vsel vm13, $0xFFFFFFFF, v3  }
0x170: {  	v22 =	vadd.s32 v55, v22  }
0x171: {  	vm14 =	vgt.s32 v22, $0x0  }
0x172: {  	v22 =	vnsel vm14, $0x0, v22  }
0x173: {  	v22 =	vmin.u32 v22, $0xF  }
0x174: {  	vm15 =	vle.f32 v21, $0.0e+00;
	v22 =	vor.u32 v1, v22  }
0x175: {  	v22 =	vsel vm15, v4, v22;
	_ =	sdelay $0x2  }
0x176: {  	v20 =	vshra.s32 v20, $0x7  }
0x177: {  	v20 =	vcvt.s32.f32 v20  }
0x178: {  	[tilespmem:v22+s15+$0x0] =	vst.idx.add.f32.msk $0xffff, v21  }
0x179: {  	[tilespmem:v22+s16+$0x0] =	vst.idx.add.f32.msk $0xffff, v20  }
0x17a: {  	_ =	swait.ge [sflag:s17], $0x6800  }
0x17b: {  	[sflag:s17] =	ssyncset.done $0x0  }
0x17c: {  	s22 =	sadd.s32 $0x2400, s22;
	[sflag:s17] =	ssyncadd.s32 $0xFFFF9800  }
0x17d: {  	[tilespmem:s12], [sflag:$0x1] =	stream.strided.gather [hbm4b:s22+s10], $0x6800, s11, s10, $0x38;
	[tilespmem:$0xF680] =	vst v63  }
0x17e: {  	v20 =	vld [tilespmem:s21+$0x0];
	_ =	sdelay $0x4  }
0x17f: {  	v56 =	vshll.u32 v20, $0x8;
	v57 =	vshll.u32 v20, $0x7  }
0x180: {  	v21 =	vand.u32 $0x7800, v56;
	v22 =	vand.u32 $0x380, v57  }
0x181: {  	v21 =	vor.u32 v21, v22  }
0x182: {  	v21 =	vor.u32 v0, v21;
	_ =	sdelay $0x4  }
0x183: {  	v21 =	vld.idx.msk [tilespmem:v21+s14+$0x0], $0xffff;
	_ =	sdelay $0x4  }
0x184: {  	v58 =	vmul.f32 $1.500000000e+01, v21;
	_ =	sdelay $0x1  }
0x185: {  	v59 =	vtrunc.f32 v58  }
0x186: {  	v60 =	vcvt.f32.s32 v59;
	vm4 =	veq.f32 v58, v59  }
0x187: {  	v22 =	vsel vm4, $0xFFFFFFFF, v3  }
0x188: {  	v22 =	vadd.s32 v60, v22  }
0x189: {  	vm5 =	vgt.s32 v22, $0x0  }
0x18a: {  	v22 =	vnsel vm5, $0x0, v22  }
0x18b: {  	v22 =	vmin.u32 v22, $0xF  }
0x18c: {  	vm6 =	vle.f32 v21, $0.0e+00;
	v22 =	vor.u32 v1, v22  }
0x18d: {  	v22 =	vsel vm6, v4, v22;
	_ =	sdelay $0x2  }
0x18e: {  	v20 =	vshra.s32 v20, $0x7  }
0x18f: {  	v20 =	vcvt.s32.f32 v20  }
0x190: {  	[tilespmem:v22+s15+$0x0] =	vst.idx.add.f32.msk $0xffff, v21  }
0x191: {  	[tilespmem:v22+s16+$0x0] =	vst.idx.add.f32.msk $0xffff, v20  }
0x192: {  	v20 =	vld [tilespmem:s21+$0x10];
	_ =	sdelay $0x4  }
0x193: {  	v61 =	vshll.u32 v20, $0x8;
	v62 =	vshll.u32 v20, $0x7  }
0x194: {  	v21 =	vand.u32 $0x7800, v61;
	v22 =	vand.u32 $0x380, v62  }
0x195: {  	v21 =	vor.u32 v21, v22  }
0x196: {  	v21 =	vor.u32 v5, v21;
	_ =	sdelay $0x4  }
0x197: {  	v21 =	vld.idx.msk [tilespmem:v21+s14+$0x0], $0xffff;
	_ =	sdelay $0x4  }
0x198: {  	v63 =	vmul.f32 $1.500000000e+01, v21;
	_ =	sdelay $0x1  }
0x199: {  	v28 =	vtrunc.f32 v63  }
0x19a: {  	v29 =	vcvt.f32.s32 v28;
	vm7 =	veq.f32 v63, v28  }
0x19b: {  	v22 =	vsel vm7, $0xFFFFFFFF, v3  }
0x19c: {  	v22 =	vadd.s32 v29, v22  }
0x19d: {  	vm8 =	vgt.s32 v22, $0x0  }
0x19e: {  	v22 =	vnsel vm8, $0x0, v22  }
0x19f: {  	v22 =	vmin.u32 v22, $0xF  }
0x1a0: {  	vm9 =	vle.f32 v21, $0.0e+00;
	v22 =	vor.u32 v1, v22  }
0x1a1: {  	v22 =	vsel vm9, v4, v22;
	_ =	sdelay $0x2  }
0x1a2: {  	v20 =	vshra.s32 v20, $0x7  }
0x1a3: {  	v20 =	vcvt.s32.f32 v20  }
0x1a4: {  	[tilespmem:v22+s15+$0x0] =	vst.idx.add.f32.msk $0xffff, v21  }
0x1a5: {  	[tilespmem:v22+s16+$0x0] =	vst.idx.add.f32.msk $0xffff, v20  }
0x1a6: {  	v20 =	vld [tilespmem:s21+$0x20];
	_ =	sdelay $0x4  }
0x1a7: {  	v30 =	vshll.u32 v20, $0x8;
	v31 =	vshll.u32 v20, $0x7  }
0x1a8: {  	v21 =	vand.u32 $0x7800, v30;
	v22 =	vand.u32 $0x380, v31  }
0x1a9: {  	v21 =	vor.u32 v21, v22  }
0x1aa: {  	v21 =	vor.u32 v6, v21;
	_ =	sdelay $0x4  }
0x1ab: {  	v21 =	vld.idx.msk [tilespmem:v21+s14+$0x0], $0xffff;
	_ =	sdelay $0x4  }
0x1ac: {  	v32 =	vmul.f32 $1.500000000e+01, v21;
	_ =	sdelay $0x1  }
0x1ad: {  	v33 =	vtrunc.f32 v32  }
0x1ae: {  	v34 =	vcvt.f32.s32 v33;
	vm10 =	veq.f32 v32, v33  }
0x1af: {  	v22 =	vsel vm10, $0xFFFFFFFF, v3  }
0x1b0: {  	v22 =	vadd.s32 v34, v22  }
0x1b1: {  	vm11 =	vgt.s32 v22, $0x0  }
0x1b2: {  	v22 =	vnsel vm11, $0x0, v22  }
0x1b3: {  	v22 =	vmin.u32 v22, $0xF  }
0x1b4: {  	vm12 =	vle.f32 v21, $0.0e+00;
	v22 =	vor.u32 v1, v22  }
0x1b5: {  	v22 =	vsel vm12, v4, v22;
	_ =	sdelay $0x2  }
0x1b6: {  	v20 =	vshra.s32 v20, $0x7  }
0x1b7: {  	v20 =	vcvt.s32.f32 v20  }
0x1b8: {  	[tilespmem:v22+s15+$0x0] =	vst.idx.add.f32.msk $0xffff, v21  }
0x1b9: {  	[tilespmem:v22+s16+$0x0] =	vst.idx.add.f32.msk $0xffff, v20  }
0x1ba: {  	v20 =	vld [tilespmem:s21+$0x30];
	_ =	sdelay $0x4  }
0x1bb: {  	v35 =	vshll.u32 v20, $0x8;
	v36 =	vshll.u32 v20, $0x7  }
0x1bc: {  	v21 =	vand.u32 $0x7800, v35;
	v22 =	vand.u32 $0x380, v36  }
0x1bd: {  	v21 =	vor.u32 v21, v22  }
0x1be: {  	v21 =	vor.u32 v7, v21;
	_ =	sdelay $0x4  }
0x1bf: {  	v21 =	vld.idx.msk [tilespmem:v21+s14+$0x0], $0xffff;
	_ =	sdelay $0x4  }
0x1c0: {  	v37 =	vmul.f32 $1.500000000e+01, v21;
	_ =	sdelay $0x1  }
0x1c1: {  	v38 =	vtrunc.f32 v37  }
0x1c2: {  	v39 =	vcvt.f32.s32 v38;
	vm13 =	veq.f32 v37, v38  }
0x1c3: {  	v22 =	vsel vm13, $0xFFFFFFFF, v3  }
0x1c4: {  	v22 =	vadd.s32 v39, v22  }
0x1c5: {  	vm14 =	vgt.s32 v22, $0x0  }
0x1c6: {  	v22 =	vnsel vm14, $0x0, v22  }
0x1c7: {  	v22 =	vmin.u32 v22, $0xF  }
0x1c8: {  	vm15 =	vle.f32 v21, $0.0e+00;
	v22 =	vor.u32 v1, v22  }
0x1c9: {  	v22 =	vsel vm15, v4, v22;
	_ =	sdelay $0x2  }
0x1ca: {  	v20 =	vshra.s32 v20, $0x7  }
0x1cb: {  	v20 =	vcvt.s32.f32 v20  }
0x1cc: {  	[tilespmem:v22+s15+$0x0] =	vst.idx.add.f32.msk $0xffff, v21  }
0x1cd: {  	[tilespmem:v22+s16+$0x0] =	vst.idx.add.f32.msk $0xffff, v20  }
0x1ce: {  	v20 =	vld [tilespmem:s21+$0x40];
	_ =	sdelay $0x4  }
0x1cf: {  	v40 =	vshll.u32 v20, $0x8;
	v41 =	vshll.u32 v20, $0x7  }
0x1d0: {  	v21 =	vand.u32 $0x7800, v40;
	v22 =	vand.u32 $0x380, v41  }
0x1d1: {  	v21 =	vor.u32 v21, v22  }
0x1d2: {  	v21 =	vor.u32 v8, v21;
	_ =	sdelay $0x4  }
0x1d3: {  	v21 =	vld.idx.msk [tilespmem:v21+s14+$0x0], $0xffff;
	_ =	sdelay $0x4  }
0x1d4: {  	v42 =	vmul.f32 $1.500000000e+01, v21;
	_ =	sdelay $0x1  }
0x1d5: {  	v43 =	vtrunc.f32 v42  }
0x1d6: {  	v44 =	vcvt.f32.s32 v43;
	vm4 =	veq.f32 v42, v43  }
0x1d7: {  	v22 =	vsel vm4, $0xFFFFFFFF, v3  }
0x1d8: {  	v22 =	vadd.s32 v44, v22  }
0x1d9: {  	vm5 =	vgt.s32 v22, $0x0  }
0x1da: {  	v22 =	vnsel vm5, $0x0, v22  }
0x1db: {  	v22 =	vmin.u32 v22, $0xF  }
0x1dc: {  	vm6 =	vle.f32 v21, $0.0e+00;
	v22 =	vor.u32 v1, v22  }
0x1dd: {  	v22 =	vsel vm6, v4, v22;
	_ =	sdelay $0x2  }
0x1de: {  	v20 =	vshra.s32 v20, $0x7  }
0x1df: {  	v20 =	vcvt.s32.f32 v20  }
0x1e0: {  	[tilespmem:v22+s15+$0x0] =	vst.idx.add.f32.msk $0xffff, v21  }
0x1e1: {  	[tilespmem:v22+s16+$0x0] =	vst.idx.add.f32.msk $0xffff, v20  }
0x1e2: {  	v20 =	vld [tilespmem:s21+$0x50];
	_ =	sdelay $0x4  }
0x1e3: {  	v45 =	vshll.u32 v20, $0x8;
	v46 =	vshll.u32 v20, $0x7  }
0x1e4: {  	v21 =	vand.u32 $0x7800, v45;
	v22 =	vand.u32 $0x380, v46  }
0x1e5: {  	v21 =	vor.u32 v21, v22  }
0x1e6: {  	v21 =	vor.u32 v9, v21;
	_ =	sdelay $0x4  }
0x1e7: {  	v21 =	vld.idx.msk [tilespmem:v21+s14+$0x0], $0xffff;
	_ =	sdelay $0x4  }
0x1e8: {  	v47 =	vmul.f32 $1.500000000e+01, v21;
	_ =	sdelay $0x1  }
0x1e9: {  	v48 =	vtrunc.f32 v47  }
0x1ea: {  	v49 =	vcvt.f32.s32 v48;
	vm7 =	veq.f32 v47, v48  }
0x1eb: {  	v22 =	vsel vm7, $0xFFFFFFFF, v3  }
0x1ec: {  	v22 =	vadd.s32 v49, v22  }
0x1ed: {  	vm8 =	vgt.s32 v22, $0x0  }
0x1ee: {  	v22 =	vnsel vm8, $0x0, v22  }
0x1ef: {  	v22 =	vmin.u32 v22, $0xF  }
0x1f0: {  	vm9 =	vle.f32 v21, $0.0e+00;
	v22 =	vor.u32 v1, v22  }
0x1f1: {  	v22 =	vsel vm9, v4, v22;
	_ =	sdelay $0x2  }
0x1f2: {  	v20 =	vshra.s32 v20, $0x7  }
0x1f3: {  	v20 =	vcvt.s32.f32 v20  }
0x1f4: {  	[tilespmem:v22+s15+$0x0] =	vst.idx.add.f32.msk $0xffff, v21  }
0x1f5: {  	[tilespmem:v22+s16+$0x0] =	vst.idx.add.f32.msk $0xffff, v20  }
0x1f6: {  	v20 =	vld [tilespmem:s21+$0x60];
	_ =	sdelay $0x4  }
0x1f7: {  	v50 =	vshll.u32 v20, $0x8;
	v51 =	vshll.u32 v20, $0x7  }
0x1f8: {  	v21 =	vand.u32 $0x7800, v50;
	v22 =	vand.u32 $0x380, v51  }
0x1f9: {  	v21 =	vor.u32 v21, v22  }
0x1fa: {  	v21 =	vor.u32 v10, v21;
	_ =	sdelay $0x4  }
0x1fb: {  	v21 =	vld.idx.msk [tilespmem:v21+s14+$0x0], $0xffff;
	_ =	sdelay $0x4  }
0x1fc: {  	v52 =	vmul.f32 $1.500000000e+01, v21;
	_ =	sdelay $0x1  }
0x1fd: {  	v53 =	vtrunc.f32 v52  }
0x1fe: {  	v54 =	vcvt.f32.s32 v53;
	vm10 =	veq.f32 v52, v53  }
0x1ff: {  	v22 =	vsel vm10, $0xFFFFFFFF, v3  }
0x200: {  	v22 =	vadd.s32 v54, v22  }
0x201: {  	vm11 =	vgt.s32 v22, $0x0  }
0x202: {  	v22 =	vnsel vm11, $0x0, v22  }
0x203: {  	v22 =	vmin.u32 v22, $0xF  }
0x204: {  	vm12 =	vle.f32 v21, $0.0e+00;
	v22 =	vor.u32 v1, v22  }
0x205: {  	v22 =	vsel vm12, v4, v22;
	_ =	sdelay $0x2  }
0x206: {  	v20 =	vshra.s32 v20, $0x7  }
0x207: {  	v20 =	vcvt.s32.f32 v20  }
0x208: {  	[tilespmem:v22+s15+$0x0] =	vst.idx.add.f32.msk $0xffff, v21  }
0x209: {  	[tilespmem:v22+s16+$0x0] =	vst.idx.add.f32.msk $0xffff, v20  }
0x20a: {  	v20 =	vld [tilespmem:s21+$0x70];
	_ =	sdelay $0x4  }
0x20b: {  	v55 =	vshll.u32 v20, $0x8;
	v56 =	vshll.u32 v20, $0x7  }
0x20c: {  	v21 =	vand.u32 $0x7800, v55;
	v22 =	vand.u32 $0x380, v56  }
0x20d: {  	v21 =	vor.u32 v21, v22  }
0x20e: {  	v21 =	vor.u32 v11, v21;
	_ =	sdelay $0x4  }
0x20f: {  	v21 =	vld.idx.msk [tilespmem:v21+s14+$0x0], $0xffff;
	_ =	sdelay $0x4  }
0x210: {  	v57 =	vmul.f32 $1.500000000e+01, v21;
	_ =	sdelay $0x1  }
0x211: {  	v58 =	vtrunc.f32 v57  }
0x212: {  	v59 =	vcvt.f32.s32 v58;
	vm13 =	veq.f32 v57, v58  }
0x213: {  	v22 =	vsel vm13, $0xFFFFFFFF, v3  }
0x214: {  	v22 =	vadd.s32 v59, v22  }
0x215: {  	vm14 =	vgt.s32 v22, $0x0  }
0x216: {  	v22 =	vnsel vm14, $0x0, v22  }
0x217: {  	v22 =	vmin.u32 v22, $0xF  }
0x218: {  	vm15 =	vle.f32 v21, $0.0e+00;
	v22 =	vor.u32 v1, v22  }
0x219: {  	v22 =	vsel vm15, v4, v22;
	_ =	sdelay $0x2  }
0x21a: {  	v20 =	vshra.s32 v20, $0x7  }
0x21b: {  	v20 =	vcvt.s32.f32 v20  }
0x21c: {  	[tilespmem:v22+s15+$0x0] =	vst.idx.add.f32.msk $0xffff, v21  }
0x21d: {  	[tilespmem:v22+s16+$0x0] =	vst.idx.add.f32.msk $0xffff, v20  }
0x21e: {  	v20 =	vld [tilespmem:s21+$0x80];
	_ =	sdelay $0x4  }
0x21f: {  	v60 =	vshll.u32 v20, $0x8;
	v61 =	vshll.u32 v20, $0x7  }
0x220: {  	v21 =	vand.u32 $0x7800, v60;
	v22 =	vand.u32 $0x380, v61  }
0x221: {  	v21 =	vor.u32 v22, v21  }
0x222: {  	v21 =	vor.u32 v12, v21;
	_ =	sdelay $0x4  }
0x223: {  	v21 =	vld.idx.msk [tilespmem:v21+s14+$0x0], $0xffff;
	_ =	sdelay $0x4  }
0x224: {  	v62 =	vmul.f32 $1.500000000e+01, v21;
	_ =	sdelay $0x1  }
0x225: {  	v63 =	vtrunc.f32 v62  }
0x226: {  	v28 =	vcvt.f32.s32 v63;
	vm4 =	veq.f32 v62, v63  }
0x227: {  	v22 =	vsel vm4, $0xFFFFFFFF, v3  }
0x228: {  	v22 =	vadd.s32 v28, v22  }
0x229: {  	vm5 =	vgt.s32 v22, $0x0  }
0x22a: {  	v22 =	vnsel vm5, $0x0, v22  }
0x22b: {  	v22 =	vmin.u32 v22, $0xF  }
0x22c: {  	vm6 =	vle.f32 v21, $0.0e+00;
	v22 =	vor.u32 v1, v22  }
0x22d: {  	v22 =	vsel vm6, v4, v22;
	_ =	sdelay $0x2  }
0x22e: {  	v20 =	vshra.s32 v20, $0x7  }
0x22f: {  	v20 =	vcvt.s32.f32 v20  }
0x230: {  	[tilespmem:v22+s15+$0x0] =	vst.idx.add.f32.msk $0xffff, v21  }
0x231: {  	[tilespmem:v22+s16+$0x0] =	vst.idx.add.f32.msk $0xffff, v20  }
0x232: {  	v20 =	vld [tilespmem:s21+$0x90];
	_ =	sdelay $0x4  }
0x233: {  	v29 =	vshll.u32 v20, $0x8;
	v30 =	vshll.u32 v20, $0x7  }
0x234: {  	v21 =	vand.u32 $0x7800, v29;
	v22 =	vand.u32 $0x380, v30  }
0x235: {  	v21 =	vor.u32 v22, v21  }
0x236: {  	v21 =	vor.u32 v13, v21;
	_ =	sdelay $0x4  }
0x237: {  	v21 =	vld.idx.msk [tilespmem:v21+s14+$0x0], $0xffff;
	_ =	sdelay $0x4  }
0x238: {  	v31 =	vmul.f32 $1.500000000e+01, v21;
	_ =	sdelay $0x1  }
0x239: {  	v32 =	vtrunc.f32 v31  }
0x23a: {  	v33 =	vcvt.f32.s32 v32;
	vm7 =	veq.f32 v31, v32  }
0x23b: {  	v22 =	vsel vm7, $0xFFFFFFFF, v3  }
0x23c: {  	v22 =	vadd.s32 v33, v22  }
0x23d: {  	vm8 =	vgt.s32 v22, $0x0  }
0x23e: {  	v22 =	vnsel vm8, $0x0, v22  }
0x23f: {  	v22 =	vmin.u32 v22, $0xF  }
0x240: {  	vm9 =	vle.f32 v21, $0.0e+00;
	v22 =	vor.u32 v1, v22  }
0x241: {  	v22 =	vsel vm9, v4, v22;
	_ =	sdelay $0x2  }
0x242: {  	v20 =	vshra.s32 v20, $0x7  }
0x243: {  	v20 =	vcvt.s32.f32 v20  }
0x244: {  	[tilespmem:v22+s15+$0x0] =	vst.idx.add.f32.msk $0xffff, v21  }
0x245: {  	[tilespmem:v22+s16+$0x0] =	vst.idx.add.f32.msk $0xffff, v20  }
0x246: {  	v20 =	vld [tilespmem:s21+$0xA0];
	_ =	sdelay $0x4  }
0x247: {  	v34 =	vshll.u32 v20, $0x8;
	v35 =	vshll.u32 v20, $0x7  }
0x248: {  	v21 =	vand.u32 $0x7800, v34;
	v22 =	vand.u32 $0x380, v35  }
0x249: {  	v21 =	vor.u32 v22, v21  }
0x24a: {  	v21 =	vor.u32 v14, v21;
	_ =	sdelay $0x4  }
0x24b: {  	v21 =	vld.idx.msk [tilespmem:v21+s14+$0x0], $0xffff;
	_ =	sdelay $0x4  }
0x24c: {  	v36 =	vmul.f32 $1.500000000e+01, v21;
	_ =	sdelay $0x1  }
0x24d: {  	v37 =	vtrunc.f32 v36  }
0x24e: {  	v38 =	vcvt.f32.s32 v37;
	vm10 =	veq.f32 v36, v37  }
0x24f: {  	v22 =	vsel vm10, $0xFFFFFFFF, v3  }
0x250: {  	v22 =	vadd.s32 v38, v22  }
0x251: {  	vm11 =	vgt.s32 v22, $0x0  }
0x252: {  	v22 =	vnsel vm11, $0x0, v22  }
0x253: {  	v22 =	vmin.u32 v22, $0xF  }
0x254: {  	vm12 =	vle.f32 v21, $0.0e+00;
	v22 =	vor.u32 v1, v22  }
0x255: {  	v22 =	vsel vm12, v4, v22;
	_ =	sdelay $0x2  }
0x256: {  	v20 =	vshra.s32 v20, $0x7  }
0x257: {  	v20 =	vcvt.s32.f32 v20  }
0x258: {  	[tilespmem:v22+s15+$0x0] =	vst.idx.add.f32.msk $0xffff, v21  }
0x259: {  	[tilespmem:v22+s16+$0x0] =	vst.idx.add.f32.msk $0xffff, v20  }
0x25a: {  	v20 =	vld [tilespmem:s21+$0xB0];
	_ =	sdelay $0x4  }
0x25b: {  	v39 =	vshll.u32 v20, $0x8;
	v40 =	vshll.u32 v20, $0x7  }
0x25c: {  	v21 =	vand.u32 $0x7800, v39;
	v22 =	vand.u32 $0x380, v40  }
0x25d: {  	v21 =	vor.u32 v22, v21  }
0x25e: {  	v21 =	vor.u32 v15, v21;
	_ =	sdelay $0x4  }
0x25f: {  	v21 =	vld.idx.msk [tilespmem:v21+s14+$0x0], $0xffff;
	_ =	sdelay $0x4  }
0x260: {  	v41 =	vmul.f32 $1.500000000e+01, v21;
	_ =	sdelay $0x1  }
0x261: {  	v42 =	vtrunc.f32 v41  }
0x262: {  	v43 =	vcvt.f32.s32 v42;
	vm13 =	veq.f32 v41, v42  }
0x263: {  	v22 =	vsel vm13, $0xFFFFFFFF, v3  }
0x264: {  	v22 =	vadd.s32 v43, v22  }
0x265: {  	vm14 =	vgt.s32 v22, $0x0  }
0x266: {  	v22 =	vnsel vm14, $0x0, v22  }
0x267: {  	v22 =	vmin.u32 v22, $0xF  }
0x268: {  	vm15 =	vle.f32 v21, $0.0e+00;
	v22 =	vor.u32 v1, v22  }
0x269: {  	v22 =	vsel vm15, v4, v22;
	_ =	sdelay $0x2  }
0x26a: {  	v20 =	vshra.s32 v20, $0x7  }
0x26b: {  	v20 =	vcvt.s32.f32 v20  }
0x26c: {  	[tilespmem:v22+s15+$0x0] =	vst.idx.add.f32.msk $0xffff, v21  }
0x26d: {  	[tilespmem:v22+s16+$0x0] =	vst.idx.add.f32.msk $0xffff, v20  }
0x26e: {  	v20 =	vld [tilespmem:s21+$0xC0];
	_ =	sdelay $0x4  }
0x26f: {  	v44 =	vshll.u32 v20, $0x8;
	v45 =	vshll.u32 v20, $0x7  }
0x270: {  	v21 =	vand.u32 $0x7800, v44;
	v22 =	vand.u32 $0x380, v45  }
0x271: {  	v21 =	vor.u32 v22, v21  }
0x272: {  	v21 =	vor.u32 v16, v21;
	_ =	sdelay $0x4  }
0x273: {  	v21 =	vld.idx.msk [tilespmem:v21+s14+$0x0], $0xffff;
	_ =	sdelay $0x4  }
0x274: {  	v46 =	vmul.f32 $1.500000000e+01, v21;
	_ =	sdelay $0x1  }
0x275: {  	v47 =	vtrunc.f32 v46  }
0x276: {  	v48 =	vcvt.f32.s32 v47;
	vm4 =	veq.f32 v46, v47  }
0x277: {  	v22 =	vsel vm4, $0xFFFFFFFF, v3  }
0x278: {  	v22 =	vadd.s32 v48, v22  }
0x279: {  	vm5 =	vgt.s32 v22, $0x0  }
0x27a: {  	v22 =	vnsel vm5, $0x0, v22  }
0x27b: {  	v22 =	vmin.u32 v22, $0xF  }
0x27c: {  	vm6 =	vle.f32 v21, $0.0e+00;
	v22 =	vor.u32 v1, v22  }
0x27d: {  	v22 =	vsel vm6, v4, v22;
	_ =	sdelay $0x2  }
0x27e: {  	v20 =	vshra.s32 v20, $0x7  }
0x27f: {  	v20 =	vcvt.s32.f32 v20  }
0x280: {  	[tilespmem:v22+s15+$0x0] =	vst.idx.add.f32.msk $0xffff, v21  }
0x281: {  	[tilespmem:v22+s16+$0x0] =	vst.idx.add.f32.msk $0xffff, v20  }
0x282: {  	v20 =	vld [tilespmem:s21+$0xD0];
	_ =	sdelay $0x4  }
0x283: {  	v49 =	vshll.u32 v20, $0x8;
	v50 =	vshll.u32 v20, $0x7  }
0x284: {  	v21 =	vand.u32 $0x7800, v49;
	v22 =	vand.u32 $0x380, v50  }
0x285: {  	v21 =	vor.u32 v22, v21  }
0x286: {  	v21 =	vor.u32 v17, v21;
	_ =	sdelay $0x4  }
0x287: {  	v21 =	vld.idx.msk [tilespmem:v21+s14+$0x0], $0xffff;
	_ =	sdelay $0x4  }
0x288: {  	v51 =	vmul.f32 $1.500000000e+01, v21;
	_ =	sdelay $0x1  }
0x289: {  	v52 =	vtrunc.f32 v51  }
0x28a: {  	v53 =	vcvt.f32.s32 v52;
	vm7 =	veq.f32 v51, v52  }
0x28b: {  	v22 =	vsel vm7, $0xFFFFFFFF, v3  }
0x28c: {  	v22 =	vadd.s32 v53, v22  }
0x28d: {  	vm8 =	vgt.s32 v22, $0x0  }
0x28e: {  	v22 =	vnsel vm8, $0x0, v22  }
0x28f: {  	v22 =	vmin.u32 v22, $0xF  }
0x290: {  	vm9 =	vle.f32 v21, $0.0e+00;
	v22 =	vor.u32 v1, v22  }
0x291: {  	v22 =	vsel vm9, v4, v22;
	_ =	sdelay $0x2  }
0x292: {  	v20 =	vshra.s32 v20, $0x7  }
0x293: {  	v20 =	vcvt.s32.f32 v20  }
0x294: {  	[tilespmem:v22+s15+$0x0] =	vst.idx.add.f32.msk $0xffff, v21  }
0x295: {  	[tilespmem:v22+s16+$0x0] =	vst.idx.add.f32.msk $0xffff, v20  }
0x296: {  	v20 =	vld [tilespmem:s21+$0xE0];
	_ =	sdelay $0x4  }
0x297: {  	v54 =	vshll.u32 v20, $0x8;
	v55 =	vshll.u32 v20, $0x7  }
0x298: {  	v21 =	vand.u32 $0x7800, v54;
	v22 =	vand.u32 $0x380, v55  }
0x299: {  	v21 =	vor.u32 v22, v21  }
0x29a: {  	v21 =	vor.u32 v18, v21;
	_ =	sdelay $0x4  }
0x29b: {  	v21 =	vld.idx.msk [tilespmem:v21+s14+$0x0], $0xffff;
	_ =	sdelay $0x4  }
0x29c: {  	v56 =	vmul.f32 $1.500000000e+01, v21;
	_ =	sdelay $0x1  }
0x29d: {  	v57 =	vtrunc.f32 v56  }
0x29e: {  	v58 =	vcvt.f32.s32 v57;
	vm10 =	veq.f32 v56, v57  }
0x29f: {  	v22 =	vsel vm10, $0xFFFFFFFF, v3  }
0x2a0: {  	v22 =	vadd.s32 v58, v22  }
0x2a1: {  	vm11 =	vgt.s32 v22, $0x0  }
0x2a2: {  	v22 =	vnsel vm11, $0x0, v22  }
0x2a3: {  	v22 =	vmin.u32 v22, $0xF  }
0x2a4: {  	vm12 =	vle.f32 v21, $0.0e+00;
	v22 =	vor.u32 v1, v22  }
0x2a5: {  	v22 =	vsel vm12, v4, v22;
	_ =	sdelay $0x2  }
0x2a6: {  	v20 =	vshra.s32 v20, $0x7  }
0x2a7: {  	v20 =	vcvt.s32.f32 v20  }
0x2a8: {  	[tilespmem:v22+s15+$0x0] =	vst.idx.add.f32.msk $0xffff, v21  }
0x2a9: {  	[tilespmem:v22+s16+$0x0] =	vst.idx.add.f32.msk $0xffff, v20  }
0x2aa: {  	v20 =	vld [tilespmem:s21+$0xF0];
	_ =	sdelay $0x4  }
0x2ab: {  	v59 =	vshll.u32 v20, $0x8;
	v60 =	vshll.u32 v20, $0x7  }
0x2ac: {  	v21 =	vand.u32 $0x7800, v59;
	v22 =	vand.u32 $0x380, v60  }
0x2ad: {  	v21 =	vor.u32 v22, v21  }
0x2ae: {  	v21 =	vor.u32 v19, v21;
	_ =	sdelay $0x4  }
0x2af: {  	v21 =	vld.idx.msk [tilespmem:v21+s14+$0x0], $0xffff;
	_ =	sdelay $0x4  }
0x2b0: {  	v61 =	vmul.f32 $1.500000000e+01, v21;
	_ =	sdelay $0x1  }
0x2b1: {  	v62 =	vtrunc.f32 v61  }
0x2b2: {  	v63 =	vcvt.f32.s32 v62;
	vm13 =	veq.f32 v61, v62  }
0x2b3: {  	v22 =	vsel vm13, $0xFFFFFFFF, v3  }
0x2b4: {  	v22 =	vadd.s32 v63, v22  }
0x2b5: {  	vm14 =	vgt.s32 v22, $0x0  }
0x2b6: {  	v22 =	vnsel vm14, $0x0, v22  }
0x2b7: {  	v22 =	vmin.u32 v22, $0xF  }
0x2b8: {  	vm15 =	vle.f32 v21, $0.0e+00;
	v22 =	vor.u32 v1, v22  }
0x2b9: {  	v22 =	vsel vm15, v4, v22  }
0x2ba: {  	p0 =	sne.s32 s20, $0xFFFFFE00  }
.Ltmp0:
0x2bb: {  	_ = 	snop;
	(pc) =	sbr.rel @p0 .LBB2_2-.Ltmp0, $4  }
0x2bc: {  	v20 =	vshra.s32 v20, $0x7  }
0x2bd: {  	v20 =	vcvt.s32.f32 v20  }
0x2be: {  	[tilespmem:v22+s15+$0x0] =	vst.idx.add.f32.msk $0xffff, v21  }
0x2bf: {  	s20 =	sadd.s32 $0x200, s20;
	s21 =	sadd.s32 $0x200, s21;
	[tilespmem:v22+s16+$0x0] =	vst.idx.add.f32.msk $0xffff, v20  }
0x2c0: {  	_ =	swait.ge [sflag:s13], $0x6800  }
0x2c1: {  	[sflag:s13] =	ssyncset.done $0x0  }
0x2c2: {  	[sflag:s13] =	ssyncadd.s32 $0xFFFF9800  }
0x2c3: {  	[tilespmem:s14], [sflag:$0x2] =	stream.strided.gather [hbm4b:s5+s10], $0x6800, s11, s10, $0x38;
	[tilespmem:$0xF680] =	vst v63  }
0x2c4: {  	v20 =	vld [tilespmem:$0x2200];
	_ =	sdelay $0x4  }
0x2c5: {  	v21 =	vshll.u32 v20, $0x8;
	v22 =	vshll.u32 v20, $0x7  }
0x2c6: {  	v21 =	vand.u32 $0x7800, v21;
	v22 =	vand.u32 $0x380, v22  }
0x2c7: {  	v21 =	vor.u32 v21, v22  }
0x2c8: {  	v21 =	vor.u32 v0, v21;
	_ =	sdelay $0x4  }
0x2c9: {  	v21 =	vld.idx.msk [tilespmem:v21+s12+$0x0], $0xffff;
	_ =	sdelay $0x4  }
0x2ca: {  	v28 =	vmul.f32 $1.500000000e+01, v21;
	_ =	sdelay $0x1  }
0x2cb: {  	v23 =	vtrunc.f32 v28  }
0x2cc: {  	v24 =	vcvt.f32.s32 v23;
	vm0 =	veq.f32 v28, v23  }
0x2cd: {  	v22 =	vsel vm0, $0xFFFFFFFF, v3  }
0x2ce: {  	v22 =	vadd.s32 v24, v22  }
0x2cf: {  	vm5 =	vgt.s32 v22, $0x0  }
0x2d0: {  	v22 =	vnsel vm5, $0x0, v22  }
0x2d1: {  	v22 =	vmin.u32 v22, $0xF  }
0x2d2: {  	vm6 =	vle.f32 v21, $0.0e+00;
	v22 =	vor.u32 v1, v22  }
0x2d3: {  	v22 =	vsel vm6, v4, v22;
	_ =	sdelay $0x2  }
0x2d4: {  	v20 =	vshra.s32 v20, $0x7  }
0x2d5: {  	v20 =	vcvt.s32.f32 v20  }
0x2d6: {  	[tilespmem:v22+s15+$0x0] =	vst.idx.add.f32.msk $0xffff, v21  }
0x2d7: {  	[tilespmem:v22+s16+$0x0] =	vst.idx.add.f32.msk $0xffff, v20  }
0x2d8: {  	v20 =	vld [tilespmem:$0x2210];
	_ =	sdelay $0x4  }
0x2d9: {  	v29 =	vshll.u32 v20, $0x8;
	v30 =	vshll.u32 v20, $0x7  }
0x2da: {  	v21 =	vand.u32 $0x7800, v29;
	v22 =	vand.u32 $0x380, v30  }
0x2db: {  	v21 =	vor.u32 v21, v22  }
0x2dc: {  	v21 =	vor.u32 v5, v21;
	_ =	sdelay $0x4  }
0x2dd: {  	v21 =	vld.idx.msk [tilespmem:v21+s12+$0x0], $0xffff;
	_ =	sdelay $0x4  }
0x2de: {  	v31 =	vmul.f32 $1.500000000e+01, v21;
	_ =	sdelay $0x1  }
0x2df: {  	v32 =	vtrunc.f32 v31  }
0x2e0: {  	v33 =	vcvt.f32.s32 v32;
	vm7 =	veq.f32 v31, v32  }
0x2e1: {  	v22 =	vsel vm7, $0xFFFFFFFF, v3  }
0x2e2: {  	v22 =	vadd.s32 v33, v22  }
0x2e3: {  	vm8 =	vgt.s32 v22, $0x0  }
0x2e4: {  	v22 =	vnsel vm8, $0x0, v22  }
0x2e5: {  	v22 =	vmin.u32 v22, $0xF  }
0x2e6: {  	vm9 =	vle.f32 v21, $0.0e+00;
	v22 =	vor.u32 v1, v22  }
0x2e7: {  	v22 =	vsel vm9, v4, v22;
	_ =	sdelay $0x2  }
0x2e8: {  	v20 =	vshra.s32 v20, $0x7  }
0x2e9: {  	v20 =	vcvt.s32.f32 v20  }
0x2ea: {  	[tilespmem:v22+s15+$0x0] =	vst.idx.add.f32.msk $0xffff, v21  }
0x2eb: {  	[tilespmem:v22+s16+$0x0] =	vst.idx.add.f32.msk $0xffff, v20  }
0x2ec: {  	v20 =	vld [tilespmem:$0x2220];
	_ =	sdelay $0x4  }
0x2ed: {  	v34 =	vshll.u32 v20, $0x8;
	v35 =	vshll.u32 v20, $0x7  }
0x2ee: {  	v21 =	vand.u32 $0x7800, v34;
	v22 =	vand.u32 $0x380, v35  }
0x2ef: {  	v21 =	vor.u32 v21, v22  }
0x2f0: {  	v21 =	vor.u32 v6, v21;
	_ =	sdelay $0x4  }
0x2f1: {  	v21 =	vld.idx.msk [tilespmem:v21+s12+$0x0], $0xffff;
	_ =	sdelay $0x4  }
0x2f2: {  	v36 =	vmul.f32 $1.500000000e+01, v21;
	_ =	sdelay $0x1  }
0x2f3: {  	v37 =	vtrunc.f32 v36  }
0x2f4: {  	v38 =	vcvt.f32.s32 v37;
	vm10 =	veq.f32 v36, v37  }
0x2f5: {  	v22 =	vsel vm10, $0xFFFFFFFF, v3  }
0x2f6: {  	v22 =	vadd.s32 v38, v22  }
0x2f7: {  	vm11 =	vgt.s32 v22, $0x0  }
0x2f8: {  	v22 =	vnsel vm11, $0x0, v22  }
0x2f9: {  	v22 =	vmin.u32 v22, $0xF  }
0x2fa: {  	vm12 =	vle.f32 v21, $0.0e+00;
	v22 =	vor.u32 v1, v22  }
0x2fb: {  	v22 =	vsel vm12, v4, v22;
	_ =	sdelay $0x2  }
0x2fc: {  	v20 =	vshra.s32 v20, $0x7  }
0x2fd: {  	v20 =	vcvt.s32.f32 v20  }
0x2fe: {  	[tilespmem:v22+s15+$0x0] =	vst.idx.add.f32.msk $0xffff, v21  }
0x2ff: {  	[tilespmem:v22+s16+$0x0] =	vst.idx.add.f32.msk $0xffff, v20  }
0x300: {  	v20 =	vld [tilespmem:$0x2230];
	_ =	sdelay $0x4  }
0x301: {  	v39 =	vshll.u32 v20, $0x8;
	v40 =	vshll.u32 v20, $0x7  }
0x302: {  	v21 =	vand.u32 $0x7800, v39;
	v22 =	vand.u32 $0x380, v40  }
0x303: {  	v21 =	vor.u32 v21, v22  }
0x304: {  	v21 =	vor.u32 v7, v21;
	_ =	sdelay $0x4  }
0x305: {  	v21 =	vld.idx.msk [tilespmem:v21+s12+$0x0], $0xffff;
	_ =	sdelay $0x4  }
0x306: {  	v41 =	vmul.f32 $1.500000000e+01, v21;
	_ =	sdelay $0x1  }
0x307: {  	v42 =	vtrunc.f32 v41  }
0x308: {  	v43 =	vcvt.f32.s32 v42;
	vm13 =	veq.f32 v41, v42  }
0x309: {  	v22 =	vsel vm13, $0xFFFFFFFF, v3  }
0x30a: {  	v22 =	vadd.s32 v43, v22  }
0x30b: {  	vm14 =	vgt.s32 v22, $0x0  }
0x30c: {  	v22 =	vnsel vm14, $0x0, v22  }
0x30d: {  	v22 =	vmin.u32 v22, $0xF  }
0x30e: {  	vm15 =	vle.f32 v21, $0.0e+00;
	v22 =	vor.u32 v1, v22  }
0x30f: {  	v22 =	vsel vm15, v4, v22;
	_ =	sdelay $0x2  }
0x310: {  	v20 =	vshra.s32 v20, $0x7  }
0x311: {  	v20 =	vcvt.s32.f32 v20  }
0x312: {  	[tilespmem:v22+s15+$0x0] =	vst.idx.add.f32.msk $0xffff, v21  }
0x313: {  	[tilespmem:v22+s16+$0x0] =	vst.idx.add.f32.msk $0xffff, v20  }
0x314: {  	v20 =	vld [tilespmem:$0x2240];
	_ =	sdelay $0x4  }
0x315: {  	v44 =	vshll.u32 v20, $0x8;
	v45 =	vshll.u32 v20, $0x7  }
0x316: {  	v21 =	vand.u32 $0x7800, v44;
	v22 =	vand.u32 $0x380, v45  }
0x317: {  	v21 =	vor.u32 v21, v22  }
0x318: {  	v21 =	vor.u32 v8, v21;
	_ =	sdelay $0x4  }
0x319: {  	v21 =	vld.idx.msk [tilespmem:v21+s12+$0x0], $0xffff;
	_ =	sdelay $0x4  }
0x31a: {  	v46 =	vmul.f32 $1.500000000e+01, v21;
	_ =	sdelay $0x1  }
0x31b: {  	v47 =	vtrunc.f32 v46  }
0x31c: {  	v48 =	vcvt.f32.s32 v47;
	vm4 =	veq.f32 v46, v47  }
0x31d: {  	v22 =	vsel vm4, $0xFFFFFFFF, v3  }
0x31e: {  	v22 =	vadd.s32 v48, v22  }
0x31f: {  	vm5 =	vgt.s32 v22, $0x0  }
0x320: {  	v22 =	vnsel vm5, $0x0, v22  }
0x321: {  	v22 =	vmin.u32 v22, $0xF  }
0x322: {  	vm6 =	vle.f32 v21, $0.0e+00;
	v22 =	vor.u32 v1, v22  }
0x323: {  	v22 =	vsel vm6, v4, v22;
	_ =	sdelay $0x2  }
0x324: {  	v20 =	vshra.s32 v20, $0x7  }
0x325: {  	v20 =	vcvt.s32.f32 v20  }
0x326: {  	[tilespmem:v22+s15+$0x0] =	vst.idx.add.f32.msk $0xffff, v21  }
0x327: {  	[tilespmem:v22+s16+$0x0] =	vst.idx.add.f32.msk $0xffff, v20  }
0x328: {  	v20 =	vld [tilespmem:$0x2250];
	_ =	sdelay $0x4  }
0x329: {  	v49 =	vshll.u32 v20, $0x8;
	v50 =	vshll.u32 v20, $0x7  }
0x32a: {  	v21 =	vand.u32 $0x7800, v49;
	v22 =	vand.u32 $0x380, v50  }
0x32b: {  	v21 =	vor.u32 v21, v22  }
0x32c: {  	v21 =	vor.u32 v9, v21;
	_ =	sdelay $0x4  }
0x32d: {  	v21 =	vld.idx.msk [tilespmem:v21+s12+$0x0], $0xffff;
	_ =	sdelay $0x4  }
0x32e: {  	v51 =	vmul.f32 $1.500000000e+01, v21;
	_ =	sdelay $0x1  }
0x32f: {  	v52 =	vtrunc.f32 v51  }
0x330: {  	v53 =	vcvt.f32.s32 v52;
	vm7 =	veq.f32 v51, v52  }
0x331: {  	v22 =	vsel vm7, $0xFFFFFFFF, v3  }
0x332: {  	v22 =	vadd.s32 v53, v22  }
0x333: {  	vm8 =	vgt.s32 v22, $0x0  }
0x334: {  	v22 =	vnsel vm8, $0x0, v22  }
0x335: {  	v22 =	vmin.u32 v22, $0xF  }
0x336: {  	vm9 =	vle.f32 v21, $0.0e+00;
	v22 =	vor.u32 v1, v22  }
0x337: {  	v22 =	vsel vm9, v4, v22;
	_ =	sdelay $0x2  }
0x338: {  	v20 =	vshra.s32 v20, $0x7  }
0x339: {  	v20 =	vcvt.s32.f32 v20  }
0x33a: {  	[tilespmem:v22+s15+$0x0] =	vst.idx.add.f32.msk $0xffff, v21  }
0x33b: {  	[tilespmem:v22+s16+$0x0] =	vst.idx.add.f32.msk $0xffff, v20  }
0x33c: {  	v20 =	vld [tilespmem:$0x2260];
	_ =	sdelay $0x4  }
0x33d: {  	v54 =	vshll.u32 v20, $0x8;
	v55 =	vshll.u32 v20, $0x7  }
0x33e: {  	v21 =	vand.u32 $0x7800, v54;
	v22 =	vand.u32 $0x380, v55  }
0x33f: {  	v21 =	vor.u32 v21, v22  }
0x340: {  	v21 =	vor.u32 v10, v21;
	_ =	sdelay $0x4  }
0x341: {  	v21 =	vld.idx.msk [tilespmem:v21+s12+$0x0], $0xffff;
	_ =	sdelay $0x4  }
0x342: {  	v56 =	vmul.f32 $1.500000000e+01, v21;
	_ =	sdelay $0x1  }
0x343: {  	v57 =	vtrunc.f32 v56  }
0x344: {  	v58 =	vcvt.f32.s32 v57;
	vm10 =	veq.f32 v56, v57  }
0x345: {  	v22 =	vsel vm10, $0xFFFFFFFF, v3  }
0x346: {  	v22 =	vadd.s32 v58, v22  }
0x347: {  	vm11 =	vgt.s32 v22, $0x0  }
0x348: {  	v22 =	vnsel vm11, $0x0, v22  }
0x349: {  	v22 =	vmin.u32 v22, $0xF  }
0x34a: {  	vm12 =	vle.f32 v21, $0.0e+00;
	v22 =	vor.u32 v1, v22  }
0x34b: {  	v22 =	vsel vm12, v4, v22;
	_ =	sdelay $0x2  }
0x34c: {  	v20 =	vshra.s32 v20, $0x7  }
0x34d: {  	v20 =	vcvt.s32.f32 v20  }
0x34e: {  	[tilespmem:v22+s15+$0x0] =	vst.idx.add.f32.msk $0xffff, v21  }
0x34f: {  	[tilespmem:v22+s16+$0x0] =	vst.idx.add.f32.msk $0xffff, v20  }
0x350: {  	v20 =	vld [tilespmem:$0x2270];
	_ =	sdelay $0x4  }
0x351: {  	v59 =	vshll.u32 v20, $0x8;
	v60 =	vshll.u32 v20, $0x7  }
0x352: {  	v21 =	vand.u32 $0x7800, v59;
	v22 =	vand.u32 $0x380, v60  }
0x353: {  	v21 =	vor.u32 v21, v22  }
0x354: {  	v21 =	vor.u32 v11, v21;
	_ =	sdelay $0x4  }
0x355: {  	v21 =	vld.idx.msk [tilespmem:v21+s12+$0x0], $0xffff;
	_ =	sdelay $0x4  }
0x356: {  	v61 =	vmul.f32 $1.500000000e+01, v21;
	_ =	sdelay $0x1  }
0x357: {  	v62 =	vtrunc.f32 v61  }
0x358: {  	v63 =	vcvt.f32.s32 v62;
	vm13 =	veq.f32 v61, v62  }
0x359: {  	v22 =	vsel vm13, $0xFFFFFFFF, v3  }
0x35a: {  	v22 =	vadd.s32 v63, v22  }
0x35b: {  	vm14 =	vgt.s32 v22, $0x0  }
0x35c: {  	v22 =	vnsel vm14, $0x0, v22  }
0x35d: {  	v22 =	vmin.u32 v22, $0xF  }
0x35e: {  	vm15 =	vle.f32 v21, $0.0e+00;
	v22 =	vor.u32 v1, v22  }
0x35f: {  	v22 =	vsel vm15, v4, v22;
	_ =	sdelay $0x2  }
0x360: {  	v20 =	vshra.s32 v20, $0x7  }
0x361: {  	v20 =	vcvt.s32.f32 v20  }
0x362: {  	[tilespmem:v22+s15+$0x0] =	vst.idx.add.f32.msk $0xffff, v21  }
0x363: {  	[tilespmem:v22+s16+$0x0] =	vst.idx.add.f32.msk $0xffff, v20  }
0x364: {  	v20 =	vld [tilespmem:$0x2280];
	_ =	sdelay $0x4  }
0x365: {  	v26 =	vshll.u32 v20, $0x8;
	v27 =	vshll.u32 v20, $0x7  }
0x366: {  	v21 =	vand.u32 $0x7800, v26;
	v22 =	vand.u32 $0x380, v27  }
0x367: {  	v21 =	vor.u32 v22, v21  }
0x368: {  	v21 =	vor.u32 v12, v21;
	_ =	sdelay $0x4  }
0x369: {  	v21 =	vld.idx.msk [tilespmem:v21+s12+$0x0], $0xffff;
	_ =	sdelay $0x4  }
0x36a: {  	v28 =	vmul.f32 $1.500000000e+01, v21;
	_ =	sdelay $0x1  }
0x36b: {  	v29 =	vtrunc.f32 v28  }
0x36c: {  	v30 =	vcvt.f32.s32 v29;
	vm4 =	veq.f32 v28, v29  }
0x36d: {  	v22 =	vsel vm4, $0xFFFFFFFF, v3  }
0x36e: {  	v22 =	vadd.s32 v30, v22  }
0x36f: {  	vm5 =	vgt.s32 v22, $0x0  }
0x370: {  	v22 =	vnsel vm5, $0x0, v22  }
0x371: {  	v22 =	vmin.u32 v22, $0xF  }
0x372: {  	vm6 =	vle.f32 v21, $0.0e+00;
	v22 =	vor.u32 v1, v22  }
0x373: {  	v22 =	vsel vm6, v4, v22;
	_ =	sdelay $0x2  }
0x374: {  	v20 =	vshra.s32 v20, $0x7  }
0x375: {  	v20 =	vcvt.s32.f32 v20  }
0x376: {  	[tilespmem:v22+s15+$0x0] =	vst.idx.add.f32.msk $0xffff, v21  }
0x377: {  	[tilespmem:v22+s16+$0x0] =	vst.idx.add.f32.msk $0xffff, v20  }
0x378: {  	v20 =	vld [tilespmem:$0x2290];
	_ =	sdelay $0x4  }
0x379: {  	v31 =	vshll.u32 v20, $0x8;
	v32 =	vshll.u32 v20, $0x7  }
0x37a: {  	v21 =	vand.u32 $0x7800, v31;
	v22 =	vand.u32 $0x380, v32  }
0x37b: {  	v21 =	vor.u32 v22, v21  }
0x37c: {  	v21 =	vor.u32 v13, v21;
	_ =	sdelay $0x4  }
0x37d: {  	v21 =	vld.idx.msk [tilespmem:v21+s12+$0x0], $0xffff;
	_ =	sdelay $0x4  }
0x37e: {  	v33 =	vmul.f32 $1.500000000e+01, v21;
	_ =	sdelay $0x1  }
0x37f: {  	v34 =	vtrunc.f32 v33  }
0x380: {  	v35 =	vcvt.f32.s32 v34;
	vm7 =	veq.f32 v33, v34  }
0x381: {  	v22 =	vsel vm7, $0xFFFFFFFF, v3  }
0x382: {  	v22 =	vadd.s32 v35, v22  }
0x383: {  	vm8 =	vgt.s32 v22, $0x0  }
0x384: {  	v22 =	vnsel vm8, $0x0, v22  }
0x385: {  	v22 =	vmin.u32 v22, $0xF  }
0x386: {  	vm9 =	vle.f32 v21, $0.0e+00;
	v22 =	vor.u32 v1, v22  }
0x387: {  	v22 =	vsel vm9, v4, v22;
	_ =	sdelay $0x2  }
0x388: {  	v20 =	vshra.s32 v20, $0x7  }
0x389: {  	v20 =	vcvt.s32.f32 v20  }
0x38a: {  	[tilespmem:v22+s15+$0x0] =	vst.idx.add.f32.msk $0xffff, v21  }
0x38b: {  	[tilespmem:v22+s16+$0x0] =	vst.idx.add.f32.msk $0xffff, v20  }
0x38c: {  	v20 =	vld [tilespmem:$0x22A0];
	_ =	sdelay $0x4  }
0x38d: {  	v36 =	vshll.u32 v20, $0x8;
	v37 =	vshll.u32 v20, $0x7  }
0x38e: {  	v21 =	vand.u32 $0x7800, v36;
	v22 =	vand.u32 $0x380, v37  }
0x38f: {  	v21 =	vor.u32 v22, v21  }
0x390: {  	v21 =	vor.u32 v14, v21;
	_ =	sdelay $0x4  }
0x391: {  	v21 =	vld.idx.msk [tilespmem:v21+s12+$0x0], $0xffff;
	_ =	sdelay $0x4  }
0x392: {  	v38 =	vmul.f32 $1.500000000e+01, v21;
	_ =	sdelay $0x1  }
0x393: {  	v39 =	vtrunc.f32 v38  }
0x394: {  	v40 =	vcvt.f32.s32 v39;
	vm10 =	veq.f32 v38, v39  }
0x395: {  	v22 =	vsel vm10, $0xFFFFFFFF, v3  }
0x396: {  	v22 =	vadd.s32 v40, v22  }
0x397: {  	vm11 =	vgt.s32 v22, $0x0  }
0x398: {  	v22 =	vnsel vm11, $0x0, v22  }
0x399: {  	v22 =	vmin.u32 v22, $0xF  }
0x39a: {  	vm12 =	vle.f32 v21, $0.0e+00;
	v22 =	vor.u32 v1, v22  }
0x39b: {  	v22 =	vsel vm12, v4, v22;
	_ =	sdelay $0x2  }
0x39c: {  	v20 =	vshra.s32 v20, $0x7  }
0x39d: {  	v20 =	vcvt.s32.f32 v20  }
0x39e: {  	[tilespmem:v22+s15+$0x0] =	vst.idx.add.f32.msk $0xffff, v21  }
0x39f: {  	[tilespmem:v22+s16+$0x0] =	vst.idx.add.f32.msk $0xffff, v20  }
0x3a0: {  	v20 =	vld [tilespmem:$0x22B0];
	_ =	sdelay $0x4  }
0x3a1: {  	v41 =	vshll.u32 v20, $0x8;
	v42 =	vshll.u32 v20, $0x7  }
0x3a2: {  	v21 =	vand.u32 $0x7800, v41;
	v22 =	vand.u32 $0x380, v42  }
0x3a3: {  	v21 =	vor.u32 v22, v21  }
0x3a4: {  	v21 =	vor.u32 v15, v21;
	_ =	sdelay $0x4  }
0x3a5: {  	v21 =	vld.idx.msk [tilespmem:v21+s12+$0x0], $0xffff;
	_ =	sdelay $0x4  }
0x3a6: {  	v43 =	vmul.f32 $1.500000000e+01, v21;
	_ =	sdelay $0x1  }
0x3a7: {  	v44 =	vtrunc.f32 v43  }
0x3a8: {  	v45 =	vcvt.f32.s32 v44;
	vm13 =	veq.f32 v43, v44  }
0x3a9: {  	v22 =	vsel vm13, $0xFFFFFFFF, v3  }
0x3aa: {  	v22 =	vadd.s32 v45, v22  }
0x3ab: {  	vm14 =	vgt.s32 v22, $0x0  }
0x3ac: {  	v22 =	vnsel vm14, $0x0, v22  }
0x3ad: {  	v22 =	vmin.u32 v22, $0xF  }
0x3ae: {  	vm15 =	vle.f32 v21, $0.0e+00;
	v22 =	vor.u32 v1, v22  }
0x3af: {  	v22 =	vsel vm15, v4, v22;
	_ =	sdelay $0x2  }
0x3b0: {  	v20 =	vshra.s32 v20, $0x7  }
0x3b1: {  	v20 =	vcvt.s32.f32 v20  }
0x3b2: {  	[tilespmem:v22+s15+$0x0] =	vst.idx.add.f32.msk $0xffff, v21  }
0x3b3: {  	[tilespmem:v22+s16+$0x0] =	vst.idx.add.f32.msk $0xffff, v20  }
0x3b4: {  	v20 =	vld [tilespmem:$0x22C0];
	_ =	sdelay $0x4  }
0x3b5: {  	v46 =	vshll.u32 v20, $0x8;
	v47 =	vshll.u32 v20, $0x7  }
0x3b6: {  	v21 =	vand.u32 $0x7800, v46;
	v22 =	vand.u32 $0x380, v47  }
0x3b7: {  	v21 =	vor.u32 v22, v21  }
0x3b8: {  	v21 =	vor.u32 v16, v21;
	_ =	sdelay $0x4  }
0x3b9: {  	v21 =	vld.idx.msk [tilespmem:v21+s12+$0x0], $0xffff;
	_ =	sdelay $0x4  }
0x3ba: {  	v48 =	vmul.f32 $1.500000000e+01, v21;
	_ =	sdelay $0x1  }
0x3bb: {  	v49 =	vtrunc.f32 v48  }
0x3bc: {  	v50 =	vcvt.f32.s32 v49;
	vm4 =	veq.f32 v48, v49  }
0x3bd: {  	v22 =	vsel vm4, $0xFFFFFFFF, v3  }
0x3be: {  	v22 =	vadd.s32 v50, v22  }
0x3bf: {  	vm5 =	vgt.s32 v22, $0x0  }
0x3c0: {  	v22 =	vnsel vm5, $0x0, v22  }
0x3c1: {  	v22 =	vmin.u32 v22, $0xF  }
0x3c2: {  	vm6 =	vle.f32 v21, $0.0e+00;
	v22 =	vor.u32 v1, v22  }
0x3c3: {  	v22 =	vsel vm6, v4, v22;
	_ =	sdelay $0x2  }
0x3c4: {  	v20 =	vshra.s32 v20, $0x7  }
0x3c5: {  	v20 =	vcvt.s32.f32 v20  }
0x3c6: {  	[tilespmem:v22+s15+$0x0] =	vst.idx.add.f32.msk $0xffff, v21  }
0x3c7: {  	[tilespmem:v22+s16+$0x0] =	vst.idx.add.f32.msk $0xffff, v20  }
0x3c8: {  	v20 =	vld [tilespmem:$0x22D0];
	_ =	sdelay $0x4  }
0x3c9: {  	v51 =	vshll.u32 v20, $0x8;
	v52 =	vshll.u32 v20, $0x7  }
0x3ca: {  	v21 =	vand.u32 $0x7800, v51;
	v22 =	vand.u32 $0x380, v52  }
0x3cb: {  	v21 =	vor.u32 v22, v21  }
0x3cc: {  	v21 =	vor.u32 v17, v21;
	_ =	sdelay $0x4  }
0x3cd: {  	v21 =	vld.idx.msk [tilespmem:v21+s12+$0x0], $0xffff;
	_ =	sdelay $0x4  }
0x3ce: {  	v53 =	vmul.f32 $1.500000000e+01, v21;
	_ =	sdelay $0x1  }
0x3cf: {  	v54 =	vtrunc.f32 v53  }
0x3d0: {  	v55 =	vcvt.f32.s32 v54;
	vm7 =	veq.f32 v53, v54  }
0x3d1: {  	v22 =	vsel vm7, $0xFFFFFFFF, v3  }
0x3d2: {  	v22 =	vadd.s32 v55, v22  }
0x3d3: {  	vm8 =	vgt.s32 v22, $0x0  }
0x3d4: {  	v22 =	vnsel vm8, $0x0, v22  }
0x3d5: {  	v22 =	vmin.u32 v22, $0xF  }
0x3d6: {  	vm9 =	vle.f32 v21, $0.0e+00;
	v22 =	vor.u32 v1, v22  }
0x3d7: {  	v22 =	vsel vm9, v4, v22;
	_ =	sdelay $0x2  }
0x3d8: {  	v20 =	vshra.s32 v20, $0x7  }
0x3d9: {  	v20 =	vcvt.s32.f32 v20  }
0x3da: {  	[tilespmem:v22+s15+$0x0] =	vst.idx.add.f32.msk $0xffff, v21  }
0x3db: {  	[tilespmem:v22+s16+$0x0] =	vst.idx.add.f32.msk $0xffff, v20  }
0x3dc: {  	v20 =	vld [tilespmem:$0x22E0];
	_ =	sdelay $0x4  }
0x3dd: {  	v56 =	vshll.u32 v20, $0x8;
	v57 =	vshll.u32 v20, $0x7  }
0x3de: {  	v21 =	vand.u32 $0x7800, v56;
	v22 =	vand.u32 $0x380, v57  }
0x3df: {  	v21 =	vor.u32 v22, v21  }
0x3e0: {  	v21 =	vor.u32 v18, v21;
	_ =	sdelay $0x4  }
0x3e1: {  	v21 =	vld.idx.msk [tilespmem:v21+s12+$0x0], $0xffff;
	_ =	sdelay $0x4  }
0x3e2: {  	v58 =	vmul.f32 $1.500000000e+01, v21;
	_ =	sdelay $0x1  }
0x3e3: {  	v59 =	vtrunc.f32 v58  }
0x3e4: {  	v60 =	vcvt.f32.s32 v59;
	vm10 =	veq.f32 v58, v59  }
0x3e5: {  	v22 =	vsel vm10, $0xFFFFFFFF, v3  }
0x3e6: {  	v22 =	vadd.s32 v60, v22  }
0x3e7: {  	vm11 =	vgt.s32 v22, $0x0  }
0x3e8: {  	v22 =	vnsel vm11, $0x0, v22  }
0x3e9: {  	v22 =	vmin.u32 v22, $0xF  }
0x3ea: {  	vm12 =	vle.f32 v21, $0.0e+00;
	v22 =	vor.u32 v1, v22  }
0x3eb: {  	v22 =	vsel vm12, v4, v22;
	_ =	sdelay $0x2  }
0x3ec: {  	v20 =	vshra.s32 v20, $0x7  }
0x3ed: {  	v20 =	vcvt.s32.f32 v20  }
0x3ee: {  	[tilespmem:v22+s15+$0x0] =	vst.idx.add.f32.msk $0xffff, v21  }
0x3ef: {  	[tilespmem:v22+s16+$0x0] =	vst.idx.add.f32.msk $0xffff, v20  }
0x3f0: {  	v20 =	vld [tilespmem:$0x22F0];
	_ =	sdelay $0x4  }
0x3f1: {  	v61 =	vshll.u32 v20, $0x8;
	v62 =	vshll.u32 v20, $0x7  }
0x3f2: {  	v21 =	vand.u32 $0x7800, v61;
	v22 =	vand.u32 $0x380, v62  }
0x3f3: {  	v21 =	vor.u32 v22, v21  }
0x3f4: {  	v21 =	vor.u32 v19, v21;
	_ =	sdelay $0x4  }
0x3f5: {  	v21 =	vld.idx.msk [tilespmem:v21+s12+$0x0], $0xffff;
	_ =	sdelay $0x4  }
0x3f6: {  	v63 =	vmul.f32 $1.500000000e+01, v21;
	_ =	sdelay $0x1  }
0x3f7: {  	v28 =	vtrunc.f32 v63  }
0x3f8: {  	v29 =	vcvt.f32.s32 v28;
	vm13 =	veq.f32 v63, v28  }
0x3f9: {  	v22 =	vsel vm13, $0xFFFFFFFF, v3  }
0x3fa: {  	v22 =	vadd.s32 v29, v22  }
0x3fb: {  	vm14 =	vgt.s32 v22, $0x0  }
0x3fc: {  	v22 =	vnsel vm14, $0x0, v22  }
0x3fd: {  	v22 =	vmin.u32 v22, $0xF  }
0x3fe: {  	vm15 =	vle.f32 v21, $0.0e+00;
	v22 =	vor.u32 v1, v22  }
0x3ff: {  	v22 =	vsel vm15, v4, v22;
	_ =	sdelay $0x2  }
0x400: {  	v20 =	vshra.s32 v20, $0x7  }
0x401: {  	v20 =	vcvt.s32.f32 v20  }
0x402: {  	[tilespmem:v22+s15+$0x0] =	vst.idx.add.f32.msk $0xffff, v21  }
0x403: {  	[tilespmem:v22+s16+$0x0] =	vst.idx.add.f32.msk $0xffff, v20  }
0x404: {  	_ =	swait.ge [sflag:s17], $0x6800  }
0x405: {  	[sflag:s17] =	ssyncset.done $0x0  }
0x406: {  	[sflag:s17] =	ssyncadd.s32 $0xFFFF9800  }
0x407: {  	v20 =	vld [tilespmem:$0x2300];
	_ =	sdelay $0x4  }
0x408: {  	v30 =	vshll.u32 v20, $0x8;
	v31 =	vshll.u32 v20, $0x7  }
0x409: {  	v21 =	vand.u32 $0x7800, v30;
	v22 =	vand.u32 $0x380, v31  }
0x40a: {  	v21 =	vor.u32 v21, v22  }
0x40b: {  	v21 =	vor.u32 v0, v21;
	_ =	sdelay $0x4  }
0x40c: {  	v21 =	vld.idx.msk [tilespmem:v21+s14+$0x0], $0xffff;
	_ =	sdelay $0x4  }
0x40d: {  	v32 =	vmul.f32 $1.500000000e+01, v21;
	_ =	sdelay $0x1  }
0x40e: {  	v33 =	vtrunc.f32 v32  }
0x40f: {  	v34 =	vcvt.f32.s32 v33;
	vm4 =	veq.f32 v32, v33  }
0x410: {  	v22 =	vsel vm4, $0xFFFFFFFF, v3  }
0x411: {  	v22 =	vadd.s32 v34, v22  }
0x412: {  	vm5 =	vgt.s32 v22, $0x0  }
0x413: {  	v22 =	vnsel vm5, $0x0, v22  }
0x414: {  	v22 =	vmin.u32 v22, $0xF  }
0x415: {  	vm6 =	vle.f32 v21, $0.0e+00;
	v22 =	vor.u32 v1, v22  }
0x416: {  	v22 =	vsel vm6, v4, v22;
	_ =	sdelay $0x2  }
0x417: {  	v20 =	vshra.s32 v20, $0x7  }
0x418: {  	v20 =	vcvt.s32.f32 v20  }
0x419: {  	[tilespmem:v22+s15+$0x0] =	vst.idx.add.f32.msk $0xffff, v21  }
0x41a: {  	[tilespmem:v22+s16+$0x0] =	vst.idx.add.f32.msk $0xffff, v20  }
0x41b: {  	v20 =	vld [tilespmem:$0x2310];
	_ =	sdelay $0x4  }
0x41c: {  	v35 =	vshll.u32 v20, $0x8;
	v36 =	vshll.u32 v20, $0x7  }
0x41d: {  	v21 =	vand.u32 $0x7800, v35;
	v22 =	vand.u32 $0x380, v36  }
0x41e: {  	v21 =	vor.u32 v21, v22  }
0x41f: {  	v21 =	vor.u32 v5, v21;
	_ =	sdelay $0x4  }
0x420: {  	v21 =	vld.idx.msk [tilespmem:v21+s14+$0x0], $0xffff;
	_ =	sdelay $0x4  }
0x421: {  	v37 =	vmul.f32 $1.500000000e+01, v21;
	_ =	sdelay $0x1  }
0x422: {  	v38 =	vtrunc.f32 v37  }
0x423: {  	v39 =	vcvt.f32.s32 v38;
	vm7 =	veq.f32 v37, v38  }
0x424: {  	v22 =	vsel vm7, $0xFFFFFFFF, v3  }
0x425: {  	v22 =	vadd.s32 v39, v22  }
0x426: {  	vm8 =	vgt.s32 v22, $0x0  }
0x427: {  	v22 =	vnsel vm8, $0x0, v22  }
0x428: {  	v22 =	vmin.u32 v22, $0xF  }
0x429: {  	vm9 =	vle.f32 v21, $0.0e+00;
	v22 =	vor.u32 v1, v22  }
0x42a: {  	v22 =	vsel vm9, v4, v22;
	_ =	sdelay $0x2  }
0x42b: {  	v20 =	vshra.s32 v20, $0x7  }
0x42c: {  	v20 =	vcvt.s32.f32 v20  }
0x42d: {  	[tilespmem:v22+s15+$0x0] =	vst.idx.add.f32.msk $0xffff, v21  }
0x42e: {  	[tilespmem:v22+s16+$0x0] =	vst.idx.add.f32.msk $0xffff, v20  }
0x42f: {  	v20 =	vld [tilespmem:$0x2320];
	_ =	sdelay $0x4  }
0x430: {  	v40 =	vshll.u32 v20, $0x8;
	v41 =	vshll.u32 v20, $0x7  }
0x431: {  	v21 =	vand.u32 $0x7800, v40;
	v22 =	vand.u32 $0x380, v41  }
0x432: {  	v21 =	vor.u32 v21, v22  }
0x433: {  	v21 =	vor.u32 v6, v21;
	_ =	sdelay $0x4  }
0x434: {  	v21 =	vld.idx.msk [tilespmem:v21+s14+$0x0], $0xffff;
	_ =	sdelay $0x4  }
0x435: {  	v42 =	vmul.f32 $1.500000000e+01, v21;
	_ =	sdelay $0x1  }
0x436: {  	v43 =	vtrunc.f32 v42  }
0x437: {  	v44 =	vcvt.f32.s32 v43;
	vm10 =	veq.f32 v42, v43  }
0x438: {  	v22 =	vsel vm10, $0xFFFFFFFF, v3  }
0x439: {  	v22 =	vadd.s32 v44, v22  }
0x43a: {  	vm11 =	vgt.s32 v22, $0x0  }
0x43b: {  	v22 =	vnsel vm11, $0x0, v22  }
0x43c: {  	v22 =	vmin.u32 v22, $0xF  }
0x43d: {  	vm12 =	vle.f32 v21, $0.0e+00;
	v22 =	vor.u32 v1, v22  }
0x43e: {  	v22 =	vsel vm12, v4, v22;
	_ =	sdelay $0x2  }
0x43f: {  	v20 =	vshra.s32 v20, $0x7  }
0x440: {  	v20 =	vcvt.s32.f32 v20  }
0x441: {  	[tilespmem:v22+s15+$0x0] =	vst.idx.add.f32.msk $0xffff, v21  }
0x442: {  	[tilespmem:v22+s16+$0x0] =	vst.idx.add.f32.msk $0xffff, v20  }
0x443: {  	v20 =	vld [tilespmem:$0x2330];
	_ =	sdelay $0x4  }
0x444: {  	v45 =	vshll.u32 v20, $0x8;
	v46 =	vshll.u32 v20, $0x7  }
0x445: {  	v21 =	vand.u32 $0x7800, v45;
	v22 =	vand.u32 $0x380, v46  }
0x446: {  	v21 =	vor.u32 v21, v22  }
0x447: {  	v21 =	vor.u32 v7, v21;
	_ =	sdelay $0x4  }
0x448: {  	v21 =	vld.idx.msk [tilespmem:v21+s14+$0x0], $0xffff;
	_ =	sdelay $0x4  }
0x449: {  	v47 =	vmul.f32 $1.500000000e+01, v21;
	_ =	sdelay $0x1  }
0x44a: {  	v48 =	vtrunc.f32 v47  }
0x44b: {  	v49 =	vcvt.f32.s32 v48;
	vm13 =	veq.f32 v47, v48  }
0x44c: {  	v22 =	vsel vm13, $0xFFFFFFFF, v3  }
0x44d: {  	v22 =	vadd.s32 v49, v22  }
0x44e: {  	vm14 =	vgt.s32 v22, $0x0  }
0x44f: {  	v22 =	vnsel vm14, $0x0, v22  }
0x450: {  	v22 =	vmin.u32 v22, $0xF  }
0x451: {  	vm15 =	vle.f32 v21, $0.0e+00;
	v22 =	vor.u32 v1, v22  }
0x452: {  	v22 =	vsel vm15, v4, v22;
	_ =	sdelay $0x2  }
0x453: {  	v20 =	vshra.s32 v20, $0x7  }
0x454: {  	v20 =	vcvt.s32.f32 v20  }
0x455: {  	[tilespmem:v22+s15+$0x0] =	vst.idx.add.f32.msk $0xffff, v21  }
0x456: {  	[tilespmem:v22+s16+$0x0] =	vst.idx.add.f32.msk $0xffff, v20  }
0x457: {  	v20 =	vld [tilespmem:$0x2340];
	_ =	sdelay $0x4  }
0x458: {  	v50 =	vshll.u32 v20, $0x8;
	v51 =	vshll.u32 v20, $0x7  }
0x459: {  	v21 =	vand.u32 $0x7800, v50;
	v22 =	vand.u32 $0x380, v51  }
0x45a: {  	v21 =	vor.u32 v21, v22  }
0x45b: {  	v21 =	vor.u32 v8, v21;
	_ =	sdelay $0x4  }
0x45c: {  	v21 =	vld.idx.msk [tilespmem:v21+s14+$0x0], $0xffff;
	_ =	sdelay $0x4  }
0x45d: {  	v52 =	vmul.f32 $1.500000000e+01, v21;
	_ =	sdelay $0x1  }
0x45e: {  	v53 =	vtrunc.f32 v52  }
0x45f: {  	v54 =	vcvt.f32.s32 v53;
	vm4 =	veq.f32 v52, v53  }
0x460: {  	v22 =	vsel vm4, $0xFFFFFFFF, v3  }
0x461: {  	v22 =	vadd.s32 v54, v22  }
0x462: {  	vm5 =	vgt.s32 v22, $0x0  }
0x463: {  	v22 =	vnsel vm5, $0x0, v22  }
0x464: {  	v22 =	vmin.u32 v22, $0xF  }
0x465: {  	vm6 =	vle.f32 v21, $0.0e+00;
	v22 =	vor.u32 v1, v22  }
0x466: {  	v22 =	vsel vm6, v4, v22;
	_ =	sdelay $0x2  }
0x467: {  	v20 =	vshra.s32 v20, $0x7  }
0x468: {  	v20 =	vcvt.s32.f32 v20  }
0x469: {  	[tilespmem:v22+s15+$0x0] =	vst.idx.add.f32.msk $0xffff, v21  }
0x46a: {  	[tilespmem:v22+s16+$0x0] =	vst.idx.add.f32.msk $0xffff, v20  }
0x46b: {  	v20 =	vld [tilespmem:$0x2350];
	_ =	sdelay $0x4  }
0x46c: {  	v55 =	vshll.u32 v20, $0x8;
	v56 =	vshll.u32 v20, $0x7  }
0x46d: {  	v21 =	vand.u32 $0x7800, v55;
	v22 =	vand.u32 $0x380, v56  }
0x46e: {  	v21 =	vor.u32 v21, v22  }
0x46f: {  	v21 =	vor.u32 v9, v21;
	_ =	sdelay $0x4  }
0x470: {  	v21 =	vld.idx.msk [tilespmem:v21+s14+$0x0], $0xffff;
	_ =	sdelay $0x4  }
0x471: {  	v57 =	vmul.f32 $1.500000000e+01, v21;
	_ =	sdelay $0x1  }
0x472: {  	v58 =	vtrunc.f32 v57  }
0x473: {  	v59 =	vcvt.f32.s32 v58;
	vm7 =	veq.f32 v57, v58  }
0x474: {  	v22 =	vsel vm7, $0xFFFFFFFF, v3  }
0x475: {  	v22 =	vadd.s32 v59, v22  }
0x476: {  	vm8 =	vgt.s32 v22, $0x0  }
0x477: {  	v22 =	vnsel vm8, $0x0, v22  }
0x478: {  	v22 =	vmin.u32 v22, $0xF  }
0x479: {  	vm9 =	vle.f32 v21, $0.0e+00;
	v22 =	vor.u32 v1, v22  }
0x47a: {  	v22 =	vsel vm9, v4, v22;
	_ =	sdelay $0x2  }
0x47b: {  	v20 =	vshra.s32 v20, $0x7  }
0x47c: {  	v20 =	vcvt.s32.f32 v20  }
0x47d: {  	[tilespmem:v22+s15+$0x0] =	vst.idx.add.f32.msk $0xffff, v21  }
0x47e: {  	[tilespmem:v22+s16+$0x0] =	vst.idx.add.f32.msk $0xffff, v20  }
0x47f: {  	v20 =	vld [tilespmem:$0x2360];
	_ =	sdelay $0x4  }
0x480: {  	v60 =	vshll.u32 v20, $0x8;
	v61 =	vshll.u32 v20, $0x7  }
0x481: {  	v21 =	vand.u32 $0x7800, v60;
	v22 =	vand.u32 $0x380, v61  }
0x482: {  	v21 =	vor.u32 v21, v22  }
0x483: {  	v21 =	vor.u32 v10, v21;
	_ =	sdelay $0x4  }
0x484: {  	v21 =	vld.idx.msk [tilespmem:v21+s14+$0x0], $0xffff;
	_ =	sdelay $0x4  }
0x485: {  	v62 =	vmul.f32 $1.500000000e+01, v21;
	_ =	sdelay $0x1  }
0x486: {  	v63 =	vtrunc.f32 v62  }
0x487: {  	v28 =	vcvt.f32.s32 v63;
	vm10 =	veq.f32 v62, v63  }
0x488: {  	v22 =	vsel vm10, $0xFFFFFFFF, v3  }
0x489: {  	v22 =	vadd.s32 v28, v22  }
0x48a: {  	vm11 =	vgt.s32 v22, $0x0  }
0x48b: {  	v22 =	vnsel vm11, $0x0, v22  }
0x48c: {  	v22 =	vmin.u32 v22, $0xF  }
0x48d: {  	vm12 =	vle.f32 v21, $0.0e+00;
	v22 =	vor.u32 v1, v22  }
0x48e: {  	v22 =	vsel vm12, v4, v22;
	_ =	sdelay $0x2  }
0x48f: {  	v20 =	vshra.s32 v20, $0x7  }
0x490: {  	v20 =	vcvt.s32.f32 v20  }
0x491: {  	[tilespmem:v22+s15+$0x0] =	vst.idx.add.f32.msk $0xffff, v21  }
0x492: {  	[tilespmem:v22+s16+$0x0] =	vst.idx.add.f32.msk $0xffff, v20  }
0x493: {  	v20 =	vld [tilespmem:$0x2370];
	_ =	sdelay $0x4  }
0x494: {  	v29 =	vshll.u32 v20, $0x8;
	v30 =	vshll.u32 v20, $0x7  }
0x495: {  	v21 =	vand.u32 $0x7800, v29;
	v22 =	vand.u32 $0x380, v30  }
0x496: {  	v21 =	vor.u32 v21, v22  }
0x497: {  	v21 =	vor.u32 v11, v21;
	_ =	sdelay $0x4  }
0x498: {  	v21 =	vld.idx.msk [tilespmem:v21+s14+$0x0], $0xffff;
	_ =	sdelay $0x4  }
0x499: {  	v31 =	vmul.f32 $1.500000000e+01, v21;
	_ =	sdelay $0x1  }
0x49a: {  	v32 =	vtrunc.f32 v31  }
0x49b: {  	v33 =	vcvt.f32.s32 v32;
	vm13 =	veq.f32 v31, v32  }
0x49c: {  	v22 =	vsel vm13, $0xFFFFFFFF, v3  }
0x49d: {  	v22 =	vadd.s32 v33, v22  }
0x49e: {  	vm14 =	vgt.s32 v22, $0x0  }
0x49f: {  	v22 =	vnsel vm14, $0x0, v22  }
0x4a0: {  	v22 =	vmin.u32 v22, $0xF  }
0x4a1: {  	vm15 =	vle.f32 v21, $0.0e+00;
	v22 =	vor.u32 v1, v22  }
0x4a2: {  	v22 =	vsel vm15, v4, v22;
	_ =	sdelay $0x2  }
0x4a3: {  	v20 =	vshra.s32 v20, $0x7  }
0x4a4: {  	v20 =	vcvt.s32.f32 v20  }
0x4a5: {  	[tilespmem:v22+s15+$0x0] =	vst.idx.add.f32.msk $0xffff, v21  }
0x4a6: {  	[tilespmem:v22+s16+$0x0] =	vst.idx.add.f32.msk $0xffff, v20  }
0x4a7: {  	v20 =	vld [tilespmem:$0x2380];
	_ =	sdelay $0x4  }
0x4a8: {  	v34 =	vshll.u32 v20, $0x8;
	v35 =	vshll.u32 v20, $0x7  }
0x4a9: {  	v21 =	vand.u32 $0x7800, v34;
	v22 =	vand.u32 $0x380, v35  }
0x4aa: {  	v21 =	vor.u32 v22, v21  }
0x4ab: {  	v21 =	vor.u32 v12, v21;
	_ =	sdelay $0x4  }
0x4ac: {  	v21 =	vld.idx.msk [tilespmem:v21+s14+$0x0], $0xffff;
	_ =	sdelay $0x4  }
0x4ad: {  	v36 =	vmul.f32 $1.500000000e+01, v21;
	_ =	sdelay $0x1  }
0x4ae: {  	v37 =	vtrunc.f32 v36  }
0x4af: {  	v38 =	vcvt.f32.s32 v37;
	vm4 =	veq.f32 v36, v37  }
0x4b0: {  	v22 =	vsel vm4, $0xFFFFFFFF, v3  }
0x4b1: {  	v22 =	vadd.s32 v38, v22  }
0x4b2: {  	vm5 =	vgt.s32 v22, $0x0  }
0x4b3: {  	v22 =	vnsel vm5, $0x0, v22  }
0x4b4: {  	v22 =	vmin.u32 v22, $0xF  }
0x4b5: {  	vm6 =	vle.f32 v21, $0.0e+00;
	v22 =	vor.u32 v1, v22  }
0x4b6: {  	v22 =	vsel vm6, v4, v22;
	_ =	sdelay $0x2  }
0x4b7: {  	v20 =	vshra.s32 v20, $0x7  }
0x4b8: {  	v20 =	vcvt.s32.f32 v20  }
0x4b9: {  	[tilespmem:v22+s15+$0x0] =	vst.idx.add.f32.msk $0xffff, v21  }
0x4ba: {  	[tilespmem:v22+s16+$0x0] =	vst.idx.add.f32.msk $0xffff, v20  }
0x4bb: {  	v20 =	vld [tilespmem:$0x2390];
	_ =	sdelay $0x4  }
0x4bc: {  	v39 =	vshll.u32 v20, $0x8;
	v40 =	vshll.u32 v20, $0x7  }
0x4bd: {  	v21 =	vand.u32 $0x7800, v39;
	v22 =	vand.u32 $0x380, v40  }
0x4be: {  	v21 =	vor.u32 v22, v21  }
0x4bf: {  	v21 =	vor.u32 v13, v21;
	_ =	sdelay $0x4  }
0x4c0: {  	v21 =	vld.idx.msk [tilespmem:v21+s14+$0x0], $0xffff;
	_ =	sdelay $0x4  }
0x4c1: {  	v41 =	vmul.f32 $1.500000000e+01, v21;
	_ =	sdelay $0x1  }
0x4c2: {  	v42 =	vtrunc.f32 v41  }
0x4c3: {  	v43 =	vcvt.f32.s32 v42;
	vm7 =	veq.f32 v41, v42  }
0x4c4: {  	v22 =	vsel vm7, $0xFFFFFFFF, v3  }
0x4c5: {  	v22 =	vadd.s32 v43, v22  }
0x4c6: {  	vm8 =	vgt.s32 v22, $0x0  }
0x4c7: {  	v22 =	vnsel vm8, $0x0, v22  }
0x4c8: {  	v22 =	vmin.u32 v22, $0xF  }
0x4c9: {  	vm9 =	vle.f32 v21, $0.0e+00;
	v22 =	vor.u32 v1, v22  }
0x4ca: {  	v22 =	vsel vm9, v4, v22;
	_ =	sdelay $0x2  }
0x4cb: {  	v20 =	vshra.s32 v20, $0x7  }
0x4cc: {  	v20 =	vcvt.s32.f32 v20  }
0x4cd: {  	[tilespmem:v22+s15+$0x0] =	vst.idx.add.f32.msk $0xffff, v21  }
0x4ce: {  	[tilespmem:v22+s16+$0x0] =	vst.idx.add.f32.msk $0xffff, v20  }
0x4cf: {  	v20 =	vld [tilespmem:$0x23A0];
	_ =	sdelay $0x4  }
0x4d0: {  	v44 =	vshll.u32 v20, $0x8;
	v45 =	vshll.u32 v20, $0x7  }
0x4d1: {  	v21 =	vand.u32 $0x7800, v44;
	v22 =	vand.u32 $0x380, v45  }
0x4d2: {  	v21 =	vor.u32 v22, v21  }
0x4d3: {  	v21 =	vor.u32 v14, v21;
	_ =	sdelay $0x4  }
0x4d4: {  	v21 =	vld.idx.msk [tilespmem:v21+s14+$0x0], $0xffff;
	_ =	sdelay $0x4  }
0x4d5: {  	v46 =	vmul.f32 $1.500000000e+01, v21;
	_ =	sdelay $0x1  }
0x4d6: {  	v47 =	vtrunc.f32 v46  }
0x4d7: {  	v48 =	vcvt.f32.s32 v47;
	vm10 =	veq.f32 v46, v47  }
0x4d8: {  	v22 =	vsel vm10, $0xFFFFFFFF, v3  }
0x4d9: {  	v22 =	vadd.s32 v48, v22  }
0x4da: {  	vm11 =	vgt.s32 v22, $0x0  }
0x4db: {  	v22 =	vnsel vm11, $0x0, v22  }
0x4dc: {  	v22 =	vmin.u32 v22, $0xF  }
0x4dd: {  	vm12 =	vle.f32 v21, $0.0e+00;
	v22 =	vor.u32 v1, v22  }
0x4de: {  	v22 =	vsel vm12, v4, v22;
	_ =	sdelay $0x2  }
0x4df: {  	v20 =	vshra.s32 v20, $0x7  }
0x4e0: {  	v20 =	vcvt.s32.f32 v20  }
0x4e1: {  	[tilespmem:v22+s15+$0x0] =	vst.idx.add.f32.msk $0xffff, v21  }
0x4e2: {  	[tilespmem:v22+s16+$0x0] =	vst.idx.add.f32.msk $0xffff, v20  }
0x4e3: {  	v20 =	vld [tilespmem:$0x23B0];
	_ =	sdelay $0x4  }
0x4e4: {  	v49 =	vshll.u32 v20, $0x8;
	v50 =	vshll.u32 v20, $0x7  }
0x4e5: {  	v21 =	vand.u32 $0x7800, v49;
	v22 =	vand.u32 $0x380, v50  }
0x4e6: {  	v21 =	vor.u32 v22, v21  }
0x4e7: {  	v21 =	vor.u32 v15, v21;
	_ =	sdelay $0x4  }
0x4e8: {  	v21 =	vld.idx.msk [tilespmem:v21+s14+$0x0], $0xffff;
	_ =	sdelay $0x4  }
0x4e9: {  	v51 =	vmul.f32 $1.500000000e+01, v21;
	_ =	sdelay $0x1  }
0x4ea: {  	v52 =	vtrunc.f32 v51  }
0x4eb: {  	v53 =	vcvt.f32.s32 v52;
	vm13 =	veq.f32 v51, v52  }
0x4ec: {  	v22 =	vsel vm13, $0xFFFFFFFF, v3  }
0x4ed: {  	v22 =	vadd.s32 v53, v22  }
0x4ee: {  	vm14 =	vgt.s32 v22, $0x0  }
0x4ef: {  	v22 =	vnsel vm14, $0x0, v22  }
0x4f0: {  	v22 =	vmin.u32 v22, $0xF  }
0x4f1: {  	vm15 =	vle.f32 v21, $0.0e+00;
	v22 =	vor.u32 v1, v22  }
0x4f2: {  	v22 =	vsel vm15, v4, v22;
	_ =	sdelay $0x2  }
0x4f3: {  	v20 =	vshra.s32 v20, $0x7  }
0x4f4: {  	v20 =	vcvt.s32.f32 v20  }
0x4f5: {  	[tilespmem:v22+s15+$0x0] =	vst.idx.add.f32.msk $0xffff, v21  }
0x4f6: {  	[tilespmem:v22+s16+$0x0] =	vst.idx.add.f32.msk $0xffff, v20  }
0x4f7: {  	v20 =	vld [tilespmem:$0x23C0];
	_ =	sdelay $0x4  }
0x4f8: {  	v54 =	vshll.u32 v20, $0x8;
	v55 =	vshll.u32 v20, $0x7  }
0x4f9: {  	v21 =	vand.u32 $0x7800, v54;
	v22 =	vand.u32 $0x380, v55  }
0x4fa: {  	v21 =	vor.u32 v22, v21  }
0x4fb: {  	v21 =	vor.u32 v16, v21;
	_ =	sdelay $0x4  }
0x4fc: {  	v21 =	vld.idx.msk [tilespmem:v21+s14+$0x0], $0xffff;
	_ =	sdelay $0x4  }
0x4fd: {  	v56 =	vmul.f32 $1.500000000e+01, v21;
	_ =	sdelay $0x1  }
0x4fe: {  	v57 =	vtrunc.f32 v56  }
0x4ff: {  	v58 =	vcvt.f32.s32 v57;
	vm4 =	veq.f32 v56, v57  }
0x500: {  	v22 =	vsel vm4, $0xFFFFFFFF, v3  }
0x501: {  	v22 =	vadd.s32 v58, v22  }
0x502: {  	vm5 =	vgt.s32 v22, $0x0  }
0x503: {  	v22 =	vnsel vm5, $0x0, v22  }
0x504: {  	v22 =	vmin.u32 v22, $0xF  }
0x505: {  	vm6 =	vle.f32 v21, $0.0e+00;
	v22 =	vor.u32 v1, v22  }
0x506: {  	v22 =	vsel vm6, v4, v22;
	_ =	sdelay $0x2  }
0x507: {  	v20 =	vshra.s32 v20, $0x7  }
0x508: {  	v20 =	vcvt.s32.f32 v20  }
0x509: {  	[tilespmem:v22+s15+$0x0] =	vst.idx.add.f32.msk $0xffff, v21  }
0x50a: {  	[tilespmem:v22+s16+$0x0] =	vst.idx.add.f32.msk $0xffff, v20  }
0x50b: {  	v20 =	vld [tilespmem:$0x23D0];
	_ =	sdelay $0x4  }
0x50c: {  	v59 =	vshll.u32 v20, $0x8;
	v60 =	vshll.u32 v20, $0x7  }
0x50d: {  	v21 =	vand.u32 $0x7800, v59;
	v22 =	vand.u32 $0x380, v60  }
0x50e: {  	v21 =	vor.u32 v22, v21  }
0x50f: {  	v21 =	vor.u32 v17, v21;
	_ =	sdelay $0x4  }
0x510: {  	v21 =	vld.idx.msk [tilespmem:v21+s14+$0x0], $0xffff;
	_ =	sdelay $0x4  }
0x511: {  	v61 =	vmul.f32 $1.500000000e+01, v21;
	_ =	sdelay $0x1  }
0x512: {  	v62 =	vtrunc.f32 v61  }
0x513: {  	v63 =	vcvt.f32.s32 v62;
	vm7 =	veq.f32 v61, v62  }
0x514: {  	v22 =	vsel vm7, $0xFFFFFFFF, v3  }
0x515: {  	v22 =	vadd.s32 v63, v22  }
0x516: {  	vm8 =	vgt.s32 v22, $0x0  }
0x517: {  	v22 =	vnsel vm8, $0x0, v22  }
0x518: {  	v22 =	vmin.u32 v22, $0xF  }
0x519: {  	vm9 =	vle.f32 v21, $0.0e+00;
	v22 =	vor.u32 v1, v22  }
0x51a: {  	v22 =	vsel vm9, v4, v22;
	_ =	sdelay $0x2  }
0x51b: {  	v20 =	vshra.s32 v20, $0x7  }
0x51c: {  	v20 =	vcvt.s32.f32 v20  }
0x51d: {  	[tilespmem:v22+s15+$0x0] =	vst.idx.add.f32.msk $0xffff, v21  }
0x51e: {  	[tilespmem:v22+s16+$0x0] =	vst.idx.add.f32.msk $0xffff, v20  }
0x51f: {  	v20 =	vld [tilespmem:$0x23E0];
	_ =	sdelay $0x4  }
0x520: {  	v27 =	vshll.u32 v20, $0x8;
	v28 =	vshll.u32 v20, $0x7  }
0x521: {  	v21 =	vand.u32 $0x7800, v27;
	v22 =	vand.u32 $0x380, v28  }
0x522: {  	v21 =	vor.u32 v22, v21  }
0x523: {  	v21 =	vor.u32 v18, v21;
	_ =	sdelay $0x4  }
0x524: {  	v21 =	vld.idx.msk [tilespmem:v21+s14+$0x0], $0xffff;
	_ =	sdelay $0x4  }
0x525: {  	v29 =	vmul.f32 $1.500000000e+01, v21;
	_ =	sdelay $0x1  }
0x526: {  	v30 =	vtrunc.f32 v29  }
0x527: {  	v31 =	vcvt.f32.s32 v30;
	vm10 =	veq.f32 v29, v30  }
0x528: {  	v22 =	vsel vm10, $0xFFFFFFFF, v3  }
0x529: {  	v22 =	vadd.s32 v31, v22  }
0x52a: {  	vm11 =	vgt.s32 v22, $0x0  }
0x52b: {  	v22 =	vnsel vm11, $0x0, v22  }
0x52c: {  	v22 =	vmin.u32 v22, $0xF  }
0x52d: {  	vm12 =	vle.f32 v21, $0.0e+00;
	v22 =	vor.u32 v1, v22  }
0x52e: {  	v22 =	vsel vm12, v4, v22;
	_ =	sdelay $0x2  }
0x52f: {  	v20 =	vshra.s32 v20, $0x7  }
0x530: {  	v20 =	vcvt.s32.f32 v20  }
0x531: {  	[tilespmem:v22+s15+$0x0] =	vst.idx.add.f32.msk $0xffff, v21  }
0x532: {  	[tilespmem:v22+s16+$0x0] =	vst.idx.add.f32.msk $0xffff, v20  }
0x533: {  	v20 =	vld [tilespmem:$0x23F0];
	_ =	sdelay $0x4  }
0x534: {  	v32 =	vshll.u32 v20, $0x8;
	v33 =	vshll.u32 v20, $0x7  }
0x535: {  	v21 =	vand.u32 $0x7800, v32;
	v22 =	vand.u32 $0x380, v33  }
0x536: {  	v21 =	vor.u32 v22, v21  }
0x537: {  	v21 =	vor.u32 v19, v21;
	_ =	sdelay $0x4  }
0x538: {  	v21 =	vld.idx.msk [tilespmem:v21+s14+$0x0], $0xffff;
	_ =	sdelay $0x4  }
0x539: {  	v34 =	vmul.f32 $1.500000000e+01, v21;
	_ =	sdelay $0x1  }
0x53a: {  	v35 =	vtrunc.f32 v34  }
0x53b: {  	v36 =	vcvt.f32.s32 v35;
	vm13 =	veq.f32 v34, v35  }
0x53c: {  	v22 =	vsel vm13, $0xFFFFFFFF, v3  }
0x53d: {  	v22 =	vadd.s32 v36, v22  }
0x53e: {  	vm14 =	vgt.s32 v22, $0x0  }
0x53f: {  	v22 =	vnsel vm14, $0x0, v22  }
0x540: {  	v22 =	vmin.u32 v22, $0xF  }
0x541: {  	vm15 =	vle.f32 v21, $0.0e+00;
	v22 =	vor.u32 v1, v22  }
0x542: {  	v22 =	vsel vm15, v4, v22;
	_ =	sdelay $0x2  }
0x543: {  	v20 =	vshra.s32 v20, $0x7  }
0x544: {  	v20 =	vcvt.s32.f32 v20  }
0x545: {  	[tilespmem:v22+s15+$0x0] =	vst.idx.add.f32.msk $0xffff, v21  }
0x546: {  	[tilespmem:v22+s16+$0x0] =	vst.idx.add.f32.msk $0xffff, v20  }
0x547: {  	v20 =	vld [tilespmem:$0xF400]  }
0x548: {  	v21 =	vld [tilespmem:$0xF500]  }
0x549: {  	v22 =	vld [tilespmem:$0xF410]  }
0x54a: {  	v37 =	vld [tilespmem:$0xF510]  }
0x54b: {  	v38 =	vld [tilespmem:$0xF420]  }
0x54c: {  	v25 =	vld [tilespmem:$0xF520]  }
0x54d: {  	v26 =	vld [tilespmem:$0xF430]  }
0x54e: {  	v39 =	vld [tilespmem:$0xF530];
	v20 =	vadd.f32 v22, v20  }
0x54f: {  	v40 =	vld [tilespmem:$0xF440];
	v21 =	vadd.f32 v37, v21  }
0x550: {  	v41 =	vld [tilespmem:$0xF540];
	v20 =	vadd.f32 v38, v20  }
0x551: {  	v42 =	vld [tilespmem:$0xF450];
	v21 =	vadd.f32 v25, v21  }
0x552: {  	v43 =	vld [tilespmem:$0xF550];
	v20 =	vadd.f32 v26, v20  }
0x553: {  	v44 =	vld [tilespmem:$0xF460];
	v21 =	vadd.f32 v39, v21  }
0x554: {  	v45 =	vld [tilespmem:$0xF560];
	v20 =	vadd.f32 v40, v20  }
0x555: {  	v46 =	vld [tilespmem:$0xF470];
	v21 =	vadd.f32 v41, v21  }
0x556: {  	v47 =	vld [tilespmem:$0xF570];
	v20 =	vadd.f32 v42, v20  }
0x557: {  	v48 =	vld [tilespmem:$0xF480];
	v21 =	vadd.f32 v43, v21  }
0x558: {  	v49 =	vld [tilespmem:$0xF580];
	v20 =	vadd.f32 v44, v20  }
0x559: {  	v50 =	vld [tilespmem:$0xF490];
	v21 =	vadd.f32 v45, v21  }
0x55a: {  	v51 =	vld [tilespmem:$0xF590];
	v20 =	vadd.f32 v46, v20  }
0x55b: {  	v52 =	vld [tilespmem:$0xF4A0];
	v21 =	vadd.f32 v47, v21  }
0x55c: {  	v53 =	vld [tilespmem:$0xF5A0];
	v20 =	vadd.f32 v48, v20  }
0x55d: {  	v54 =	vld [tilespmem:$0xF4B0];
	v21 =	vadd.f32 v49, v21  }
0x55e: {  	v55 =	vld [tilespmem:$0xF5B0];
	v20 =	vadd.f32 v50, v20  }
0x55f: {  	v56 =	vld [tilespmem:$0xF4C0];
	v21 =	vadd.f32 v51, v21  }
0x560: {  	v57 =	vld [tilespmem:$0xF5C0];
	v20 =	vadd.f32 v52, v20  }
0x561: {  	v58 =	vld [tilespmem:$0xF4D0];
	v21 =	vadd.f32 v53, v21  }
0x562: {  	v59 =	vld [tilespmem:$0xF5D0];
	v20 =	vadd.f32 v54, v20  }
0x563: {  	v60 =	vld [tilespmem:$0xF4E0];
	v21 =	vadd.f32 v55, v21  }
0x564: {  	v61 =	vld [tilespmem:$0xF5E0];
	v20 =	vadd.f32 v56, v20  }
0x565: {  	v62 =	vld [tilespmem:$0xF4F0];
	v21 =	vadd.f32 v57, v21  }
0x566: {  	v63 =	vld [tilespmem:$0xF5F0];
	v20 =	vadd.f32 v58, v20  }
0x567: {  	v21 =	vadd.f32 v59, v21  }
0x568: {  	v20 =	vadd.f32 v60, v20  }
0x569: {  	v21 =	vadd.f32 v61, v21  }
0x56a: {  	v20 =	vadd.f32 v62, v20  }
0x56b: {  	s19 =	sadd.s32 $0x1, s19;
	v21 =	vadd.f32 v63, v21  }
0x56c: {  	p0 =	sne.s32 s19, s7;
	[tilespmem:$0xF600] =	vst v20  }
.Ltmp1:
0x56d: {  	[tilespmem:$0xF610] =	vst v21;
	(pc) =	sbr.rel @p0 .LBB2_1-.Ltmp1, $4  }
0x56e: {  	[hbm4b:s6+s2] =	stream.linear.scatter [tilespmem:s18], [sflag:$0x3], $0x80, $0x38;
	[tilespmem:$0xF680] =	vst v63  }
0x56f: {  	_ =	swait.ge [sflag:s9], $0x80  }
0x570: {  	[sflag:s9] =	ssyncset.done $0x0  }
0x571: {  	[sflag:s9] =	ssyncadd.s32 $0xFFFFFF80  }
0x572: {  	_ =	sfence.sel $0x180000  }
0x573: {  	[bflag:$0x0] =	sbarrier.arrive $0xFFFF  }
0x574: {  	p0 =	sne.s32 s0, $0x0;
	_ =	strace $0x90000047  }
0x575: {  	s0 =	sadd.s32 @!p0 $0x100000, s1;
	[bflag:$0x2] =	sbarrier.arrive $0xFFFF  }
0x576: {  	[sflag:s0] =	ssyncadd.tile.s32 @!p0 $0x1;
	_ =	shalt  }
.Lfunc_end2:
_tile_overlayer_lowered:
.L_overlay_start_2:
0x577: {  	(tag) =	ssettag $0x2  }
0x578: {  	s0 =	rddreg [dreg:$0x0];
	s2 =	stileid.u32  }
0x579: {  	s1 =	rddreg [dreg:$0x1];
	p0 =	sne.s32 s2, $0x0  }
0x57a: {  	s3 =	rddreg [dreg:$0x2];
	[bflag:$0x3] =	sbarrier.arrive $0xFFFF;
	s2 =	simm.s32 @!p0 $0x1C03  }
0x57b: {  	[timem:s3], [sflag:s2] =	dma.local @!p0 [hbm:s0], s1  }
0x57c: {  	s0 =	simm.s32 @!p0 $0x3  }
0x57d: {  	_ =	swait.ge @!p0 [sflag:s0], s1  }
0x57e: {  	s1 =	ssub.s32 @!p0 $0x0, s1;
	[sflag:s0] =	ssyncset.done @!p0 $0x0  }
0x57f: {  	[sflag:s0] =	ssyncadd.s32 @!p0 s1  }
0x580: {  	[bflag:$0x3] =	sbarrier.arrive $0xFFFF  }
0x581: {  	_ =	shalt  }

</sc_bundles>
